<compile_context>
chip_gen: v7x
topology: tpu7x:2x2x1
jax: 0.10.2.dev20260603
libtpu: 0.0.44.dev20260713+nightly
codegen_flags: <defaults>
</compile_context>

<pallas_src>
import functools

import jax
import jax.numpy as jnp
import numpy as np
from jax import lax
from jax.experimental import pallas as pl
from jax.experimental.pallas import tpu as pltpu
from jax.experimental.pallas import tpu_sc as plsc

D = 32
NC = 2
NS = 16
NW = NC * NS
AW = 128
BT = 8
BC = 4
SUB = 128
SCALE = np.float32(np.sqrt(np.float32(32.0)))


@functools.lru_cache(maxsize=None)
def _make_kernel(A: int, B: int):
  assert A == NW * AW and B % BC == 0 and BT % BC == 0
  G = B // BC
  CT = BC * AW
  BB, AB = B // BT, A // AW
  assert G % 2 == 0

  mesh = plsc.VectorSubcoreMesh(core_axis_name="c", subcore_axis_name="s")

  @functools.partial(
      pl.kernel,
      out_type=jax.ShapeDtypeStruct((B, D // 8, AB, 8, AW), jnp.float32),
      mesh=mesh,
      scratch_types=[
          [pltpu.VMEM((BC, AW), jnp.int32) for _ in range(2)],
          [pltpu.VMEM((CT, D), jnp.float32) for _ in range(2)],
          [pltpu.VMEM((BC, D // 8, 8, AW + 1), jnp.float32) for _ in range(2)],
          [pltpu.SemaphoreType.DMA for _ in range(2)],
          [pltpu.SemaphoreType.DMA for _ in range(2)],
      ],
      compiler_params=pltpu.CompilerParams(
          use_tc_tiling_on_sc=False, needs_layout_passes=False),
  )
  def emb_kernel(tokens_hbm, table_hbm, out_hbm, idx_v, rows_v, tr_v,
                 gsem, osem):
    wid = lax.axis_index("s") * NC + lax.axis_index("c")
    iota = lax.iota(jnp.int32, 16)
    jbvecs = [(iota + h * 16) // 8 for h in range(D // 16)]
    j8vecs = [(iota + h * 16) % 8 for h in range(D // 16)]

    def fire(g, p):
      bb = g // (BT // BC)
      bs = (g % (BT // BC)) * BC
      pltpu.sync_copy(
          tokens_hbm.at[bb, wid, pl.ds(bs, BC), pl.ds(0, AW)], idx_v[p])
      for s in range(BC):
        pltpu.async_copy(
            table_hbm.at[idx_v[p].at[s]],
            rows_v[p].at[pl.ds(s * AW, AW)],
            gsem[p],
        )

    def wait_gathers(p):
      for s in range(BC):
        pltpu.make_async_copy(
            table_hbm.at[idx_v[p].at[s]],
            rows_v[p].at[pl.ds(s * AW, AW)],
            gsem[p],
        ).wait()

    def out_slice(g):
      return out_hbm.at[pl.ds(g * BC, BC), pl.ds(0, D // 8), wid,
                        pl.ds(0, 8), pl.ds(0, AW)]

    def tr_slice(p):
      return tr_v[p].at[pl.ds(0, BC), pl.ds(0, D // 8), pl.ds(0, 8),
                        pl.ds(0, AW)]

    def step(g, p):
      @pl.when(g + 1 < G)
      def _():
        fire(g + 1, 1 - p)

      wait_gathers(p)

      @pl.when(g >= 2)
      def _():
        pltpu.make_async_copy(tr_slice(p), out_slice(0), osem[p]).wait()

      for b in range(BC):
        @pl.loop(0, AW, unroll=8)
        def tr_loop(a):
          avec = jnp.full((16,), a, jnp.int32)
          for h in range(D // 16):
            v = rows_v[p][b * AW + a, pl.ds(h * 16, 16)] * SCALE
            plsc.store_scatter(
                tr_v[p].at[b], [jbvecs[h], j8vecs[h], avec], v)

      pltpu.async_copy(tr_slice(p), out_slice(g), osem[p])

    fire(0, 0)

    @pl.loop(0, G, step=2)
    def ring(q):
      step(q, 0)
      step(q + 1, 1)

    for p in range(2):
      pltpu.make_async_copy(tr_slice(p), out_slice(0), osem[p]).wait()

  return emb_kernel


@jax.jit
def kernel(tokens, table):
  A, B = tokens.shape
  tokens4d = jnp.transpose(
      tokens.reshape(A // AW, AW, B // BT, BT), (2, 0, 3, 1))
  out5d = _make_kernel(A, B)(tokens4d, table)
  out = jnp.transpose(out5d, (2, 4, 0, 1, 3)).reshape(A, B, D)
  return out

# --- scband reference (transcript-rebuilt; emitter-appended) ---
"""Pipeline reference for scband-token-embedding-40596030882346 (READ-ONLY COPY).

The authoritative reference and input builder live on the scoring server;
editing this copy changes nothing except your own understanding.
"""

import jax, jax.numpy as jnp
import numpy as np
from math import log, sqrt

VOCAB = 1000000
EMB = 32

def setup_inputs(seed: int = 0) -> dict:
    key = jax.random.key(seed)
    k1, k2 = jax.random.split(key)
    tokens = jax.random.randint(k1, (4096, 200), 0, VOCAB, dtype=jnp.int64 if jax.config.jax_enable_x64 else jnp.int32)
    table = jax.random.normal(k2, (VOCAB, EMB), dtype=jnp.float32)
    return {"tokens": tokens, "table": table}

def reference(tokens, table):
    # TokenEmbedding.forward: embedding lookup scaled by sqrt(emb_size)
    emb = jnp.take(table, tokens, axis=0)
    return emb * jnp.sqrt(jnp.float32(EMB))

if __name__ == "__main__":
    import jax
    _d = setup_inputs()
    print(jax.jit(kernel)(*tuple(_d.values())))

</pallas_src>

<mosaic_0001>
#map = affine_map<(d0, d1) -> (0, 0, 0, 0)>
#map1 = affine_map<(d0, d1) -> (0, 0)>
#map2 = affine_map<(d0, d1) -> (0, 0, 0, 0, 0)>
module attributes {stable_mosaic.version = 14 : i64} {
  func.func @emb_kernel(%arg0: i32, %arg1: i32, %arg2: memref<25x32x8x128xi32, #tpu.memory_space<hbm>>, %arg3: memref<1000000x32xf32, #tpu.memory_space<hbm>>, %arg4: memref<200x4x32x8x128xf32, #tpu.memory_space<hbm>>, %arg5: memref<4x128xi32, #tpu.memory_space<vmem>>, %arg6: memref<4x128xi32, #tpu.memory_space<vmem>>, %arg7: memref<512x32xf32, #tpu.memory_space<vmem>>, %arg8: memref<512x32xf32, #tpu.memory_space<vmem>>, %arg9: memref<4x4x8x129xf32, #tpu.memory_space<vmem>>, %arg10: memref<4x4x8x129xf32, #tpu.memory_space<vmem>>, %arg11: memref<!tpu.dma_semaphore, #tpu.memory_space<semaphore_mem>>, %arg12: memref<!tpu.dma_semaphore, #tpu.memory_space<semaphore_mem>>, %arg13: memref<!tpu.dma_semaphore, #tpu.memory_space<semaphore_mem>>, %arg14: memref<!tpu.dma_semaphore, #tpu.memory_space<semaphore_mem>>) attributes {dimension_semantics = [#tpu.dimension_semantics<core_parallel>, #tpu.dimension_semantics<subcore_parallel>], iteration_bounds = array<i64: 2, 16>, scalar_prefetch = 0 : i64, scratch_operands = 10 : i64, tpu.core_type = #tpu.core_type<sc_vector_subcore>, window_params = [{transform_indices = #map}, {transform_indices = #map1}, {transform_indices = #map2}]} {
    %mul3A = arith.constant 2 : i32
    %mul3A_0 = arith.muli %arg1, %mul3A : i32
    %add3A = arith.addi %mul3A_0, %arg0 : i32
    %iota3A = tpu.iota {dimensions = array<i32: 0>} : vector<16xi32>
    %add3A_1 = arith.constant 0 : i32
    %add3A_2 = vector.broadcast %add3A_1 : i32 to vector<16xi32>
    %add3A_3 = arith.addi %iota3A, %add3A_2 : vector<16xi32>
    %jit3A = arith.constant 8 : i32
    %div3A = vector.broadcast %jit3A : i32 to vector<16xi32>
    %div3A_4 = arith.divsi %add3A_3, %div3A : vector<16xi32>
    %sign3A = arith.constant 0 : i32
    %sign3A_5 = vector.broadcast %sign3A : i32 to vector<16xi32>
    %sign3A_6 = arith.cmpi sgt, %add3A_3, %sign3A_5 : vector<16xi32>
    %sign3A_7 = arith.extui %sign3A_6 : vector<16xi1> to vector<16xi32>
    %sign3A_8 = arith.constant 0 : i32
    %sign3A_9 = vector.broadcast %sign3A_8 : i32 to vector<16xi32>
    %sign3A_10 = arith.cmpi slt, %add3A_3, %sign3A_9 : vector<16xi32>
    %sign3A_11 = arith.extui %sign3A_10 : vector<16xi1> to vector<16xi32>
    %sign3A_12 = arith.subi %sign3A_7, %sign3A_11 : vector<16xi32>
    %sign3A_13 = arith.constant 0 : i32
    %sign3A_14 = arith.cmpi sgt, %jit3A, %sign3A_13 : i32
    %sign3A_15 = arith.extui %sign3A_14 : i1 to i32
    %sign3A_16 = arith.constant 0 : i32
    %sign3A_17 = arith.cmpi slt, %jit3A, %sign3A_16 : i32
    %sign3A_18 = arith.extui %sign3A_17 : i1 to i32
    %sign3A_19 = arith.subi %sign3A_15, %sign3A_18 : i32
    %ne3A = vector.broadcast %sign3A_19 : i32 to vector<16xi32>
    %ne3A_20 = arith.cmpi ne, %sign3A_12, %ne3A : vector<16xi32>
    %rem3A = vector.broadcast %jit3A : i32 to vector<16xi32>
    %rem3A_21 = arith.remsi %add3A_3, %rem3A : vector<16xi32>
    %ne3A_22 = arith.constant 0 : i32
    %ne3A_23 = vector.broadcast %ne3A_22 : i32 to vector<16xi32>
    %ne3A_24 = arith.cmpi ne, %rem3A_21, %ne3A_23 : vector<16xi32>
    %and3A = arith.andi %ne3A_20, %ne3A_24 : vector<16xi1>
    %sub3A = arith.constant 1 : i32
    %sub3A_25 = vector.broadcast %sub3A : i32 to vector<16xi32>
    %sub3A_26 = arith.subi %div3A_4, %sub3A_25 : vector<16xi32>
    %select_n3A = arith.select %and3A, %sub3A_26, %div3A_4 : vector<16xi1>, vector<16xi32>
    %add3A_27 = arith.constant 16 : i32
    %add3A_28 = vector.broadcast %add3A_27 : i32 to vector<16xi32>
    %add3A_29 = arith.addi %iota3A, %add3A_28 : vector<16xi32>
    %jit3A_30 = arith.constant 8 : i32
    %div3A_31 = vector.broadcast %jit3A_30 : i32 to vector<16xi32>
    %div3A_32 = arith.divsi %add3A_29, %div3A_31 : vector<16xi32>
    %sign3A_33 = arith.constant 0 : i32
    %sign3A_34 = vector.broadcast %sign3A_33 : i32 to vector<16xi32>
    %sign3A_35 = arith.cmpi sgt, %add3A_29, %sign3A_34 : vector<16xi32>
    %sign3A_36 = arith.extui %sign3A_35 : vector<16xi1> to vector<16xi32>
    %sign3A_37 = arith.constant 0 : i32
    %sign3A_38 = vector.broadcast %sign3A_37 : i32 to vector<16xi32>
    %sign3A_39 = arith.cmpi slt, %add3A_29, %sign3A_38 : vector<16xi32>
    %sign3A_40 = arith.extui %sign3A_39 : vector<16xi1> to vector<16xi32>
    %sign3A_41 = arith.subi %sign3A_36, %sign3A_40 : vector<16xi32>
    %sign3A_42 = arith.constant 0 : i32
    %sign3A_43 = arith.cmpi sgt, %jit3A_30, %sign3A_42 : i32
    %sign3A_44 = arith.extui %sign3A_43 : i1 to i32
    %sign3A_45 = arith.constant 0 : i32
    %sign3A_46 = arith.cmpi slt, %jit3A_30, %sign3A_45 : i32
    %sign3A_47 = arith.extui %sign3A_46 : i1 to i32
    %sign3A_48 = arith.subi %sign3A_44, %sign3A_47 : i32
    %ne3A_49 = vector.broadcast %sign3A_48 : i32 to vector<16xi32>
    %ne3A_50 = arith.cmpi ne, %sign3A_41, %ne3A_49 : vector<16xi32>
    %rem3A_51 = vector.broadcast %jit3A_30 : i32 to vector<16xi32>
    %rem3A_52 = arith.remsi %add3A_29, %rem3A_51 : vector<16xi32>
    %ne3A_53 = arith.constant 0 : i32
    %ne3A_54 = vector.broadcast %ne3A_53 : i32 to vector<16xi32>
    %ne3A_55 = arith.cmpi ne, %rem3A_52, %ne3A_54 : vector<16xi32>
    %and3A_56 = arith.andi %ne3A_50, %ne3A_55 : vector<16xi1>
    %sub3A_57 = arith.constant 1 : i32
    %sub3A_58 = vector.broadcast %sub3A_57 : i32 to vector<16xi32>
    %sub3A_59 = arith.subi %div3A_32, %sub3A_58 : vector<16xi32>
    %select_n3A_60 = arith.select %and3A_56, %sub3A_59, %div3A_32 : vector<16xi1>, vector<16xi32>
    %add3A_61 = arith.constant 0 : i32
    %add3A_62 = vector.broadcast %add3A_61 : i32 to vector<16xi32>
    %add3A_63 = arith.addi %iota3A, %add3A_62 : vector<16xi32>
    %jit3A_64 = arith.constant 8 : i32
    %eq3A = arith.constant 0 : i32
    %eq3A_65 = arith.cmpi eq, %jit3A_64, %eq3A : i32
    %jit3A_66 = arith.constant 1 : i32
    %select_n3A_67 = arith.select %eq3A_65, %jit3A_66, %jit3A_64 : i32
    %rem3A_68 = vector.broadcast %select_n3A_67 : i32 to vector<16xi32>
    %rem3A_69 = arith.remsi %add3A_63, %rem3A_68 : vector<16xi32>
    %ne3A_70 = arith.constant 0 : i32
    %ne3A_71 = vector.broadcast %ne3A_70 : i32 to vector<16xi32>
    %ne3A_72 = arith.cmpi ne, %rem3A_69, %ne3A_71 : vector<16xi32>
    %lt3A = arith.constant 0 : i32
    %lt3A_73 = vector.broadcast %lt3A : i32 to vector<16xi32>
    %lt3A_74 = arith.cmpi slt, %rem3A_69, %lt3A_73 : vector<16xi32>
    %lt3A_75 = arith.constant 0 : i32
    %lt3A_76 = arith.cmpi slt, %select_n3A_67, %lt3A_75 : i32
    %ne3A_77 = vector.broadcast %lt3A_76 : i1 to vector<16xi1>
    %ne3A_78 = vector.broadcast %ne3A_77 : vector<16xi1> to vector<16xi1>
    %ne3A_79 = arith.xori %lt3A_74, %ne3A_78 : vector<16xi1>
    %and3A_80 = arith.andi %ne3A_79, %ne3A_72 : vector<16xi1>
    %add3A_81 = vector.broadcast %select_n3A_67 : i32 to vector<16xi32>
    %add3A_82 = arith.addi %rem3A_69, %add3A_81 : vector<16xi32>
    %select_n3A_83 = arith.select %and3A_80, %add3A_82, %rem3A_69 : vector<16xi1>, vector<16xi32>
    %add3A_84 = arith.constant 16 : i32
    %add3A_85 = vector.broadcast %add3A_84 : i32 to vector<16xi32>
    %add3A_86 = arith.addi %iota3A, %add3A_85 : vector<16xi32>
    %jit3A_87 = arith.constant 8 : i32
    %eq3A_88 = arith.constant 0 : i32
    %eq3A_89 = arith.cmpi eq, %jit3A_87, %eq3A_88 : i32
    %jit3A_90 = arith.constant 1 : i32
    %select_n3A_91 = arith.select %eq3A_89, %jit3A_90, %jit3A_87 : i32
    %rem3A_92 = vector.broadcast %select_n3A_91 : i32 to vector<16xi32>
    %rem3A_93 = arith.remsi %add3A_86, %rem3A_92 : vector<16xi32>
    %ne3A_94 = arith.constant 0 : i32
    %ne3A_95 = vector.broadcast %ne3A_94 : i32 to vector<16xi32>
    %ne3A_96 = arith.cmpi ne, %rem3A_93, %ne3A_95 : vector<16xi32>
    %lt3A_97 = arith.constant 0 : i32
    %lt3A_98 = vector.broadcast %lt3A_97 : i32 to vector<16xi32>
    %lt3A_99 = arith.cmpi slt, %rem3A_93, %lt3A_98 : vector<16xi32>
    %lt3A_100 = arith.constant 0 : i32
    %lt3A_101 = arith.cmpi slt, %select_n3A_91, %lt3A_100 : i32
    %ne3A_102 = vector.broadcast %lt3A_101 : i1 to vector<16xi1>
    %ne3A_103 = vector.broadcast %ne3A_102 : vector<16xi1> to vector<16xi1>
    %ne3A_104 = arith.xori %lt3A_99, %ne3A_103 : vector<16xi1>
    %and3A_105 = arith.andi %ne3A_104, %ne3A_96 : vector<16xi1>
    %add3A_106 = vector.broadcast %select_n3A_91 : i32 to vector<16xi32>
    %add3A_107 = arith.addi %rem3A_93, %add3A_106 : vector<16xi32>
    %select_n3A_108 = arith.select %and3A_105, %add3A_107, %rem3A_93 : vector<16xi1>, vector<16xi32>
    %run_scoped3A = arith.constant 0 : i32
    "tpu.region"() ({
      %run_scoped3A_195 = tpu.sem_alloc : memref<!tpu.dma_semaphore, #tpu.memory_space<semaphore_mem>>
      %dma_start3A_196 = arith.constant 0 : i32
      %dma_start3A_197 = arith.constant 0 : i32
      %dma_start3A_198 = tpu.memref_slice %arg2[%run_scoped3A, %add3A, %dma_start3A_196, %dma_start3A_197] : memref<25x32x8x128xi32, #tpu.memory_space<hbm>> -> memref<1x1x4x128xi32, #tpu.memory_space<hbm>>
      %dma_start3A_199 = tpu.memref_squeeze %dma_start3A_198 : memref<1x1x4x128xi32, #tpu.memory_space<hbm>> -> memref<4x128xi32, #tpu.memory_space<hbm>>
      %dma_start3A_200 = arith.constant 0 : i32
      %dma_start3A_201 = arith.constant 0 : i32
      %dma_start3A_202 = tpu.memref_slice %arg2[%run_scoped3A, %add3A, %dma_start3A_200, %dma_start3A_201] : memref<25x32x8x128xi32, #tpu.memory_space<hbm>> -> memref<1x1x4x128xi32, #tpu.memory_space<hbm>>
      %dma_start3A_203 = tpu.memref_squeeze %dma_start3A_202 : memref<1x1x4x128xi32, #tpu.memory_space<hbm>> -> memref<4x128xi32, #tpu.memory_space<hbm>>
      tpu.enqueue_dma source(%dma_start3A_203 : memref<4x128xi32, #tpu.memory_space<hbm>>) target(%arg5 : memref<4x128xi32, #tpu.memory_space<vmem>>) target_semaphore(%run_scoped3A_195 : memref<!tpu.dma_semaphore, #tpu.memory_space<semaphore_mem>>)
      %dma_wait3A_204 = arith.constant 0 : i32
      %dma_wait3A_205 = arith.constant 0 : i32
      %dma_wait3A_206 = tpu.memref_slice %arg2[%run_scoped3A, %add3A, %dma_wait3A_204, %dma_wait3A_205] : memref<25x32x8x128xi32, #tpu.memory_space<hbm>> -> memref<1x1x4x128xi32, #tpu.memory_space<hbm>>
      %dma_wait3A_207 = tpu.memref_squeeze %dma_wait3A_206 : memref<1x1x4x128xi32, #tpu.memory_space<hbm>> -> memref<4x128xi32, #tpu.memory_space<hbm>>
      %dma_wait3A_208 = arith.constant 0 : i32
      %dma_wait3A_209 = arith.constant 0 : i32
      %dma_wait3A_210 = tpu.memref_slice %arg2[%run_scoped3A, %add3A, %dma_wait3A_208, %dma_wait3A_209] : memref<25x32x8x128xi32, #tpu.memory_space<hbm>> -> memref<1x1x4x128xi32, #tpu.memory_space<hbm>>
      %dma_wait3A_211 = tpu.memref_squeeze %dma_wait3A_210 : memref<1x1x4x128xi32, #tpu.memory_space<hbm>> -> memref<4x128xi32, #tpu.memory_space<hbm>>
      tpu.wait_dma2 semaphore(%run_scoped3A_195 : memref<!tpu.dma_semaphore, #tpu.memory_space<semaphore_mem>>) src(%dma_wait3A_211 : memref<4x128xi32, #tpu.memory_space<hbm>>) dst(%arg5 : memref<4x128xi32, #tpu.memory_space<vmem>>)
      tpu.yield
    }) : () -> ()
    %dma_start3A = arith.constant 0 : i32
    %dma_start3A_109 = arith.constant 0 : i32
    %dma_start3A_110 = arith.constant 0 : i32
    %dma_start3A_111 = tpu.memref_slice %arg7[%dma_start3A_109, %dma_start3A_110] : memref<512x32xf32, #tpu.memory_space<vmem>> -> memref<128x32xf32, #tpu.memory_space<vmem>>
    %dma_start3A_112 = arith.constant 0 : i32
    %dma_start3A_113 = tpu.memref_slice %arg5[%dma_start3A, %dma_start3A_112] : memref<4x128xi32, #tpu.memory_space<vmem>> -> memref<1x128xi32, #tpu.memory_space<vmem>>
    %dma_start3A_114 = tpu.memref_squeeze %dma_start3A_113 : memref<1x128xi32, #tpu.memory_space<vmem>> -> memref<128xi32, #tpu.memory_space<vmem>>
    %dma_start3A_115 = arith.constant 0 : i32
    %dma_start3A_116 = arith.constant 0 : i32
    %dma_start3A_117 = tpu.memref_slice %arg3[%dma_start3A_115, %dma_start3A_116] : memref<1000000x32xf32, #tpu.memory_space<hbm>> -> memref<1000000x32xf32, #tpu.memory_space<hbm>>
    tpu.enqueue_indirect_dma source(%dma_start3A_117 : memref<1000000x32xf32, #tpu.memory_space<hbm>>) target(%dma_start3A_111 : memref<128x32xf32, #tpu.memory_space<vmem>>) offsets(%dma_start3A_114 : memref<128xi32, #tpu.memory_space<vmem>>) semaphore(%arg11 : memref<!tpu.dma_semaphore, #tpu.memory_space<semaphore_mem>>)
    %dma_start3A_118 = arith.constant 1 : i32
    %dma_start3A_119 = arith.constant 128 : i32
    %dma_start3A_120 = arith.constant 0 : i32
    %dma_start3A_121 = tpu.memref_slice %arg7[%dma_start3A_119, %dma_start3A_120] : memref<512x32xf32, #tpu.memory_space<vmem>> -> memref<128x32xf32, #tpu.memory_space<vmem>>
    %dma_start3A_122 = arith.constant 0 : i32
    %dma_start3A_123 = tpu.memref_slice %arg5[%dma_start3A_118, %dma_start3A_122] : memref<4x128xi32, #tpu.memory_space<vmem>> -> memref<1x128xi32, #tpu.memory_space<vmem>>
    %dma_start3A_124 = tpu.memref_squeeze %dma_start3A_123 : memref<1x128xi32, #tpu.memory_space<vmem>> -> memref<128xi32, #tpu.memory_space<vmem>>
    %dma_start3A_125 = arith.constant 0 : i32
    %dma_start3A_126 = arith.constant 0 : i32
    %dma_start3A_127 = tpu.memref_slice %arg3[%dma_start3A_125, %dma_start3A_126] : memref<1000000x32xf32, #tpu.memory_space<hbm>> -> memref<1000000x32xf32, #tpu.memory_space<hbm>>
    tpu.enqueue_indirect_dma source(%dma_start3A_127 : memref<1000000x32xf32, #tpu.memory_space<hbm>>) target(%dma_start3A_121 : memref<128x32xf32, #tpu.memory_space<vmem>>) offsets(%dma_start3A_124 : memref<128xi32, #tpu.memory_space<vmem>>) semaphore(%arg11 : memref<!tpu.dma_semaphore, #tpu.memory_space<semaphore_mem>>)
    %dma_start3A_128 = arith.constant 2 : i32
    %dma_start3A_129 = arith.constant 256 : i32
    %dma_start3A_130 = arith.constant 0 : i32
    %dma_start3A_131 = tpu.memref_slice %arg7[%dma_start3A_129, %dma_start3A_130] : memref<512x32xf32, #tpu.memory_space<vmem>> -> memref<128x32xf32, #tpu.memory_space<vmem>>
    %dma_start3A_132 = arith.constant 0 : i32
    %dma_start3A_133 = tpu.memref_slice %arg5[%dma_start3A_128, %dma_start3A_132] : memref<4x128xi32, #tpu.memory_space<vmem>> -> memref<1x128xi32, #tpu.memory_space<vmem>>
    %dma_start3A_134 = tpu.memref_squeeze %dma_start3A_133 : memref<1x128xi32, #tpu.memory_space<vmem>> -> memref<128xi32, #tpu.memory_space<vmem>>
    %dma_start3A_135 = arith.constant 0 : i32
    %dma_start3A_136 = arith.constant 0 : i32
    %dma_start3A_137 = tpu.memref_slice %arg3[%dma_start3A_135, %dma_start3A_136] : memref<1000000x32xf32, #tpu.memory_space<hbm>> -> memref<1000000x32xf32, #tpu.memory_space<hbm>>
    tpu.enqueue_indirect_dma source(%dma_start3A_137 : memref<1000000x32xf32, #tpu.memory_space<hbm>>) target(%dma_start3A_131 : memref<128x32xf32, #tpu.memory_space<vmem>>) offsets(%dma_start3A_134 : memref<128xi32, #tpu.memory_space<vmem>>) semaphore(%arg11 : memref<!tpu.dma_semaphore, #tpu.memory_space<semaphore_mem>>)
    %dma_start3A_138 = arith.constant 3 : i32
    %dma_start3A_139 = arith.constant 384 : i32
    %dma_start3A_140 = arith.constant 0 : i32
    %dma_start3A_141 = tpu.memref_slice %arg7[%dma_start3A_139, %dma_start3A_140] : memref<512x32xf32, #tpu.memory_space<vmem>> -> memref<128x32xf32, #tpu.memory_space<vmem>>
    %dma_start3A_142 = arith.constant 0 : i32
    %dma_start3A_143 = tpu.memref_slice %arg5[%dma_start3A_138, %dma_start3A_142] : memref<4x128xi32, #tpu.memory_space<vmem>> -> memref<1x128xi32, #tpu.memory_space<vmem>>
    %dma_start3A_144 = tpu.memref_squeeze %dma_start3A_143 : memref<1x128xi32, #tpu.memory_space<vmem>> -> memref<128xi32, #tpu.memory_space<vmem>>
    %dma_start3A_145 = arith.constant 0 : i32
    %dma_start3A_146 = arith.constant 0 : i32
    %dma_start3A_147 = tpu.memref_slice %arg3[%dma_start3A_145, %dma_start3A_146] : memref<1000000x32xf32, #tpu.memory_space<hbm>> -> memref<1000000x32xf32, #tpu.memory_space<hbm>>
    tpu.enqueue_indirect_dma source(%dma_start3A_147 : memref<1000000x32xf32, #tpu.memory_space<hbm>>) target(%dma_start3A_141 : memref<128x32xf32, #tpu.memory_space<vmem>>) offsets(%dma_start3A_144 : memref<128xi32, #tpu.memory_space<vmem>>) semaphore(%arg11 : memref<!tpu.dma_semaphore, #tpu.memory_space<semaphore_mem>>)
    %scan3A = arith.constant 0 : i32
    %scan3A_148 = arith.constant 25 : i32
    %scan3A_149 = arith.addi %scan3A, %scan3A_148 : i32
    %scan3A_150 = arith.constant 1 : i32
    scf.for %scan3A_195 = %scan3A to %scan3A_149 step %scan3A_150  : i32 {
      %mul3A_196 = arith.constant 2 : i32
      %mul3A_197 = arith.muli %scan3A_195, %mul3A_196 : i32
      %add3A_198 = arith.constant 0 : i32
      %add3A_199 = arith.addi %add3A_198, %mul3A_197 : i32
      %add3A_200 = arith.constant 1 : i32
      %add3A_201 = arith.addi %add3A_199, %add3A_200 : i32
      %lt3A_202 = arith.constant 50 : i32
      %lt3A_203 = arith.cmpi slt, %add3A_201, %lt3A_202 : i32
      %convert_element_type3A = arith.extui %lt3A_203 : i1 to i32
      %cond3A = arith.constant 0 : i32
      %cond3A_204 = arith.cmpi ne, %convert_element_type3A, %cond3A : i32
      scf.if %cond3A_204 {
        %add3A_387 = arith.constant 1 : i32
        %add3A_388 = arith.addi %add3A_199, %add3A_387 : i32
        %jit3A_389 = arith.constant 2 : i32
        %div3A_390 = arith.divsi %add3A_388, %jit3A_389 : i32
        %sign3A_391 = arith.constant 0 : i32
        %sign3A_392 = arith.cmpi sgt, %add3A_388, %sign3A_391 : i32
        %sign3A_393 = arith.extui %sign3A_392 : i1 to i32
        %sign3A_394 = arith.constant 0 : i32
        %sign3A_395 = arith.cmpi slt, %add3A_388, %sign3A_394 : i32
        %sign3A_396 = arith.extui %sign3A_395 : i1 to i32
        %sign3A_397 = arith.subi %sign3A_393, %sign3A_396 : i32
        %sign3A_398 = arith.constant 0 : i32
        %sign3A_399 = arith.cmpi sgt, %jit3A_389, %sign3A_398 : i32
        %sign3A_400 = arith.extui %sign3A_399 : i1 to i32
        %sign3A_401 = arith.constant 0 : i32
        %sign3A_402 = arith.cmpi slt, %jit3A_389, %sign3A_401 : i32
        %sign3A_403 = arith.extui %sign3A_402 : i1 to i32
        %sign3A_404 = arith.subi %sign3A_400, %sign3A_403 : i32
        %ne3A_405 = arith.cmpi ne, %sign3A_397, %sign3A_404 : i32
        %rem3A_406 = arith.remsi %add3A_388, %jit3A_389 : i32
        %ne3A_407 = arith.constant 0 : i32
        %ne3A_408 = arith.cmpi ne, %rem3A_406, %ne3A_407 : i32
        %and3A_409 = arith.andi %ne3A_405, %ne3A_408 : i1
        %sub3A_410 = arith.constant 1 : i32
        %sub3A_411 = arith.subi %div3A_390, %sub3A_410 : i32
        %select_n3A_412 = arith.select %and3A_409, %sub3A_411, %div3A_390 : i32
        %jit3A_413 = arith.constant 2 : i32
        %eq3A_414 = arith.constant 0 : i32
        %eq3A_415 = arith.cmpi eq, %jit3A_413, %eq3A_414 : i32
        %jit3A_416 = arith.constant 1 : i32
        %select_n3A_417 = arith.select %eq3A_415, %jit3A_416, %jit3A_413 : i32
        %rem3A_418 = arith.remsi %add3A_388, %select_n3A_417 : i32
        %ne3A_419 = arith.constant 0 : i32
        %ne3A_420 = arith.cmpi ne, %rem3A_418, %ne3A_419 : i32
        %lt3A_421 = arith.constant 0 : i32
        %lt3A_422 = arith.cmpi slt, %rem3A_418, %lt3A_421 : i32
        %lt3A_423 = arith.constant 0 : i32
        %lt3A_424 = arith.cmpi slt, %select_n3A_417, %lt3A_423 : i32
        %ne3A_425 = arith.xori %lt3A_422, %lt3A_424 : i1
        %and3A_426 = arith.andi %ne3A_425, %ne3A_420 : i1
        %add3A_427 = arith.addi %rem3A_418, %select_n3A_417 : i32
        %select_n3A_428 = arith.select %and3A_426, %add3A_427, %rem3A_418 : i32
        %mul3A_429 = arith.constant 4 : i32
        %mul3A_430 = arith.muli %select_n3A_428, %mul3A_429 : i32
        "tpu.region"() ({
          %run_scoped3A_471 = tpu.sem_alloc : memref<!tpu.dma_semaphore, #tpu.memory_space<semaphore_mem>>
          %dma_start3A_472 = arith.constant 0 : i32
          %dma_start3A_473 = tpu.memref_slice %arg2[%select_n3A_412, %add3A, %mul3A_430, %dma_start3A_472] : memref<25x32x8x128xi32, #tpu.memory_space<hbm>> -> memref<1x1x4x128xi32, #tpu.memory_space<hbm>>
          %dma_start3A_474 = tpu.memref_squeeze %dma_start3A_473 : memref<1x1x4x128xi32, #tpu.memory_space<hbm>> -> memref<4x128xi32, #tpu.memory_space<hbm>>
          %dma_start3A_475 = arith.constant 0 : i32
          %dma_start3A_476 = tpu.memref_slice %arg2[%select_n3A_412, %add3A, %mul3A_430, %dma_start3A_475] : memref<25x32x8x128xi32, #tpu.memory_space<hbm>> -> memref<1x1x4x128xi32, #tpu.memory_space<hbm>>
          %dma_start3A_477 = tpu.memref_squeeze %dma_start3A_476 : memref<1x1x4x128xi32, #tpu.memory_space<hbm>> -> memref<4x128xi32, #tpu.memory_space<hbm>>
          tpu.enqueue_dma source(%dma_start3A_477 : memref<4x128xi32, #tpu.memory_space<hbm>>) target(%arg6 : memref<4x128xi32, #tpu.memory_space<vmem>>) target_semaphore(%run_scoped3A_471 : memref<!tpu.dma_semaphore, #tpu.memory_space<semaphore_mem>>)
          %dma_wait3A_478 = arith.constant 0 : i32
          %dma_wait3A_479 = tpu.memref_slice %arg2[%select_n3A_412, %add3A, %mul3A_430, %dma_wait3A_478] : memref<25x32x8x128xi32, #tpu.memory_space<hbm>> -> memref<1x1x4x128xi32, #tpu.memory_space<hbm>>
          %dma_wait3A_480 = tpu.memref_squeeze %dma_wait3A_479 : memref<1x1x4x128xi32, #tpu.memory_space<hbm>> -> memref<4x128xi32, #tpu.memory_space<hbm>>
          %dma_wait3A_481 = arith.constant 0 : i32
          %dma_wait3A_482 = tpu.memref_slice %arg2[%select_n3A_412, %add3A, %mul3A_430, %dma_wait3A_481] : memref<25x32x8x128xi32, #tpu.memory_space<hbm>> -> memref<1x1x4x128xi32, #tpu.memory_space<hbm>>
          %dma_wait3A_483 = tpu.memref_squeeze %dma_wait3A_482 : memref<1x1x4x128xi32, #tpu.memory_space<hbm>> -> memref<4x128xi32, #tpu.memory_space<hbm>>
          tpu.wait_dma2 semaphore(%run_scoped3A_471 : memref<!tpu.dma_semaphore, #tpu.memory_space<semaphore_mem>>) src(%dma_wait3A_483 : memref<4x128xi32, #tpu.memory_space<hbm>>) dst(%arg6 : memref<4x128xi32, #tpu.memory_space<vmem>>)
          tpu.yield
        }) : () -> ()
        %dma_start3A_431 = arith.constant 0 : i32
        %dma_start3A_432 = arith.constant 0 : i32
        %dma_start3A_433 = arith.constant 0 : i32
        %dma_start3A_434 = tpu.memref_slice %arg8[%dma_start3A_432, %dma_start3A_433] : memref<512x32xf32, #tpu.memory_space<vmem>> -> memref<128x32xf32, #tpu.memory_space<vmem>>
        %dma_start3A_435 = arith.constant 0 : i32
        %dma_start3A_436 = tpu.memref_slice %arg6[%dma_start3A_431, %dma_start3A_435] : memref<4x128xi32, #tpu.memory_space<vmem>> -> memref<1x128xi32, #tpu.memory_space<vmem>>
        %dma_start3A_437 = tpu.memref_squeeze %dma_start3A_436 : memref<1x128xi32, #tpu.memory_space<vmem>> -> memref<128xi32, #tpu.memory_space<vmem>>
        %dma_start3A_438 = arith.constant 0 : i32
        %dma_start3A_439 = arith.constant 0 : i32
        %dma_start3A_440 = tpu.memref_slice %arg3[%dma_start3A_438, %dma_start3A_439] : memref<1000000x32xf32, #tpu.memory_space<hbm>> -> memref<1000000x32xf32, #tpu.memory_space<hbm>>
        tpu.enqueue_indirect_dma source(%dma_start3A_440 : memref<1000000x32xf32, #tpu.memory_space<hbm>>) target(%dma_start3A_434 : memref<128x32xf32, #tpu.memory_space<vmem>>) offsets(%dma_start3A_437 : memref<128xi32, #tpu.memory_space<vmem>>) semaphore(%arg12 : memref<!tpu.dma_semaphore, #tpu.memory_space<semaphore_mem>>)
        %dma_start3A_441 = arith.constant 1 : i32
        %dma_start3A_442 = arith.constant 128 : i32
        %dma_start3A_443 = arith.constant 0 : i32
        %dma_start3A_444 = tpu.memref_slice %arg8[%dma_start3A_442, %dma_start3A_443] : memref<512x32xf32, #tpu.memory_space<vmem>> -> memref<128x32xf32, #tpu.memory_space<vmem>>
        %dma_start3A_445 = arith.constant 0 : i32
        %dma_start3A_446 = tpu.memref_slice %arg6[%dma_start3A_441, %dma_start3A_445] : memref<4x128xi32, #tpu.memory_space<vmem>> -> memref<1x128xi32, #tpu.memory_space<vmem>>
        %dma_start3A_447 = tpu.memref_squeeze %dma_start3A_446 : memref<1x128xi32, #tpu.memory_space<vmem>> -> memref<128xi32, #tpu.memory_space<vmem>>
        %dma_start3A_448 = arith.constant 0 : i32
        %dma_start3A_449 = arith.constant 0 : i32
        %dma_start3A_450 = tpu.memref_slice %arg3[%dma_start3A_448, %dma_start3A_449] : memref<1000000x32xf32, #tpu.memory_space<hbm>> -> memref<1000000x32xf32, #tpu.memory_space<hbm>>
        tpu.enqueue_indirect_dma source(%dma_start3A_450 : memref<1000000x32xf32, #tpu.memory_space<hbm>>) target(%dma_start3A_444 : memref<128x32xf32, #tpu.memory_space<vmem>>) offsets(%dma_start3A_447 : memref<128xi32, #tpu.memory_space<vmem>>) semaphore(%arg12 : memref<!tpu.dma_semaphore, #tpu.memory_space<semaphore_mem>>)
        %dma_start3A_451 = arith.constant 2 : i32
        %dma_start3A_452 = arith.constant 256 : i32
        %dma_start3A_453 = arith.constant 0 : i32
        %dma_start3A_454 = tpu.memref_slice %arg8[%dma_start3A_452, %dma_start3A_453] : memref<512x32xf32, #tpu.memory_space<vmem>> -> memref<128x32xf32, #tpu.memory_space<vmem>>
        %dma_start3A_455 = arith.constant 0 : i32
        %dma_start3A_456 = tpu.memref_slice %arg6[%dma_start3A_451, %dma_start3A_455] : memref<4x128xi32, #tpu.memory_space<vmem>> -> memref<1x128xi32, #tpu.memory_space<vmem>>
        %dma_start3A_457 = tpu.memref_squeeze %dma_start3A_456 : memref<1x128xi32, #tpu.memory_space<vmem>> -> memref<128xi32, #tpu.memory_space<vmem>>
        %dma_start3A_458 = arith.constant 0 : i32
        %dma_start3A_459 = arith.constant 0 : i32
        %dma_start3A_460 = tpu.memref_slice %arg3[%dma_start3A_458, %dma_start3A_459] : memref<1000000x32xf32, #tpu.memory_space<hbm>> -> memref<1000000x32xf32, #tpu.memory_space<hbm>>
        tpu.enqueue_indirect_dma source(%dma_start3A_460 : memref<1000000x32xf32, #tpu.memory_space<hbm>>) target(%dma_start3A_454 : memref<128x32xf32, #tpu.memory_space<vmem>>) offsets(%dma_start3A_457 : memref<128xi32, #tpu.memory_space<vmem>>) semaphore(%arg12 : memref<!tpu.dma_semaphore, #tpu.memory_space<semaphore_mem>>)
        %dma_start3A_461 = arith.constant 3 : i32
        %dma_start3A_462 = arith.constant 384 : i32
        %dma_start3A_463 = arith.constant 0 : i32
        %dma_start3A_464 = tpu.memref_slice %arg8[%dma_start3A_462, %dma_start3A_463] : memref<512x32xf32, #tpu.memory_space<vmem>> -> memref<128x32xf32, #tpu.memory_space<vmem>>
        %dma_start3A_465 = arith.constant 0 : i32
        %dma_start3A_466 = tpu.memref_slice %arg6[%dma_start3A_461, %dma_start3A_465] : memref<4x128xi32, #tpu.memory_space<vmem>> -> memref<1x128xi32, #tpu.memory_space<vmem>>
        %dma_start3A_467 = tpu.memref_squeeze %dma_start3A_466 : memref<1x128xi32, #tpu.memory_space<vmem>> -> memref<128xi32, #tpu.memory_space<vmem>>
        %dma_start3A_468 = arith.constant 0 : i32
        %dma_start3A_469 = arith.constant 0 : i32
        %dma_start3A_470 = tpu.memref_slice %arg3[%dma_start3A_468, %dma_start3A_469] : memref<1000000x32xf32, #tpu.memory_space<hbm>> -> memref<1000000x32xf32, #tpu.memory_space<hbm>>
        tpu.enqueue_indirect_dma source(%dma_start3A_470 : memref<1000000x32xf32, #tpu.memory_space<hbm>>) target(%dma_start3A_464 : memref<128x32xf32, #tpu.memory_space<vmem>>) offsets(%dma_start3A_467 : memref<128xi32, #tpu.memory_space<vmem>>) semaphore(%arg12 : memref<!tpu.dma_semaphore, #tpu.memory_space<semaphore_mem>>)
      } else {
      }
      %dma_wait3A_205 = arith.constant 0 : i32
      %dma_wait3A_206 = arith.constant 0 : i32
      %dma_wait3A_207 = arith.constant 0 : i32
      %dma_wait3A_208 = tpu.memref_slice %arg7[%dma_wait3A_206, %dma_wait3A_207] : memref<512x32xf32, #tpu.memory_space<vmem>> -> memref<128x32xf32, #tpu.memory_space<vmem>>
      %dma_wait3A_209 = arith.constant 0 : i32
      %dma_wait3A_210 = tpu.memref_slice %arg5[%dma_wait3A_205, %dma_wait3A_209] : memref<4x128xi32, #tpu.memory_space<vmem>> -> memref<1x128xi32, #tpu.memory_space<vmem>>
      %dma_wait3A_211 = tpu.memref_squeeze %dma_wait3A_210 : memref<1x128xi32, #tpu.memory_space<vmem>> -> memref<128xi32, #tpu.memory_space<vmem>>
      %dma_wait3A_212 = arith.constant 0 : i32
      %dma_wait3A_213 = arith.constant 0 : i32
      %dma_wait3A_214 = tpu.memref_slice %arg3[%dma_wait3A_212, %dma_wait3A_213] : memref<1000000x32xf32, #tpu.memory_space<hbm>> -> memref<1000000x32xf32, #tpu.memory_space<hbm>>
      tpu.wait_indirect_dma semaphore(%arg11 : memref<!tpu.dma_semaphore, #tpu.memory_space<semaphore_mem>>) src(%dma_wait3A_214 : memref<1000000x32xf32, #tpu.memory_space<hbm>>) dst(%dma_wait3A_208 : memref<128x32xf32, #tpu.memory_space<vmem>>)
      %dma_wait3A_215 = arith.constant 1 : i32
      %dma_wait3A_216 = arith.constant 128 : i32
      %dma_wait3A_217 = arith.constant 0 : i32
      %dma_wait3A_218 = tpu.memref_slice %arg7[%dma_wait3A_216, %dma_wait3A_217] : memref<512x32xf32, #tpu.memory_space<vmem>> -> memref<128x32xf32, #tpu.memory_space<vmem>>
      %dma_wait3A_219 = arith.constant 0 : i32
      %dma_wait3A_220 = tpu.memref_slice %arg5[%dma_wait3A_215, %dma_wait3A_219] : memref<4x128xi32, #tpu.memory_space<vmem>> -> memref<1x128xi32, #tpu.memory_space<vmem>>
      %dma_wait3A_221 = tpu.memref_squeeze %dma_wait3A_220 : memref<1x128xi32, #tpu.memory_space<vmem>> -> memref<128xi32, #tpu.memory_space<vmem>>
      %dma_wait3A_222 = arith.constant 0 : i32
      %dma_wait3A_223 = arith.constant 0 : i32
      %dma_wait3A_224 = tpu.memref_slice %arg3[%dma_wait3A_222, %dma_wait3A_223] : memref<1000000x32xf32, #tpu.memory_space<hbm>> -> memref<1000000x32xf32, #tpu.memory_space<hbm>>
      tpu.wait_indirect_dma semaphore(%arg11 : memref<!tpu.dma_semaphore, #tpu.memory_space<semaphore_mem>>) src(%dma_wait3A_224 : memref<1000000x32xf32, #tpu.memory_space<hbm>>) dst(%dma_wait3A_218 : memref<128x32xf32, #tpu.memory_space<vmem>>)
      %dma_wait3A_225 = arith.constant 2 : i32
      %dma_wait3A_226 = arith.constant 256 : i32
      %dma_wait3A_227 = arith.constant 0 : i32
      %dma_wait3A_228 = tpu.memref_slice %arg7[%dma_wait3A_226, %dma_wait3A_227] : memref<512x32xf32, #tpu.memory_space<vmem>> -> memref<128x32xf32, #tpu.memory_space<vmem>>
      %dma_wait3A_229 = arith.constant 0 : i32
      %dma_wait3A_230 = tpu.memref_slice %arg5[%dma_wait3A_225, %dma_wait3A_229] : memref<4x128xi32, #tpu.memory_space<vmem>> -> memref<1x128xi32, #tpu.memory_space<vmem>>
      %dma_wait3A_231 = tpu.memref_squeeze %dma_wait3A_230 : memref<1x128xi32, #tpu.memory_space<vmem>> -> memref<128xi32, #tpu.memory_space<vmem>>
      %dma_wait3A_232 = arith.constant 0 : i32
      %dma_wait3A_233 = arith.constant 0 : i32
      %dma_wait3A_234 = tpu.memref_slice %arg3[%dma_wait3A_232, %dma_wait3A_233] : memref<1000000x32xf32, #tpu.memory_space<hbm>> -> memref<1000000x32xf32, #tpu.memory_space<hbm>>
      tpu.wait_indirect_dma semaphore(%arg11 : memref<!tpu.dma_semaphore, #tpu.memory_space<semaphore_mem>>) src(%dma_wait3A_234 : memref<1000000x32xf32, #tpu.memory_space<hbm>>) dst(%dma_wait3A_228 : memref<128x32xf32, #tpu.memory_space<vmem>>)
      %dma_wait3A_235 = arith.constant 3 : i32
      %dma_wait3A_236 = arith.constant 384 : i32
      %dma_wait3A_237 = arith.constant 0 : i32
      %dma_wait3A_238 = tpu.memref_slice %arg7[%dma_wait3A_236, %dma_wait3A_237] : memref<512x32xf32, #tpu.memory_space<vmem>> -> memref<128x32xf32, #tpu.memory_space<vmem>>
      %dma_wait3A_239 = arith.constant 0 : i32
      %dma_wait3A_240 = tpu.memref_slice %arg5[%dma_wait3A_235, %dma_wait3A_239] : memref<4x128xi32, #tpu.memory_space<vmem>> -> memref<1x128xi32, #tpu.memory_space<vmem>>
      %dma_wait3A_241 = tpu.memref_squeeze %dma_wait3A_240 : memref<1x128xi32, #tpu.memory_space<vmem>> -> memref<128xi32, #tpu.memory_space<vmem>>
      %dma_wait3A_242 = arith.constant 0 : i32
      %dma_wait3A_243 = arith.constant 0 : i32
      %dma_wait3A_244 = tpu.memref_slice %arg3[%dma_wait3A_242, %dma_wait3A_243] : memref<1000000x32xf32, #tpu.memory_space<hbm>> -> memref<1000000x32xf32, #tpu.memory_space<hbm>>
      tpu.wait_indirect_dma semaphore(%arg11 : memref<!tpu.dma_semaphore, #tpu.memory_space<semaphore_mem>>) src(%dma_wait3A_244 : memref<1000000x32xf32, #tpu.memory_space<hbm>>) dst(%dma_wait3A_238 : memref<128x32xf32, #tpu.memory_space<vmem>>)
      %ge3A = arith.constant 2 : i32
      %ge3A_245 = arith.cmpi sge, %add3A_199, %ge3A : i32
      %convert_element_type3A_246 = arith.extui %ge3A_245 : i1 to i32
      %cond3A_247 = arith.constant 0 : i32
      %cond3A_248 = arith.cmpi ne, %convert_element_type3A_246, %cond3A_247 : i32
      scf.if %cond3A_248 {
        %dma_wait3A_387 = arith.constant 0 : i32
        %dma_wait3A_388 = arith.constant 0 : i32
        %dma_wait3A_389 = arith.constant 0 : i32
        %dma_wait3A_390 = arith.constant 0 : i32
        %dma_wait3A_391 = tpu.memref_slice %arg9[%dma_wait3A_387, %dma_wait3A_388, %dma_wait3A_389, %dma_wait3A_390] : memref<4x4x8x129xf32, #tpu.memory_space<vmem>> -> memref<4x4x8x128xf32, #tpu.memory_space<vmem>>
        %dma_wait3A_392 = arith.constant 0 : i32
        %dma_wait3A_393 = arith.constant 0 : i32
        %dma_wait3A_394 = arith.constant 0 : i32
        %dma_wait3A_395 = arith.constant 0 : i32
        %dma_wait3A_396 = tpu.memref_slice %arg4[%dma_wait3A_392, %dma_wait3A_393, %add3A, %dma_wait3A_394, %dma_wait3A_395] : memref<200x4x32x8x128xf32, #tpu.memory_space<hbm>> -> memref<4x4x1x8x128xf32, #tpu.memory_space<hbm>>
        %dma_wait3A_397 = tpu.memref_squeeze %dma_wait3A_396 : memref<4x4x1x8x128xf32, #tpu.memory_space<hbm>> -> memref<4x4x8x128xf32, #tpu.memory_space<hbm>>
        %dma_wait3A_398 = arith.constant 0 : i32
        %dma_wait3A_399 = arith.constant 0 : i32
        %dma_wait3A_400 = arith.constant 0 : i32
        %dma_wait3A_401 = arith.constant 0 : i32
        %dma_wait3A_402 = tpu.memref_slice %arg4[%dma_wait3A_398, %dma_wait3A_399, %add3A, %dma_wait3A_400, %dma_wait3A_401] : memref<200x4x32x8x128xf32, #tpu.memory_space<hbm>> -> memref<4x4x1x8x128xf32, #tpu.memory_space<hbm>>
        %dma_wait3A_403 = tpu.memref_squeeze %dma_wait3A_402 : memref<4x4x1x8x128xf32, #tpu.memory_space<hbm>> -> memref<4x4x8x128xf32, #tpu.memory_space<hbm>>
        %dma_wait3A_404 = arith.constant 0 : i32
        %dma_wait3A_405 = arith.constant 0 : i32
        %dma_wait3A_406 = arith.constant 0 : i32
        %dma_wait3A_407 = arith.constant 0 : i32
        %dma_wait3A_408 = tpu.memref_slice %arg9[%dma_wait3A_404, %dma_wait3A_405, %dma_wait3A_406, %dma_wait3A_407] : memref<4x4x8x129xf32, #tpu.memory_space<vmem>> -> memref<4x4x8x128xf32, #tpu.memory_space<vmem>>
        tpu.wait_dma2 semaphore(%arg13 : memref<!tpu.dma_semaphore, #tpu.memory_space<semaphore_mem>>) src(%dma_wait3A_408 : memref<4x4x8x128xf32, #tpu.memory_space<vmem>>) dst(%dma_wait3A_403 : memref<4x4x8x128xf32, #tpu.memory_space<hbm>>)
      } else {
      }
      %scan3A_249 = arith.constant 0 : i32
      %scan3A_250 = arith.constant 128 : i32
      %scan3A_251 = arith.addi %scan3A_249, %scan3A_250 : i32
      %scan3A_252 = arith.constant 8 : i32
      scf.for %scan3A_387 = %scan3A_249 to %scan3A_251 step %scan3A_252  : i32 {
        %mul3A_388 = arith.constant 1 : i32
        %mul3A_389 = arith.muli %scan3A_387, %mul3A_388 : i32
        %add3A_390 = arith.constant 0 : i32
        %add3A_391 = arith.addi %add3A_390, %mul3A_389 : i32
        %broadcast_in_dim3A = vector.broadcast %add3A_391 : i32 to vector<16xi32>
        %add3A_392 = arith.constant 0 : i32
        %add3A_393 = arith.addi %add3A_392, %add3A_391 : i32
        %get3A = arith.index_cast %add3A_393 : i32 to index
        %get3A_394 = arith.constant 0 : index
        %get3A_395 = tpu.vector_load %arg7[%get3A, %get3A_394] {strides = array<i32>} : memref<512x32xf32, #tpu.memory_space<vmem>>, vector<16xf32>,
        %mul3A_396 = arith.constant 5.65685415 : f32
        %mul3A_397 = vector.broadcast %mul3A_396 : f32 to vector<16xf32>
        %mul3A_398 = arith.mulf %get3A_395, %mul3A_397 : vector<16xf32>
        %scatter3A = arith.constant 0 : i32
        %scatter3A_399 = arith.constant 0 : i32
        %scatter3A_400 = arith.constant 0 : i32
        %scatter3A_401 = arith.constant 0 : i32
        %scatter3A_402 = tpu.memref_slice %arg9[%scatter3A, %scatter3A_399, %scatter3A_400, %scatter3A_401] : memref<4x4x8x129xf32, #tpu.memory_space<vmem>> -> memref<1x4x8x129xf32, #tpu.memory_space<vmem>>
        %scatter3A_403 = tpu.memref_squeeze %scatter3A_402 : memref<1x4x8x129xf32, #tpu.memory_space<vmem>> -> memref<4x8x129xf32, #tpu.memory_space<vmem>>
        tpu.vector_store_idx %scatter3A_403[%select_n3A, %select_n3A_83, %broadcast_in_dim3A], %mul3A_398 : memref<4x8x129xf32, #tpu.memory_space<vmem>>[vector<16xi32>, vector<16xi32>, vector<16xi32>], vector<16xf32>,
        %add3A_404 = arith.constant 0 : i32
        %add3A_405 = arith.addi %add3A_404, %add3A_391 : i32
        %get3A_406 = arith.index_cast %add3A_405 : i32 to index
        %get3A_407 = arith.constant 16 : index
        %get3A_408 = tpu.vector_load %arg7[%get3A_406, %get3A_407] {strides = array<i32>} : memref<512x32xf32, #tpu.memory_space<vmem>>, vector<16xf32>,
        %mul3A_409 = arith.constant 5.65685415 : f32
        %mul3A_410 = vector.broadcast %mul3A_409 : f32 to vector<16xf32>
        %mul3A_411 = arith.mulf %get3A_408, %mul3A_410 : vector<16xf32>
        %scatter3A_412 = arith.constant 0 : i32
        %scatter3A_413 = arith.constant 0 : i32
        %scatter3A_414 = arith.constant 0 : i32
        %scatter3A_415 = arith.constant 0 : i32
        %scatter3A_416 = tpu.memref_slice %arg9[%scatter3A_412, %scatter3A_413, %scatter3A_414, %scatter3A_415] : memref<4x4x8x129xf32, #tpu.memory_space<vmem>> -> memref<1x4x8x129xf32, #tpu.memory_space<vmem>>
        %scatter3A_417 = tpu.memref_squeeze %scatter3A_416 : memref<1x4x8x129xf32, #tpu.memory_space<vmem>> -> memref<4x8x129xf32, #tpu.memory_space<vmem>>
        tpu.vector_store_idx %scatter3A_417[%select_n3A_60, %select_n3A_108, %broadcast_in_dim3A], %mul3A_411 : memref<4x8x129xf32, #tpu.memory_space<vmem>>[vector<16xi32>, vector<16xi32>, vector<16xi32>], vector<16xf32>,
        %scan3A_418 = arith.constant 1 : i32
        %scan3A_419 = arith.addi %scan3A_387, %scan3A_418 : i32
        %mul3A_420 = arith.constant 1 : i32
        %mul3A_421 = arith.muli %scan3A_419, %mul3A_420 : i32
        %add3A_422 = arith.constant 0 : i32
        %add3A_423 = arith.addi %add3A_422, %mul3A_421 : i32
        %broadcast_in_dim3A_424 = vector.broadcast %add3A_423 : i32 to vector<16xi32>
        %add3A_425 = arith.constant 0 : i32
        %add3A_426 = arith.addi %add3A_425, %add3A_423 : i32
        %get3A_427 = arith.index_cast %add3A_426 : i32 to index
        %get3A_428 = arith.constant 0 : index
        %get3A_429 = tpu.vector_load %arg7[%get3A_427, %get3A_428] {strides = array<i32>} : memref<512x32xf32, #tpu.memory_space<vmem>>, vector<16xf32>,
        %mul3A_430 = arith.constant 5.65685415 : f32
        %mul3A_431 = vector.broadcast %mul3A_430 : f32 to vector<16xf32>
        %mul3A_432 = arith.mulf %get3A_429, %mul3A_431 : vector<16xf32>
        %scatter3A_433 = arith.constant 0 : i32
        %scatter3A_434 = arith.constant 0 : i32
        %scatter3A_435 = arith.constant 0 : i32
        %scatter3A_436 = arith.constant 0 : i32
        %scatter3A_437 = tpu.memref_slice %arg9[%scatter3A_433, %scatter3A_434, %scatter3A_435, %scatter3A_436] : memref<4x4x8x129xf32, #tpu.memory_space<vmem>> -> memref<1x4x8x129xf32, #tpu.memory_space<vmem>>
        %scatter3A_438 = tpu.memref_squeeze %scatter3A_437 : memref<1x4x8x129xf32, #tpu.memory_space<vmem>> -> memref<4x8x129xf32, #tpu.memory_space<vmem>>
        tpu.vector_store_idx %scatter3A_438[%select_n3A, %select_n3A_83, %broadcast_in_dim3A_424], %mul3A_432 : memref<4x8x129xf32, #tpu.memory_space<vmem>>[vector<16xi32>, vector<16xi32>, vector<16xi32>], vector<16xf32>,
        %add3A_439 = arith.constant 0 : i32
        %add3A_440 = arith.addi %add3A_439, %add3A_423 : i32
        %get3A_441 = arith.index_cast %add3A_440 : i32 to index
        %get3A_442 = arith.constant 16 : index
        %get3A_443 = tpu.vector_load %arg7[%get3A_441, %get3A_442] {strides = array<i32>} : memref<512x32xf32, #tpu.memory_space<vmem>>, vector<16xf32>,
        %mul3A_444 = arith.constant 5.65685415 : f32
        %mul3A_445 = vector.broadcast %mul3A_444 : f32 to vector<16xf32>
        %mul3A_446 = arith.mulf %get3A_443, %mul3A_445 : vector<16xf32>
        %scatter3A_447 = arith.constant 0 : i32
        %scatter3A_448 = arith.constant 0 : i32
        %scatter3A_449 = arith.constant 0 : i32
        %scatter3A_450 = arith.constant 0 : i32
        %scatter3A_451 = tpu.memref_slice %arg9[%scatter3A_447, %scatter3A_448, %scatter3A_449, %scatter3A_450] : memref<4x4x8x129xf32, #tpu.memory_space<vmem>> -> memref<1x4x8x129xf32, #tpu.memory_space<vmem>>
        %scatter3A_452 = tpu.memref_squeeze %scatter3A_451 : memref<1x4x8x129xf32, #tpu.memory_space<vmem>> -> memref<4x8x129xf32, #tpu.memory_space<vmem>>
        tpu.vector_store_idx %scatter3A_452[%select_n3A_60, %select_n3A_108, %broadcast_in_dim3A_424], %mul3A_446 : memref<4x8x129xf32, #tpu.memory_space<vmem>>[vector<16xi32>, vector<16xi32>, vector<16xi32>], vector<16xf32>,
        %scan3A_453 = arith.constant 2 : i32
        %scan3A_454 = arith.addi %scan3A_387, %scan3A_453 : i32
        %mul3A_455 = arith.constant 1 : i32
        %mul3A_456 = arith.muli %scan3A_454, %mul3A_455 : i32
        %add3A_457 = arith.constant 0 : i32
        %add3A_458 = arith.addi %add3A_457, %mul3A_456 : i32
        %broadcast_in_dim3A_459 = vector.broadcast %add3A_458 : i32 to vector<16xi32>
        %add3A_460 = arith.constant 0 : i32
        %add3A_461 = arith.addi %add3A_460, %add3A_458 : i32
        %get3A_462 = arith.index_cast %add3A_461 : i32 to index
        %get3A_463 = arith.constant 0 : index
        %get3A_464 = tpu.vector_load %arg7[%get3A_462, %get3A_463] {strides = array<i32>} : memref<512x32xf32, #tpu.memory_space<vmem>>, vector<16xf32>,
        %mul3A_465 = arith.constant 5.65685415 : f32
        %mul3A_466 = vector.broadcast %mul3A_465 : f32 to vector<16xf32>
        %mul3A_467 = arith.mulf %get3A_464, %mul3A_466 : vector<16xf32>
        %scatter3A_468 = arith.constant 0 : i32
        %scatter3A_469 = arith.constant 0 : i32
        %scatter3A_470 = arith.constant 0 : i32
        %scatter3A_471 = arith.constant 0 : i32
        %scatter3A_472 = tpu.memref_slice %arg9[%scatter3A_468, %scatter3A_469, %scatter3A_470, %scatter3A_471] : memref<4x4x8x129xf32, #tpu.memory_space<vmem>> -> memref<1x4x8x129xf32, #tpu.memory_space<vmem>>
        %scatter3A_473 = tpu.memref_squeeze %scatter3A_472 : memref<1x4x8x129xf32, #tpu.memory_space<vmem>> -> memref<4x8x129xf32, #tpu.memory_space<vmem>>
        tpu.vector_store_idx %scatter3A_473[%select_n3A, %select_n3A_83, %broadcast_in_dim3A_459], %mul3A_467 : memref<4x8x129xf32, #tpu.memory_space<vmem>>[vector<16xi32>, vector<16xi32>, vector<16xi32>], vector<16xf32>,
        %add3A_474 = arith.constant 0 : i32
        %add3A_475 = arith.addi %add3A_474, %add3A_458 : i32
        %get3A_476 = arith.index_cast %add3A_475 : i32 to index
        %get3A_477 = arith.constant 16 : index
        %get3A_478 = tpu.vector_load %arg7[%get3A_476, %get3A_477] {strides = array<i32>} : memref<512x32xf32, #tpu.memory_space<vmem>>, vector<16xf32>,
        %mul3A_479 = arith.constant 5.65685415 : f32
        %mul3A_480 = vector.broadcast %mul3A_479 : f32 to vector<16xf32>
        %mul3A_481 = arith.mulf %get3A_478, %mul3A_480 : vector<16xf32>
        %scatter3A_482 = arith.constant 0 : i32
        %scatter3A_483 = arith.constant 0 : i32
        %scatter3A_484 = arith.constant 0 : i32
        %scatter3A_485 = arith.constant 0 : i32
        %scatter3A_486 = tpu.memref_slice %arg9[%scatter3A_482, %scatter3A_483, %scatter3A_484, %scatter3A_485] : memref<4x4x8x129xf32, #tpu.memory_space<vmem>> -> memref<1x4x8x129xf32, #tpu.memory_space<vmem>>
        %scatter3A_487 = tpu.memref_squeeze %scatter3A_486 : memref<1x4x8x129xf32, #tpu.memory_space<vmem>> -> memref<4x8x129xf32, #tpu.memory_space<vmem>>
        tpu.vector_store_idx %scatter3A_487[%select_n3A_60, %select_n3A_108, %broadcast_in_dim3A_459], %mul3A_481 : memref<4x8x129xf32, #tpu.memory_space<vmem>>[vector<16xi32>, vector<16xi32>, vector<16xi32>], vector<16xf32>,
        %scan3A_488 = arith.constant 3 : i32
        %scan3A_489 = arith.addi %scan3A_387, %scan3A_488 : i32
        %mul3A_490 = arith.constant 1 : i32
        %mul3A_491 = arith.muli %scan3A_489, %mul3A_490 : i32
        %add3A_492 = arith.constant 0 : i32
        %add3A_493 = arith.addi %add3A_492, %mul3A_491 : i32
        %broadcast_in_dim3A_494 = vector.broadcast %add3A_493 : i32 to vector<16xi32>
        %add3A_495 = arith.constant 0 : i32
        %add3A_496 = arith.addi %add3A_495, %add3A_493 : i32
        %get3A_497 = arith.index_cast %add3A_496 : i32 to index
        %get3A_498 = arith.constant 0 : index
        %get3A_499 = tpu.vector_load %arg7[%get3A_497, %get3A_498] {strides = array<i32>} : memref<512x32xf32, #tpu.memory_space<vmem>>, vector<16xf32>,
        %mul3A_500 = arith.constant 5.65685415 : f32
        %mul3A_501 = vector.broadcast %mul3A_500 : f32 to vector<16xf32>
        %mul3A_502 = arith.mulf %get3A_499, %mul3A_501 : vector<16xf32>
        %scatter3A_503 = arith.constant 0 : i32
        %scatter3A_504 = arith.constant 0 : i32
        %scatter3A_505 = arith.constant 0 : i32
        %scatter3A_506 = arith.constant 0 : i32
        %scatter3A_507 = tpu.memref_slice %arg9[%scatter3A_503, %scatter3A_504, %scatter3A_505, %scatter3A_506] : memref<4x4x8x129xf32, #tpu.memory_space<vmem>> -> memref<1x4x8x129xf32, #tpu.memory_space<vmem>>
        %scatter3A_508 = tpu.memref_squeeze %scatter3A_507 : memref<1x4x8x129xf32, #tpu.memory_space<vmem>> -> memref<4x8x129xf32, #tpu.memory_space<vmem>>
        tpu.vector_store_idx %scatter3A_508[%select_n3A, %select_n3A_83, %broadcast_in_dim3A_494], %mul3A_502 : memref<4x8x129xf32, #tpu.memory_space<vmem>>[vector<16xi32>, vector<16xi32>, vector<16xi32>], vector<16xf32>,
        %add3A_509 = arith.constant 0 : i32
        %add3A_510 = arith.addi %add3A_509, %add3A_493 : i32
        %get3A_511 = arith.index_cast %add3A_510 : i32 to index
        %get3A_512 = arith.constant 16 : index
        %get3A_513 = tpu.vector_load %arg7[%get3A_511, %get3A_512] {strides = array<i32>} : memref<512x32xf32, #tpu.memory_space<vmem>>, vector<16xf32>,
        %mul3A_514 = arith.constant 5.65685415 : f32
        %mul3A_515 = vector.broadcast %mul3A_514 : f32 to vector<16xf32>
        %mul3A_516 = arith.mulf %get3A_513, %mul3A_515 : vector<16xf32>
        %scatter3A_517 = arith.constant 0 : i32
        %scatter3A_518 = arith.constant 0 : i32
        %scatter3A_519 = arith.constant 0 : i32
        %scatter3A_520 = arith.constant 0 : i32
        %scatter3A_521 = tpu.memref_slice %arg9[%scatter3A_517, %scatter3A_518, %scatter3A_519, %scatter3A_520] : memref<4x4x8x129xf32, #tpu.memory_space<vmem>> -> memref<1x4x8x129xf32, #tpu.memory_space<vmem>>
        %scatter3A_522 = tpu.memref_squeeze %scatter3A_521 : memref<1x4x8x129xf32, #tpu.memory_space<vmem>> -> memref<4x8x129xf32, #tpu.memory_space<vmem>>
        tpu.vector_store_idx %scatter3A_522[%select_n3A_60, %select_n3A_108, %broadcast_in_dim3A_494], %mul3A_516 : memref<4x8x129xf32, #tpu.memory_space<vmem>>[vector<16xi32>, vector<16xi32>, vector<16xi32>], vector<16xf32>,
        %scan3A_523 = arith.constant 4 : i32
        %scan3A_524 = arith.addi %scan3A_387, %scan3A_523 : i32
        %mul3A_525 = arith.constant 1 : i32
        %mul3A_526 = arith.muli %scan3A_524, %mul3A_525 : i32
        %add3A_527 = arith.constant 0 : i32
        %add3A_528 = arith.addi %add3A_527, %mul3A_526 : i32
        %broadcast_in_dim3A_529 = vector.broadcast %add3A_528 : i32 to vector<16xi32>
        %add3A_530 = arith.constant 0 : i32
        %add3A_531 = arith.addi %add3A_530, %add3A_528 : i32
        %get3A_532 = arith.index_cast %add3A_531 : i32 to index
        %get3A_533 = arith.constant 0 : index
        %get3A_534 = tpu.vector_load %arg7[%get3A_532, %get3A_533] {strides = array<i32>} : memref<512x32xf32, #tpu.memory_space<vmem>>, vector<16xf32>,
        %mul3A_535 = arith.constant 5.65685415 : f32
        %mul3A_536 = vector.broadcast %mul3A_535 : f32 to vector<16xf32>
        %mul3A_537 = arith.mulf %get3A_534, %mul3A_536 : vector<16xf32>
        %scatter3A_538 = arith.constant 0 : i32
        %scatter3A_539 = arith.constant 0 : i32
        %scatter3A_540 = arith.constant 0 : i32
        %scatter3A_541 = arith.constant 0 : i32
        %scatter3A_542 = tpu.memref_slice %arg9[%scatter3A_538, %scatter3A_539, %scatter3A_540, %scatter3A_541] : memref<4x4x8x129xf32, #tpu.memory_space<vmem>> -> memref<1x4x8x129xf32, #tpu.memory_space<vmem>>
        %scatter3A_543 = tpu.memref_squeeze %scatter3A_542 : memref<1x4x8x129xf32, #tpu.memory_space<vmem>> -> memref<4x8x129xf32, #tpu.memory_space<vmem>>
        tpu.vector_store_idx %scatter3A_543[%select_n3A, %select_n3A_83, %broadcast_in_dim3A_529], %mul3A_537 : memref<4x8x129xf32, #tpu.memory_space<vmem>>[vector<16xi32>, vector<16xi32>, vector<16xi32>], vector<16xf32>,
        %add3A_544 = arith.constant 0 : i32
        %add3A_545 = arith.addi %add3A_544, %add3A_528 : i32
        %get3A_546 = arith.index_cast %add3A_545 : i32 to index
        %get3A_547 = arith.constant 16 : index
        %get3A_548 = tpu.vector_load %arg7[%get3A_546, %get3A_547] {strides = array<i32>} : memref<512x32xf32, #tpu.memory_space<vmem>>, vector<16xf32>,
        %mul3A_549 = arith.constant 5.65685415 : f32
        %mul3A_550 = vector.broadcast %mul3A_549 : f32 to vector<16xf32>
        %mul3A_551 = arith.mulf %get3A_548, %mul3A_550 : vector<16xf32>
        %scatter3A_552 = arith.constant 0 : i32
        %scatter3A_553 = arith.constant 0 : i32
        %scatter3A_554 = arith.constant 0 : i32
        %scatter3A_555 = arith.constant 0 : i32
        %scatter3A_556 = tpu.memref_slice %arg9[%scatter3A_552, %scatter3A_553, %scatter3A_554, %scatter3A_555] : memref<4x4x8x129xf32, #tpu.memory_space<vmem>> -> memref<1x4x8x129xf32, #tpu.memory_space<vmem>>
        %scatter3A_557 = tpu.memref_squeeze %scatter3A_556 : memref<1x4x8x129xf32, #tpu.memory_space<vmem>> -> memref<4x8x129xf32, #tpu.memory_space<vmem>>
        tpu.vector_store_idx %scatter3A_557[%select_n3A_60, %select_n3A_108, %broadcast_in_dim3A_529], %mul3A_551 : memref<4x8x129xf32, #tpu.memory_space<vmem>>[vector<16xi32>, vector<16xi32>, vector<16xi32>], vector<16xf32>,
        %scan3A_558 = arith.constant 5 : i32
        %scan3A_559 = arith.addi %scan3A_387, %scan3A_558 : i32
        %mul3A_560 = arith.constant 1 : i32
        %mul3A_561 = arith.muli %scan3A_559, %mul3A_560 : i32
        %add3A_562 = arith.constant 0 : i32
        %add3A_563 = arith.addi %add3A_562, %mul3A_561 : i32
        %broadcast_in_dim3A_564 = vector.broadcast %add3A_563 : i32 to vector<16xi32>
        %add3A_565 = arith.constant 0 : i32
        %add3A_566 = arith.addi %add3A_565, %add3A_563 : i32
        %get3A_567 = arith.index_cast %add3A_566 : i32 to index
        %get3A_568 = arith.constant 0 : index
        %get3A_569 = tpu.vector_load %arg7[%get3A_567, %get3A_568] {strides = array<i32>} : memref<512x32xf32, #tpu.memory_space<vmem>>, vector<16xf32>,
        %mul3A_570 = arith.constant 5.65685415 : f32
        %mul3A_571 = vector.broadcast %mul3A_570 : f32 to vector<16xf32>
        %mul3A_572 = arith.mulf %get3A_569, %mul3A_571 : vector<16xf32>
        %scatter3A_573 = arith.constant 0 : i32
        %scatter3A_574 = arith.constant 0 : i32
        %scatter3A_575 = arith.constant 0 : i32
        %scatter3A_576 = arith.constant 0 : i32
        %scatter3A_577 = tpu.memref_slice %arg9[%scatter3A_573, %scatter3A_574, %scatter3A_575, %scatter3A_576] : memref<4x4x8x129xf32, #tpu.memory_space<vmem>> -> memref<1x4x8x129xf32, #tpu.memory_space<vmem>>
        %scatter3A_578 = tpu.memref_squeeze %scatter3A_577 : memref<1x4x8x129xf32, #tpu.memory_space<vmem>> -> memref<4x8x129xf32, #tpu.memory_space<vmem>>
        tpu.vector_store_idx %scatter3A_578[%select_n3A, %select_n3A_83, %broadcast_in_dim3A_564], %mul3A_572 : memref<4x8x129xf32, #tpu.memory_space<vmem>>[vector<16xi32>, vector<16xi32>, vector<16xi32>], vector<16xf32>,
        %add3A_579 = arith.constant 0 : i32
        %add3A_580 = arith.addi %add3A_579, %add3A_563 : i32
        %get3A_581 = arith.index_cast %add3A_580 : i32 to index
        %get3A_582 = arith.constant 16 : index
        %get3A_583 = tpu.vector_load %arg7[%get3A_581, %get3A_582] {strides = array<i32>} : memref<512x32xf32, #tpu.memory_space<vmem>>, vector<16xf32>,
        %mul3A_584 = arith.constant 5.65685415 : f32
        %mul3A_585 = vector.broadcast %mul3A_584 : f32 to vector<16xf32>
        %mul3A_586 = arith.mulf %get3A_583, %mul3A_585 : vector<16xf32>
        %scatter3A_587 = arith.constant 0 : i32
        %scatter3A_588 = arith.constant 0 : i32
        %scatter3A_589 = arith.constant 0 : i32
        %scatter3A_590 = arith.constant 0 : i32
        %scatter3A_591 = tpu.memref_slice %arg9[%scatter3A_587, %scatter3A_588, %scatter3A_589, %scatter3A_590] : memref<4x4x8x129xf32, #tpu.memory_space<vmem>> -> memref<1x4x8x129xf32, #tpu.memory_space<vmem>>
        %scatter3A_592 = tpu.memref_squeeze %scatter3A_591 : memref<1x4x8x129xf32, #tpu.memory_space<vmem>> -> memref<4x8x129xf32, #tpu.memory_space<vmem>>
        tpu.vector_store_idx %scatter3A_592[%select_n3A_60, %select_n3A_108, %broadcast_in_dim3A_564], %mul3A_586 : memref<4x8x129xf32, #tpu.memory_space<vmem>>[vector<16xi32>, vector<16xi32>, vector<16xi32>], vector<16xf32>,
        %scan3A_593 = arith.constant 6 : i32
        %scan3A_594 = arith.addi %scan3A_387, %scan3A_593 : i32
        %mul3A_595 = arith.constant 1 : i32
        %mul3A_596 = arith.muli %scan3A_594, %mul3A_595 : i32
        %add3A_597 = arith.constant 0 : i32
        %add3A_598 = arith.addi %add3A_597, %mul3A_596 : i32
        %broadcast_in_dim3A_599 = vector.broadcast %add3A_598 : i32 to vector<16xi32>
        %add3A_600 = arith.constant 0 : i32
        %add3A_601 = arith.addi %add3A_600, %add3A_598 : i32
        %get3A_602 = arith.index_cast %add3A_601 : i32 to index
        %get3A_603 = arith.constant 0 : index
        %get3A_604 = tpu.vector_load %arg7[%get3A_602, %get3A_603] {strides = array<i32>} : memref<512x32xf32, #tpu.memory_space<vmem>>, vector<16xf32>,
        %mul3A_605 = arith.constant 5.65685415 : f32
        %mul3A_606 = vector.broadcast %mul3A_605 : f32 to vector<16xf32>
        %mul3A_607 = arith.mulf %get3A_604, %mul3A_606 : vector<16xf32>
        %scatter3A_608 = arith.constant 0 : i32
        %scatter3A_609 = arith.constant 0 : i32
        %scatter3A_610 = arith.constant 0 : i32
        %scatter3A_611 = arith.constant 0 : i32
        %scatter3A_612 = tpu.memref_slice %arg9[%scatter3A_608, %scatter3A_609, %scatter3A_610, %scatter3A_611] : memref<4x4x8x129xf32, #tpu.memory_space<vmem>> -> memref<1x4x8x129xf32, #tpu.memory_space<vmem>>
        %scatter3A_613 = tpu.memref_squeeze %scatter3A_612 : memref<1x4x8x129xf32, #tpu.memory_space<vmem>> -> memref<4x8x129xf32, #tpu.memory_space<vmem>>
        tpu.vector_store_idx %scatter3A_613[%select_n3A, %select_n3A_83, %broadcast_in_dim3A_599], %mul3A_607 : memref<4x8x129xf32, #tpu.memory_space<vmem>>[vector<16xi32>, vector<16xi32>, vector<16xi32>], vector<16xf32>,
        %add3A_614 = arith.constant 0 : i32
        %add3A_615 = arith.addi %add3A_614, %add3A_598 : i32
        %get3A_616 = arith.index_cast %add3A_615 : i32 to index
        %get3A_617 = arith.constant 16 : index
        %get3A_618 = tpu.vector_load %arg7[%get3A_616, %get3A_617] {strides = array<i32>} : memref<512x32xf32, #tpu.memory_space<vmem>>, vector<16xf32>,
        %mul3A_619 = arith.constant 5.65685415 : f32
        %mul3A_620 = vector.broadcast %mul3A_619 : f32 to vector<16xf32>
        %mul3A_621 = arith.mulf %get3A_618, %mul3A_620 : vector<16xf32>
        %scatter3A_622 = arith.constant 0 : i32
        %scatter3A_623 = arith.constant 0 : i32
        %scatter3A_624 = arith.constant 0 : i32
        %scatter3A_625 = arith.constant 0 : i32
        %scatter3A_626 = tpu.memref_slice %arg9[%scatter3A_622, %scatter3A_623, %scatter3A_624, %scatter3A_625] : memref<4x4x8x129xf32, #tpu.memory_space<vmem>> -> memref<1x4x8x129xf32, #tpu.memory_space<vmem>>
        %scatter3A_627 = tpu.memref_squeeze %scatter3A_626 : memref<1x4x8x129xf32, #tpu.memory_space<vmem>> -> memref<4x8x129xf32, #tpu.memory_space<vmem>>
        tpu.vector_store_idx %scatter3A_627[%select_n3A_60, %select_n3A_108, %broadcast_in_dim3A_599], %mul3A_621 : memref<4x8x129xf32, #tpu.memory_space<vmem>>[vector<16xi32>, vector<16xi32>, vector<16xi32>], vector<16xf32>,
        %scan3A_628 = arith.constant 7 : i32
        %scan3A_629 = arith.addi %scan3A_387, %scan3A_628 : i32
        %mul3A_630 = arith.constant 1 : i32
        %mul3A_631 = arith.muli %scan3A_629, %mul3A_630 : i32
        %add3A_632 = arith.constant 0 : i32
        %add3A_633 = arith.addi %add3A_632, %mul3A_631 : i32
        %broadcast_in_dim3A_634 = vector.broadcast %add3A_633 : i32 to vector<16xi32>
        %add3A_635 = arith.constant 0 : i32
        %add3A_636 = arith.addi %add3A_635, %add3A_633 : i32
        %get3A_637 = arith.index_cast %add3A_636 : i32 to index
        %get3A_638 = arith.constant 0 : index
        %get3A_639 = tpu.vector_load %arg7[%get3A_637, %get3A_638] {strides = array<i32>} : memref<512x32xf32, #tpu.memory_space<vmem>>, vector<16xf32>,
        %mul3A_640 = arith.constant 5.65685415 : f32
        %mul3A_641 = vector.broadcast %mul3A_640 : f32 to vector<16xf32>
        %mul3A_642 = arith.mulf %get3A_639, %mul3A_641 : vector<16xf32>
        %scatter3A_643 = arith.constant 0 : i32
        %scatter3A_644 = arith.constant 0 : i32
        %scatter3A_645 = arith.constant 0 : i32
        %scatter3A_646 = arith.constant 0 : i32
        %scatter3A_647 = tpu.memref_slice %arg9[%scatter3A_643, %scatter3A_644, %scatter3A_645, %scatter3A_646] : memref<4x4x8x129xf32, #tpu.memory_space<vmem>> -> memref<1x4x8x129xf32, #tpu.memory_space<vmem>>
        %scatter3A_648 = tpu.memref_squeeze %scatter3A_647 : memref<1x4x8x129xf32, #tpu.memory_space<vmem>> -> memref<4x8x129xf32, #tpu.memory_space<vmem>>
        tpu.vector_store_idx %scatter3A_648[%select_n3A, %select_n3A_83, %broadcast_in_dim3A_634], %mul3A_642 : memref<4x8x129xf32, #tpu.memory_space<vmem>>[vector<16xi32>, vector<16xi32>, vector<16xi32>], vector<16xf32>,
        %add3A_649 = arith.constant 0 : i32
        %add3A_650 = arith.addi %add3A_649, %add3A_633 : i32
        %get3A_651 = arith.index_cast %add3A_650 : i32 to index
        %get3A_652 = arith.constant 16 : index
        %get3A_653 = tpu.vector_load %arg7[%get3A_651, %get3A_652] {strides = array<i32>} : memref<512x32xf32, #tpu.memory_space<vmem>>, vector<16xf32>,
        %mul3A_654 = arith.constant 5.65685415 : f32
        %mul3A_655 = vector.broadcast %mul3A_654 : f32 to vector<16xf32>
        %mul3A_656 = arith.mulf %get3A_653, %mul3A_655 : vector<16xf32>
        %scatter3A_657 = arith.constant 0 : i32
        %scatter3A_658 = arith.constant 0 : i32
        %scatter3A_659 = arith.constant 0 : i32
        %scatter3A_660 = arith.constant 0 : i32
        %scatter3A_661 = tpu.memref_slice %arg9[%scatter3A_657, %scatter3A_658, %scatter3A_659, %scatter3A_660] : memref<4x4x8x129xf32, #tpu.memory_space<vmem>> -> memref<1x4x8x129xf32, #tpu.memory_space<vmem>>
        %scatter3A_662 = tpu.memref_squeeze %scatter3A_661 : memref<1x4x8x129xf32, #tpu.memory_space<vmem>> -> memref<4x8x129xf32, #tpu.memory_space<vmem>>
        tpu.vector_store_idx %scatter3A_662[%select_n3A_60, %select_n3A_108, %broadcast_in_dim3A_634], %mul3A_656 : memref<4x8x129xf32, #tpu.memory_space<vmem>>[vector<16xi32>, vector<16xi32>, vector<16xi32>], vector<16xf32>,
      }
      %scan3A_253 = arith.constant 128 : i32
      %scan3A_254 = arith.constant 0 : i32
      %scan3A_255 = arith.constant 128 : i32
      %scan3A_256 = arith.addi %scan3A_254, %scan3A_255 : i32
      %scan3A_257 = arith.constant 8 : i32
      scf.for %scan3A_387 = %scan3A_254 to %scan3A_256 step %scan3A_257  : i32 {
        %mul3A_388 = arith.constant 1 : i32
        %mul3A_389 = arith.muli %scan3A_387, %mul3A_388 : i32
        %add3A_390 = arith.constant 0 : i32
        %add3A_391 = arith.addi %add3A_390, %mul3A_389 : i32
        %broadcast_in_dim3A = vector.broadcast %add3A_391 : i32 to vector<16xi32>
        %add3A_392 = arith.constant 128 : i32
        %add3A_393 = arith.addi %add3A_392, %add3A_391 : i32
        %get3A = arith.index_cast %add3A_393 : i32 to index
        %get3A_394 = arith.constant 0 : index
        %get3A_395 = tpu.vector_load %arg7[%get3A, %get3A_394] {strides = array<i32>} : memref<512x32xf32, #tpu.memory_space<vmem>>, vector<16xf32>,
        %mul3A_396 = arith.constant 5.65685415 : f32
        %mul3A_397 = vector.broadcast %mul3A_396 : f32 to vector<16xf32>
        %mul3A_398 = arith.mulf %get3A_395, %mul3A_397 : vector<16xf32>
        %scatter3A = arith.constant 1 : i32
        %scatter3A_399 = arith.constant 0 : i32
        %scatter3A_400 = arith.constant 0 : i32
        %scatter3A_401 = arith.constant 0 : i32
        %scatter3A_402 = tpu.memref_slice %arg9[%scatter3A, %scatter3A_399, %scatter3A_400, %scatter3A_401] : memref<4x4x8x129xf32, #tpu.memory_space<vmem>> -> memref<1x4x8x129xf32, #tpu.memory_space<vmem>>
        %scatter3A_403 = tpu.memref_squeeze %scatter3A_402 : memref<1x4x8x129xf32, #tpu.memory_space<vmem>> -> memref<4x8x129xf32, #tpu.memory_space<vmem>>
        tpu.vector_store_idx %scatter3A_403[%select_n3A, %select_n3A_83, %broadcast_in_dim3A], %mul3A_398 : memref<4x8x129xf32, #tpu.memory_space<vmem>>[vector<16xi32>, vector<16xi32>, vector<16xi32>], vector<16xf32>,
        %add3A_404 = arith.constant 128 : i32
        %add3A_405 = arith.addi %add3A_404, %add3A_391 : i32
        %get3A_406 = arith.index_cast %add3A_405 : i32 to index
        %get3A_407 = arith.constant 16 : index
        %get3A_408 = tpu.vector_load %arg7[%get3A_406, %get3A_407] {strides = array<i32>} : memref<512x32xf32, #tpu.memory_space<vmem>>, vector<16xf32>,
        %mul3A_409 = arith.constant 5.65685415 : f32
        %mul3A_410 = vector.broadcast %mul3A_409 : f32 to vector<16xf32>
        %mul3A_411 = arith.mulf %get3A_408, %mul3A_410 : vector<16xf32>
        %scatter3A_412 = arith.constant 1 : i32
        %scatter3A_413 = arith.constant 0 : i32
        %scatter3A_414 = arith.constant 0 : i32
        %scatter3A_415 = arith.constant 0 : i32
        %scatter3A_416 = tpu.memref_slice %arg9[%scatter3A_412, %scatter3A_413, %scatter3A_414, %scatter3A_415] : memref<4x4x8x129xf32, #tpu.memory_space<vmem>> -> memref<1x4x8x129xf32, #tpu.memory_space<vmem>>
        %scatter3A_417 = tpu.memref_squeeze %scatter3A_416 : memref<1x4x8x129xf32, #tpu.memory_space<vmem>> -> memref<4x8x129xf32, #tpu.memory_space<vmem>>
        tpu.vector_store_idx %scatter3A_417[%select_n3A_60, %select_n3A_108, %broadcast_in_dim3A], %mul3A_411 : memref<4x8x129xf32, #tpu.memory_space<vmem>>[vector<16xi32>, vector<16xi32>, vector<16xi32>], vector<16xf32>,
        %scan3A_418 = arith.constant 1 : i32
        %scan3A_419 = arith.addi %scan3A_387, %scan3A_418 : i32
        %mul3A_420 = arith.constant 1 : i32
        %mul3A_421 = arith.muli %scan3A_419, %mul3A_420 : i32
        %add3A_422 = arith.constant 0 : i32
        %add3A_423 = arith.addi %add3A_422, %mul3A_421 : i32
        %broadcast_in_dim3A_424 = vector.broadcast %add3A_423 : i32 to vector<16xi32>
        %add3A_425 = arith.constant 128 : i32
        %add3A_426 = arith.addi %add3A_425, %add3A_423 : i32
        %get3A_427 = arith.index_cast %add3A_426 : i32 to index
        %get3A_428 = arith.constant 0 : index
        %get3A_429 = tpu.vector_load %arg7[%get3A_427, %get3A_428] {strides = array<i32>} : memref<512x32xf32, #tpu.memory_space<vmem>>, vector<16xf32>,
        %mul3A_430 = arith.constant 5.65685415 : f32
        %mul3A_431 = vector.broadcast %mul3A_430 : f32 to vector<16xf32>
        %mul3A_432 = arith.mulf %get3A_429, %mul3A_431 : vector<16xf32>
        %scatter3A_433 = arith.constant 1 : i32
        %scatter3A_434 = arith.constant 0 : i32
        %scatter3A_435 = arith.constant 0 : i32
        %scatter3A_436 = arith.constant 0 : i32
        %scatter3A_437 = tpu.memref_slice %arg9[%scatter3A_433, %scatter3A_434, %scatter3A_435, %scatter3A_436] : memref<4x4x8x129xf32, #tpu.memory_space<vmem>> -> memref<1x4x8x129xf32, #tpu.memory_space<vmem>>
        %scatter3A_438 = tpu.memref_squeeze %scatter3A_437 : memref<1x4x8x129xf32, #tpu.memory_space<vmem>> -> memref<4x8x129xf32, #tpu.memory_space<vmem>>
        tpu.vector_store_idx %scatter3A_438[%select_n3A, %select_n3A_83, %broadcast_in_dim3A_424], %mul3A_432 : memref<4x8x129xf32, #tpu.memory_space<vmem>>[vector<16xi32>, vector<16xi32>, vector<16xi32>], vector<16xf32>,
        %add3A_439 = arith.constant 128 : i32
        %add3A_440 = arith.addi %add3A_439, %add3A_423 : i32
        %get3A_441 = arith.index_cast %add3A_440 : i32 to index
        %get3A_442 = arith.constant 16 : index
        %get3A_443 = tpu.vector_load %arg7[%get3A_441, %get3A_442] {strides = array<i32>} : memref<512x32xf32, #tpu.memory_space<vmem>>, vector<16xf32>,
        %mul3A_444 = arith.constant 5.65685415 : f32
        %mul3A_445 = vector.broadcast %mul3A_444 : f32 to vector<16xf32>
        %mul3A_446 = arith.mulf %get3A_443, %mul3A_445 : vector<16xf32>
        %scatter3A_447 = arith.constant 1 : i32
        %scatter3A_448 = arith.constant 0 : i32
        %scatter3A_449 = arith.constant 0 : i32
        %scatter3A_450 = arith.constant 0 : i32
        %scatter3A_451 = tpu.memref_slice %arg9[%scatter3A_447, %scatter3A_448, %scatter3A_449, %scatter3A_450] : memref<4x4x8x129xf32, #tpu.memory_space<vmem>> -> memref<1x4x8x129xf32, #tpu.memory_space<vmem>>
        %scatter3A_452 = tpu.memref_squeeze %scatter3A_451 : memref<1x4x8x129xf32, #tpu.memory_space<vmem>> -> memref<4x8x129xf32, #tpu.memory_space<vmem>>
        tpu.vector_store_idx %scatter3A_452[%select_n3A_60, %select_n3A_108, %broadcast_in_dim3A_424], %mul3A_446 : memref<4x8x129xf32, #tpu.memory_space<vmem>>[vector<16xi32>, vector<16xi32>, vector<16xi32>], vector<16xf32>,
        %scan3A_453 = arith.constant 2 : i32
        %scan3A_454 = arith.addi %scan3A_387, %scan3A_453 : i32
        %mul3A_455 = arith.constant 1 : i32
        %mul3A_456 = arith.muli %scan3A_454, %mul3A_455 : i32
        %add3A_457 = arith.constant 0 : i32
        %add3A_458 = arith.addi %add3A_457, %mul3A_456 : i32
        %broadcast_in_dim3A_459 = vector.broadcast %add3A_458 : i32 to vector<16xi32>
        %add3A_460 = arith.constant 128 : i32
        %add3A_461 = arith.addi %add3A_460, %add3A_458 : i32
        %get3A_462 = arith.index_cast %add3A_461 : i32 to index
        %get3A_463 = arith.constant 0 : index
        %get3A_464 = tpu.vector_load %arg7[%get3A_462, %get3A_463] {strides = array<i32>} : memref<512x32xf32, #tpu.memory_space<vmem>>, vector<16xf32>,
        %mul3A_465 = arith.constant 5.65685415 : f32
        %mul3A_466 = vector.broadcast %mul3A_465 : f32 to vector<16xf32>
        %mul3A_467 = arith.mulf %get3A_464, %mul3A_466 : vector<16xf32>
        %scatter3A_468 = arith.constant 1 : i32
        %scatter3A_469 = arith.constant 0 : i32
        %scatter3A_470 = arith.constant 0 : i32
        %scatter3A_471 = arith.constant 0 : i32
        %scatter3A_472 = tpu.memref_slice %arg9[%scatter3A_468, %scatter3A_469, %scatter3A_470, %scatter3A_471] : memref<4x4x8x129xf32, #tpu.memory_space<vmem>> -> memref<1x4x8x129xf32, #tpu.memory_space<vmem>>
        %scatter3A_473 = tpu.memref_squeeze %scatter3A_472 : memref<1x4x8x129xf32, #tpu.memory_space<vmem>> -> memref<4x8x129xf32, #tpu.memory_space<vmem>>
        tpu.vector_store_idx %scatter3A_473[%select_n3A, %select_n3A_83, %broadcast_in_dim3A_459], %mul3A_467 : memref<4x8x129xf32, #tpu.memory_space<vmem>>[vector<16xi32>, vector<16xi32>, vector<16xi32>], vector<16xf32>,
        %add3A_474 = arith.constant 128 : i32
        %add3A_475 = arith.addi %add3A_474, %add3A_458 : i32
        %get3A_476 = arith.index_cast %add3A_475 : i32 to index
        %get3A_477 = arith.constant 16 : index
        %get3A_478 = tpu.vector_load %arg7[%get3A_476, %get3A_477] {strides = array<i32>} : memref<512x32xf32, #tpu.memory_space<vmem>>, vector<16xf32>,
        %mul3A_479 = arith.constant 5.65685415 : f32
        %mul3A_480 = vector.broadcast %mul3A_479 : f32 to vector<16xf32>
        %mul3A_481 = arith.mulf %get3A_478, %mul3A_480 : vector<16xf32>
        %scatter3A_482 = arith.constant 1 : i32
        %scatter3A_483 = arith.constant 0 : i32
        %scatter3A_484 = arith.constant 0 : i32
        %scatter3A_485 = arith.constant 0 : i32
        %scatter3A_486 = tpu.memref_slice %arg9[%scatter3A_482, %scatter3A_483, %scatter3A_484, %scatter3A_485] : memref<4x4x8x129xf32, #tpu.memory_space<vmem>> -> memref<1x4x8x129xf32, #tpu.memory_space<vmem>>
        %scatter3A_487 = tpu.memref_squeeze %scatter3A_486 : memref<1x4x8x129xf32, #tpu.memory_space<vmem>> -> memref<4x8x129xf32, #tpu.memory_space<vmem>>
        tpu.vector_store_idx %scatter3A_487[%select_n3A_60, %select_n3A_108, %broadcast_in_dim3A_459], %mul3A_481 : memref<4x8x129xf32, #tpu.memory_space<vmem>>[vector<16xi32>, vector<16xi32>, vector<16xi32>], vector<16xf32>,
        %scan3A_488 = arith.constant 3 : i32
        %scan3A_489 = arith.addi %scan3A_387, %scan3A_488 : i32
        %mul3A_490 = arith.constant 1 : i32
        %mul3A_491 = arith.muli %scan3A_489, %mul3A_490 : i32
        %add3A_492 = arith.constant 0 : i32
        %add3A_493 = arith.addi %add3A_492, %mul3A_491 : i32
        %broadcast_in_dim3A_494 = vector.broadcast %add3A_493 : i32 to vector<16xi32>
        %add3A_495 = arith.constant 128 : i32
        %add3A_496 = arith.addi %add3A_495, %add3A_493 : i32
        %get3A_497 = arith.index_cast %add3A_496 : i32 to index
        %get3A_498 = arith.constant 0 : index
        %get3A_499 = tpu.vector_load %arg7[%get3A_497, %get3A_498] {strides = array<i32>} : memref<512x32xf32, #tpu.memory_space<vmem>>, vector<16xf32>,
        %mul3A_500 = arith.constant 5.65685415 : f32
        %mul3A_501 = vector.broadcast %mul3A_500 : f32 to vector<16xf32>
        %mul3A_502 = arith.mulf %get3A_499, %mul3A_501 : vector<16xf32>
        %scatter3A_503 = arith.constant 1 : i32
        %scatter3A_504 = arith.constant 0 : i32
        %scatter3A_505 = arith.constant 0 : i32
        %scatter3A_506 = arith.constant 0 : i32
        %scatter3A_507 = tpu.memref_slice %arg9[%scatter3A_503, %scatter3A_504, %scatter3A_505, %scatter3A_506] : memref<4x4x8x129xf32, #tpu.memory_space<vmem>> -> memref<1x4x8x129xf32, #tpu.memory_space<vmem>>
        %scatter3A_508 = tpu.memref_squeeze %scatter3A_507 : memref<1x4x8x129xf32, #tpu.memory_space<vmem>> -> memref<4x8x129xf32, #tpu.memory_space<vmem>>
        tpu.vector_store_idx %scatter3A_508[%select_n3A, %select_n3A_83, %broadcast_in_dim3A_494], %mul3A_502 : memref<4x8x129xf32, #tpu.memory_space<vmem>>[vector<16xi32>, vector<16xi32>, vector<16xi32>], vector<16xf32>,
        %add3A_509 = arith.constant 128 : i32
        %add3A_510 = arith.addi %add3A_509, %add3A_493 : i32
        %get3A_511 = arith.index_cast %add3A_510 : i32 to index
        %get3A_512 = arith.constant 16 : index
        %get3A_513 = tpu.vector_load %arg7[%get3A_511, %get3A_512] {strides = array<i32>} : memref<512x32xf32, #tpu.memory_space<vmem>>, vector<16xf32>,
        %mul3A_514 = arith.constant 5.65685415 : f32
        %mul3A_515 = vector.broadcast %mul3A_514 : f32 to vector<16xf32>
        %mul3A_516 = arith.mulf %get3A_513, %mul3A_515 : vector<16xf32>
        %scatter3A_517 = arith.constant 1 : i32
        %scatter3A_518 = arith.constant 0 : i32
        %scatter3A_519 = arith.constant 0 : i32
        %scatter3A_520 = arith.constant 0 : i32
        %scatter3A_521 = tpu.memref_slice %arg9[%scatter3A_517, %scatter3A_518, %scatter3A_519, %scatter3A_520] : memref<4x4x8x129xf32, #tpu.memory_space<vmem>> -> memref<1x4x8x129xf32, #tpu.memory_space<vmem>>
        %scatter3A_522 = tpu.memref_squeeze %scatter3A_521 : memref<1x4x8x129xf32, #tpu.memory_space<vmem>> -> memref<4x8x129xf32, #tpu.memory_space<vmem>>
        tpu.vector_store_idx %scatter3A_522[%select_n3A_60, %select_n3A_108, %broadcast_in_dim3A_494], %mul3A_516 : memref<4x8x129xf32, #tpu.memory_space<vmem>>[vector<16xi32>, vector<16xi32>, vector<16xi32>], vector<16xf32>,
        %scan3A_523 = arith.constant 4 : i32
        %scan3A_524 = arith.addi %scan3A_387, %scan3A_523 : i32
        %mul3A_525 = arith.constant 1 : i32
        %mul3A_526 = arith.muli %scan3A_524, %mul3A_525 : i32
        %add3A_527 = arith.constant 0 : i32
        %add3A_528 = arith.addi %add3A_527, %mul3A_526 : i32
        %broadcast_in_dim3A_529 = vector.broadcast %add3A_528 : i32 to vector<16xi32>
        %add3A_530 = arith.constant 128 : i32
        %add3A_531 = arith.addi %add3A_530, %add3A_528 : i32
        %get3A_532 = arith.index_cast %add3A_531 : i32 to index
        %get3A_533 = arith.constant 0 : index
        %get3A_534 = tpu.vector_load %arg7[%get3A_532, %get3A_533] {strides = array<i32>} : memref<512x32xf32, #tpu.memory_space<vmem>>, vector<16xf32>,
        %mul3A_535 = arith.constant 5.65685415 : f32
        %mul3A_536 = vector.broadcast %mul3A_535 : f32 to vector<16xf32>
        %mul3A_537 = arith.mulf %get3A_534, %mul3A_536 : vector<16xf32>
        %scatter3A_538 = arith.constant 1 : i32
        %scatter3A_539 = arith.constant 0 : i32
        %scatter3A_540 = arith.constant 0 : i32
        %scatter3A_541 = arith.constant 0 : i32
        %scatter3A_542 = tpu.memref_slice %arg9[%scatter3A_538, %scatter3A_539, %scatter3A_540, %scatter3A_541] : memref<4x4x8x129xf32, #tpu.memory_space<vmem>> -> memref<1x4x8x129xf32, #tpu.memory_space<vmem>>
        %scatter3A_543 = tpu.memref_squeeze %scatter3A_542 : memref<1x4x8x129xf32, #tpu.memory_space<vmem>> -> memref<4x8x129xf32, #tpu.memory_space<vmem>>
        tpu.vector_store_idx %scatter3A_543[%select_n3A, %select_n3A_83, %broadcast_in_dim3A_529], %mul3A_537 : memref<4x8x129xf32, #tpu.memory_space<vmem>>[vector<16xi32>, vector<16xi32>, vector<16xi32>], vector<16xf32>,
        %add3A_544 = arith.constant 128 : i32
        %add3A_545 = arith.addi %add3A_544, %add3A_528 : i32
        %get3A_546 = arith.index_cast %add3A_545 : i32 to index
        %get3A_547 = arith.constant 16 : index
        %get3A_548 = tpu.vector_load %arg7[%get3A_546, %get3A_547] {strides = array<i32>} : memref<512x32xf32, #tpu.memory_space<vmem>>, vector<16xf32>,
        %mul3A_549 = arith.constant 5.65685415 : f32
        %mul3A_550 = vector.broadcast %mul3A_549 : f32 to vector<16xf32>
        %mul3A_551 = arith.mulf %get3A_548, %mul3A_550 : vector<16xf32>
        %scatter3A_552 = arith.constant 1 : i32
        %scatter3A_553 = arith.constant 0 : i32
        %scatter3A_554 = arith.constant 0 : i32
        %scatter3A_555 = arith.constant 0 : i32
        %scatter3A_556 = tpu.memref_slice %arg9[%scatter3A_552, %scatter3A_553, %scatter3A_554, %scatter3A_555] : memref<4x4x8x129xf32, #tpu.memory_space<vmem>> -> memref<1x4x8x129xf32, #tpu.memory_space<vmem>>
        %scatter3A_557 = tpu.memref_squeeze %scatter3A_556 : memref<1x4x8x129xf32, #tpu.memory_space<vmem>> -> memref<4x8x129xf32, #tpu.memory_space<vmem>>
        tpu.vector_store_idx %scatter3A_557[%select_n3A_60, %select_n3A_108, %broadcast_in_dim3A_529], %mul3A_551 : memref<4x8x129xf32, #tpu.memory_space<vmem>>[vector<16xi32>, vector<16xi32>, vector<16xi32>], vector<16xf32>,
        %scan3A_558 = arith.constant 5 : i32
        %scan3A_559 = arith.addi %scan3A_387, %scan3A_558 : i32
        %mul3A_560 = arith.constant 1 : i32
        %mul3A_561 = arith.muli %scan3A_559, %mul3A_560 : i32
        %add3A_562 = arith.constant 0 : i32
        %add3A_563 = arith.addi %add3A_562, %mul3A_561 : i32
        %broadcast_in_dim3A_564 = vector.broadcast %add3A_563 : i32 to vector<16xi32>
        %add3A_565 = arith.constant 128 : i32
        %add3A_566 = arith.addi %add3A_565, %add3A_563 : i32
        %get3A_567 = arith.index_cast %add3A_566 : i32 to index
        %get3A_568 = arith.constant 0 : index
        %get3A_569 = tpu.vector_load %arg7[%get3A_567, %get3A_568] {strides = array<i32>} : memref<512x32xf32, #tpu.memory_space<vmem>>, vector<16xf32>,
        %mul3A_570 = arith.constant 5.65685415 : f32
        %mul3A_571 = vector.broadcast %mul3A_570 : f32 to vector<16xf32>
        %mul3A_572 = arith.mulf %get3A_569, %mul3A_571 : vector<16xf32>
        %scatter3A_573 = arith.constant 1 : i32
        %scatter3A_574 = arith.constant 0 : i32
        %scatter3A_575 = arith.constant 0 : i32
        %scatter3A_576 = arith.constant 0 : i32
        %scatter3A_577 = tpu.memref_slice %arg9[%scatter3A_573, %scatter3A_574, %scatter3A_575, %scatter3A_576] : memref<4x4x8x129xf32, #tpu.memory_space<vmem>> -> memref<1x4x8x129xf32, #tpu.memory_space<vmem>>
        %scatter3A_578 = tpu.memref_squeeze %scatter3A_577 : memref<1x4x8x129xf32, #tpu.memory_space<vmem>> -> memref<4x8x129xf32, #tpu.memory_space<vmem>>
        tpu.vector_store_idx %scatter3A_578[%select_n3A, %select_n3A_83, %broadcast_in_dim3A_564], %mul3A_572 : memref<4x8x129xf32, #tpu.memory_space<vmem>>[vector<16xi32>, vector<16xi32>, vector<16xi32>], vector<16xf32>,
        %add3A_579 = arith.constant 128 : i32
        %add3A_580 = arith.addi %add3A_579, %add3A_563 : i32
        %get3A_581 = arith.index_cast %add3A_580 : i32 to index
        %get3A_582 = arith.constant 16 : index
        %get3A_583 = tpu.vector_load %arg7[%get3A_581, %get3A_582] {strides = array<i32>} : memref<512x32xf32, #tpu.memory_space<vmem>>, vector<16xf32>,
        %mul3A_584 = arith.constant 5.65685415 : f32
        %mul3A_585 = vector.broadcast %mul3A_584 : f32 to vector<16xf32>
        %mul3A_586 = arith.mulf %get3A_583, %mul3A_585 : vector<16xf32>
        %scatter3A_587 = arith.constant 1 : i32
        %scatter3A_588 = arith.constant 0 : i32
        %scatter3A_589 = arith.constant 0 : i32
        %scatter3A_590 = arith.constant 0 : i32
        %scatter3A_591 = tpu.memref_slice %arg9[%scatter3A_587, %scatter3A_588, %scatter3A_589, %scatter3A_590] : memref<4x4x8x129xf32, #tpu.memory_space<vmem>> -> memref<1x4x8x129xf32, #tpu.memory_space<vmem>>
        %scatter3A_592 = tpu.memref_squeeze %scatter3A_591 : memref<1x4x8x129xf32, #tpu.memory_space<vmem>> -> memref<4x8x129xf32, #tpu.memory_space<vmem>>
        tpu.vector_store_idx %scatter3A_592[%select_n3A_60, %select_n3A_108, %broadcast_in_dim3A_564], %mul3A_586 : memref<4x8x129xf32, #tpu.memory_space<vmem>>[vector<16xi32>, vector<16xi32>, vector<16xi32>], vector<16xf32>,
        %scan3A_593 = arith.constant 6 : i32
        %scan3A_594 = arith.addi %scan3A_387, %scan3A_593 : i32
        %mul3A_595 = arith.constant 1 : i32
        %mul3A_596 = arith.muli %scan3A_594, %mul3A_595 : i32
        %add3A_597 = arith.constant 0 : i32
        %add3A_598 = arith.addi %add3A_597, %mul3A_596 : i32
        %broadcast_in_dim3A_599 = vector.broadcast %add3A_598 : i32 to vector<16xi32>
        %add3A_600 = arith.constant 128 : i32
        %add3A_601 = arith.addi %add3A_600, %add3A_598 : i32
        %get3A_602 = arith.index_cast %add3A_601 : i32 to index
        %get3A_603 = arith.constant 0 : index
        %get3A_604 = tpu.vector_load %arg7[%get3A_602, %get3A_603] {strides = array<i32>} : memref<512x32xf32, #tpu.memory_space<vmem>>, vector<16xf32>,
        %mul3A_605 = arith.constant 5.65685415 : f32
        %mul3A_606 = vector.broadcast %mul3A_605 : f32 to vector<16xf32>
        %mul3A_607 = arith.mulf %get3A_604, %mul3A_606 : vector<16xf32>
        %scatter3A_608 = arith.constant 1 : i32
        %scatter3A_609 = arith.constant 0 : i32
        %scatter3A_610 = arith.constant 0 : i32
        %scatter3A_611 = arith.constant 0 : i32
        %scatter3A_612 = tpu.memref_slice %arg9[%scatter3A_608, %scatter3A_609, %scatter3A_610, %scatter3A_611] : memref<4x4x8x129xf32, #tpu.memory_space<vmem>> -> memref<1x4x8x129xf32, #tpu.memory_space<vmem>>
        %scatter3A_613 = tpu.memref_squeeze %scatter3A_612 : memref<1x4x8x129xf32, #tpu.memory_space<vmem>> -> memref<4x8x129xf32, #tpu.memory_space<vmem>>
        tpu.vector_store_idx %scatter3A_613[%select_n3A, %select_n3A_83, %broadcast_in_dim3A_599], %mul3A_607 : memref<4x8x129xf32, #tpu.memory_space<vmem>>[vector<16xi32>, vector<16xi32>, vector<16xi32>], vector<16xf32>,
        %add3A_614 = arith.constant 128 : i32
        %add3A_615 = arith.addi %add3A_614, %add3A_598 : i32
        %get3A_616 = arith.index_cast %add3A_615 : i32 to index
        %get3A_617 = arith.constant 16 : index
        %get3A_618 = tpu.vector_load %arg7[%get3A_616, %get3A_617] {strides = array<i32>} : memref<512x32xf32, #tpu.memory_space<vmem>>, vector<16xf32>,
        %mul3A_619 = arith.constant 5.65685415 : f32
        %mul3A_620 = vector.broadcast %mul3A_619 : f32 to vector<16xf32>
        %mul3A_621 = arith.mulf %get3A_618, %mul3A_620 : vector<16xf32>
        %scatter3A_622 = arith.constant 1 : i32
        %scatter3A_623 = arith.constant 0 : i32
        %scatter3A_624 = arith.constant 0 : i32
        %scatter3A_625 = arith.constant 0 : i32
        %scatter3A_626 = tpu.memref_slice %arg9[%scatter3A_622, %scatter3A_623, %scatter3A_624, %scatter3A_625] : memref<4x4x8x129xf32, #tpu.memory_space<vmem>> -> memref<1x4x8x129xf32, #tpu.memory_space<vmem>>
        %scatter3A_627 = tpu.memref_squeeze %scatter3A_626 : memref<1x4x8x129xf32, #tpu.memory_space<vmem>> -> memref<4x8x129xf32, #tpu.memory_space<vmem>>
        tpu.vector_store_idx %scatter3A_627[%select_n3A_60, %select_n3A_108, %broadcast_in_dim3A_599], %mul3A_621 : memref<4x8x129xf32, #tpu.memory_space<vmem>>[vector<16xi32>, vector<16xi32>, vector<16xi32>], vector<16xf32>,
        %scan3A_628 = arith.constant 7 : i32
        %scan3A_629 = arith.addi %scan3A_387, %scan3A_628 : i32
        %mul3A_630 = arith.constant 1 : i32
        %mul3A_631 = arith.muli %scan3A_629, %mul3A_630 : i32
        %add3A_632 = arith.constant 0 : i32
        %add3A_633 = arith.addi %add3A_632, %mul3A_631 : i32
        %broadcast_in_dim3A_634 = vector.broadcast %add3A_633 : i32 to vector<16xi32>
        %add3A_635 = arith.constant 128 : i32
        %add3A_636 = arith.addi %add3A_635, %add3A_633 : i32
        %get3A_637 = arith.index_cast %add3A_636 : i32 to index
        %get3A_638 = arith.constant 0 : index
        %get3A_639 = tpu.vector_load %arg7[%get3A_637, %get3A_638] {strides = array<i32>} : memref<512x32xf32, #tpu.memory_space<vmem>>, vector<16xf32>,
        %mul3A_640 = arith.constant 5.65685415 : f32
        %mul3A_641 = vector.broadcast %mul3A_640 : f32 to vector<16xf32>
        %mul3A_642 = arith.mulf %get3A_639, %mul3A_641 : vector<16xf32>
        %scatter3A_643 = arith.constant 1 : i32
        %scatter3A_644 = arith.constant 0 : i32
        %scatter3A_645 = arith.constant 0 : i32
        %scatter3A_646 = arith.constant 0 : i32
        %scatter3A_647 = tpu.memref_slice %arg9[%scatter3A_643, %scatter3A_644, %scatter3A_645, %scatter3A_646] : memref<4x4x8x129xf32, #tpu.memory_space<vmem>> -> memref<1x4x8x129xf32, #tpu.memory_space<vmem>>
        %scatter3A_648 = tpu.memref_squeeze %scatter3A_647 : memref<1x4x8x129xf32, #tpu.memory_space<vmem>> -> memref<4x8x129xf32, #tpu.memory_space<vmem>>
        tpu.vector_store_idx %scatter3A_648[%select_n3A, %select_n3A_83, %broadcast_in_dim3A_634], %mul3A_642 : memref<4x8x129xf32, #tpu.memory_space<vmem>>[vector<16xi32>, vector<16xi32>, vector<16xi32>], vector<16xf32>,
        %add3A_649 = arith.constant 128 : i32
        %add3A_650 = arith.addi %add3A_649, %add3A_633 : i32
        %get3A_651 = arith.index_cast %add3A_650 : i32 to index
        %get3A_652 = arith.constant 16 : index
        %get3A_653 = tpu.vector_load %arg7[%get3A_651, %get3A_652] {strides = array<i32>} : memref<512x32xf32, #tpu.memory_space<vmem>>, vector<16xf32>,
        %mul3A_654 = arith.constant 5.65685415 : f32
        %mul3A_655 = vector.broadcast %mul3A_654 : f32 to vector<16xf32>
        %mul3A_656 = arith.mulf %get3A_653, %mul3A_655 : vector<16xf32>
        %scatter3A_657 = arith.constant 1 : i32
        %scatter3A_658 = arith.constant 0 : i32
        %scatter3A_659 = arith.constant 0 : i32
        %scatter3A_660 = arith.constant 0 : i32
        %scatter3A_661 = tpu.memref_slice %arg9[%scatter3A_657, %scatter3A_658, %scatter3A_659, %scatter3A_660] : memref<4x4x8x129xf32, #tpu.memory_space<vmem>> -> memref<1x4x8x129xf32, #tpu.memory_space<vmem>>
        %scatter3A_662 = tpu.memref_squeeze %scatter3A_661 : memref<1x4x8x129xf32, #tpu.memory_space<vmem>> -> memref<4x8x129xf32, #tpu.memory_space<vmem>>
        tpu.vector_store_idx %scatter3A_662[%select_n3A_60, %select_n3A_108, %broadcast_in_dim3A_634], %mul3A_656 : memref<4x8x129xf32, #tpu.memory_space<vmem>>[vector<16xi32>, vector<16xi32>, vector<16xi32>], vector<16xf32>,
      }
      %scan3A_258 = arith.constant 128 : i32
      %scan3A_259 = arith.constant 0 : i32
      %scan3A_260 = arith.constant 128 : i32
      %scan3A_261 = arith.addi %scan3A_259, %scan3A_260 : i32
      %scan3A_262 = arith.constant 8 : i32
      scf.for %scan3A_387 = %scan3A_259 to %scan3A_261 step %scan3A_262  : i32 {
        %mul3A_388 = arith.constant 1 : i32
        %mul3A_389 = arith.muli %scan3A_387, %mul3A_388 : i32
        %add3A_390 = arith.constant 0 : i32
        %add3A_391 = arith.addi %add3A_390, %mul3A_389 : i32
        %broadcast_in_dim3A = vector.broadcast %add3A_391 : i32 to vector<16xi32>
        %add3A_392 = arith.constant 256 : i32
        %add3A_393 = arith.addi %add3A_392, %add3A_391 : i32
        %get3A = arith.index_cast %add3A_393 : i32 to index
        %get3A_394 = arith.constant 0 : index
        %get3A_395 = tpu.vector_load %arg7[%get3A, %get3A_394] {strides = array<i32>} : memref<512x32xf32, #tpu.memory_space<vmem>>, vector<16xf32>,
        %mul3A_396 = arith.constant 5.65685415 : f32
        %mul3A_397 = vector.broadcast %mul3A_396 : f32 to vector<16xf32>
        %mul3A_398 = arith.mulf %get3A_395, %mul3A_397 : vector<16xf32>
        %scatter3A = arith.constant 2 : i32
        %scatter3A_399 = arith.constant 0 : i32
        %scatter3A_400 = arith.constant 0 : i32
        %scatter3A_401 = arith.constant 0 : i32
        %scatter3A_402 = tpu.memref_slice %arg9[%scatter3A, %scatter3A_399, %scatter3A_400, %scatter3A_401] : memref<4x4x8x129xf32, #tpu.memory_space<vmem>> -> memref<1x4x8x129xf32, #tpu.memory_space<vmem>>
        %scatter3A_403 = tpu.memref_squeeze %scatter3A_402 : memref<1x4x8x129xf32, #tpu.memory_space<vmem>> -> memref<4x8x129xf32, #tpu.memory_space<vmem>>
        tpu.vector_store_idx %scatter3A_403[%select_n3A, %select_n3A_83, %broadcast_in_dim3A], %mul3A_398 : memref<4x8x129xf32, #tpu.memory_space<vmem>>[vector<16xi32>, vector<16xi32>, vector<16xi32>], vector<16xf32>,
        %add3A_404 = arith.constant 256 : i32
        %add3A_405 = arith.addi %add3A_404, %add3A_391 : i32
        %get3A_406 = arith.index_cast %add3A_405 : i32 to index
        %get3A_407 = arith.constant 16 : index
        %get3A_408 = tpu.vector_load %arg7[%get3A_406, %get3A_407] {strides = array<i32>} : memref<512x32xf32, #tpu.memory_space<vmem>>, vector<16xf32>,
        %mul3A_409 = arith.constant 5.65685415 : f32
        %mul3A_410 = vector.broadcast %mul3A_409 : f32 to vector<16xf32>
        %mul3A_411 = arith.mulf %get3A_408, %mul3A_410 : vector<16xf32>
        %scatter3A_412 = arith.constant 2 : i32
        %scatter3A_413 = arith.constant 0 : i32
        %scatter3A_414 = arith.constant 0 : i32
        %scatter3A_415 = arith.constant 0 : i32
        %scatter3A_416 = tpu.memref_slice %arg9[%scatter3A_412, %scatter3A_413, %scatter3A_414, %scatter3A_415] : memref<4x4x8x129xf32, #tpu.memory_space<vmem>> -> memref<1x4x8x129xf32, #tpu.memory_space<vmem>>
        %scatter3A_417 = tpu.memref_squeeze %scatter3A_416 : memref<1x4x8x129xf32, #tpu.memory_space<vmem>> -> memref<4x8x129xf32, #tpu.memory_space<vmem>>
        tpu.vector_store_idx %scatter3A_417[%select_n3A_60, %select_n3A_108, %broadcast_in_dim3A], %mul3A_411 : memref<4x8x129xf32, #tpu.memory_space<vmem>>[vector<16xi32>, vector<16xi32>, vector<16xi32>], vector<16xf32>,
        %scan3A_418 = arith.constant 1 : i32
        %scan3A_419 = arith.addi %scan3A_387, %scan3A_418 : i32
        %mul3A_420 = arith.constant 1 : i32
        %mul3A_421 = arith.muli %scan3A_419, %mul3A_420 : i32
        %add3A_422 = arith.constant 0 : i32
        %add3A_423 = arith.addi %add3A_422, %mul3A_421 : i32
        %broadcast_in_dim3A_424 = vector.broadcast %add3A_423 : i32 to vector<16xi32>
        %add3A_425 = arith.constant 256 : i32
        %add3A_426 = arith.addi %add3A_425, %add3A_423 : i32
        %get3A_427 = arith.index_cast %add3A_426 : i32 to index
        %get3A_428 = arith.constant 0 : index
        %get3A_429 = tpu.vector_load %arg7[%get3A_427, %get3A_428] {strides = array<i32>} : memref<512x32xf32, #tpu.memory_space<vmem>>, vector<16xf32>,
        %mul3A_430 = arith.constant 5.65685415 : f32
        %mul3A_431 = vector.broadcast %mul3A_430 : f32 to vector<16xf32>
        %mul3A_432 = arith.mulf %get3A_429, %mul3A_431 : vector<16xf32>
        %scatter3A_433 = arith.constant 2 : i32
        %scatter3A_434 = arith.constant 0 : i32
        %scatter3A_435 = arith.constant 0 : i32
        %scatter3A_436 = arith.constant 0 : i32
        %scatter3A_437 = tpu.memref_slice %arg9[%scatter3A_433, %scatter3A_434, %scatter3A_435, %scatter3A_436] : memref<4x4x8x129xf32, #tpu.memory_space<vmem>> -> memref<1x4x8x129xf32, #tpu.memory_space<vmem>>
        %scatter3A_438 = tpu.memref_squeeze %scatter3A_437 : memref<1x4x8x129xf32, #tpu.memory_space<vmem>> -> memref<4x8x129xf32, #tpu.memory_space<vmem>>
        tpu.vector_store_idx %scatter3A_438[%select_n3A, %select_n3A_83, %broadcast_in_dim3A_424], %mul3A_432 : memref<4x8x129xf32, #tpu.memory_space<vmem>>[vector<16xi32>, vector<16xi32>, vector<16xi32>], vector<16xf32>,
        %add3A_439 = arith.constant 256 : i32
        %add3A_440 = arith.addi %add3A_439, %add3A_423 : i32
        %get3A_441 = arith.index_cast %add3A_440 : i32 to index
        %get3A_442 = arith.constant 16 : index
        %get3A_443 = tpu.vector_load %arg7[%get3A_441, %get3A_442] {strides = array<i32>} : memref<512x32xf32, #tpu.memory_space<vmem>>, vector<16xf32>,
        %mul3A_444 = arith.constant 5.65685415 : f32
        %mul3A_445 = vector.broadcast %mul3A_444 : f32 to vector<16xf32>
        %mul3A_446 = arith.mulf %get3A_443, %mul3A_445 : vector<16xf32>
        %scatter3A_447 = arith.constant 2 : i32
        %scatter3A_448 = arith.constant 0 : i32
        %scatter3A_449 = arith.constant 0 : i32
        %scatter3A_450 = arith.constant 0 : i32
        %scatter3A_451 = tpu.memref_slice %arg9[%scatter3A_447, %scatter3A_448, %scatter3A_449, %scatter3A_450] : memref<4x4x8x129xf32, #tpu.memory_space<vmem>> -> memref<1x4x8x129xf32, #tpu.memory_space<vmem>>
        %scatter3A_452 = tpu.memref_squeeze %scatter3A_451 : memref<1x4x8x129xf32, #tpu.memory_space<vmem>> -> memref<4x8x129xf32, #tpu.memory_space<vmem>>
        tpu.vector_store_idx %scatter3A_452[%select_n3A_60, %select_n3A_108, %broadcast_in_dim3A_424], %mul3A_446 : memref<4x8x129xf32, #tpu.memory_space<vmem>>[vector<16xi32>, vector<16xi32>, vector<16xi32>], vector<16xf32>,
        %scan3A_453 = arith.constant 2 : i32
        %scan3A_454 = arith.addi %scan3A_387, %scan3A_453 : i32
        %mul3A_455 = arith.constant 1 : i32
        %mul3A_456 = arith.muli %scan3A_454, %mul3A_455 : i32
        %add3A_457 = arith.constant 0 : i32
        %add3A_458 = arith.addi %add3A_457, %mul3A_456 : i32
        %broadcast_in_dim3A_459 = vector.broadcast %add3A_458 : i32 to vector<16xi32>
        %add3A_460 = arith.constant 256 : i32
        %add3A_461 = arith.addi %add3A_460, %add3A_458 : i32
        %get3A_462 = arith.index_cast %add3A_461 : i32 to index
        %get3A_463 = arith.constant 0 : index
        %get3A_464 = tpu.vector_load %arg7[%get3A_462, %get3A_463] {strides = array<i32>} : memref<512x32xf32, #tpu.memory_space<vmem>>, vector<16xf32>,
        %mul3A_465 = arith.constant 5.65685415 : f32
        %mul3A_466 = vector.broadcast %mul3A_465 : f32 to vector<16xf32>
        %mul3A_467 = arith.mulf %get3A_464, %mul3A_466 : vector<16xf32>
        %scatter3A_468 = arith.constant 2 : i32
        %scatter3A_469 = arith.constant 0 : i32
        %scatter3A_470 = arith.constant 0 : i32
        %scatter3A_471 = arith.constant 0 : i32
        %scatter3A_472 = tpu.memref_slice %arg9[%scatter3A_468, %scatter3A_469, %scatter3A_470, %scatter3A_471] : memref<4x4x8x129xf32, #tpu.memory_space<vmem>> -> memref<1x4x8x129xf32, #tpu.memory_space<vmem>>
        %scatter3A_473 = tpu.memref_squeeze %scatter3A_472 : memref<1x4x8x129xf32, #tpu.memory_space<vmem>> -> memref<4x8x129xf32, #tpu.memory_space<vmem>>
        tpu.vector_store_idx %scatter3A_473[%select_n3A, %select_n3A_83, %broadcast_in_dim3A_459], %mul3A_467 : memref<4x8x129xf32, #tpu.memory_space<vmem>>[vector<16xi32>, vector<16xi32>, vector<16xi32>], vector<16xf32>,
        %add3A_474 = arith.constant 256 : i32
        %add3A_475 = arith.addi %add3A_474, %add3A_458 : i32
        %get3A_476 = arith.index_cast %add3A_475 : i32 to index
        %get3A_477 = arith.constant 16 : index
        %get3A_478 = tpu.vector_load %arg7[%get3A_476, %get3A_477] {strides = array<i32>} : memref<512x32xf32, #tpu.memory_space<vmem>>, vector<16xf32>,
        %mul3A_479 = arith.constant 5.65685415 : f32
        %mul3A_480 = vector.broadcast %mul3A_479 : f32 to vector<16xf32>
        %mul3A_481 = arith.mulf %get3A_478, %mul3A_480 : vector<16xf32>
        %scatter3A_482 = arith.constant 2 : i32
        %scatter3A_483 = arith.constant 0 : i32
        %scatter3A_484 = arith.constant 0 : i32
        %scatter3A_485 = arith.constant 0 : i32
        %scatter3A_486 = tpu.memref_slice %arg9[%scatter3A_482, %scatter3A_483, %scatter3A_484, %scatter3A_485] : memref<4x4x8x129xf32, #tpu.memory_space<vmem>> -> memref<1x4x8x129xf32, #tpu.memory_space<vmem>>
        %scatter3A_487 = tpu.memref_squeeze %scatter3A_486 : memref<1x4x8x129xf32, #tpu.memory_space<vmem>> -> memref<4x8x129xf32, #tpu.memory_space<vmem>>
        tpu.vector_store_idx %scatter3A_487[%select_n3A_60, %select_n3A_108, %broadcast_in_dim3A_459], %mul3A_481 : memref<4x8x129xf32, #tpu.memory_space<vmem>>[vector<16xi32>, vector<16xi32>, vector<16xi32>], vector<16xf32>,
        %scan3A_488 = arith.constant 3 : i32
        %scan3A_489 = arith.addi %scan3A_387, %scan3A_488 : i32
        %mul3A_490 = arith.constant 1 : i32
        %mul3A_491 = arith.muli %scan3A_489, %mul3A_490 : i32
        %add3A_492 = arith.constant 0 : i32
        %add3A_493 = arith.addi %add3A_492, %mul3A_491 : i32
        %broadcast_in_dim3A_494 = vector.broadcast %add3A_493 : i32 to vector<16xi32>
        %add3A_495 = arith.constant 256 : i32
        %add3A_496 = arith.addi %add3A_495, %add3A_493 : i32
        %get3A_497 = arith.index_cast %add3A_496 : i32 to index
        %get3A_498 = arith.constant 0 : index
        %get3A_499 = tpu.vector_load %arg7[%get3A_497, %get3A_498] {strides = array<i32>} : memref<512x32xf32, #tpu.memory_space<vmem>>, vector<16xf32>,
        %mul3A_500 = arith.constant 5.65685415 : f32
        %mul3A_501 = vector.broadcast %mul3A_500 : f32 to vector<16xf32>
        %mul3A_502 = arith.mulf %get3A_499, %mul3A_501 : vector<16xf32>
        %scatter3A_503 = arith.constant 2 : i32
        %scatter3A_504 = arith.constant 0 : i32
        %scatter3A_505 = arith.constant 0 : i32
        %scatter3A_506 = arith.constant 0 : i32
        %scatter3A_507 = tpu.memref_slice %arg9[%scatter3A_503, %scatter3A_504, %scatter3A_505, %scatter3A_506] : memref<4x4x8x129xf32, #tpu.memory_space<vmem>> -> memref<1x4x8x129xf32, #tpu.memory_space<vmem>>
        %scatter3A_508 = tpu.memref_squeeze %scatter3A_507 : memref<1x4x8x129xf32, #tpu.memory_space<vmem>> -> memref<4x8x129xf32, #tpu.memory_space<vmem>>
        tpu.vector_store_idx %scatter3A_508[%select_n3A, %select_n3A_83, %broadcast_in_dim3A_494], %mul3A_502 : memref<4x8x129xf32, #tpu.memory_space<vmem>>[vector<16xi32>, vector<16xi32>, vector<16xi32>], vector<16xf32>,
        %add3A_509 = arith.constant 256 : i32
        %add3A_510 = arith.addi %add3A_509, %add3A_493 : i32
        %get3A_511 = arith.index_cast %add3A_510 : i32 to index
        %get3A_512 = arith.constant 16 : index
        %get3A_513 = tpu.vector_load %arg7[%get3A_511, %get3A_512] {strides = array<i32>} : memref<512x32xf32, #tpu.memory_space<vmem>>, vector<16xf32>,
        %mul3A_514 = arith.constant 5.65685415 : f32
        %mul3A_515 = vector.broadcast %mul3A_514 : f32 to vector<16xf32>
        %mul3A_516 = arith.mulf %get3A_513, %mul3A_515 : vector<16xf32>
        %scatter3A_517 = arith.constant 2 : i32
        %scatter3A_518 = arith.constant 0 : i32
        %scatter3A_519 = arith.constant 0 : i32
        %scatter3A_520 = arith.constant 0 : i32
        %scatter3A_521 = tpu.memref_slice %arg9[%scatter3A_517, %scatter3A_518, %scatter3A_519, %scatter3A_520] : memref<4x4x8x129xf32, #tpu.memory_space<vmem>> -> memref<1x4x8x129xf32, #tpu.memory_space<vmem>>
        %scatter3A_522 = tpu.memref_squeeze %scatter3A_521 : memref<1x4x8x129xf32, #tpu.memory_space<vmem>> -> memref<4x8x129xf32, #tpu.memory_space<vmem>>
        tpu.vector_store_idx %scatter3A_522[%select_n3A_60, %select_n3A_108, %broadcast_in_dim3A_494], %mul3A_516 : memref<4x8x129xf32, #tpu.memory_space<vmem>>[vector<16xi32>, vector<16xi32>, vector<16xi32>], vector<16xf32>,
        %scan3A_523 = arith.constant 4 : i32
        %scan3A_524 = arith.addi %scan3A_387, %scan3A_523 : i32
        %mul3A_525 = arith.constant 1 : i32
        %mul3A_526 = arith.muli %scan3A_524, %mul3A_525 : i32
        %add3A_527 = arith.constant 0 : i32
        %add3A_528 = arith.addi %add3A_527, %mul3A_526 : i32
        %broadcast_in_dim3A_529 = vector.broadcast %add3A_528 : i32 to vector<16xi32>
        %add3A_530 = arith.constant 256 : i32
        %add3A_531 = arith.addi %add3A_530, %add3A_528 : i32
        %get3A_532 = arith.index_cast %add3A_531 : i32 to index
        %get3A_533 = arith.constant 0 : index
        %get3A_534 = tpu.vector_load %arg7[%get3A_532, %get3A_533] {strides = array<i32>} : memref<512x32xf32, #tpu.memory_space<vmem>>, vector<16xf32>,
        %mul3A_535 = arith.constant 5.65685415 : f32
        %mul3A_536 = vector.broadcast %mul3A_535 : f32 to vector<16xf32>
        %mul3A_537 = arith.mulf %get3A_534, %mul3A_536 : vector<16xf32>
        %scatter3A_538 = arith.constant 2 : i32
        %scatter3A_539 = arith.constant 0 : i32
        %scatter3A_540 = arith.constant 0 : i32
        %scatter3A_541 = arith.constant 0 : i32
        %scatter3A_542 = tpu.memref_slice %arg9[%scatter3A_538, %scatter3A_539, %scatter3A_540, %scatter3A_541] : memref<4x4x8x129xf32, #tpu.memory_space<vmem>> -> memref<1x4x8x129xf32, #tpu.memory_space<vmem>>
        %scatter3A_543 = tpu.memref_squeeze %scatter3A_542 : memref<1x4x8x129xf32, #tpu.memory_space<vmem>> -> memref<4x8x129xf32, #tpu.memory_space<vmem>>
        tpu.vector_store_idx %scatter3A_543[%select_n3A, %select_n3A_83, %broadcast_in_dim3A_529], %mul3A_537 : memref<4x8x129xf32, #tpu.memory_space<vmem>>[vector<16xi32>, vector<16xi32>, vector<16xi32>], vector<16xf32>,
        %add3A_544 = arith.constant 256 : i32
        %add3A_545 = arith.addi %add3A_544, %add3A_528 : i32
        %get3A_546 = arith.index_cast %add3A_545 : i32 to index
        %get3A_547 = arith.constant 16 : index
        %get3A_548 = tpu.vector_load %arg7[%get3A_546, %get3A_547] {strides = array<i32>} : memref<512x32xf32, #tpu.memory_space<vmem>>, vector<16xf32>,
        %mul3A_549 = arith.constant 5.65685415 : f32
        %mul3A_550 = vector.broadcast %mul3A_549 : f32 to vector<16xf32>
        %mul3A_551 = arith.mulf %get3A_548, %mul3A_550 : vector<16xf32>
        %scatter3A_552 = arith.constant 2 : i32
        %scatter3A_553 = arith.constant 0 : i32
        %scatter3A_554 = arith.constant 0 : i32
        %scatter3A_555 = arith.constant 0 : i32
        %scatter3A_556 = tpu.memref_slice %arg9[%scatter3A_552, %scatter3A_553, %scatter3A_554, %scatter3A_555] : memref<4x4x8x129xf32, #tpu.memory_space<vmem>> -> memref<1x4x8x129xf32, #tpu.memory_space<vmem>>
        %scatter3A_557 = tpu.memref_squeeze %scatter3A_556 : memref<1x4x8x129xf32, #tpu.memory_space<vmem>> -> memref<4x8x129xf32, #tpu.memory_space<vmem>>
        tpu.vector_store_idx %scatter3A_557[%select_n3A_60, %select_n3A_108, %broadcast_in_dim3A_529], %mul3A_551 : memref<4x8x129xf32, #tpu.memory_space<vmem>>[vector<16xi32>, vector<16xi32>, vector<16xi32>], vector<16xf32>,
        %scan3A_558 = arith.constant 5 : i32
        %scan3A_559 = arith.addi %scan3A_387, %scan3A_558 : i32
        %mul3A_560 = arith.constant 1 : i32
        %mul3A_561 = arith.muli %scan3A_559, %mul3A_560 : i32
        %add3A_562 = arith.constant 0 : i32
        %add3A_563 = arith.addi %add3A_562, %mul3A_561 : i32
        %broadcast_in_dim3A_564 = vector.broadcast %add3A_563 : i32 to vector<16xi32>
        %add3A_565 = arith.constant 256 : i32
        %add3A_566 = arith.addi %add3A_565, %add3A_563 : i32
        %get3A_567 = arith.index_cast %add3A_566 : i32 to index
        %get3A_568 = arith.constant 0 : index
        %get3A_569 = tpu.vector_load %arg7[%get3A_567, %get3A_568] {strides = array<i32>} : memref<512x32xf32, #tpu.memory_space<vmem>>, vector<16xf32>,
        %mul3A_570 = arith.constant 5.65685415 : f32
        %mul3A_571 = vector.broadcast %mul3A_570 : f32 to vector<16xf32>
        %mul3A_572 = arith.mulf %get3A_569, %mul3A_571 : vector<16xf32>
        %scatter3A_573 = arith.constant 2 : i32
        %scatter3A_574 = arith.constant 0 : i32
        %scatter3A_575 = arith.constant 0 : i32
        %scatter3A_576 = arith.constant 0 : i32
        %scatter3A_577 = tpu.memref_slice %arg9[%scatter3A_573, %scatter3A_574, %scatter3A_575, %scatter3A_576] : memref<4x4x8x129xf32, #tpu.memory_space<vmem>> -> memref<1x4x8x129xf32, #tpu.memory_space<vmem>>
        %scatter3A_578 = tpu.memref_squeeze %scatter3A_577 : memref<1x4x8x129xf32, #tpu.memory_space<vmem>> -> memref<4x8x129xf32, #tpu.memory_space<vmem>>
        tpu.vector_store_idx %scatter3A_578[%select_n3A, %select_n3A_83, %broadcast_in_dim3A_564], %mul3A_572 : memref<4x8x129xf32, #tpu.memory_space<vmem>>[vector<16xi32>, vector<16xi32>, vector<16xi32>], vector<16xf32>,
        %add3A_579 = arith.constant 256 : i32
        %add3A_580 = arith.addi %add3A_579, %add3A_563 : i32
        %get3A_581 = arith.index_cast %add3A_580 : i32 to index
        %get3A_582 = arith.constant 16 : index
        %get3A_583 = tpu.vector_load %arg7[%get3A_581, %get3A_582] {strides = array<i32>} : memref<512x32xf32, #tpu.memory_space<vmem>>, vector<16xf32>,
        %mul3A_584 = arith.constant 5.65685415 : f32
        %mul3A_585 = vector.broadcast %mul3A_584 : f32 to vector<16xf32>
        %mul3A_586 = arith.mulf %get3A_583, %mul3A_585 : vector<16xf32>
        %scatter3A_587 = arith.constant 2 : i32
        %scatter3A_588 = arith.constant 0 : i32
        %scatter3A_589 = arith.constant 0 : i32
        %scatter3A_590 = arith.constant 0 : i32
        %scatter3A_591 = tpu.memref_slice %arg9[%scatter3A_587, %scatter3A_588, %scatter3A_589, %scatter3A_590] : memref<4x4x8x129xf32, #tpu.memory_space<vmem>> -> memref<1x4x8x129xf32, #tpu.memory_space<vmem>>
        %scatter3A_592 = tpu.memref_squeeze %scatter3A_591 : memref<1x4x8x129xf32, #tpu.memory_space<vmem>> -> memref<4x8x129xf32, #tpu.memory_space<vmem>>
        tpu.vector_store_idx %scatter3A_592[%select_n3A_60, %select_n3A_108, %broadcast_in_dim3A_564], %mul3A_586 : memref<4x8x129xf32, #tpu.memory_space<vmem>>[vector<16xi32>, vector<16xi32>, vector<16xi32>], vector<16xf32>,
        %scan3A_593 = arith.constant 6 : i32
        %scan3A_594 = arith.addi %scan3A_387, %scan3A_593 : i32
        %mul3A_595 = arith.constant 1 : i32
        %mul3A_596 = arith.muli %scan3A_594, %mul3A_595 : i32
        %add3A_597 = arith.constant 0 : i32
        %add3A_598 = arith.addi %add3A_597, %mul3A_596 : i32
        %broadcast_in_dim3A_599 = vector.broadcast %add3A_598 : i32 to vector<16xi32>
        %add3A_600 = arith.constant 256 : i32
        %add3A_601 = arith.addi %add3A_600, %add3A_598 : i32
        %get3A_602 = arith.index_cast %add3A_601 : i32 to index
        %get3A_603 = arith.constant 0 : index
        %get3A_604 = tpu.vector_load %arg7[%get3A_602, %get3A_603] {strides = array<i32>} : memref<512x32xf32, #tpu.memory_space<vmem>>, vector<16xf32>,
        %mul3A_605 = arith.constant 5.65685415 : f32
        %mul3A_606 = vector.broadcast %mul3A_605 : f32 to vector<16xf32>
        %mul3A_607 = arith.mulf %get3A_604, %mul3A_606 : vector<16xf32>
        %scatter3A_608 = arith.constant 2 : i32
        %scatter3A_609 = arith.constant 0 : i32
        %scatter3A_610 = arith.constant 0 : i32
        %scatter3A_611 = arith.constant 0 : i32
        %scatter3A_612 = tpu.memref_slice %arg9[%scatter3A_608, %scatter3A_609, %scatter3A_610, %scatter3A_611] : memref<4x4x8x129xf32, #tpu.memory_space<vmem>> -> memref<1x4x8x129xf32, #tpu.memory_space<vmem>>
        %scatter3A_613 = tpu.memref_squeeze %scatter3A_612 : memref<1x4x8x129xf32, #tpu.memory_space<vmem>> -> memref<4x8x129xf32, #tpu.memory_space<vmem>>
        tpu.vector_store_idx %scatter3A_613[%select_n3A, %select_n3A_83, %broadcast_in_dim3A_599], %mul3A_607 : memref<4x8x129xf32, #tpu.memory_space<vmem>>[vector<16xi32>, vector<16xi32>, vector<16xi32>], vector<16xf32>,
        %add3A_614 = arith.constant 256 : i32
        %add3A_615 = arith.addi %add3A_614, %add3A_598 : i32
        %get3A_616 = arith.index_cast %add3A_615 : i32 to index
        %get3A_617 = arith.constant 16 : index
        %get3A_618 = tpu.vector_load %arg7[%get3A_616, %get3A_617] {strides = array<i32>} : memref<512x32xf32, #tpu.memory_space<vmem>>, vector<16xf32>,
        %mul3A_619 = arith.constant 5.65685415 : f32
        %mul3A_620 = vector.broadcast %mul3A_619 : f32 to vector<16xf32>
        %mul3A_621 = arith.mulf %get3A_618, %mul3A_620 : vector<16xf32>
        %scatter3A_622 = arith.constant 2 : i32
        %scatter3A_623 = arith.constant 0 : i32
        %scatter3A_624 = arith.constant 0 : i32
        %scatter3A_625 = arith.constant 0 : i32
        %scatter3A_626 = tpu.memref_slice %arg9[%scatter3A_622, %scatter3A_623, %scatter3A_624, %scatter3A_625] : memref<4x4x8x129xf32, #tpu.memory_space<vmem>> -> memref<1x4x8x129xf32, #tpu.memory_space<vmem>>
        %scatter3A_627 = tpu.memref_squeeze %scatter3A_626 : memref<1x4x8x129xf32, #tpu.memory_space<vmem>> -> memref<4x8x129xf32, #tpu.memory_space<vmem>>
        tpu.vector_store_idx %scatter3A_627[%select_n3A_60, %select_n3A_108, %broadcast_in_dim3A_599], %mul3A_621 : memref<4x8x129xf32, #tpu.memory_space<vmem>>[vector<16xi32>, vector<16xi32>, vector<16xi32>], vector<16xf32>,
        %scan3A_628 = arith.constant 7 : i32
        %scan3A_629 = arith.addi %scan3A_387, %scan3A_628 : i32
        %mul3A_630 = arith.constant 1 : i32
        %mul3A_631 = arith.muli %scan3A_629, %mul3A_630 : i32
        %add3A_632 = arith.constant 0 : i32
        %add3A_633 = arith.addi %add3A_632, %mul3A_631 : i32
        %broadcast_in_dim3A_634 = vector.broadcast %add3A_633 : i32 to vector<16xi32>
        %add3A_635 = arith.constant 256 : i32
        %add3A_636 = arith.addi %add3A_635, %add3A_633 : i32
        %get3A_637 = arith.index_cast %add3A_636 : i32 to index
        %get3A_638 = arith.constant 0 : index
        %get3A_639 = tpu.vector_load %arg7[%get3A_637, %get3A_638] {strides = array<i32>} : memref<512x32xf32, #tpu.memory_space<vmem>>, vector<16xf32>,
        %mul3A_640 = arith.constant 5.65685415 : f32
        %mul3A_641 = vector.broadcast %mul3A_640 : f32 to vector<16xf32>
        %mul3A_642 = arith.mulf %get3A_639, %mul3A_641 : vector<16xf32>
        %scatter3A_643 = arith.constant 2 : i32
        %scatter3A_644 = arith.constant 0 : i32
        %scatter3A_645 = arith.constant 0 : i32
        %scatter3A_646 = arith.constant 0 : i32
        %scatter3A_647 = tpu.memref_slice %arg9[%scatter3A_643, %scatter3A_644, %scatter3A_645, %scatter3A_646] : memref<4x4x8x129xf32, #tpu.memory_space<vmem>> -> memref<1x4x8x129xf32, #tpu.memory_space<vmem>>
        %scatter3A_648 = tpu.memref_squeeze %scatter3A_647 : memref<1x4x8x129xf32, #tpu.memory_space<vmem>> -> memref<4x8x129xf32, #tpu.memory_space<vmem>>
        tpu.vector_store_idx %scatter3A_648[%select_n3A, %select_n3A_83, %broadcast_in_dim3A_634], %mul3A_642 : memref<4x8x129xf32, #tpu.memory_space<vmem>>[vector<16xi32>, vector<16xi32>, vector<16xi32>], vector<16xf32>,
        %add3A_649 = arith.constant 256 : i32
        %add3A_650 = arith.addi %add3A_649, %add3A_633 : i32
        %get3A_651 = arith.index_cast %add3A_650 : i32 to index
        %get3A_652 = arith.constant 16 : index
        %get3A_653 = tpu.vector_load %arg7[%get3A_651, %get3A_652] {strides = array<i32>} : memref<512x32xf32, #tpu.memory_space<vmem>>, vector<16xf32>,
        %mul3A_654 = arith.constant 5.65685415 : f32
        %mul3A_655 = vector.broadcast %mul3A_654 : f32 to vector<16xf32>
        %mul3A_656 = arith.mulf %get3A_653, %mul3A_655 : vector<16xf32>
        %scatter3A_657 = arith.constant 2 : i32
        %scatter3A_658 = arith.constant 0 : i32
        %scatter3A_659 = arith.constant 0 : i32
        %scatter3A_660 = arith.constant 0 : i32
        %scatter3A_661 = tpu.memref_slice %arg9[%scatter3A_657, %scatter3A_658, %scatter3A_659, %scatter3A_660] : memref<4x4x8x129xf32, #tpu.memory_space<vmem>> -> memref<1x4x8x129xf32, #tpu.memory_space<vmem>>
        %scatter3A_662 = tpu.memref_squeeze %scatter3A_661 : memref<1x4x8x129xf32, #tpu.memory_space<vmem>> -> memref<4x8x129xf32, #tpu.memory_space<vmem>>
        tpu.vector_store_idx %scatter3A_662[%select_n3A_60, %select_n3A_108, %broadcast_in_dim3A_634], %mul3A_656 : memref<4x8x129xf32, #tpu.memory_space<vmem>>[vector<16xi32>, vector<16xi32>, vector<16xi32>], vector<16xf32>,
      }
      %scan3A_263 = arith.constant 128 : i32
      %scan3A_264 = arith.constant 0 : i32
      %scan3A_265 = arith.constant 128 : i32
      %scan3A_266 = arith.addi %scan3A_264, %scan3A_265 : i32
      %scan3A_267 = arith.constant 8 : i32
      scf.for %scan3A_387 = %scan3A_264 to %scan3A_266 step %scan3A_267  : i32 {
        %mul3A_388 = arith.constant 1 : i32
        %mul3A_389 = arith.muli %scan3A_387, %mul3A_388 : i32
        %add3A_390 = arith.constant 0 : i32
        %add3A_391 = arith.addi %add3A_390, %mul3A_389 : i32
        %broadcast_in_dim3A = vector.broadcast %add3A_391 : i32 to vector<16xi32>
        %add3A_392 = arith.constant 384 : i32
        %add3A_393 = arith.addi %add3A_392, %add3A_391 : i32
        %get3A = arith.index_cast %add3A_393 : i32 to index
        %get3A_394 = arith.constant 0 : index
        %get3A_395 = tpu.vector_load %arg7[%get3A, %get3A_394] {strides = array<i32>} : memref<512x32xf32, #tpu.memory_space<vmem>>, vector<16xf32>,
        %mul3A_396 = arith.constant 5.65685415 : f32
        %mul3A_397 = vector.broadcast %mul3A_396 : f32 to vector<16xf32>
        %mul3A_398 = arith.mulf %get3A_395, %mul3A_397 : vector<16xf32>
        %scatter3A = arith.constant 3 : i32
        %scatter3A_399 = arith.constant 0 : i32
        %scatter3A_400 = arith.constant 0 : i32
        %scatter3A_401 = arith.constant 0 : i32
        %scatter3A_402 = tpu.memref_slice %arg9[%scatter3A, %scatter3A_399, %scatter3A_400, %scatter3A_401] : memref<4x4x8x129xf32, #tpu.memory_space<vmem>> -> memref<1x4x8x129xf32, #tpu.memory_space<vmem>>
        %scatter3A_403 = tpu.memref_squeeze %scatter3A_402 : memref<1x4x8x129xf32, #tpu.memory_space<vmem>> -> memref<4x8x129xf32, #tpu.memory_space<vmem>>
        tpu.vector_store_idx %scatter3A_403[%select_n3A, %select_n3A_83, %broadcast_in_dim3A], %mul3A_398 : memref<4x8x129xf32, #tpu.memory_space<vmem>>[vector<16xi32>, vector<16xi32>, vector<16xi32>], vector<16xf32>,
        %add3A_404 = arith.constant 384 : i32
        %add3A_405 = arith.addi %add3A_404, %add3A_391 : i32
        %get3A_406 = arith.index_cast %add3A_405 : i32 to index
        %get3A_407 = arith.constant 16 : index
        %get3A_408 = tpu.vector_load %arg7[%get3A_406, %get3A_407] {strides = array<i32>} : memref<512x32xf32, #tpu.memory_space<vmem>>, vector<16xf32>,
        %mul3A_409 = arith.constant 5.65685415 : f32
        %mul3A_410 = vector.broadcast %mul3A_409 : f32 to vector<16xf32>
        %mul3A_411 = arith.mulf %get3A_408, %mul3A_410 : vector<16xf32>
        %scatter3A_412 = arith.constant 3 : i32
        %scatter3A_413 = arith.constant 0 : i32
        %scatter3A_414 = arith.constant 0 : i32
        %scatter3A_415 = arith.constant 0 : i32
        %scatter3A_416 = tpu.memref_slice %arg9[%scatter3A_412, %scatter3A_413, %scatter3A_414, %scatter3A_415] : memref<4x4x8x129xf32, #tpu.memory_space<vmem>> -> memref<1x4x8x129xf32, #tpu.memory_space<vmem>>
        %scatter3A_417 = tpu.memref_squeeze %scatter3A_416 : memref<1x4x8x129xf32, #tpu.memory_space<vmem>> -> memref<4x8x129xf32, #tpu.memory_space<vmem>>
        tpu.vector_store_idx %scatter3A_417[%select_n3A_60, %select_n3A_108, %broadcast_in_dim3A], %mul3A_411 : memref<4x8x129xf32, #tpu.memory_space<vmem>>[vector<16xi32>, vector<16xi32>, vector<16xi32>], vector<16xf32>,
        %scan3A_418 = arith.constant 1 : i32
        %scan3A_419 = arith.addi %scan3A_387, %scan3A_418 : i32
        %mul3A_420 = arith.constant 1 : i32
        %mul3A_421 = arith.muli %scan3A_419, %mul3A_420 : i32
        %add3A_422 = arith.constant 0 : i32
        %add3A_423 = arith.addi %add3A_422, %mul3A_421 : i32
        %broadcast_in_dim3A_424 = vector.broadcast %add3A_423 : i32 to vector<16xi32>
        %add3A_425 = arith.constant 384 : i32
        %add3A_426 = arith.addi %add3A_425, %add3A_423 : i32
        %get3A_427 = arith.index_cast %add3A_426 : i32 to index
        %get3A_428 = arith.constant 0 : index
        %get3A_429 = tpu.vector_load %arg7[%get3A_427, %get3A_428] {strides = array<i32>} : memref<512x32xf32, #tpu.memory_space<vmem>>, vector<16xf32>,
        %mul3A_430 = arith.constant 5.65685415 : f32
        %mul3A_431 = vector.broadcast %mul3A_430 : f32 to vector<16xf32>
        %mul3A_432 = arith.mulf %get3A_429, %mul3A_431 : vector<16xf32>
        %scatter3A_433 = arith.constant 3 : i32
        %scatter3A_434 = arith.constant 0 : i32
        %scatter3A_435 = arith.constant 0 : i32
        %scatter3A_436 = arith.constant 0 : i32
        %scatter3A_437 = tpu.memref_slice %arg9[%scatter3A_433, %scatter3A_434, %scatter3A_435, %scatter3A_436] : memref<4x4x8x129xf32, #tpu.memory_space<vmem>> -> memref<1x4x8x129xf32, #tpu.memory_space<vmem>>
        %scatter3A_438 = tpu.memref_squeeze %scatter3A_437 : memref<1x4x8x129xf32, #tpu.memory_space<vmem>> -> memref<4x8x129xf32, #tpu.memory_space<vmem>>
        tpu.vector_store_idx %scatter3A_438[%select_n3A, %select_n3A_83, %broadcast_in_dim3A_424], %mul3A_432 : memref<4x8x129xf32, #tpu.memory_space<vmem>>[vector<16xi32>, vector<16xi32>, vector<16xi32>], vector<16xf32>,
        %add3A_439 = arith.constant 384 : i32
        %add3A_440 = arith.addi %add3A_439, %add3A_423 : i32
        %get3A_441 = arith.index_cast %add3A_440 : i32 to index
        %get3A_442 = arith.constant 16 : index
        %get3A_443 = tpu.vector_load %arg7[%get3A_441, %get3A_442] {strides = array<i32>} : memref<512x32xf32, #tpu.memory_space<vmem>>, vector<16xf32>,
        %mul3A_444 = arith.constant 5.65685415 : f32
        %mul3A_445 = vector.broadcast %mul3A_444 : f32 to vector<16xf32>
        %mul3A_446 = arith.mulf %get3A_443, %mul3A_445 : vector<16xf32>
        %scatter3A_447 = arith.constant 3 : i32
        %scatter3A_448 = arith.constant 0 : i32
        %scatter3A_449 = arith.constant 0 : i32
        %scatter3A_450 = arith.constant 0 : i32
        %scatter3A_451 = tpu.memref_slice %arg9[%scatter3A_447, %scatter3A_448, %scatter3A_449, %scatter3A_450] : memref<4x4x8x129xf32, #tpu.memory_space<vmem>> -> memref<1x4x8x129xf32, #tpu.memory_space<vmem>>
        %scatter3A_452 = tpu.memref_squeeze %scatter3A_451 : memref<1x4x8x129xf32, #tpu.memory_space<vmem>> -> memref<4x8x129xf32, #tpu.memory_space<vmem>>
        tpu.vector_store_idx %scatter3A_452[%select_n3A_60, %select_n3A_108, %broadcast_in_dim3A_424], %mul3A_446 : memref<4x8x129xf32, #tpu.memory_space<vmem>>[vector<16xi32>, vector<16xi32>, vector<16xi32>], vector<16xf32>,
        %scan3A_453 = arith.constant 2 : i32
        %scan3A_454 = arith.addi %scan3A_387, %scan3A_453 : i32
        %mul3A_455 = arith.constant 1 : i32
        %mul3A_456 = arith.muli %scan3A_454, %mul3A_455 : i32
        %add3A_457 = arith.constant 0 : i32
        %add3A_458 = arith.addi %add3A_457, %mul3A_456 : i32
        %broadcast_in_dim3A_459 = vector.broadcast %add3A_458 : i32 to vector<16xi32>
        %add3A_460 = arith.constant 384 : i32
        %add3A_461 = arith.addi %add3A_460, %add3A_458 : i32
        %get3A_462 = arith.index_cast %add3A_461 : i32 to index
        %get3A_463 = arith.constant 0 : index
        %get3A_464 = tpu.vector_load %arg7[%get3A_462, %get3A_463] {strides = array<i32>} : memref<512x32xf32, #tpu.memory_space<vmem>>, vector<16xf32>,
        %mul3A_465 = arith.constant 5.65685415 : f32
        %mul3A_466 = vector.broadcast %mul3A_465 : f32 to vector<16xf32>
        %mul3A_467 = arith.mulf %get3A_464, %mul3A_466 : vector<16xf32>
        %scatter3A_468 = arith.constant 3 : i32
        %scatter3A_469 = arith.constant 0 : i32
        %scatter3A_470 = arith.constant 0 : i32
        %scatter3A_471 = arith.constant 0 : i32
        %scatter3A_472 = tpu.memref_slice %arg9[%scatter3A_468, %scatter3A_469, %scatter3A_470, %scatter3A_471] : memref<4x4x8x129xf32, #tpu.memory_space<vmem>> -> memref<1x4x8x129xf32, #tpu.memory_space<vmem>>
        %scatter3A_473 = tpu.memref_squeeze %scatter3A_472 : memref<1x4x8x129xf32, #tpu.memory_space<vmem>> -> memref<4x8x129xf32, #tpu.memory_space<vmem>>
        tpu.vector_store_idx %scatter3A_473[%select_n3A, %select_n3A_83, %broadcast_in_dim3A_459], %mul3A_467 : memref<4x8x129xf32, #tpu.memory_space<vmem>>[vector<16xi32>, vector<16xi32>, vector<16xi32>], vector<16xf32>,
        %add3A_474 = arith.constant 384 : i32
        %add3A_475 = arith.addi %add3A_474, %add3A_458 : i32
        %get3A_476 = arith.index_cast %add3A_475 : i32 to index
        %get3A_477 = arith.constant 16 : index
        %get3A_478 = tpu.vector_load %arg7[%get3A_476, %get3A_477] {strides = array<i32>} : memref<512x32xf32, #tpu.memory_space<vmem>>, vector<16xf32>,
        %mul3A_479 = arith.constant 5.65685415 : f32
        %mul3A_480 = vector.broadcast %mul3A_479 : f32 to vector<16xf32>
        %mul3A_481 = arith.mulf %get3A_478, %mul3A_480 : vector<16xf32>
        %scatter3A_482 = arith.constant 3 : i32
        %scatter3A_483 = arith.constant 0 : i32
        %scatter3A_484 = arith.constant 0 : i32
        %scatter3A_485 = arith.constant 0 : i32
        %scatter3A_486 = tpu.memref_slice %arg9[%scatter3A_482, %scatter3A_483, %scatter3A_484, %scatter3A_485] : memref<4x4x8x129xf32, #tpu.memory_space<vmem>> -> memref<1x4x8x129xf32, #tpu.memory_space<vmem>>
        %scatter3A_487 = tpu.memref_squeeze %scatter3A_486 : memref<1x4x8x129xf32, #tpu.memory_space<vmem>> -> memref<4x8x129xf32, #tpu.memory_space<vmem>>
        tpu.vector_store_idx %scatter3A_487[%select_n3A_60, %select_n3A_108, %broadcast_in_dim3A_459], %mul3A_481 : memref<4x8x129xf32, #tpu.memory_space<vmem>>[vector<16xi32>, vector<16xi32>, vector<16xi32>], vector<16xf32>,
        %scan3A_488 = arith.constant 3 : i32
        %scan3A_489 = arith.addi %scan3A_387, %scan3A_488 : i32
        %mul3A_490 = arith.constant 1 : i32
        %mul3A_491 = arith.muli %scan3A_489, %mul3A_490 : i32
        %add3A_492 = arith.constant 0 : i32
        %add3A_493 = arith.addi %add3A_492, %mul3A_491 : i32
        %broadcast_in_dim3A_494 = vector.broadcast %add3A_493 : i32 to vector<16xi32>
        %add3A_495 = arith.constant 384 : i32
        %add3A_496 = arith.addi %add3A_495, %add3A_493 : i32
        %get3A_497 = arith.index_cast %add3A_496 : i32 to index
        %get3A_498 = arith.constant 0 : index
        %get3A_499 = tpu.vector_load %arg7[%get3A_497, %get3A_498] {strides = array<i32>} : memref<512x32xf32, #tpu.memory_space<vmem>>, vector<16xf32>,
        %mul3A_500 = arith.constant 5.65685415 : f32
        %mul3A_501 = vector.broadcast %mul3A_500 : f32 to vector<16xf32>
        %mul3A_502 = arith.mulf %get3A_499, %mul3A_501 : vector<16xf32>
        %scatter3A_503 = arith.constant 3 : i32
        %scatter3A_504 = arith.constant 0 : i32
        %scatter3A_505 = arith.constant 0 : i32
        %scatter3A_506 = arith.constant 0 : i32
        %scatter3A_507 = tpu.memref_slice %arg9[%scatter3A_503, %scatter3A_504, %scatter3A_505, %scatter3A_506] : memref<4x4x8x129xf32, #tpu.memory_space<vmem>> -> memref<1x4x8x129xf32, #tpu.memory_space<vmem>>
        %scatter3A_508 = tpu.memref_squeeze %scatter3A_507 : memref<1x4x8x129xf32, #tpu.memory_space<vmem>> -> memref<4x8x129xf32, #tpu.memory_space<vmem>>
        tpu.vector_store_idx %scatter3A_508[%select_n3A, %select_n3A_83, %broadcast_in_dim3A_494], %mul3A_502 : memref<4x8x129xf32, #tpu.memory_space<vmem>>[vector<16xi32>, vector<16xi32>, vector<16xi32>], vector<16xf32>,
        %add3A_509 = arith.constant 384 : i32
        %add3A_510 = arith.addi %add3A_509, %add3A_493 : i32
        %get3A_511 = arith.index_cast %add3A_510 : i32 to index
        %get3A_512 = arith.constant 16 : index
        %get3A_513 = tpu.vector_load %arg7[%get3A_511, %get3A_512] {strides = array<i32>} : memref<512x32xf32, #tpu.memory_space<vmem>>, vector<16xf32>,
        %mul3A_514 = arith.constant 5.65685415 : f32
        %mul3A_515 = vector.broadcast %mul3A_514 : f32 to vector<16xf32>
        %mul3A_516 = arith.mulf %get3A_513, %mul3A_515 : vector<16xf32>
        %scatter3A_517 = arith.constant 3 : i32
        %scatter3A_518 = arith.constant 0 : i32
        %scatter3A_519 = arith.constant 0 : i32
        %scatter3A_520 = arith.constant 0 : i32
        %scatter3A_521 = tpu.memref_slice %arg9[%scatter3A_517, %scatter3A_518, %scatter3A_519, %scatter3A_520] : memref<4x4x8x129xf32, #tpu.memory_space<vmem>> -> memref<1x4x8x129xf32, #tpu.memory_space<vmem>>
        %scatter3A_522 = tpu.memref_squeeze %scatter3A_521 : memref<1x4x8x129xf32, #tpu.memory_space<vmem>> -> memref<4x8x129xf32, #tpu.memory_space<vmem>>
        tpu.vector_store_idx %scatter3A_522[%select_n3A_60, %select_n3A_108, %broadcast_in_dim3A_494], %mul3A_516 : memref<4x8x129xf32, #tpu.memory_space<vmem>>[vector<16xi32>, vector<16xi32>, vector<16xi32>], vector<16xf32>,
        %scan3A_523 = arith.constant 4 : i32
        %scan3A_524 = arith.addi %scan3A_387, %scan3A_523 : i32
        %mul3A_525 = arith.constant 1 : i32
        %mul3A_526 = arith.muli %scan3A_524, %mul3A_525 : i32
        %add3A_527 = arith.constant 0 : i32
        %add3A_528 = arith.addi %add3A_527, %mul3A_526 : i32
        %broadcast_in_dim3A_529 = vector.broadcast %add3A_528 : i32 to vector<16xi32>
        %add3A_530 = arith.constant 384 : i32
        %add3A_531 = arith.addi %add3A_530, %add3A_528 : i32
        %get3A_532 = arith.index_cast %add3A_531 : i32 to index
        %get3A_533 = arith.constant 0 : index
        %get3A_534 = tpu.vector_load %arg7[%get3A_532, %get3A_533] {strides = array<i32>} : memref<512x32xf32, #tpu.memory_space<vmem>>, vector<16xf32>,
        %mul3A_535 = arith.constant 5.65685415 : f32
        %mul3A_536 = vector.broadcast %mul3A_535 : f32 to vector<16xf32>
        %mul3A_537 = arith.mulf %get3A_534, %mul3A_536 : vector<16xf32>
        %scatter3A_538 = arith.constant 3 : i32
        %scatter3A_539 = arith.constant 0 : i32
        %scatter3A_540 = arith.constant 0 : i32
        %scatter3A_541 = arith.constant 0 : i32
        %scatter3A_542 = tpu.memref_slice %arg9[%scatter3A_538, %scatter3A_539, %scatter3A_540, %scatter3A_541] : memref<4x4x8x129xf32, #tpu.memory_space<vmem>> -> memref<1x4x8x129xf32, #tpu.memory_space<vmem>>
        %scatter3A_543 = tpu.memref_squeeze %scatter3A_542 : memref<1x4x8x129xf32, #tpu.memory_space<vmem>> -> memref<4x8x129xf32, #tpu.memory_space<vmem>>
        tpu.vector_store_idx %scatter3A_543[%select_n3A, %select_n3A_83, %broadcast_in_dim3A_529], %mul3A_537 : memref<4x8x129xf32, #tpu.memory_space<vmem>>[vector<16xi32>, vector<16xi32>, vector<16xi32>], vector<16xf32>,
        %add3A_544 = arith.constant 384 : i32
        %add3A_545 = arith.addi %add3A_544, %add3A_528 : i32
        %get3A_546 = arith.index_cast %add3A_545 : i32 to index
        %get3A_547 = arith.constant 16 : index
        %get3A_548 = tpu.vector_load %arg7[%get3A_546, %get3A_547] {strides = array<i32>} : memref<512x32xf32, #tpu.memory_space<vmem>>, vector<16xf32>,
        %mul3A_549 = arith.constant 5.65685415 : f32
        %mul3A_550 = vector.broadcast %mul3A_549 : f32 to vector<16xf32>
        %mul3A_551 = arith.mulf %get3A_548, %mul3A_550 : vector<16xf32>
        %scatter3A_552 = arith.constant 3 : i32
        %scatter3A_553 = arith.constant 0 : i32
        %scatter3A_554 = arith.constant 0 : i32
        %scatter3A_555 = arith.constant 0 : i32
        %scatter3A_556 = tpu.memref_slice %arg9[%scatter3A_552, %scatter3A_553, %scatter3A_554, %scatter3A_555] : memref<4x4x8x129xf32, #tpu.memory_space<vmem>> -> memref<1x4x8x129xf32, #tpu.memory_space<vmem>>
        %scatter3A_557 = tpu.memref_squeeze %scatter3A_556 : memref<1x4x8x129xf32, #tpu.memory_space<vmem>> -> memref<4x8x129xf32, #tpu.memory_space<vmem>>
        tpu.vector_store_idx %scatter3A_557[%select_n3A_60, %select_n3A_108, %broadcast_in_dim3A_529], %mul3A_551 : memref<4x8x129xf32, #tpu.memory_space<vmem>>[vector<16xi32>, vector<16xi32>, vector<16xi32>], vector<16xf32>,
        %scan3A_558 = arith.constant 5 : i32
        %scan3A_559 = arith.addi %scan3A_387, %scan3A_558 : i32
        %mul3A_560 = arith.constant 1 : i32
        %mul3A_561 = arith.muli %scan3A_559, %mul3A_560 : i32
        %add3A_562 = arith.constant 0 : i32
        %add3A_563 = arith.addi %add3A_562, %mul3A_561 : i32
        %broadcast_in_dim3A_564 = vector.broadcast %add3A_563 : i32 to vector<16xi32>
        %add3A_565 = arith.constant 384 : i32
        %add3A_566 = arith.addi %add3A_565, %add3A_563 : i32
        %get3A_567 = arith.index_cast %add3A_566 : i32 to index
        %get3A_568 = arith.constant 0 : index
        %get3A_569 = tpu.vector_load %arg7[%get3A_567, %get3A_568] {strides = array<i32>} : memref<512x32xf32, #tpu.memory_space<vmem>>, vector<16xf32>,
        %mul3A_570 = arith.constant 5.65685415 : f32
        %mul3A_571 = vector.broadcast %mul3A_570 : f32 to vector<16xf32>
        %mul3A_572 = arith.mulf %get3A_569, %mul3A_571 : vector<16xf32>
        %scatter3A_573 = arith.constant 3 : i32
        %scatter3A_574 = arith.constant 0 : i32
        %scatter3A_575 = arith.constant 0 : i32
        %scatter3A_576 = arith.constant 0 : i32
        %scatter3A_577 = tpu.memref_slice %arg9[%scatter3A_573, %scatter3A_574, %scatter3A_575, %scatter3A_576] : memref<4x4x8x129xf32, #tpu.memory_space<vmem>> -> memref<1x4x8x129xf32, #tpu.memory_space<vmem>>
        %scatter3A_578 = tpu.memref_squeeze %scatter3A_577 : memref<1x4x8x129xf32, #tpu.memory_space<vmem>> -> memref<4x8x129xf32, #tpu.memory_space<vmem>>
        tpu.vector_store_idx %scatter3A_578[%select_n3A, %select_n3A_83, %broadcast_in_dim3A_564], %mul3A_572 : memref<4x8x129xf32, #tpu.memory_space<vmem>>[vector<16xi32>, vector<16xi32>, vector<16xi32>], vector<16xf32>,
        %add3A_579 = arith.constant 384 : i32
        %add3A_580 = arith.addi %add3A_579, %add3A_563 : i32
        %get3A_581 = arith.index_cast %add3A_580 : i32 to index
        %get3A_582 = arith.constant 16 : index
        %get3A_583 = tpu.vector_load %arg7[%get3A_581, %get3A_582] {strides = array<i32>} : memref<512x32xf32, #tpu.memory_space<vmem>>, vector<16xf32>,
        %mul3A_584 = arith.constant 5.65685415 : f32
        %mul3A_585 = vector.broadcast %mul3A_584 : f32 to vector<16xf32>
        %mul3A_586 = arith.mulf %get3A_583, %mul3A_585 : vector<16xf32>
        %scatter3A_587 = arith.constant 3 : i32
        %scatter3A_588 = arith.constant 0 : i32
        %scatter3A_589 = arith.constant 0 : i32
        %scatter3A_590 = arith.constant 0 : i32
        %scatter3A_591 = tpu.memref_slice %arg9[%scatter3A_587, %scatter3A_588, %scatter3A_589, %scatter3A_590] : memref<4x4x8x129xf32, #tpu.memory_space<vmem>> -> memref<1x4x8x129xf32, #tpu.memory_space<vmem>>
        %scatter3A_592 = tpu.memref_squeeze %scatter3A_591 : memref<1x4x8x129xf32, #tpu.memory_space<vmem>> -> memref<4x8x129xf32, #tpu.memory_space<vmem>>
        tpu.vector_store_idx %scatter3A_592[%select_n3A_60, %select_n3A_108, %broadcast_in_dim3A_564], %mul3A_586 : memref<4x8x129xf32, #tpu.memory_space<vmem>>[vector<16xi32>, vector<16xi32>, vector<16xi32>], vector<16xf32>,
        %scan3A_593 = arith.constant 6 : i32
        %scan3A_594 = arith.addi %scan3A_387, %scan3A_593 : i32
        %mul3A_595 = arith.constant 1 : i32
        %mul3A_596 = arith.muli %scan3A_594, %mul3A_595 : i32
        %add3A_597 = arith.constant 0 : i32
        %add3A_598 = arith.addi %add3A_597, %mul3A_596 : i32
        %broadcast_in_dim3A_599 = vector.broadcast %add3A_598 : i32 to vector<16xi32>
        %add3A_600 = arith.constant 384 : i32
        %add3A_601 = arith.addi %add3A_600, %add3A_598 : i32
        %get3A_602 = arith.index_cast %add3A_601 : i32 to index
        %get3A_603 = arith.constant 0 : index
        %get3A_604 = tpu.vector_load %arg7[%get3A_602, %get3A_603] {strides = array<i32>} : memref<512x32xf32, #tpu.memory_space<vmem>>, vector<16xf32>,
        %mul3A_605 = arith.constant 5.65685415 : f32
        %mul3A_606 = vector.broadcast %mul3A_605 : f32 to vector<16xf32>
        %mul3A_607 = arith.mulf %get3A_604, %mul3A_606 : vector<16xf32>
        %scatter3A_608 = arith.constant 3 : i32
        %scatter3A_609 = arith.constant 0 : i32
        %scatter3A_610 = arith.constant 0 : i32
        %scatter3A_611 = arith.constant 0 : i32
        %scatter3A_612 = tpu.memref_slice %arg9[%scatter3A_608, %scatter3A_609, %scatter3A_610, %scatter3A_611] : memref<4x4x8x129xf32, #tpu.memory_space<vmem>> -> memref<1x4x8x129xf32, #tpu.memory_space<vmem>>
        %scatter3A_613 = tpu.memref_squeeze %scatter3A_612 : memref<1x4x8x129xf32, #tpu.memory_space<vmem>> -> memref<4x8x129xf32, #tpu.memory_space<vmem>>
        tpu.vector_store_idx %scatter3A_613[%select_n3A, %select_n3A_83, %broadcast_in_dim3A_599], %mul3A_607 : memref<4x8x129xf32, #tpu.memory_space<vmem>>[vector<16xi32>, vector<16xi32>, vector<16xi32>], vector<16xf32>,
        %add3A_614 = arith.constant 384 : i32
        %add3A_615 = arith.addi %add3A_614, %add3A_598 : i32
        %get3A_616 = arith.index_cast %add3A_615 : i32 to index
        %get3A_617 = arith.constant 16 : index
        %get3A_618 = tpu.vector_load %arg7[%get3A_616, %get3A_617] {strides = array<i32>} : memref<512x32xf32, #tpu.memory_space<vmem>>, vector<16xf32>,
        %mul3A_619 = arith.constant 5.65685415 : f32
        %mul3A_620 = vector.broadcast %mul3A_619 : f32 to vector<16xf32>
        %mul3A_621 = arith.mulf %get3A_618, %mul3A_620 : vector<16xf32>
        %scatter3A_622 = arith.constant 3 : i32
        %scatter3A_623 = arith.constant 0 : i32
        %scatter3A_624 = arith.constant 0 : i32
        %scatter3A_625 = arith.constant 0 : i32
        %scatter3A_626 = tpu.memref_slice %arg9[%scatter3A_622, %scatter3A_623, %scatter3A_624, %scatter3A_625] : memref<4x4x8x129xf32, #tpu.memory_space<vmem>> -> memref<1x4x8x129xf32, #tpu.memory_space<vmem>>
        %scatter3A_627 = tpu.memref_squeeze %scatter3A_626 : memref<1x4x8x129xf32, #tpu.memory_space<vmem>> -> memref<4x8x129xf32, #tpu.memory_space<vmem>>
        tpu.vector_store_idx %scatter3A_627[%select_n3A_60, %select_n3A_108, %broadcast_in_dim3A_599], %mul3A_621 : memref<4x8x129xf32, #tpu.memory_space<vmem>>[vector<16xi32>, vector<16xi32>, vector<16xi32>], vector<16xf32>,
        %scan3A_628 = arith.constant 7 : i32
        %scan3A_629 = arith.addi %scan3A_387, %scan3A_628 : i32
        %mul3A_630 = arith.constant 1 : i32
        %mul3A_631 = arith.muli %scan3A_629, %mul3A_630 : i32
        %add3A_632 = arith.constant 0 : i32
        %add3A_633 = arith.addi %add3A_632, %mul3A_631 : i32
        %broadcast_in_dim3A_634 = vector.broadcast %add3A_633 : i32 to vector<16xi32>
        %add3A_635 = arith.constant 384 : i32
        %add3A_636 = arith.addi %add3A_635, %add3A_633 : i32
        %get3A_637 = arith.index_cast %add3A_636 : i32 to index
        %get3A_638 = arith.constant 0 : index
        %get3A_639 = tpu.vector_load %arg7[%get3A_637, %get3A_638] {strides = array<i32>} : memref<512x32xf32, #tpu.memory_space<vmem>>, vector<16xf32>,
        %mul3A_640 = arith.constant 5.65685415 : f32
        %mul3A_641 = vector.broadcast %mul3A_640 : f32 to vector<16xf32>
        %mul3A_642 = arith.mulf %get3A_639, %mul3A_641 : vector<16xf32>
        %scatter3A_643 = arith.constant 3 : i32
        %scatter3A_644 = arith.constant 0 : i32
        %scatter3A_645 = arith.constant 0 : i32
        %scatter3A_646 = arith.constant 0 : i32
        %scatter3A_647 = tpu.memref_slice %arg9[%scatter3A_643, %scatter3A_644, %scatter3A_645, %scatter3A_646] : memref<4x4x8x129xf32, #tpu.memory_space<vmem>> -> memref<1x4x8x129xf32, #tpu.memory_space<vmem>>
        %scatter3A_648 = tpu.memref_squeeze %scatter3A_647 : memref<1x4x8x129xf32, #tpu.memory_space<vmem>> -> memref<4x8x129xf32, #tpu.memory_space<vmem>>
        tpu.vector_store_idx %scatter3A_648[%select_n3A, %select_n3A_83, %broadcast_in_dim3A_634], %mul3A_642 : memref<4x8x129xf32, #tpu.memory_space<vmem>>[vector<16xi32>, vector<16xi32>, vector<16xi32>], vector<16xf32>,
        %add3A_649 = arith.constant 384 : i32
        %add3A_650 = arith.addi %add3A_649, %add3A_633 : i32
        %get3A_651 = arith.index_cast %add3A_650 : i32 to index
        %get3A_652 = arith.constant 16 : index
        %get3A_653 = tpu.vector_load %arg7[%get3A_651, %get3A_652] {strides = array<i32>} : memref<512x32xf32, #tpu.memory_space<vmem>>, vector<16xf32>,
        %mul3A_654 = arith.constant 5.65685415 : f32
        %mul3A_655 = vector.broadcast %mul3A_654 : f32 to vector<16xf32>
        %mul3A_656 = arith.mulf %get3A_653, %mul3A_655 : vector<16xf32>
        %scatter3A_657 = arith.constant 3 : i32
        %scatter3A_658 = arith.constant 0 : i32
        %scatter3A_659 = arith.constant 0 : i32
        %scatter3A_660 = arith.constant 0 : i32
        %scatter3A_661 = tpu.memref_slice %arg9[%scatter3A_657, %scatter3A_658, %scatter3A_659, %scatter3A_660] : memref<4x4x8x129xf32, #tpu.memory_space<vmem>> -> memref<1x4x8x129xf32, #tpu.memory_space<vmem>>
        %scatter3A_662 = tpu.memref_squeeze %scatter3A_661 : memref<1x4x8x129xf32, #tpu.memory_space<vmem>> -> memref<4x8x129xf32, #tpu.memory_space<vmem>>
        tpu.vector_store_idx %scatter3A_662[%select_n3A_60, %select_n3A_108, %broadcast_in_dim3A_634], %mul3A_656 : memref<4x8x129xf32, #tpu.memory_space<vmem>>[vector<16xi32>, vector<16xi32>, vector<16xi32>], vector<16xf32>,
      }
      %scan3A_268 = arith.constant 128 : i32
      %mul3A_269 = arith.constant 4 : i32
      %mul3A_270 = arith.muli %add3A_199, %mul3A_269 : i32
      %dma_start3A_271 = arith.constant 0 : i32
      %dma_start3A_272 = arith.constant 0 : i32
      %dma_start3A_273 = arith.constant 0 : i32
      %dma_start3A_274 = arith.constant 0 : i32
      %dma_start3A_275 = tpu.memref_slice %arg9[%dma_start3A_271, %dma_start3A_272, %dma_start3A_273, %dma_start3A_274] : memref<4x4x8x129xf32, #tpu.memory_space<vmem>> -> memref<4x4x8x128xf32, #tpu.memory_space<vmem>>
      %dma_start3A_276 = arith.constant 0 : i32
      %dma_start3A_277 = arith.constant 0 : i32
      %dma_start3A_278 = arith.constant 0 : i32
      %dma_start3A_279 = tpu.memref_slice %arg4[%mul3A_270, %dma_start3A_276, %add3A, %dma_start3A_277, %dma_start3A_278] : memref<200x4x32x8x128xf32, #tpu.memory_space<hbm>> -> memref<4x4x1x8x128xf32, #tpu.memory_space<hbm>>
      %dma_start3A_280 = tpu.memref_squeeze %dma_start3A_279 : memref<4x4x1x8x128xf32, #tpu.memory_space<hbm>> -> memref<4x4x8x128xf32, #tpu.memory_space<hbm>>
      %dma_start3A_281 = arith.constant 0 : i32
      %dma_start3A_282 = arith.constant 0 : i32
      %dma_start3A_283 = arith.constant 0 : i32
      %dma_start3A_284 = tpu.memref_slice %arg4[%mul3A_270, %dma_start3A_281, %add3A, %dma_start3A_282, %dma_start3A_283] : memref<200x4x32x8x128xf32, #tpu.memory_space<hbm>> -> memref<4x4x1x8x128xf32, #tpu.memory_space<hbm>>
      %dma_start3A_285 = tpu.memref_squeeze %dma_start3A_284 : memref<4x4x1x8x128xf32, #tpu.memory_space<hbm>> -> memref<4x4x8x128xf32, #tpu.memory_space<hbm>>
      %dma_start3A_286 = arith.constant 0 : i32
      %dma_start3A_287 = arith.constant 0 : i32
      %dma_start3A_288 = arith.constant 0 : i32
      %dma_start3A_289 = arith.constant 0 : i32
      %dma_start3A_290 = tpu.memref_slice %arg9[%dma_start3A_286, %dma_start3A_287, %dma_start3A_288, %dma_start3A_289] : memref<4x4x8x129xf32, #tpu.memory_space<vmem>> -> memref<4x4x8x128xf32, #tpu.memory_space<vmem>>
      tpu.enqueue_dma source(%dma_start3A_290 : memref<4x4x8x128xf32, #tpu.memory_space<vmem>>) target(%dma_start3A_285 : memref<4x4x8x128xf32, #tpu.memory_space<hbm>>) target_semaphore(%arg13 : memref<!tpu.dma_semaphore, #tpu.memory_space<semaphore_mem>>)
      %add3A_291 = arith.constant 1 : i32
      %add3A_292 = arith.addi %add3A_199, %add3A_291 : i32
      %add3A_293 = arith.constant 1 : i32
      %add3A_294 = arith.addi %add3A_292, %add3A_293 : i32
      %lt3A_295 = arith.constant 50 : i32
      %lt3A_296 = arith.cmpi slt, %add3A_294, %lt3A_295 : i32
      %convert_element_type3A_297 = arith.extui %lt3A_296 : i1 to i32
      %cond3A_298 = arith.constant 0 : i32
      %cond3A_299 = arith.cmpi ne, %convert_element_type3A_297, %cond3A_298 : i32
      scf.if %cond3A_299 {
        %add3A_387 = arith.constant 1 : i32
        %add3A_388 = arith.addi %add3A_292, %add3A_387 : i32
        %jit3A_389 = arith.constant 2 : i32
        %div3A_390 = arith.divsi %add3A_388, %jit3A_389 : i32
        %sign3A_391 = arith.constant 0 : i32
        %sign3A_392 = arith.cmpi sgt, %add3A_388, %sign3A_391 : i32
        %sign3A_393 = arith.extui %sign3A_392 : i1 to i32
        %sign3A_394 = arith.constant 0 : i32
        %sign3A_395 = arith.cmpi slt, %add3A_388, %sign3A_394 : i32
        %sign3A_396 = arith.extui %sign3A_395 : i1 to i32
        %sign3A_397 = arith.subi %sign3A_393, %sign3A_396 : i32
        %sign3A_398 = arith.constant 0 : i32
        %sign3A_399 = arith.cmpi sgt, %jit3A_389, %sign3A_398 : i32
        %sign3A_400 = arith.extui %sign3A_399 : i1 to i32
        %sign3A_401 = arith.constant 0 : i32
        %sign3A_402 = arith.cmpi slt, %jit3A_389, %sign3A_401 : i32
        %sign3A_403 = arith.extui %sign3A_402 : i1 to i32
        %sign3A_404 = arith.subi %sign3A_400, %sign3A_403 : i32
        %ne3A_405 = arith.cmpi ne, %sign3A_397, %sign3A_404 : i32
        %rem3A_406 = arith.remsi %add3A_388, %jit3A_389 : i32
        %ne3A_407 = arith.constant 0 : i32
        %ne3A_408 = arith.cmpi ne, %rem3A_406, %ne3A_407 : i32
        %and3A_409 = arith.andi %ne3A_405, %ne3A_408 : i1
        %sub3A_410 = arith.constant 1 : i32
        %sub3A_411 = arith.subi %div3A_390, %sub3A_410 : i32
        %select_n3A_412 = arith.select %and3A_409, %sub3A_411, %div3A_390 : i32
        %jit3A_413 = arith.constant 2 : i32
        %eq3A_414 = arith.constant 0 : i32
        %eq3A_415 = arith.cmpi eq, %jit3A_413, %eq3A_414 : i32
        %jit3A_416 = arith.constant 1 : i32
        %select_n3A_417 = arith.select %eq3A_415, %jit3A_416, %jit3A_413 : i32
        %rem3A_418 = arith.remsi %add3A_388, %select_n3A_417 : i32
        %ne3A_419 = arith.constant 0 : i32
        %ne3A_420 = arith.cmpi ne, %rem3A_418, %ne3A_419 : i32
        %lt3A_421 = arith.constant 0 : i32
        %lt3A_422 = arith.cmpi slt, %rem3A_418, %lt3A_421 : i32
        %lt3A_423 = arith.constant 0 : i32
        %lt3A_424 = arith.cmpi slt, %select_n3A_417, %lt3A_423 : i32
        %ne3A_425 = arith.xori %lt3A_422, %lt3A_424 : i1
        %and3A_426 = arith.andi %ne3A_425, %ne3A_420 : i1
        %add3A_427 = arith.addi %rem3A_418, %select_n3A_417 : i32
        %select_n3A_428 = arith.select %and3A_426, %add3A_427, %rem3A_418 : i32
        %mul3A_429 = arith.constant 4 : i32
        %mul3A_430 = arith.muli %select_n3A_428, %mul3A_429 : i32
        "tpu.region"() ({
          %run_scoped3A_471 = tpu.sem_alloc : memref<!tpu.dma_semaphore, #tpu.memory_space<semaphore_mem>>
          %dma_start3A_472 = arith.constant 0 : i32
          %dma_start3A_473 = tpu.memref_slice %arg2[%select_n3A_412, %add3A, %mul3A_430, %dma_start3A_472] : memref<25x32x8x128xi32, #tpu.memory_space<hbm>> -> memref<1x1x4x128xi32, #tpu.memory_space<hbm>>
          %dma_start3A_474 = tpu.memref_squeeze %dma_start3A_473 : memref<1x1x4x128xi32, #tpu.memory_space<hbm>> -> memref<4x128xi32, #tpu.memory_space<hbm>>
          %dma_start3A_475 = arith.constant 0 : i32
          %dma_start3A_476 = tpu.memref_slice %arg2[%select_n3A_412, %add3A, %mul3A_430, %dma_start3A_475] : memref<25x32x8x128xi32, #tpu.memory_space<hbm>> -> memref<1x1x4x128xi32, #tpu.memory_space<hbm>>
          %dma_start3A_477 = tpu.memref_squeeze %dma_start3A_476 : memref<1x1x4x128xi32, #tpu.memory_space<hbm>> -> memref<4x128xi32, #tpu.memory_space<hbm>>
          tpu.enqueue_dma source(%dma_start3A_477 : memref<4x128xi32, #tpu.memory_space<hbm>>) target(%arg5 : memref<4x128xi32, #tpu.memory_space<vmem>>) target_semaphore(%run_scoped3A_471 : memref<!tpu.dma_semaphore, #tpu.memory_space<semaphore_mem>>)
          %dma_wait3A_478 = arith.constant 0 : i32
          %dma_wait3A_479 = tpu.memref_slice %arg2[%select_n3A_412, %add3A, %mul3A_430, %dma_wait3A_478] : memref<25x32x8x128xi32, #tpu.memory_space<hbm>> -> memref<1x1x4x128xi32, #tpu.memory_space<hbm>>
          %dma_wait3A_480 = tpu.memref_squeeze %dma_wait3A_479 : memref<1x1x4x128xi32, #tpu.memory_space<hbm>> -> memref<4x128xi32, #tpu.memory_space<hbm>>
          %dma_wait3A_481 = arith.constant 0 : i32
          %dma_wait3A_482 = tpu.memref_slice %arg2[%select_n3A_412, %add3A, %mul3A_430, %dma_wait3A_481] : memref<25x32x8x128xi32, #tpu.memory_space<hbm>> -> memref<1x1x4x128xi32, #tpu.memory_space<hbm>>
          %dma_wait3A_483 = tpu.memref_squeeze %dma_wait3A_482 : memref<1x1x4x128xi32, #tpu.memory_space<hbm>> -> memref<4x128xi32, #tpu.memory_space<hbm>>
          tpu.wait_dma2 semaphore(%run_scoped3A_471 : memref<!tpu.dma_semaphore, #tpu.memory_space<semaphore_mem>>) src(%dma_wait3A_483 : memref<4x128xi32, #tpu.memory_space<hbm>>) dst(%arg5 : memref<4x128xi32, #tpu.memory_space<vmem>>)
          tpu.yield
        }) : () -> ()
        %dma_start3A_431 = arith.constant 0 : i32
        %dma_start3A_432 = arith.constant 0 : i32
        %dma_start3A_433 = arith.constant 0 : i32
        %dma_start3A_434 = tpu.memref_slice %arg7[%dma_start3A_432, %dma_start3A_433] : memref<512x32xf32, #tpu.memory_space<vmem>> -> memref<128x32xf32, #tpu.memory_space<vmem>>
        %dma_start3A_435 = arith.constant 0 : i32
        %dma_start3A_436 = tpu.memref_slice %arg5[%dma_start3A_431, %dma_start3A_435] : memref<4x128xi32, #tpu.memory_space<vmem>> -> memref<1x128xi32, #tpu.memory_space<vmem>>
        %dma_start3A_437 = tpu.memref_squeeze %dma_start3A_436 : memref<1x128xi32, #tpu.memory_space<vmem>> -> memref<128xi32, #tpu.memory_space<vmem>>
        %dma_start3A_438 = arith.constant 0 : i32
        %dma_start3A_439 = arith.constant 0 : i32
        %dma_start3A_440 = tpu.memref_slice %arg3[%dma_start3A_438, %dma_start3A_439] : memref<1000000x32xf32, #tpu.memory_space<hbm>> -> memref<1000000x32xf32, #tpu.memory_space<hbm>>
        tpu.enqueue_indirect_dma source(%dma_start3A_440 : memref<1000000x32xf32, #tpu.memory_space<hbm>>) target(%dma_start3A_434 : memref<128x32xf32, #tpu.memory_space<vmem>>) offsets(%dma_start3A_437 : memref<128xi32, #tpu.memory_space<vmem>>) semaphore(%arg11 : memref<!tpu.dma_semaphore, #tpu.memory_space<semaphore_mem>>)
        %dma_start3A_441 = arith.constant 1 : i32
        %dma_start3A_442 = arith.constant 128 : i32
        %dma_start3A_443 = arith.constant 0 : i32
        %dma_start3A_444 = tpu.memref_slice %arg7[%dma_start3A_442, %dma_start3A_443] : memref<512x32xf32, #tpu.memory_space<vmem>> -> memref<128x32xf32, #tpu.memory_space<vmem>>
        %dma_start3A_445 = arith.constant 0 : i32
        %dma_start3A_446 = tpu.memref_slice %arg5[%dma_start3A_441, %dma_start3A_445] : memref<4x128xi32, #tpu.memory_space<vmem>> -> memref<1x128xi32, #tpu.memory_space<vmem>>
        %dma_start3A_447 = tpu.memref_squeeze %dma_start3A_446 : memref<1x128xi32, #tpu.memory_space<vmem>> -> memref<128xi32, #tpu.memory_space<vmem>>
        %dma_start3A_448 = arith.constant 0 : i32
        %dma_start3A_449 = arith.constant 0 : i32
        %dma_start3A_450 = tpu.memref_slice %arg3[%dma_start3A_448, %dma_start3A_449] : memref<1000000x32xf32, #tpu.memory_space<hbm>> -> memref<1000000x32xf32, #tpu.memory_space<hbm>>
        tpu.enqueue_indirect_dma source(%dma_start3A_450 : memref<1000000x32xf32, #tpu.memory_space<hbm>>) target(%dma_start3A_444 : memref<128x32xf32, #tpu.memory_space<vmem>>) offsets(%dma_start3A_447 : memref<128xi32, #tpu.memory_space<vmem>>) semaphore(%arg11 : memref<!tpu.dma_semaphore, #tpu.memory_space<semaphore_mem>>)
        %dma_start3A_451 = arith.constant 2 : i32
        %dma_start3A_452 = arith.constant 256 : i32
        %dma_start3A_453 = arith.constant 0 : i32
        %dma_start3A_454 = tpu.memref_slice %arg7[%dma_start3A_452, %dma_start3A_453] : memref<512x32xf32, #tpu.memory_space<vmem>> -> memref<128x32xf32, #tpu.memory_space<vmem>>
        %dma_start3A_455 = arith.constant 0 : i32
        %dma_start3A_456 = tpu.memref_slice %arg5[%dma_start3A_451, %dma_start3A_455] : memref<4x128xi32, #tpu.memory_space<vmem>> -> memref<1x128xi32, #tpu.memory_space<vmem>>
        %dma_start3A_457 = tpu.memref_squeeze %dma_start3A_456 : memref<1x128xi32, #tpu.memory_space<vmem>> -> memref<128xi32, #tpu.memory_space<vmem>>
        %dma_start3A_458 = arith.constant 0 : i32
        %dma_start3A_459 = arith.constant 0 : i32
        %dma_start3A_460 = tpu.memref_slice %arg3[%dma_start3A_458, %dma_start3A_459] : memref<1000000x32xf32, #tpu.memory_space<hbm>> -> memref<1000000x32xf32, #tpu.memory_space<hbm>>
        tpu.enqueue_indirect_dma source(%dma_start3A_460 : memref<1000000x32xf32, #tpu.memory_space<hbm>>) target(%dma_start3A_454 : memref<128x32xf32, #tpu.memory_space<vmem>>) offsets(%dma_start3A_457 : memref<128xi32, #tpu.memory_space<vmem>>) semaphore(%arg11 : memref<!tpu.dma_semaphore, #tpu.memory_space<semaphore_mem>>)
        %dma_start3A_461 = arith.constant 3 : i32
        %dma_start3A_462 = arith.constant 384 : i32
        %dma_start3A_463 = arith.constant 0 : i32
        %dma_start3A_464 = tpu.memref_slice %arg7[%dma_start3A_462, %dma_start3A_463] : memref<512x32xf32, #tpu.memory_space<vmem>> -> memref<128x32xf32, #tpu.memory_space<vmem>>
        %dma_start3A_465 = arith.constant 0 : i32
        %dma_start3A_466 = tpu.memref_slice %arg5[%dma_start3A_461, %dma_start3A_465] : memref<4x128xi32, #tpu.memory_space<vmem>> -> memref<1x128xi32, #tpu.memory_space<vmem>>
        %dma_start3A_467 = tpu.memref_squeeze %dma_start3A_466 : memref<1x128xi32, #tpu.memory_space<vmem>> -> memref<128xi32, #tpu.memory_space<vmem>>
        %dma_start3A_468 = arith.constant 0 : i32
        %dma_start3A_469 = arith.constant 0 : i32
        %dma_start3A_470 = tpu.memref_slice %arg3[%dma_start3A_468, %dma_start3A_469] : memref<1000000x32xf32, #tpu.memory_space<hbm>> -> memref<1000000x32xf32, #tpu.memory_space<hbm>>
        tpu.enqueue_indirect_dma source(%dma_start3A_470 : memref<1000000x32xf32, #tpu.memory_space<hbm>>) target(%dma_start3A_464 : memref<128x32xf32, #tpu.memory_space<vmem>>) offsets(%dma_start3A_467 : memref<128xi32, #tpu.memory_space<vmem>>) semaphore(%arg11 : memref<!tpu.dma_semaphore, #tpu.memory_space<semaphore_mem>>)
      } else {
      }
      %dma_wait3A_300 = arith.constant 0 : i32
      %dma_wait3A_301 = arith.constant 0 : i32
      %dma_wait3A_302 = arith.constant 0 : i32
      %dma_wait3A_303 = tpu.memref_slice %arg8[%dma_wait3A_301, %dma_wait3A_302] : memref<512x32xf32, #tpu.memory_space<vmem>> -> memref<128x32xf32, #tpu.memory_space<vmem>>
      %dma_wait3A_304 = arith.constant 0 : i32
      %dma_wait3A_305 = tpu.memref_slice %arg6[%dma_wait3A_300, %dma_wait3A_304] : memref<4x128xi32, #tpu.memory_space<vmem>> -> memref<1x128xi32, #tpu.memory_space<vmem>>
      %dma_wait3A_306 = tpu.memref_squeeze %dma_wait3A_305 : memref<1x128xi32, #tpu.memory_space<vmem>> -> memref<128xi32, #tpu.memory_space<vmem>>
      %dma_wait3A_307 = arith.constant 0 : i32
      %dma_wait3A_308 = arith.constant 0 : i32
      %dma_wait3A_309 = tpu.memref_slice %arg3[%dma_wait3A_307, %dma_wait3A_308] : memref<1000000x32xf32, #tpu.memory_space<hbm>> -> memref<1000000x32xf32, #tpu.memory_space<hbm>>
      tpu.wait_indirect_dma semaphore(%arg12 : memref<!tpu.dma_semaphore, #tpu.memory_space<semaphore_mem>>) src(%dma_wait3A_309 : memref<1000000x32xf32, #tpu.memory_space<hbm>>) dst(%dma_wait3A_303 : memref<128x32xf32, #tpu.memory_space<vmem>>)
      %dma_wait3A_310 = arith.constant 1 : i32
      %dma_wait3A_311 = arith.constant 128 : i32
      %dma_wait3A_312 = arith.constant 0 : i32
      %dma_wait3A_313 = tpu.memref_slice %arg8[%dma_wait3A_311, %dma_wait3A_312] : memref<512x32xf32, #tpu.memory_space<vmem>> -> memref<128x32xf32, #tpu.memory_space<vmem>>
      %dma_wait3A_314 = arith.constant 0 : i32
      %dma_wait3A_315 = tpu.memref_slice %arg6[%dma_wait3A_310, %dma_wait3A_314] : memref<4x128xi32, #tpu.memory_space<vmem>> -> memref<1x128xi32, #tpu.memory_space<vmem>>
      %dma_wait3A_316 = tpu.memref_squeeze %dma_wait3A_315 : memref<1x128xi32, #tpu.memory_space<vmem>> -> memref<128xi32, #tpu.memory_space<vmem>>
      %dma_wait3A_317 = arith.constant 0 : i32
      %dma_wait3A_318 = arith.constant 0 : i32
      %dma_wait3A_319 = tpu.memref_slice %arg3[%dma_wait3A_317, %dma_wait3A_318] : memref<1000000x32xf32, #tpu.memory_space<hbm>> -> memref<1000000x32xf32, #tpu.memory_space<hbm>>
      tpu.wait_indirect_dma semaphore(%arg12 : memref<!tpu.dma_semaphore, #tpu.memory_space<semaphore_mem>>) src(%dma_wait3A_319 : memref<1000000x32xf32, #tpu.memory_space<hbm>>) dst(%dma_wait3A_313 : memref<128x32xf32, #tpu.memory_space<vmem>>)
      %dma_wait3A_320 = arith.constant 2 : i32
      %dma_wait3A_321 = arith.constant 256 : i32
      %dma_wait3A_322 = arith.constant 0 : i32
      %dma_wait3A_323 = tpu.memref_slice %arg8[%dma_wait3A_321, %dma_wait3A_322] : memref<512x32xf32, #tpu.memory_space<vmem>> -> memref<128x32xf32, #tpu.memory_space<vmem>>
      %dma_wait3A_324 = arith.constant 0 : i32
      %dma_wait3A_325 = tpu.memref_slice %arg6[%dma_wait3A_320, %dma_wait3A_324] : memref<4x128xi32, #tpu.memory_space<vmem>> -> memref<1x128xi32, #tpu.memory_space<vmem>>
      %dma_wait3A_326 = tpu.memref_squeeze %dma_wait3A_325 : memref<1x128xi32, #tpu.memory_space<vmem>> -> memref<128xi32, #tpu.memory_space<vmem>>
      %dma_wait3A_327 = arith.constant 0 : i32
      %dma_wait3A_328 = arith.constant 0 : i32
      %dma_wait3A_329 = tpu.memref_slice %arg3[%dma_wait3A_327, %dma_wait3A_328] : memref<1000000x32xf32, #tpu.memory_space<hbm>> -> memref<1000000x32xf32, #tpu.memory_space<hbm>>
      tpu.wait_indirect_dma semaphore(%arg12 : memref<!tpu.dma_semaphore, #tpu.memory_space<semaphore_mem>>) src(%dma_wait3A_329 : memref<1000000x32xf32, #tpu.memory_space<hbm>>) dst(%dma_wait3A_323 : memref<128x32xf32, #tpu.memory_space<vmem>>)
      %dma_wait3A_330 = arith.constant 3 : i32
      %dma_wait3A_331 = arith.constant 384 : i32
      %dma_wait3A_332 = arith.constant 0 : i32
      %dma_wait3A_333 = tpu.memref_slice %arg8[%dma_wait3A_331, %dma_wait3A_332] : memref<512x32xf32, #tpu.memory_space<vmem>> -> memref<128x32xf32, #tpu.memory_space<vmem>>
      %dma_wait3A_334 = arith.constant 0 : i32
      %dma_wait3A_335 = tpu.memref_slice %arg6[%dma_wait3A_330, %dma_wait3A_334] : memref<4x128xi32, #tpu.memory_space<vmem>> -> memref<1x128xi32, #tpu.memory_space<vmem>>
      %dma_wait3A_336 = tpu.memref_squeeze %dma_wait3A_335 : memref<1x128xi32, #tpu.memory_space<vmem>> -> memref<128xi32, #tpu.memory_space<vmem>>
      %dma_wait3A_337 = arith.constant 0 : i32
      %dma_wait3A_338 = arith.constant 0 : i32
      %dma_wait3A_339 = tpu.memref_slice %arg3[%dma_wait3A_337, %dma_wait3A_338] : memref<1000000x32xf32, #tpu.memory_space<hbm>> -> memref<1000000x32xf32, #tpu.memory_space<hbm>>
      tpu.wait_indirect_dma semaphore(%arg12 : memref<!tpu.dma_semaphore, #tpu.memory_space<semaphore_mem>>) src(%dma_wait3A_339 : memref<1000000x32xf32, #tpu.memory_space<hbm>>) dst(%dma_wait3A_333 : memref<128x32xf32, #tpu.memory_space<vmem>>)
      %ge3A_340 = arith.constant 2 : i32
      %ge3A_341 = arith.cmpi sge, %add3A_292, %ge3A_340 : i32
      %convert_element_type3A_342 = arith.extui %ge3A_341 : i1 to i32
      %cond3A_343 = arith.constant 0 : i32
      %cond3A_344 = arith.cmpi ne, %convert_element_type3A_342, %cond3A_343 : i32
      scf.if %cond3A_344 {
        %dma_wait3A_387 = arith.constant 0 : i32
        %dma_wait3A_388 = arith.constant 0 : i32
        %dma_wait3A_389 = arith.constant 0 : i32
        %dma_wait3A_390 = arith.constant 0 : i32
        %dma_wait3A_391 = tpu.memref_slice %arg10[%dma_wait3A_387, %dma_wait3A_388, %dma_wait3A_389, %dma_wait3A_390] : memref<4x4x8x129xf32, #tpu.memory_space<vmem>> -> memref<4x4x8x128xf32, #tpu.memory_space<vmem>>
        %dma_wait3A_392 = arith.constant 0 : i32
        %dma_wait3A_393 = arith.constant 0 : i32
        %dma_wait3A_394 = arith.constant 0 : i32
        %dma_wait3A_395 = arith.constant 0 : i32
        %dma_wait3A_396 = tpu.memref_slice %arg4[%dma_wait3A_392, %dma_wait3A_393, %add3A, %dma_wait3A_394, %dma_wait3A_395] : memref<200x4x32x8x128xf32, #tpu.memory_space<hbm>> -> memref<4x4x1x8x128xf32, #tpu.memory_space<hbm>>
        %dma_wait3A_397 = tpu.memref_squeeze %dma_wait3A_396 : memref<4x4x1x8x128xf32, #tpu.memory_space<hbm>> -> memref<4x4x8x128xf32, #tpu.memory_space<hbm>>
        %dma_wait3A_398 = arith.constant 0 : i32
        %dma_wait3A_399 = arith.constant 0 : i32
        %dma_wait3A_400 = arith.constant 0 : i32
        %dma_wait3A_401 = arith.constant 0 : i32
        %dma_wait3A_402 = tpu.memref_slice %arg4[%dma_wait3A_398, %dma_wait3A_399, %add3A, %dma_wait3A_400, %dma_wait3A_401] : memref<200x4x32x8x128xf32, #tpu.memory_space<hbm>> -> memref<4x4x1x8x128xf32, #tpu.memory_space<hbm>>
        %dma_wait3A_403 = tpu.memref_squeeze %dma_wait3A_402 : memref<4x4x1x8x128xf32, #tpu.memory_space<hbm>> -> memref<4x4x8x128xf32, #tpu.memory_space<hbm>>
        %dma_wait3A_404 = arith.constant 0 : i32
        %dma_wait3A_405 = arith.constant 0 : i32
        %dma_wait3A_406 = arith.constant 0 : i32
        %dma_wait3A_407 = arith.constant 0 : i32
        %dma_wait3A_408 = tpu.memref_slice %arg10[%dma_wait3A_404, %dma_wait3A_405, %dma_wait3A_406, %dma_wait3A_407] : memref<4x4x8x129xf32, #tpu.memory_space<vmem>> -> memref<4x4x8x128xf32, #tpu.memory_space<vmem>>
        tpu.wait_dma2 semaphore(%arg14 : memref<!tpu.dma_semaphore, #tpu.memory_space<semaphore_mem>>) src(%dma_wait3A_408 : memref<4x4x8x128xf32, #tpu.memory_space<vmem>>) dst(%dma_wait3A_403 : memref<4x4x8x128xf32, #tpu.memory_space<hbm>>)
      } else {
      }
      %scan3A_345 = arith.constant 0 : i32
      %scan3A_346 = arith.constant 128 : i32
      %scan3A_347 = arith.addi %scan3A_345, %scan3A_346 : i32
      %scan3A_348 = arith.constant 8 : i32
      scf.for %scan3A_387 = %scan3A_345 to %scan3A_347 step %scan3A_348  : i32 {
        %mul3A_388 = arith.constant 1 : i32
        %mul3A_389 = arith.muli %scan3A_387, %mul3A_388 : i32
        %add3A_390 = arith.constant 0 : i32
        %add3A_391 = arith.addi %add3A_390, %mul3A_389 : i32
        %broadcast_in_dim3A = vector.broadcast %add3A_391 : i32 to vector<16xi32>
        %add3A_392 = arith.constant 0 : i32
        %add3A_393 = arith.addi %add3A_392, %add3A_391 : i32
        %get3A = arith.index_cast %add3A_393 : i32 to index
        %get3A_394 = arith.constant 0 : index
        %get3A_395 = tpu.vector_load %arg8[%get3A, %get3A_394] {strides = array<i32>} : memref<512x32xf32, #tpu.memory_space<vmem>>, vector<16xf32>,
        %mul3A_396 = arith.constant 5.65685415 : f32
        %mul3A_397 = vector.broadcast %mul3A_396 : f32 to vector<16xf32>
        %mul3A_398 = arith.mulf %get3A_395, %mul3A_397 : vector<16xf32>
        %scatter3A = arith.constant 0 : i32
        %scatter3A_399 = arith.constant 0 : i32
        %scatter3A_400 = arith.constant 0 : i32
        %scatter3A_401 = arith.constant 0 : i32
        %scatter3A_402 = tpu.memref_slice %arg10[%scatter3A, %scatter3A_399, %scatter3A_400, %scatter3A_401] : memref<4x4x8x129xf32, #tpu.memory_space<vmem>> -> memref<1x4x8x129xf32, #tpu.memory_space<vmem>>
        %scatter3A_403 = tpu.memref_squeeze %scatter3A_402 : memref<1x4x8x129xf32, #tpu.memory_space<vmem>> -> memref<4x8x129xf32, #tpu.memory_space<vmem>>
        tpu.vector_store_idx %scatter3A_403[%select_n3A, %select_n3A_83, %broadcast_in_dim3A], %mul3A_398 : memref<4x8x129xf32, #tpu.memory_space<vmem>>[vector<16xi32>, vector<16xi32>, vector<16xi32>], vector<16xf32>,
        %add3A_404 = arith.constant 0 : i32
        %add3A_405 = arith.addi %add3A_404, %add3A_391 : i32
        %get3A_406 = arith.index_cast %add3A_405 : i32 to index
        %get3A_407 = arith.constant 16 : index
        %get3A_408 = tpu.vector_load %arg8[%get3A_406, %get3A_407] {strides = array<i32>} : memref<512x32xf32, #tpu.memory_space<vmem>>, vector<16xf32>,
        %mul3A_409 = arith.constant 5.65685415 : f32
        %mul3A_410 = vector.broadcast %mul3A_409 : f32 to vector<16xf32>
        %mul3A_411 = arith.mulf %get3A_408, %mul3A_410 : vector<16xf32>
        %scatter3A_412 = arith.constant 0 : i32
        %scatter3A_413 = arith.constant 0 : i32
        %scatter3A_414 = arith.constant 0 : i32
        %scatter3A_415 = arith.constant 0 : i32
        %scatter3A_416 = tpu.memref_slice %arg10[%scatter3A_412, %scatter3A_413, %scatter3A_414, %scatter3A_415] : memref<4x4x8x129xf32, #tpu.memory_space<vmem>> -> memref<1x4x8x129xf32, #tpu.memory_space<vmem>>
        %scatter3A_417 = tpu.memref_squeeze %scatter3A_416 : memref<1x4x8x129xf32, #tpu.memory_space<vmem>> -> memref<4x8x129xf32, #tpu.memory_space<vmem>>
        tpu.vector_store_idx %scatter3A_417[%select_n3A_60, %select_n3A_108, %broadcast_in_dim3A], %mul3A_411 : memref<4x8x129xf32, #tpu.memory_space<vmem>>[vector<16xi32>, vector<16xi32>, vector<16xi32>], vector<16xf32>,
        %scan3A_418 = arith.constant 1 : i32
        %scan3A_419 = arith.addi %scan3A_387, %scan3A_418 : i32
        %mul3A_420 = arith.constant 1 : i32
        %mul3A_421 = arith.muli %scan3A_419, %mul3A_420 : i32
        %add3A_422 = arith.constant 0 : i32
        %add3A_423 = arith.addi %add3A_422, %mul3A_421 : i32
        %broadcast_in_dim3A_424 = vector.broadcast %add3A_423 : i32 to vector<16xi32>
        %add3A_425 = arith.constant 0 : i32
        %add3A_426 = arith.addi %add3A_425, %add3A_423 : i32
        %get3A_427 = arith.index_cast %add3A_426 : i32 to index
        %get3A_428 = arith.constant 0 : index
        %get3A_429 = tpu.vector_load %arg8[%get3A_427, %get3A_428] {strides = array<i32>} : memref<512x32xf32, #tpu.memory_space<vmem>>, vector<16xf32>,
        %mul3A_430 = arith.constant 5.65685415 : f32
        %mul3A_431 = vector.broadcast %mul3A_430 : f32 to vector<16xf32>
        %mul3A_432 = arith.mulf %get3A_429, %mul3A_431 : vector<16xf32>
        %scatter3A_433 = arith.constant 0 : i32
        %scatter3A_434 = arith.constant 0 : i32
        %scatter3A_435 = arith.constant 0 : i32
        %scatter3A_436 = arith.constant 0 : i32
        %scatter3A_437 = tpu.memref_slice %arg10[%scatter3A_433, %scatter3A_434, %scatter3A_435, %scatter3A_436] : memref<4x4x8x129xf32, #tpu.memory_space<vmem>> -> memref<1x4x8x129xf32, #tpu.memory_space<vmem>>
        %scatter3A_438 = tpu.memref_squeeze %scatter3A_437 : memref<1x4x8x129xf32, #tpu.memory_space<vmem>> -> memref<4x8x129xf32, #tpu.memory_space<vmem>>
        tpu.vector_store_idx %scatter3A_438[%select_n3A, %select_n3A_83, %broadcast_in_dim3A_424], %mul3A_432 : memref<4x8x129xf32, #tpu.memory_space<vmem>>[vector<16xi32>, vector<16xi32>, vector<16xi32>], vector<16xf32>,
        %add3A_439 = arith.constant 0 : i32
        %add3A_440 = arith.addi %add3A_439, %add3A_423 : i32
        %get3A_441 = arith.index_cast %add3A_440 : i32 to index
        %get3A_442 = arith.constant 16 : index
        %get3A_443 = tpu.vector_load %arg8[%get3A_441, %get3A_442] {strides = array<i32>} : memref<512x32xf32, #tpu.memory_space<vmem>>, vector<16xf32>,
        %mul3A_444 = arith.constant 5.65685415 : f32
        %mul3A_445 = vector.broadcast %mul3A_444 : f32 to vector<16xf32>
        %mul3A_446 = arith.mulf %get3A_443, %mul3A_445 : vector<16xf32>
        %scatter3A_447 = arith.constant 0 : i32
        %scatter3A_448 = arith.constant 0 : i32
        %scatter3A_449 = arith.constant 0 : i32
        %scatter3A_450 = arith.constant 0 : i32
        %scatter3A_451 = tpu.memref_slice %arg10[%scatter3A_447, %scatter3A_448, %scatter3A_449, %scatter3A_450] : memref<4x4x8x129xf32, #tpu.memory_space<vmem>> -> memref<1x4x8x129xf32, #tpu.memory_space<vmem>>
        %scatter3A_452 = tpu.memref_squeeze %scatter3A_451 : memref<1x4x8x129xf32, #tpu.memory_space<vmem>> -> memref<4x8x129xf32, #tpu.memory_space<vmem>>
        tpu.vector_store_idx %scatter3A_452[%select_n3A_60, %select_n3A_108, %broadcast_in_dim3A_424], %mul3A_446 : memref<4x8x129xf32, #tpu.memory_space<vmem>>[vector<16xi32>, vector<16xi32>, vector<16xi32>], vector<16xf32>,
        %scan3A_453 = arith.constant 2 : i32
        %scan3A_454 = arith.addi %scan3A_387, %scan3A_453 : i32
        %mul3A_455 = arith.constant 1 : i32
        %mul3A_456 = arith.muli %scan3A_454, %mul3A_455 : i32
        %add3A_457 = arith.constant 0 : i32
        %add3A_458 = arith.addi %add3A_457, %mul3A_456 : i32
        %broadcast_in_dim3A_459 = vector.broadcast %add3A_458 : i32 to vector<16xi32>
        %add3A_460 = arith.constant 0 : i32
        %add3A_461 = arith.addi %add3A_460, %add3A_458 : i32
        %get3A_462 = arith.index_cast %add3A_461 : i32 to index
        %get3A_463 = arith.constant 0 : index
        %get3A_464 = tpu.vector_load %arg8[%get3A_462, %get3A_463] {strides = array<i32>} : memref<512x32xf32, #tpu.memory_space<vmem>>, vector<16xf32>,
        %mul3A_465 = arith.constant 5.65685415 : f32
        %mul3A_466 = vector.broadcast %mul3A_465 : f32 to vector<16xf32>
        %mul3A_467 = arith.mulf %get3A_464, %mul3A_466 : vector<16xf32>
        %scatter3A_468 = arith.constant 0 : i32
        %scatter3A_469 = arith.constant 0 : i32
        %scatter3A_470 = arith.constant 0 : i32
        %scatter3A_471 = arith.constant 0 : i32
        %scatter3A_472 = tpu.memref_slice %arg10[%scatter3A_468, %scatter3A_469, %scatter3A_470, %scatter3A_471] : memref<4x4x8x129xf32, #tpu.memory_space<vmem>> -> memref<1x4x8x129xf32, #tpu.memory_space<vmem>>
        %scatter3A_473 = tpu.memref_squeeze %scatter3A_472 : memref<1x4x8x129xf32, #tpu.memory_space<vmem>> -> memref<4x8x129xf32, #tpu.memory_space<vmem>>
        tpu.vector_store_idx %scatter3A_473[%select_n3A, %select_n3A_83, %broadcast_in_dim3A_459], %mul3A_467 : memref<4x8x129xf32, #tpu.memory_space<vmem>>[vector<16xi32>, vector<16xi32>, vector<16xi32>], vector<16xf32>,
        %add3A_474 = arith.constant 0 : i32
        %add3A_475 = arith.addi %add3A_474, %add3A_458 : i32
        %get3A_476 = arith.index_cast %add3A_475 : i32 to index
        %get3A_477 = arith.constant 16 : index
        %get3A_478 = tpu.vector_load %arg8[%get3A_476, %get3A_477] {strides = array<i32>} : memref<512x32xf32, #tpu.memory_space<vmem>>, vector<16xf32>,
        %mul3A_479 = arith.constant 5.65685415 : f32
        %mul3A_480 = vector.broadcast %mul3A_479 : f32 to vector<16xf32>
        %mul3A_481 = arith.mulf %get3A_478, %mul3A_480 : vector<16xf32>
        %scatter3A_482 = arith.constant 0 : i32
        %scatter3A_483 = arith.constant 0 : i32
        %scatter3A_484 = arith.constant 0 : i32
        %scatter3A_485 = arith.constant 0 : i32
        %scatter3A_486 = tpu.memref_slice %arg10[%scatter3A_482, %scatter3A_483, %scatter3A_484, %scatter3A_485] : memref<4x4x8x129xf32, #tpu.memory_space<vmem>> -> memref<1x4x8x129xf32, #tpu.memory_space<vmem>>
        %scatter3A_487 = tpu.memref_squeeze %scatter3A_486 : memref<1x4x8x129xf32, #tpu.memory_space<vmem>> -> memref<4x8x129xf32, #tpu.memory_space<vmem>>
        tpu.vector_store_idx %scatter3A_487[%select_n3A_60, %select_n3A_108, %broadcast_in_dim3A_459], %mul3A_481 : memref<4x8x129xf32, #tpu.memory_space<vmem>>[vector<16xi32>, vector<16xi32>, vector<16xi32>], vector<16xf32>,
        %scan3A_488 = arith.constant 3 : i32
        %scan3A_489 = arith.addi %scan3A_387, %scan3A_488 : i32
        %mul3A_490 = arith.constant 1 : i32
        %mul3A_491 = arith.muli %scan3A_489, %mul3A_490 : i32
        %add3A_492 = arith.constant 0 : i32
        %add3A_493 = arith.addi %add3A_492, %mul3A_491 : i32
        %broadcast_in_dim3A_494 = vector.broadcast %add3A_493 : i32 to vector<16xi32>
        %add3A_495 = arith.constant 0 : i32
        %add3A_496 = arith.addi %add3A_495, %add3A_493 : i32
        %get3A_497 = arith.index_cast %add3A_496 : i32 to index
        %get3A_498 = arith.constant 0 : index
        %get3A_499 = tpu.vector_load %arg8[%get3A_497, %get3A_498] {strides = array<i32>} : memref<512x32xf32, #tpu.memory_space<vmem>>, vector<16xf32>,
        %mul3A_500 = arith.constant 5.65685415 : f32
        %mul3A_501 = vector.broadcast %mul3A_500 : f32 to vector<16xf32>
        %mul3A_502 = arith.mulf %get3A_499, %mul3A_501 : vector<16xf32>
        %scatter3A_503 = arith.constant 0 : i32
        %scatter3A_504 = arith.constant 0 : i32
        %scatter3A_505 = arith.constant 0 : i32
        %scatter3A_506 = arith.constant 0 : i32
        %scatter3A_507 = tpu.memref_slice %arg10[%scatter3A_503, %scatter3A_504, %scatter3A_505, %scatter3A_506] : memref<4x4x8x129xf32, #tpu.memory_space<vmem>> -> memref<1x4x8x129xf32, #tpu.memory_space<vmem>>
        %scatter3A_508 = tpu.memref_squeeze %scatter3A_507 : memref<1x4x8x129xf32, #tpu.memory_space<vmem>> -> memref<4x8x129xf32, #tpu.memory_space<vmem>>
        tpu.vector_store_idx %scatter3A_508[%select_n3A, %select_n3A_83, %broadcast_in_dim3A_494], %mul3A_502 : memref<4x8x129xf32, #tpu.memory_space<vmem>>[vector<16xi32>, vector<16xi32>, vector<16xi32>], vector<16xf32>,
        %add3A_509 = arith.constant 0 : i32
        %add3A_510 = arith.addi %add3A_509, %add3A_493 : i32
        %get3A_511 = arith.index_cast %add3A_510 : i32 to index
        %get3A_512 = arith.constant 16 : index
        %get3A_513 = tpu.vector_load %arg8[%get3A_511, %get3A_512] {strides = array<i32>} : memref<512x32xf32, #tpu.memory_space<vmem>>, vector<16xf32>,
        %mul3A_514 = arith.constant 5.65685415 : f32
        %mul3A_515 = vector.broadcast %mul3A_514 : f32 to vector<16xf32>
        %mul3A_516 = arith.mulf %get3A_513, %mul3A_515 : vector<16xf32>
        %scatter3A_517 = arith.constant 0 : i32
        %scatter3A_518 = arith.constant 0 : i32
        %scatter3A_519 = arith.constant 0 : i32
        %scatter3A_520 = arith.constant 0 : i32
        %scatter3A_521 = tpu.memref_slice %arg10[%scatter3A_517, %scatter3A_518, %scatter3A_519, %scatter3A_520] : memref<4x4x8x129xf32, #tpu.memory_space<vmem>> -> memref<1x4x8x129xf32, #tpu.memory_space<vmem>>
        %scatter3A_522 = tpu.memref_squeeze %scatter3A_521 : memref<1x4x8x129xf32, #tpu.memory_space<vmem>> -> memref<4x8x129xf32, #tpu.memory_space<vmem>>
        tpu.vector_store_idx %scatter3A_522[%select_n3A_60, %select_n3A_108, %broadcast_in_dim3A_494], %mul3A_516 : memref<4x8x129xf32, #tpu.memory_space<vmem>>[vector<16xi32>, vector<16xi32>, vector<16xi32>], vector<16xf32>,
        %scan3A_523 = arith.constant 4 : i32
        %scan3A_524 = arith.addi %scan3A_387, %scan3A_523 : i32
        %mul3A_525 = arith.constant 1 : i32
        %mul3A_526 = arith.muli %scan3A_524, %mul3A_525 : i32
        %add3A_527 = arith.constant 0 : i32
        %add3A_528 = arith.addi %add3A_527, %mul3A_526 : i32
        %broadcast_in_dim3A_529 = vector.broadcast %add3A_528 : i32 to vector<16xi32>
        %add3A_530 = arith.constant 0 : i32
        %add3A_531 = arith.addi %add3A_530, %add3A_528 : i32
        %get3A_532 = arith.index_cast %add3A_531 : i32 to index
        %get3A_533 = arith.constant 0 : index
        %get3A_534 = tpu.vector_load %arg8[%get3A_532, %get3A_533] {strides = array<i32>} : memref<512x32xf32, #tpu.memory_space<vmem>>, vector<16xf32>,
        %mul3A_535 = arith.constant 5.65685415 : f32
        %mul3A_536 = vector.broadcast %mul3A_535 : f32 to vector<16xf32>
        %mul3A_537 = arith.mulf %get3A_534, %mul3A_536 : vector<16xf32>
        %scatter3A_538 = arith.constant 0 : i32
        %scatter3A_539 = arith.constant 0 : i32
        %scatter3A_540 = arith.constant 0 : i32
        %scatter3A_541 = arith.constant 0 : i32
        %scatter3A_542 = tpu.memref_slice %arg10[%scatter3A_538, %scatter3A_539, %scatter3A_540, %scatter3A_541] : memref<4x4x8x129xf32, #tpu.memory_space<vmem>> -> memref<1x4x8x129xf32, #tpu.memory_space<vmem>>
        %scatter3A_543 = tpu.memref_squeeze %scatter3A_542 : memref<1x4x8x129xf32, #tpu.memory_space<vmem>> -> memref<4x8x129xf32, #tpu.memory_space<vmem>>
        tpu.vector_store_idx %scatter3A_543[%select_n3A, %select_n3A_83, %broadcast_in_dim3A_529], %mul3A_537 : memref<4x8x129xf32, #tpu.memory_space<vmem>>[vector<16xi32>, vector<16xi32>, vector<16xi32>], vector<16xf32>,
        %add3A_544 = arith.constant 0 : i32
        %add3A_545 = arith.addi %add3A_544, %add3A_528 : i32
        %get3A_546 = arith.index_cast %add3A_545 : i32 to index
        %get3A_547 = arith.constant 16 : index
        %get3A_548 = tpu.vector_load %arg8[%get3A_546, %get3A_547] {strides = array<i32>} : memref<512x32xf32, #tpu.memory_space<vmem>>, vector<16xf32>,
        %mul3A_549 = arith.constant 5.65685415 : f32
        %mul3A_550 = vector.broadcast %mul3A_549 : f32 to vector<16xf32>
        %mul3A_551 = arith.mulf %get3A_548, %mul3A_550 : vector<16xf32>
        %scatter3A_552 = arith.constant 0 : i32
        %scatter3A_553 = arith.constant 0 : i32
        %scatter3A_554 = arith.constant 0 : i32
        %scatter3A_555 = arith.constant 0 : i32
        %scatter3A_556 = tpu.memref_slice %arg10[%scatter3A_552, %scatter3A_553, %scatter3A_554, %scatter3A_555] : memref<4x4x8x129xf32, #tpu.memory_space<vmem>> -> memref<1x4x8x129xf32, #tpu.memory_space<vmem>>
        %scatter3A_557 = tpu.memref_squeeze %scatter3A_556 : memref<1x4x8x129xf32, #tpu.memory_space<vmem>> -> memref<4x8x129xf32, #tpu.memory_space<vmem>>
        tpu.vector_store_idx %scatter3A_557[%select_n3A_60, %select_n3A_108, %broadcast_in_dim3A_529], %mul3A_551 : memref<4x8x129xf32, #tpu.memory_space<vmem>>[vector<16xi32>, vector<16xi32>, vector<16xi32>], vector<16xf32>,
        %scan3A_558 = arith.constant 5 : i32
        %scan3A_559 = arith.addi %scan3A_387, %scan3A_558 : i32
        %mul3A_560 = arith.constant 1 : i32
        %mul3A_561 = arith.muli %scan3A_559, %mul3A_560 : i32
        %add3A_562 = arith.constant 0 : i32
        %add3A_563 = arith.addi %add3A_562, %mul3A_561 : i32
        %broadcast_in_dim3A_564 = vector.broadcast %add3A_563 : i32 to vector<16xi32>
        %add3A_565 = arith.constant 0 : i32
        %add3A_566 = arith.addi %add3A_565, %add3A_563 : i32
        %get3A_567 = arith.index_cast %add3A_566 : i32 to index
        %get3A_568 = arith.constant 0 : index
        %get3A_569 = tpu.vector_load %arg8[%get3A_567, %get3A_568] {strides = array<i32>} : memref<512x32xf32, #tpu.memory_space<vmem>>, vector<16xf32>,
        %mul3A_570 = arith.constant 5.65685415 : f32
        %mul3A_571 = vector.broadcast %mul3A_570 : f32 to vector<16xf32>
        %mul3A_572 = arith.mulf %get3A_569, %mul3A_571 : vector<16xf32>
        %scatter3A_573 = arith.constant 0 : i32
        %scatter3A_574 = arith.constant 0 : i32
        %scatter3A_575 = arith.constant 0 : i32
        %scatter3A_576 = arith.constant 0 : i32
        %scatter3A_577 = tpu.memref_slice %arg10[%scatter3A_573, %scatter3A_574, %scatter3A_575, %scatter3A_576] : memref<4x4x8x129xf32, #tpu.memory_space<vmem>> -> memref<1x4x8x129xf32, #tpu.memory_space<vmem>>
        %scatter3A_578 = tpu.memref_squeeze %scatter3A_577 : memref<1x4x8x129xf32, #tpu.memory_space<vmem>> -> memref<4x8x129xf32, #tpu.memory_space<vmem>>
        tpu.vector_store_idx %scatter3A_578[%select_n3A, %select_n3A_83, %broadcast_in_dim3A_564], %mul3A_572 : memref<4x8x129xf32, #tpu.memory_space<vmem>>[vector<16xi32>, vector<16xi32>, vector<16xi32>], vector<16xf32>,
        %add3A_579 = arith.constant 0 : i32
        %add3A_580 = arith.addi %add3A_579, %add3A_563 : i32
        %get3A_581 = arith.index_cast %add3A_580 : i32 to index
        %get3A_582 = arith.constant 16 : index
        %get3A_583 = tpu.vector_load %arg8[%get3A_581, %get3A_582] {strides = array<i32>} : memref<512x32xf32, #tpu.memory_space<vmem>>, vector<16xf32>,
        %mul3A_584 = arith.constant 5.65685415 : f32
        %mul3A_585 = vector.broadcast %mul3A_584 : f32 to vector<16xf32>
        %mul3A_586 = arith.mulf %get3A_583, %mul3A_585 : vector<16xf32>
        %scatter3A_587 = arith.constant 0 : i32
        %scatter3A_588 = arith.constant 0 : i32
        %scatter3A_589 = arith.constant 0 : i32
        %scatter3A_590 = arith.constant 0 : i32
        %scatter3A_591 = tpu.memref_slice %arg10[%scatter3A_587, %scatter3A_588, %scatter3A_589, %scatter3A_590] : memref<4x4x8x129xf32, #tpu.memory_space<vmem>> -> memref<1x4x8x129xf32, #tpu.memory_space<vmem>>
        %scatter3A_592 = tpu.memref_squeeze %scatter3A_591 : memref<1x4x8x129xf32, #tpu.memory_space<vmem>> -> memref<4x8x129xf32, #tpu.memory_space<vmem>>
        tpu.vector_store_idx %scatter3A_592[%select_n3A_60, %select_n3A_108, %broadcast_in_dim3A_564], %mul3A_586 : memref<4x8x129xf32, #tpu.memory_space<vmem>>[vector<16xi32>, vector<16xi32>, vector<16xi32>], vector<16xf32>,
        %scan3A_593 = arith.constant 6 : i32
        %scan3A_594 = arith.addi %scan3A_387, %scan3A_593 : i32
        %mul3A_595 = arith.constant 1 : i32
        %mul3A_596 = arith.muli %scan3A_594, %mul3A_595 : i32
        %add3A_597 = arith.constant 0 : i32
        %add3A_598 = arith.addi %add3A_597, %mul3A_596 : i32
        %broadcast_in_dim3A_599 = vector.broadcast %add3A_598 : i32 to vector<16xi32>
        %add3A_600 = arith.constant 0 : i32
        %add3A_601 = arith.addi %add3A_600, %add3A_598 : i32
        %get3A_602 = arith.index_cast %add3A_601 : i32 to index
        %get3A_603 = arith.constant 0 : index
        %get3A_604 = tpu.vector_load %arg8[%get3A_602, %get3A_603] {strides = array<i32>} : memref<512x32xf32, #tpu.memory_space<vmem>>, vector<16xf32>,
        %mul3A_605 = arith.constant 5.65685415 : f32
        %mul3A_606 = vector.broadcast %mul3A_605 : f32 to vector<16xf32>
        %mul3A_607 = arith.mulf %get3A_604, %mul3A_606 : vector<16xf32>
        %scatter3A_608 = arith.constant 0 : i32
        %scatter3A_609 = arith.constant 0 : i32
        %scatter3A_610 = arith.constant 0 : i32
        %scatter3A_611 = arith.constant 0 : i32
        %scatter3A_612 = tpu.memref_slice %arg10[%scatter3A_608, %scatter3A_609, %scatter3A_610, %scatter3A_611] : memref<4x4x8x129xf32, #tpu.memory_space<vmem>> -> memref<1x4x8x129xf32, #tpu.memory_space<vmem>>
        %scatter3A_613 = tpu.memref_squeeze %scatter3A_612 : memref<1x4x8x129xf32, #tpu.memory_space<vmem>> -> memref<4x8x129xf32, #tpu.memory_space<vmem>>
        tpu.vector_store_idx %scatter3A_613[%select_n3A, %select_n3A_83, %broadcast_in_dim3A_599], %mul3A_607 : memref<4x8x129xf32, #tpu.memory_space<vmem>>[vector<16xi32>, vector<16xi32>, vector<16xi32>], vector<16xf32>,
        %add3A_614 = arith.constant 0 : i32
        %add3A_615 = arith.addi %add3A_614, %add3A_598 : i32
        %get3A_616 = arith.index_cast %add3A_615 : i32 to index
        %get3A_617 = arith.constant 16 : index
        %get3A_618 = tpu.vector_load %arg8[%get3A_616, %get3A_617] {strides = array<i32>} : memref<512x32xf32, #tpu.memory_space<vmem>>, vector<16xf32>,
        %mul3A_619 = arith.constant 5.65685415 : f32
        %mul3A_620 = vector.broadcast %mul3A_619 : f32 to vector<16xf32>
        %mul3A_621 = arith.mulf %get3A_618, %mul3A_620 : vector<16xf32>
        %scatter3A_622 = arith.constant 0 : i32
        %scatter3A_623 = arith.constant 0 : i32
        %scatter3A_624 = arith.constant 0 : i32
        %scatter3A_625 = arith.constant 0 : i32
        %scatter3A_626 = tpu.memref_slice %arg10[%scatter3A_622, %scatter3A_623, %scatter3A_624, %scatter3A_625] : memref<4x4x8x129xf32, #tpu.memory_space<vmem>> -> memref<1x4x8x129xf32, #tpu.memory_space<vmem>>
        %scatter3A_627 = tpu.memref_squeeze %scatter3A_626 : memref<1x4x8x129xf32, #tpu.memory_space<vmem>> -> memref<4x8x129xf32, #tpu.memory_space<vmem>>
        tpu.vector_store_idx %scatter3A_627[%select_n3A_60, %select_n3A_108, %broadcast_in_dim3A_599], %mul3A_621 : memref<4x8x129xf32, #tpu.memory_space<vmem>>[vector<16xi32>, vector<16xi32>, vector<16xi32>], vector<16xf32>,
        %scan3A_628 = arith.constant 7 : i32
        %scan3A_629 = arith.addi %scan3A_387, %scan3A_628 : i32
        %mul3A_630 = arith.constant 1 : i32
        %mul3A_631 = arith.muli %scan3A_629, %mul3A_630 : i32
        %add3A_632 = arith.constant 0 : i32
        %add3A_633 = arith.addi %add3A_632, %mul3A_631 : i32
        %broadcast_in_dim3A_634 = vector.broadcast %add3A_633 : i32 to vector<16xi32>
        %add3A_635 = arith.constant 0 : i32
        %add3A_636 = arith.addi %add3A_635, %add3A_633 : i32
        %get3A_637 = arith.index_cast %add3A_636 : i32 to index
        %get3A_638 = arith.constant 0 : index
        %get3A_639 = tpu.vector_load %arg8[%get3A_637, %get3A_638] {strides = array<i32>} : memref<512x32xf32, #tpu.memory_space<vmem>>, vector<16xf32>,
        %mul3A_640 = arith.constant 5.65685415 : f32
        %mul3A_641 = vector.broadcast %mul3A_640 : f32 to vector<16xf32>
        %mul3A_642 = arith.mulf %get3A_639, %mul3A_641 : vector<16xf32>
        %scatter3A_643 = arith.constant 0 : i32
        %scatter3A_644 = arith.constant 0 : i32
        %scatter3A_645 = arith.constant 0 : i32
        %scatter3A_646 = arith.constant 0 : i32
        %scatter3A_647 = tpu.memref_slice %arg10[%scatter3A_643, %scatter3A_644, %scatter3A_645, %scatter3A_646] : memref<4x4x8x129xf32, #tpu.memory_space<vmem>> -> memref<1x4x8x129xf32, #tpu.memory_space<vmem>>
        %scatter3A_648 = tpu.memref_squeeze %scatter3A_647 : memref<1x4x8x129xf32, #tpu.memory_space<vmem>> -> memref<4x8x129xf32, #tpu.memory_space<vmem>>
        tpu.vector_store_idx %scatter3A_648[%select_n3A, %select_n3A_83, %broadcast_in_dim3A_634], %mul3A_642 : memref<4x8x129xf32, #tpu.memory_space<vmem>>[vector<16xi32>, vector<16xi32>, vector<16xi32>], vector<16xf32>,
        %add3A_649 = arith.constant 0 : i32
        %add3A_650 = arith.addi %add3A_649, %add3A_633 : i32
        %get3A_651 = arith.index_cast %add3A_650 : i32 to index
        %get3A_652 = arith.constant 16 : index
        %get3A_653 = tpu.vector_load %arg8[%get3A_651, %get3A_652] {strides = array<i32>} : memref<512x32xf32, #tpu.memory_space<vmem>>, vector<16xf32>,
        %mul3A_654 = arith.constant 5.65685415 : f32
        %mul3A_655 = vector.broadcast %mul3A_654 : f32 to vector<16xf32>
        %mul3A_656 = arith.mulf %get3A_653, %mul3A_655 : vector<16xf32>
        %scatter3A_657 = arith.constant 0 : i32
        %scatter3A_658 = arith.constant 0 : i32
        %scatter3A_659 = arith.constant 0 : i32
        %scatter3A_660 = arith.constant 0 : i32
        %scatter3A_661 = tpu.memref_slice %arg10[%scatter3A_657, %scatter3A_658, %scatter3A_659, %scatter3A_660] : memref<4x4x8x129xf32, #tpu.memory_space<vmem>> -> memref<1x4x8x129xf32, #tpu.memory_space<vmem>>
        %scatter3A_662 = tpu.memref_squeeze %scatter3A_661 : memref<1x4x8x129xf32, #tpu.memory_space<vmem>> -> memref<4x8x129xf32, #tpu.memory_space<vmem>>
        tpu.vector_store_idx %scatter3A_662[%select_n3A_60, %select_n3A_108, %broadcast_in_dim3A_634], %mul3A_656 : memref<4x8x129xf32, #tpu.memory_space<vmem>>[vector<16xi32>, vector<16xi32>, vector<16xi32>], vector<16xf32>,
      }
      %scan3A_349 = arith.constant 128 : i32
      %scan3A_350 = arith.constant 0 : i32
      %scan3A_351 = arith.constant 128 : i32
      %scan3A_352 = arith.addi %scan3A_350, %scan3A_351 : i32
      %scan3A_353 = arith.constant 8 : i32
      scf.for %scan3A_387 = %scan3A_350 to %scan3A_352 step %scan3A_353  : i32 {
        %mul3A_388 = arith.constant 1 : i32
        %mul3A_389 = arith.muli %scan3A_387, %mul3A_388 : i32
        %add3A_390 = arith.constant 0 : i32
        %add3A_391 = arith.addi %add3A_390, %mul3A_389 : i32
        %broadcast_in_dim3A = vector.broadcast %add3A_391 : i32 to vector<16xi32>
        %add3A_392 = arith.constant 128 : i32
        %add3A_393 = arith.addi %add3A_392, %add3A_391 : i32
        %get3A = arith.index_cast %add3A_393 : i32 to index
        %get3A_394 = arith.constant 0 : index
        %get3A_395 = tpu.vector_load %arg8[%get3A, %get3A_394] {strides = array<i32>} : memref<512x32xf32, #tpu.memory_space<vmem>>, vector<16xf32>,
        %mul3A_396 = arith.constant 5.65685415 : f32
        %mul3A_397 = vector.broadcast %mul3A_396 : f32 to vector<16xf32>
        %mul3A_398 = arith.mulf %get3A_395, %mul3A_397 : vector<16xf32>
        %scatter3A = arith.constant 1 : i32
        %scatter3A_399 = arith.constant 0 : i32
        %scatter3A_400 = arith.constant 0 : i32
        %scatter3A_401 = arith.constant 0 : i32
        %scatter3A_402 = tpu.memref_slice %arg10[%scatter3A, %scatter3A_399, %scatter3A_400, %scatter3A_401] : memref<4x4x8x129xf32, #tpu.memory_space<vmem>> -> memref<1x4x8x129xf32, #tpu.memory_space<vmem>>
        %scatter3A_403 = tpu.memref_squeeze %scatter3A_402 : memref<1x4x8x129xf32, #tpu.memory_space<vmem>> -> memref<4x8x129xf32, #tpu.memory_space<vmem>>
        tpu.vector_store_idx %scatter3A_403[%select_n3A, %select_n3A_83, %broadcast_in_dim3A], %mul3A_398 : memref<4x8x129xf32, #tpu.memory_space<vmem>>[vector<16xi32>, vector<16xi32>, vector<16xi32>], vector<16xf32>,
        %add3A_404 = arith.constant 128 : i32
        %add3A_405 = arith.addi %add3A_404, %add3A_391 : i32
        %get3A_406 = arith.index_cast %add3A_405 : i32 to index
        %get3A_407 = arith.constant 16 : index
        %get3A_408 = tpu.vector_load %arg8[%get3A_406, %get3A_407] {strides = array<i32>} : memref<512x32xf32, #tpu.memory_space<vmem>>, vector<16xf32>,
        %mul3A_409 = arith.constant 5.65685415 : f32
        %mul3A_410 = vector.broadcast %mul3A_409 : f32 to vector<16xf32>
        %mul3A_411 = arith.mulf %get3A_408, %mul3A_410 : vector<16xf32>
        %scatter3A_412 = arith.constant 1 : i32
        %scatter3A_413 = arith.constant 0 : i32
        %scatter3A_414 = arith.constant 0 : i32
        %scatter3A_415 = arith.constant 0 : i32
        %scatter3A_416 = tpu.memref_slice %arg10[%scatter3A_412, %scatter3A_413, %scatter3A_414, %scatter3A_415] : memref<4x4x8x129xf32, #tpu.memory_space<vmem>> -> memref<1x4x8x129xf32, #tpu.memory_space<vmem>>
        %scatter3A_417 = tpu.memref_squeeze %scatter3A_416 : memref<1x4x8x129xf32, #tpu.memory_space<vmem>> -> memref<4x8x129xf32, #tpu.memory_space<vmem>>
        tpu.vector_store_idx %scatter3A_417[%select_n3A_60, %select_n3A_108, %broadcast_in_dim3A], %mul3A_411 : memref<4x8x129xf32, #tpu.memory_space<vmem>>[vector<16xi32>, vector<16xi32>, vector<16xi32>], vector<16xf32>,
        %scan3A_418 = arith.constant 1 : i32
        %scan3A_419 = arith.addi %scan3A_387, %scan3A_418 : i32
        %mul3A_420 = arith.constant 1 : i32
        %mul3A_421 = arith.muli %scan3A_419, %mul3A_420 : i32
        %add3A_422 = arith.constant 0 : i32
        %add3A_423 = arith.addi %add3A_422, %mul3A_421 : i32
        %broadcast_in_dim3A_424 = vector.broadcast %add3A_423 : i32 to vector<16xi32>
        %add3A_425 = arith.constant 128 : i32
        %add3A_426 = arith.addi %add3A_425, %add3A_423 : i32
        %get3A_427 = arith.index_cast %add3A_426 : i32 to index
        %get3A_428 = arith.constant 0 : index
        %get3A_429 = tpu.vector_load %arg8[%get3A_427, %get3A_428] {strides = array<i32>} : memref<512x32xf32, #tpu.memory_space<vmem>>, vector<16xf32>,
        %mul3A_430 = arith.constant 5.65685415 : f32
        %mul3A_431 = vector.broadcast %mul3A_430 : f32 to vector<16xf32>
        %mul3A_432 = arith.mulf %get3A_429, %mul3A_431 : vector<16xf32>
        %scatter3A_433 = arith.constant 1 : i32
        %scatter3A_434 = arith.constant 0 : i32
        %scatter3A_435 = arith.constant 0 : i32
        %scatter3A_436 = arith.constant 0 : i32
        %scatter3A_437 = tpu.memref_slice %arg10[%scatter3A_433, %scatter3A_434, %scatter3A_435, %scatter3A_436] : memref<4x4x8x129xf32, #tpu.memory_space<vmem>> -> memref<1x4x8x129xf32, #tpu.memory_space<vmem>>
        %scatter3A_438 = tpu.memref_squeeze %scatter3A_437 : memref<1x4x8x129xf32, #tpu.memory_space<vmem>> -> memref<4x8x129xf32, #tpu.memory_space<vmem>>
        tpu.vector_store_idx %scatter3A_438[%select_n3A, %select_n3A_83, %broadcast_in_dim3A_424], %mul3A_432 : memref<4x8x129xf32, #tpu.memory_space<vmem>>[vector<16xi32>, vector<16xi32>, vector<16xi32>], vector<16xf32>,
        %add3A_439 = arith.constant 128 : i32
        %add3A_440 = arith.addi %add3A_439, %add3A_423 : i32
        %get3A_441 = arith.index_cast %add3A_440 : i32 to index
        %get3A_442 = arith.constant 16 : index
        %get3A_443 = tpu.vector_load %arg8[%get3A_441, %get3A_442] {strides = array<i32>} : memref<512x32xf32, #tpu.memory_space<vmem>>, vector<16xf32>,
        %mul3A_444 = arith.constant 5.65685415 : f32
        %mul3A_445 = vector.broadcast %mul3A_444 : f32 to vector<16xf32>
        %mul3A_446 = arith.mulf %get3A_443, %mul3A_445 : vector<16xf32>
        %scatter3A_447 = arith.constant 1 : i32
        %scatter3A_448 = arith.constant 0 : i32
        %scatter3A_449 = arith.constant 0 : i32
        %scatter3A_450 = arith.constant 0 : i32
        %scatter3A_451 = tpu.memref_slice %arg10[%scatter3A_447, %scatter3A_448, %scatter3A_449, %scatter3A_450] : memref<4x4x8x129xf32, #tpu.memory_space<vmem>> -> memref<1x4x8x129xf32, #tpu.memory_space<vmem>>
        %scatter3A_452 = tpu.memref_squeeze %scatter3A_451 : memref<1x4x8x129xf32, #tpu.memory_space<vmem>> -> memref<4x8x129xf32, #tpu.memory_space<vmem>>
        tpu.vector_store_idx %scatter3A_452[%select_n3A_60, %select_n3A_108, %broadcast_in_dim3A_424], %mul3A_446 : memref<4x8x129xf32, #tpu.memory_space<vmem>>[vector<16xi32>, vector<16xi32>, vector<16xi32>], vector<16xf32>,
        %scan3A_453 = arith.constant 2 : i32
        %scan3A_454 = arith.addi %scan3A_387, %scan3A_453 : i32
        %mul3A_455 = arith.constant 1 : i32
        %mul3A_456 = arith.muli %scan3A_454, %mul3A_455 : i32
        %add3A_457 = arith.constant 0 : i32
        %add3A_458 = arith.addi %add3A_457, %mul3A_456 : i32
        %broadcast_in_dim3A_459 = vector.broadcast %add3A_458 : i32 to vector<16xi32>
        %add3A_460 = arith.constant 128 : i32
        %add3A_461 = arith.addi %add3A_460, %add3A_458 : i32
        %get3A_462 = arith.index_cast %add3A_461 : i32 to index
        %get3A_463 = arith.constant 0 : index
        %get3A_464 = tpu.vector_load %arg8[%get3A_462, %get3A_463] {strides = array<i32>} : memref<512x32xf32, #tpu.memory_space<vmem>>, vector<16xf32>,
        %mul3A_465 = arith.constant 5.65685415 : f32
        %mul3A_466 = vector.broadcast %mul3A_465 : f32 to vector<16xf32>
        %mul3A_467 = arith.mulf %get3A_464, %mul3A_466 : vector<16xf32>
        %scatter3A_468 = arith.constant 1 : i32
        %scatter3A_469 = arith.constant 0 : i32
        %scatter3A_470 = arith.constant 0 : i32
        %scatter3A_471 = arith.constant 0 : i32
        %scatter3A_472 = tpu.memref_slice %arg10[%scatter3A_468, %scatter3A_469, %scatter3A_470, %scatter3A_471] : memref<4x4x8x129xf32, #tpu.memory_space<vmem>> -> memref<1x4x8x129xf32, #tpu.memory_space<vmem>>
        %scatter3A_473 = tpu.memref_squeeze %scatter3A_472 : memref<1x4x8x129xf32, #tpu.memory_space<vmem>> -> memref<4x8x129xf32, #tpu.memory_space<vmem>>
        tpu.vector_store_idx %scatter3A_473[%select_n3A, %select_n3A_83, %broadcast_in_dim3A_459], %mul3A_467 : memref<4x8x129xf32, #tpu.memory_space<vmem>>[vector<16xi32>, vector<16xi32>, vector<16xi32>], vector<16xf32>,
        %add3A_474 = arith.constant 128 : i32
        %add3A_475 = arith.addi %add3A_474, %add3A_458 : i32
        %get3A_476 = arith.index_cast %add3A_475 : i32 to index
        %get3A_477 = arith.constant 16 : index
        %get3A_478 = tpu.vector_load %arg8[%get3A_476, %get3A_477] {strides = array<i32>} : memref<512x32xf32, #tpu.memory_space<vmem>>, vector<16xf32>,
        %mul3A_479 = arith.constant 5.65685415 : f32
        %mul3A_480 = vector.broadcast %mul3A_479 : f32 to vector<16xf32>
        %mul3A_481 = arith.mulf %get3A_478, %mul3A_480 : vector<16xf32>
        %scatter3A_482 = arith.constant 1 : i32
        %scatter3A_483 = arith.constant 0 : i32
        %scatter3A_484 = arith.constant 0 : i32
        %scatter3A_485 = arith.constant 0 : i32
        %scatter3A_486 = tpu.memref_slice %arg10[%scatter3A_482, %scatter3A_483, %scatter3A_484, %scatter3A_485] : memref<4x4x8x129xf32, #tpu.memory_space<vmem>> -> memref<1x4x8x129xf32, #tpu.memory_space<vmem>>
        %scatter3A_487 = tpu.memref_squeeze %scatter3A_486 : memref<1x4x8x129xf32, #tpu.memory_space<vmem>> -> memref<4x8x129xf32, #tpu.memory_space<vmem>>
        tpu.vector_store_idx %scatter3A_487[%select_n3A_60, %select_n3A_108, %broadcast_in_dim3A_459], %mul3A_481 : memref<4x8x129xf32, #tpu.memory_space<vmem>>[vector<16xi32>, vector<16xi32>, vector<16xi32>], vector<16xf32>,
        %scan3A_488 = arith.constant 3 : i32
        %scan3A_489 = arith.addi %scan3A_387, %scan3A_488 : i32
        %mul3A_490 = arith.constant 1 : i32
        %mul3A_491 = arith.muli %scan3A_489, %mul3A_490 : i32
        %add3A_492 = arith.constant 0 : i32
        %add3A_493 = arith.addi %add3A_492, %mul3A_491 : i32
        %broadcast_in_dim3A_494 = vector.broadcast %add3A_493 : i32 to vector<16xi32>
        %add3A_495 = arith.constant 128 : i32
        %add3A_496 = arith.addi %add3A_495, %add3A_493 : i32
        %get3A_497 = arith.index_cast %add3A_496 : i32 to index
        %get3A_498 = arith.constant 0 : index
        %get3A_499 = tpu.vector_load %arg8[%get3A_497, %get3A_498] {strides = array<i32>} : memref<512x32xf32, #tpu.memory_space<vmem>>, vector<16xf32>,
        %mul3A_500 = arith.constant 5.65685415 : f32
        %mul3A_501 = vector.broadcast %mul3A_500 : f32 to vector<16xf32>
        %mul3A_502 = arith.mulf %get3A_499, %mul3A_501 : vector<16xf32>
        %scatter3A_503 = arith.constant 1 : i32
        %scatter3A_504 = arith.constant 0 : i32
        %scatter3A_505 = arith.constant 0 : i32
        %scatter3A_506 = arith.constant 0 : i32
        %scatter3A_507 = tpu.memref_slice %arg10[%scatter3A_503, %scatter3A_504, %scatter3A_505, %scatter3A_506] : memref<4x4x8x129xf32, #tpu.memory_space<vmem>> -> memref<1x4x8x129xf32, #tpu.memory_space<vmem>>
        %scatter3A_508 = tpu.memref_squeeze %scatter3A_507 : memref<1x4x8x129xf32, #tpu.memory_space<vmem>> -> memref<4x8x129xf32, #tpu.memory_space<vmem>>
        tpu.vector_store_idx %scatter3A_508[%select_n3A, %select_n3A_83, %broadcast_in_dim3A_494], %mul3A_502 : memref<4x8x129xf32, #tpu.memory_space<vmem>>[vector<16xi32>, vector<16xi32>, vector<16xi32>], vector<16xf32>,
        %add3A_509 = arith.constant 128 : i32
        %add3A_510 = arith.addi %add3A_509, %add3A_493 : i32
        %get3A_511 = arith.index_cast %add3A_510 : i32 to index
        %get3A_512 = arith.constant 16 : index
        %get3A_513 = tpu.vector_load %arg8[%get3A_511, %get3A_512] {strides = array<i32>} : memref<512x32xf32, #tpu.memory_space<vmem>>, vector<16xf32>,
        %mul3A_514 = arith.constant 5.65685415 : f32
        %mul3A_515 = vector.broadcast %mul3A_514 : f32 to vector<16xf32>
        %mul3A_516 = arith.mulf %get3A_513, %mul3A_515 : vector<16xf32>
        %scatter3A_517 = arith.constant 1 : i32
        %scatter3A_518 = arith.constant 0 : i32
        %scatter3A_519 = arith.constant 0 : i32
        %scatter3A_520 = arith.constant 0 : i32
        %scatter3A_521 = tpu.memref_slice %arg10[%scatter3A_517, %scatter3A_518, %scatter3A_519, %scatter3A_520] : memref<4x4x8x129xf32, #tpu.memory_space<vmem>> -> memref<1x4x8x129xf32, #tpu.memory_space<vmem>>
        %scatter3A_522 = tpu.memref_squeeze %scatter3A_521 : memref<1x4x8x129xf32, #tpu.memory_space<vmem>> -> memref<4x8x129xf32, #tpu.memory_space<vmem>>
        tpu.vector_store_idx %scatter3A_522[%select_n3A_60, %select_n3A_108, %broadcast_in_dim3A_494], %mul3A_516 : memref<4x8x129xf32, #tpu.memory_space<vmem>>[vector<16xi32>, vector<16xi32>, vector<16xi32>], vector<16xf32>,
        %scan3A_523 = arith.constant 4 : i32
        %scan3A_524 = arith.addi %scan3A_387, %scan3A_523 : i32
        %mul3A_525 = arith.constant 1 : i32
        %mul3A_526 = arith.muli %scan3A_524, %mul3A_525 : i32
        %add3A_527 = arith.constant 0 : i32
        %add3A_528 = arith.addi %add3A_527, %mul3A_526 : i32
        %broadcast_in_dim3A_529 = vector.broadcast %add3A_528 : i32 to vector<16xi32>
        %add3A_530 = arith.constant 128 : i32
        %add3A_531 = arith.addi %add3A_530, %add3A_528 : i32
        %get3A_532 = arith.index_cast %add3A_531 : i32 to index
        %get3A_533 = arith.constant 0 : index
        %get3A_534 = tpu.vector_load %arg8[%get3A_532, %get3A_533] {strides = array<i32>} : memref<512x32xf32, #tpu.memory_space<vmem>>, vector<16xf32>,
        %mul3A_535 = arith.constant 5.65685415 : f32
        %mul3A_536 = vector.broadcast %mul3A_535 : f32 to vector<16xf32>
        %mul3A_537 = arith.mulf %get3A_534, %mul3A_536 : vector<16xf32>
        %scatter3A_538 = arith.constant 1 : i32
        %scatter3A_539 = arith.constant 0 : i32
        %scatter3A_540 = arith.constant 0 : i32
        %scatter3A_541 = arith.constant 0 : i32
        %scatter3A_542 = tpu.memref_slice %arg10[%scatter3A_538, %scatter3A_539, %scatter3A_540, %scatter3A_541] : memref<4x4x8x129xf32, #tpu.memory_space<vmem>> -> memref<1x4x8x129xf32, #tpu.memory_space<vmem>>
        %scatter3A_543 = tpu.memref_squeeze %scatter3A_542 : memref<1x4x8x129xf32, #tpu.memory_space<vmem>> -> memref<4x8x129xf32, #tpu.memory_space<vmem>>
        tpu.vector_store_idx %scatter3A_543[%select_n3A, %select_n3A_83, %broadcast_in_dim3A_529], %mul3A_537 : memref<4x8x129xf32, #tpu.memory_space<vmem>>[vector<16xi32>, vector<16xi32>, vector<16xi32>], vector<16xf32>,
        %add3A_544 = arith.constant 128 : i32
        %add3A_545 = arith.addi %add3A_544, %add3A_528 : i32
        %get3A_546 = arith.index_cast %add3A_545 : i32 to index
        %get3A_547 = arith.constant 16 : index
        %get3A_548 = tpu.vector_load %arg8[%get3A_546, %get3A_547] {strides = array<i32>} : memref<512x32xf32, #tpu.memory_space<vmem>>, vector<16xf32>,
        %mul3A_549 = arith.constant 5.65685415 : f32
        %mul3A_550 = vector.broadcast %mul3A_549 : f32 to vector<16xf32>
        %mul3A_551 = arith.mulf %get3A_548, %mul3A_550 : vector<16xf32>
        %scatter3A_552 = arith.constant 1 : i32
        %scatter3A_553 = arith.constant 0 : i32
        %scatter3A_554 = arith.constant 0 : i32
        %scatter3A_555 = arith.constant 0 : i32
        %scatter3A_556 = tpu.memref_slice %arg10[%scatter3A_552, %scatter3A_553, %scatter3A_554, %scatter3A_555] : memref<4x4x8x129xf32, #tpu.memory_space<vmem>> -> memref<1x4x8x129xf32, #tpu.memory_space<vmem>>
        %scatter3A_557 = tpu.memref_squeeze %scatter3A_556 : memref<1x4x8x129xf32, #tpu.memory_space<vmem>> -> memref<4x8x129xf32, #tpu.memory_space<vmem>>
        tpu.vector_store_idx %scatter3A_557[%select_n3A_60, %select_n3A_108, %broadcast_in_dim3A_529], %mul3A_551 : memref<4x8x129xf32, #tpu.memory_space<vmem>>[vector<16xi32>, vector<16xi32>, vector<16xi32>], vector<16xf32>,
        %scan3A_558 = arith.constant 5 : i32
        %scan3A_559 = arith.addi %scan3A_387, %scan3A_558 : i32
        %mul3A_560 = arith.constant 1 : i32
        %mul3A_561 = arith.muli %scan3A_559, %mul3A_560 : i32
        %add3A_562 = arith.constant 0 : i32
        %add3A_563 = arith.addi %add3A_562, %mul3A_561 : i32
        %broadcast_in_dim3A_564 = vector.broadcast %add3A_563 : i32 to vector<16xi32>
        %add3A_565 = arith.constant 128 : i32
        %add3A_566 = arith.addi %add3A_565, %add3A_563 : i32
        %get3A_567 = arith.index_cast %add3A_566 : i32 to index
        %get3A_568 = arith.constant 0 : index
        %get3A_569 = tpu.vector_load %arg8[%get3A_567, %get3A_568] {strides = array<i32>} : memref<512x32xf32, #tpu.memory_space<vmem>>, vector<16xf32>,
        %mul3A_570 = arith.constant 5.65685415 : f32
        %mul3A_571 = vector.broadcast %mul3A_570 : f32 to vector<16xf32>
        %mul3A_572 = arith.mulf %get3A_569, %mul3A_571 : vector<16xf32>
        %scatter3A_573 = arith.constant 1 : i32
        %scatter3A_574 = arith.constant 0 : i32
        %scatter3A_575 = arith.constant 0 : i32
        %scatter3A_576 = arith.constant 0 : i32
        %scatter3A_577 = tpu.memref_slice %arg10[%scatter3A_573, %scatter3A_574, %scatter3A_575, %scatter3A_576] : memref<4x4x8x129xf32, #tpu.memory_space<vmem>> -> memref<1x4x8x129xf32, #tpu.memory_space<vmem>>
        %scatter3A_578 = tpu.memref_squeeze %scatter3A_577 : memref<1x4x8x129xf32, #tpu.memory_space<vmem>> -> memref<4x8x129xf32, #tpu.memory_space<vmem>>
        tpu.vector_store_idx %scatter3A_578[%select_n3A, %select_n3A_83, %broadcast_in_dim3A_564], %mul3A_572 : memref<4x8x129xf32, #tpu.memory_space<vmem>>[vector<16xi32>, vector<16xi32>, vector<16xi32>], vector<16xf32>,
        %add3A_579 = arith.constant 128 : i32
        %add3A_580 = arith.addi %add3A_579, %add3A_563 : i32
        %get3A_581 = arith.index_cast %add3A_580 : i32 to index
        %get3A_582 = arith.constant 16 : index
        %get3A_583 = tpu.vector_load %arg8[%get3A_581, %get3A_582] {strides = array<i32>} : memref<512x32xf32, #tpu.memory_space<vmem>>, vector<16xf32>,
        %mul3A_584 = arith.constant 5.65685415 : f32
        %mul3A_585 = vector.broadcast %mul3A_584 : f32 to vector<16xf32>
        %mul3A_586 = arith.mulf %get3A_583, %mul3A_585 : vector<16xf32>
        %scatter3A_587 = arith.constant 1 : i32
        %scatter3A_588 = arith.constant 0 : i32
        %scatter3A_589 = arith.constant 0 : i32
        %scatter3A_590 = arith.constant 0 : i32
        %scatter3A_591 = tpu.memref_slice %arg10[%scatter3A_587, %scatter3A_588, %scatter3A_589, %scatter3A_590] : memref<4x4x8x129xf32, #tpu.memory_space<vmem>> -> memref<1x4x8x129xf32, #tpu.memory_space<vmem>>
        %scatter3A_592 = tpu.memref_squeeze %scatter3A_591 : memref<1x4x8x129xf32, #tpu.memory_space<vmem>> -> memref<4x8x129xf32, #tpu.memory_space<vmem>>
        tpu.vector_store_idx %scatter3A_592[%select_n3A_60, %select_n3A_108, %broadcast_in_dim3A_564], %mul3A_586 : memref<4x8x129xf32, #tpu.memory_space<vmem>>[vector<16xi32>, vector<16xi32>, vector<16xi32>], vector<16xf32>,
        %scan3A_593 = arith.constant 6 : i32
        %scan3A_594 = arith.addi %scan3A_387, %scan3A_593 : i32
        %mul3A_595 = arith.constant 1 : i32
        %mul3A_596 = arith.muli %scan3A_594, %mul3A_595 : i32
        %add3A_597 = arith.constant 0 : i32
        %add3A_598 = arith.addi %add3A_597, %mul3A_596 : i32
        %broadcast_in_dim3A_599 = vector.broadcast %add3A_598 : i32 to vector<16xi32>
        %add3A_600 = arith.constant 128 : i32
        %add3A_601 = arith.addi %add3A_600, %add3A_598 : i32
        %get3A_602 = arith.index_cast %add3A_601 : i32 to index
        %get3A_603 = arith.constant 0 : index
        %get3A_604 = tpu.vector_load %arg8[%get3A_602, %get3A_603] {strides = array<i32>} : memref<512x32xf32, #tpu.memory_space<vmem>>, vector<16xf32>,
        %mul3A_605 = arith.constant 5.65685415 : f32
        %mul3A_606 = vector.broadcast %mul3A_605 : f32 to vector<16xf32>
        %mul3A_607 = arith.mulf %get3A_604, %mul3A_606 : vector<16xf32>
        %scatter3A_608 = arith.constant 1 : i32
        %scatter3A_609 = arith.constant 0 : i32
        %scatter3A_610 = arith.constant 0 : i32
        %scatter3A_611 = arith.constant 0 : i32
        %scatter3A_612 = tpu.memref_slice %arg10[%scatter3A_608, %scatter3A_609, %scatter3A_610, %scatter3A_611] : memref<4x4x8x129xf32, #tpu.memory_space<vmem>> -> memref<1x4x8x129xf32, #tpu.memory_space<vmem>>
        %scatter3A_613 = tpu.memref_squeeze %scatter3A_612 : memref<1x4x8x129xf32, #tpu.memory_space<vmem>> -> memref<4x8x129xf32, #tpu.memory_space<vmem>>
        tpu.vector_store_idx %scatter3A_613[%select_n3A, %select_n3A_83, %broadcast_in_dim3A_599], %mul3A_607 : memref<4x8x129xf32, #tpu.memory_space<vmem>>[vector<16xi32>, vector<16xi32>, vector<16xi32>], vector<16xf32>,
        %add3A_614 = arith.constant 128 : i32
        %add3A_615 = arith.addi %add3A_614, %add3A_598 : i32
        %get3A_616 = arith.index_cast %add3A_615 : i32 to index
        %get3A_617 = arith.constant 16 : index
        %get3A_618 = tpu.vector_load %arg8[%get3A_616, %get3A_617] {strides = array<i32>} : memref<512x32xf32, #tpu.memory_space<vmem>>, vector<16xf32>,
        %mul3A_619 = arith.constant 5.65685415 : f32
        %mul3A_620 = vector.broadcast %mul3A_619 : f32 to vector<16xf32>
        %mul3A_621 = arith.mulf %get3A_618, %mul3A_620 : vector<16xf32>
        %scatter3A_622 = arith.constant 1 : i32
        %scatter3A_623 = arith.constant 0 : i32
        %scatter3A_624 = arith.constant 0 : i32
        %scatter3A_625 = arith.constant 0 : i32
        %scatter3A_626 = tpu.memref_slice %arg10[%scatter3A_622, %scatter3A_623, %scatter3A_624, %scatter3A_625] : memref<4x4x8x129xf32, #tpu.memory_space<vmem>> -> memref<1x4x8x129xf32, #tpu.memory_space<vmem>>
        %scatter3A_627 = tpu.memref_squeeze %scatter3A_626 : memref<1x4x8x129xf32, #tpu.memory_space<vmem>> -> memref<4x8x129xf32, #tpu.memory_space<vmem>>
        tpu.vector_store_idx %scatter3A_627[%select_n3A_60, %select_n3A_108, %broadcast_in_dim3A_599], %mul3A_621 : memref<4x8x129xf32, #tpu.memory_space<vmem>>[vector<16xi32>, vector<16xi32>, vector<16xi32>], vector<16xf32>,
        %scan3A_628 = arith.constant 7 : i32
        %scan3A_629 = arith.addi %scan3A_387, %scan3A_628 : i32
        %mul3A_630 = arith.constant 1 : i32
        %mul3A_631 = arith.muli %scan3A_629, %mul3A_630 : i32
        %add3A_632 = arith.constant 0 : i32
        %add3A_633 = arith.addi %add3A_632, %mul3A_631 : i32
        %broadcast_in_dim3A_634 = vector.broadcast %add3A_633 : i32 to vector<16xi32>
        %add3A_635 = arith.constant 128 : i32
        %add3A_636 = arith.addi %add3A_635, %add3A_633 : i32
        %get3A_637 = arith.index_cast %add3A_636 : i32 to index
        %get3A_638 = arith.constant 0 : index
        %get3A_639 = tpu.vector_load %arg8[%get3A_637, %get3A_638] {strides = array<i32>} : memref<512x32xf32, #tpu.memory_space<vmem>>, vector<16xf32>,
        %mul3A_640 = arith.constant 5.65685415 : f32
        %mul3A_641 = vector.broadcast %mul3A_640 : f32 to vector<16xf32>
        %mul3A_642 = arith.mulf %get3A_639, %mul3A_641 : vector<16xf32>
        %scatter3A_643 = arith.constant 1 : i32
        %scatter3A_644 = arith.constant 0 : i32
        %scatter3A_645 = arith.constant 0 : i32
        %scatter3A_646 = arith.constant 0 : i32
        %scatter3A_647 = tpu.memref_slice %arg10[%scatter3A_643, %scatter3A_644, %scatter3A_645, %scatter3A_646] : memref<4x4x8x129xf32, #tpu.memory_space<vmem>> -> memref<1x4x8x129xf32, #tpu.memory_space<vmem>>
        %scatter3A_648 = tpu.memref_squeeze %scatter3A_647 : memref<1x4x8x129xf32, #tpu.memory_space<vmem>> -> memref<4x8x129xf32, #tpu.memory_space<vmem>>
        tpu.vector_store_idx %scatter3A_648[%select_n3A, %select_n3A_83, %broadcast_in_dim3A_634], %mul3A_642 : memref<4x8x129xf32, #tpu.memory_space<vmem>>[vector<16xi32>, vector<16xi32>, vector<16xi32>], vector<16xf32>,
        %add3A_649 = arith.constant 128 : i32
        %add3A_650 = arith.addi %add3A_649, %add3A_633 : i32
        %get3A_651 = arith.index_cast %add3A_650 : i32 to index
        %get3A_652 = arith.constant 16 : index
        %get3A_653 = tpu.vector_load %arg8[%get3A_651, %get3A_652] {strides = array<i32>} : memref<512x32xf32, #tpu.memory_space<vmem>>, vector<16xf32>,
        %mul3A_654 = arith.constant 5.65685415 : f32
        %mul3A_655 = vector.broadcast %mul3A_654 : f32 to vector<16xf32>
        %mul3A_656 = arith.mulf %get3A_653, %mul3A_655 : vector<16xf32>
        %scatter3A_657 = arith.constant 1 : i32
        %scatter3A_658 = arith.constant 0 : i32
        %scatter3A_659 = arith.constant 0 : i32
        %scatter3A_660 = arith.constant 0 : i32
        %scatter3A_661 = tpu.memref_slice %arg10[%scatter3A_657, %scatter3A_658, %scatter3A_659, %scatter3A_660] : memref<4x4x8x129xf32, #tpu.memory_space<vmem>> -> memref<1x4x8x129xf32, #tpu.memory_space<vmem>>
        %scatter3A_662 = tpu.memref_squeeze %scatter3A_661 : memref<1x4x8x129xf32, #tpu.memory_space<vmem>> -> memref<4x8x129xf32, #tpu.memory_space<vmem>>
        tpu.vector_store_idx %scatter3A_662[%select_n3A_60, %select_n3A_108, %broadcast_in_dim3A_634], %mul3A_656 : memref<4x8x129xf32, #tpu.memory_space<vmem>>[vector<16xi32>, vector<16xi32>, vector<16xi32>], vector<16xf32>,
      }
      %scan3A_354 = arith.constant 128 : i32
      %scan3A_355 = arith.constant 0 : i32
      %scan3A_356 = arith.constant 128 : i32
      %scan3A_357 = arith.addi %scan3A_355, %scan3A_356 : i32
      %scan3A_358 = arith.constant 8 : i32
      scf.for %scan3A_387 = %scan3A_355 to %scan3A_357 step %scan3A_358  : i32 {
        %mul3A_388 = arith.constant 1 : i32
        %mul3A_389 = arith.muli %scan3A_387, %mul3A_388 : i32
        %add3A_390 = arith.constant 0 : i32
        %add3A_391 = arith.addi %add3A_390, %mul3A_389 : i32
        %broadcast_in_dim3A = vector.broadcast %add3A_391 : i32 to vector<16xi32>
        %add3A_392 = arith.constant 256 : i32
        %add3A_393 = arith.addi %add3A_392, %add3A_391 : i32
        %get3A = arith.index_cast %add3A_393 : i32 to index
        %get3A_394 = arith.constant 0 : index
        %get3A_395 = tpu.vector_load %arg8[%get3A, %get3A_394] {strides = array<i32>} : memref<512x32xf32, #tpu.memory_space<vmem>>, vector<16xf32>,
        %mul3A_396 = arith.constant 5.65685415 : f32
        %mul3A_397 = vector.broadcast %mul3A_396 : f32 to vector<16xf32>
        %mul3A_398 = arith.mulf %get3A_395, %mul3A_397 : vector<16xf32>
        %scatter3A = arith.constant 2 : i32
        %scatter3A_399 = arith.constant 0 : i32
        %scatter3A_400 = arith.constant 0 : i32
        %scatter3A_401 = arith.constant 0 : i32
        %scatter3A_402 = tpu.memref_slice %arg10[%scatter3A, %scatter3A_399, %scatter3A_400, %scatter3A_401] : memref<4x4x8x129xf32, #tpu.memory_space<vmem>> -> memref<1x4x8x129xf32, #tpu.memory_space<vmem>>
        %scatter3A_403 = tpu.memref_squeeze %scatter3A_402 : memref<1x4x8x129xf32, #tpu.memory_space<vmem>> -> memref<4x8x129xf32, #tpu.memory_space<vmem>>
        tpu.vector_store_idx %scatter3A_403[%select_n3A, %select_n3A_83, %broadcast_in_dim3A], %mul3A_398 : memref<4x8x129xf32, #tpu.memory_space<vmem>>[vector<16xi32>, vector<16xi32>, vector<16xi32>], vector<16xf32>,
        %add3A_404 = arith.constant 256 : i32
        %add3A_405 = arith.addi %add3A_404, %add3A_391 : i32
        %get3A_406 = arith.index_cast %add3A_405 : i32 to index
        %get3A_407 = arith.constant 16 : index
        %get3A_408 = tpu.vector_load %arg8[%get3A_406, %get3A_407] {strides = array<i32>} : memref<512x32xf32, #tpu.memory_space<vmem>>, vector<16xf32>,
        %mul3A_409 = arith.constant 5.65685415 : f32
        %mul3A_410 = vector.broadcast %mul3A_409 : f32 to vector<16xf32>
        %mul3A_411 = arith.mulf %get3A_408, %mul3A_410 : vector<16xf32>
        %scatter3A_412 = arith.constant 2 : i32
        %scatter3A_413 = arith.constant 0 : i32
        %scatter3A_414 = arith.constant 0 : i32
        %scatter3A_415 = arith.constant 0 : i32
        %scatter3A_416 = tpu.memref_slice %arg10[%scatter3A_412, %scatter3A_413, %scatter3A_414, %scatter3A_415] : memref<4x4x8x129xf32, #tpu.memory_space<vmem>> -> memref<1x4x8x129xf32, #tpu.memory_space<vmem>>
        %scatter3A_417 = tpu.memref_squeeze %scatter3A_416 : memref<1x4x8x129xf32, #tpu.memory_space<vmem>> -> memref<4x8x129xf32, #tpu.memory_space<vmem>>
        tpu.vector_store_idx %scatter3A_417[%select_n3A_60, %select_n3A_108, %broadcast_in_dim3A], %mul3A_411 : memref<4x8x129xf32, #tpu.memory_space<vmem>>[vector<16xi32>, vector<16xi32>, vector<16xi32>], vector<16xf32>,
        %scan3A_418 = arith.constant 1 : i32
        %scan3A_419 = arith.addi %scan3A_387, %scan3A_418 : i32
        %mul3A_420 = arith.constant 1 : i32
        %mul3A_421 = arith.muli %scan3A_419, %mul3A_420 : i32
        %add3A_422 = arith.constant 0 : i32
        %add3A_423 = arith.addi %add3A_422, %mul3A_421 : i32
        %broadcast_in_dim3A_424 = vector.broadcast %add3A_423 : i32 to vector<16xi32>
        %add3A_425 = arith.constant 256 : i32
        %add3A_426 = arith.addi %add3A_425, %add3A_423 : i32
        %get3A_427 = arith.index_cast %add3A_426 : i32 to index
        %get3A_428 = arith.constant 0 : index
        %get3A_429 = tpu.vector_load %arg8[%get3A_427, %get3A_428] {strides = array<i32>} : memref<512x32xf32, #tpu.memory_space<vmem>>, vector<16xf32>,
        %mul3A_430 = arith.constant 5.65685415 : f32
        %mul3A_431 = vector.broadcast %mul3A_430 : f32 to vector<16xf32>
        %mul3A_432 = arith.mulf %get3A_429, %mul3A_431 : vector<16xf32>
        %scatter3A_433 = arith.constant 2 : i32
        %scatter3A_434 = arith.constant 0 : i32
        %scatter3A_435 = arith.constant 0 : i32
        %scatter3A_436 = arith.constant 0 : i32
        %scatter3A_437 = tpu.memref_slice %arg10[%scatter3A_433, %scatter3A_434, %scatter3A_435, %scatter3A_436] : memref<4x4x8x129xf32, #tpu.memory_space<vmem>> -> memref<1x4x8x129xf32, #tpu.memory_space<vmem>>
        %scatter3A_438 = tpu.memref_squeeze %scatter3A_437 : memref<1x4x8x129xf32, #tpu.memory_space<vmem>> -> memref<4x8x129xf32, #tpu.memory_space<vmem>>
        tpu.vector_store_idx %scatter3A_438[%select_n3A, %select_n3A_83, %broadcast_in_dim3A_424], %mul3A_432 : memref<4x8x129xf32, #tpu.memory_space<vmem>>[vector<16xi32>, vector<16xi32>, vector<16xi32>], vector<16xf32>,
        %add3A_439 = arith.constant 256 : i32
        %add3A_440 = arith.addi %add3A_439, %add3A_423 : i32
        %get3A_441 = arith.index_cast %add3A_440 : i32 to index
        %get3A_442 = arith.constant 16 : index
        %get3A_443 = tpu.vector_load %arg8[%get3A_441, %get3A_442] {strides = array<i32>} : memref<512x32xf32, #tpu.memory_space<vmem>>, vector<16xf32>,
        %mul3A_444 = arith.constant 5.65685415 : f32
        %mul3A_445 = vector.broadcast %mul3A_444 : f32 to vector<16xf32>
        %mul3A_446 = arith.mulf %get3A_443, %mul3A_445 : vector<16xf32>
        %scatter3A_447 = arith.constant 2 : i32
        %scatter3A_448 = arith.constant 0 : i32
        %scatter3A_449 = arith.constant 0 : i32
        %scatter3A_450 = arith.constant 0 : i32
        %scatter3A_451 = tpu.memref_slice %arg10[%scatter3A_447, %scatter3A_448, %scatter3A_449, %scatter3A_450] : memref<4x4x8x129xf32, #tpu.memory_space<vmem>> -> memref<1x4x8x129xf32, #tpu.memory_space<vmem>>
        %scatter3A_452 = tpu.memref_squeeze %scatter3A_451 : memref<1x4x8x129xf32, #tpu.memory_space<vmem>> -> memref<4x8x129xf32, #tpu.memory_space<vmem>>
        tpu.vector_store_idx %scatter3A_452[%select_n3A_60, %select_n3A_108, %broadcast_in_dim3A_424], %mul3A_446 : memref<4x8x129xf32, #tpu.memory_space<vmem>>[vector<16xi32>, vector<16xi32>, vector<16xi32>], vector<16xf32>,
        %scan3A_453 = arith.constant 2 : i32
        %scan3A_454 = arith.addi %scan3A_387, %scan3A_453 : i32
        %mul3A_455 = arith.constant 1 : i32
        %mul3A_456 = arith.muli %scan3A_454, %mul3A_455 : i32
        %add3A_457 = arith.constant 0 : i32
        %add3A_458 = arith.addi %add3A_457, %mul3A_456 : i32
        %broadcast_in_dim3A_459 = vector.broadcast %add3A_458 : i32 to vector<16xi32>
        %add3A_460 = arith.constant 256 : i32
        %add3A_461 = arith.addi %add3A_460, %add3A_458 : i32
        %get3A_462 = arith.index_cast %add3A_461 : i32 to index
        %get3A_463 = arith.constant 0 : index
        %get3A_464 = tpu.vector_load %arg8[%get3A_462, %get3A_463] {strides = array<i32>} : memref<512x32xf32, #tpu.memory_space<vmem>>, vector<16xf32>,
        %mul3A_465 = arith.constant 5.65685415 : f32
        %mul3A_466 = vector.broadcast %mul3A_465 : f32 to vector<16xf32>
        %mul3A_467 = arith.mulf %get3A_464, %mul3A_466 : vector<16xf32>
        %scatter3A_468 = arith.constant 2 : i32
        %scatter3A_469 = arith.constant 0 : i32
        %scatter3A_470 = arith.constant 0 : i32
        %scatter3A_471 = arith.constant 0 : i32
        %scatter3A_472 = tpu.memref_slice %arg10[%scatter3A_468, %scatter3A_469, %scatter3A_470, %scatter3A_471] : memref<4x4x8x129xf32, #tpu.memory_space<vmem>> -> memref<1x4x8x129xf32, #tpu.memory_space<vmem>>
        %scatter3A_473 = tpu.memref_squeeze %scatter3A_472 : memref<1x4x8x129xf32, #tpu.memory_space<vmem>> -> memref<4x8x129xf32, #tpu.memory_space<vmem>>
        tpu.vector_store_idx %scatter3A_473[%select_n3A, %select_n3A_83, %broadcast_in_dim3A_459], %mul3A_467 : memref<4x8x129xf32, #tpu.memory_space<vmem>>[vector<16xi32>, vector<16xi32>, vector<16xi32>], vector<16xf32>,
        %add3A_474 = arith.constant 256 : i32
        %add3A_475 = arith.addi %add3A_474, %add3A_458 : i32
        %get3A_476 = arith.index_cast %add3A_475 : i32 to index
        %get3A_477 = arith.constant 16 : index
        %get3A_478 = tpu.vector_load %arg8[%get3A_476, %get3A_477] {strides = array<i32>} : memref<512x32xf32, #tpu.memory_space<vmem>>, vector<16xf32>,
        %mul3A_479 = arith.constant 5.65685415 : f32
        %mul3A_480 = vector.broadcast %mul3A_479 : f32 to vector<16xf32>
        %mul3A_481 = arith.mulf %get3A_478, %mul3A_480 : vector<16xf32>
        %scatter3A_482 = arith.constant 2 : i32
        %scatter3A_483 = arith.constant 0 : i32
        %scatter3A_484 = arith.constant 0 : i32
        %scatter3A_485 = arith.constant 0 : i32
        %scatter3A_486 = tpu.memref_slice %arg10[%scatter3A_482, %scatter3A_483, %scatter3A_484, %scatter3A_485] : memref<4x4x8x129xf32, #tpu.memory_space<vmem>> -> memref<1x4x8x129xf32, #tpu.memory_space<vmem>>
        %scatter3A_487 = tpu.memref_squeeze %scatter3A_486 : memref<1x4x8x129xf32, #tpu.memory_space<vmem>> -> memref<4x8x129xf32, #tpu.memory_space<vmem>>
        tpu.vector_store_idx %scatter3A_487[%select_n3A_60, %select_n3A_108, %broadcast_in_dim3A_459], %mul3A_481 : memref<4x8x129xf32, #tpu.memory_space<vmem>>[vector<16xi32>, vector<16xi32>, vector<16xi32>], vector<16xf32>,
        %scan3A_488 = arith.constant 3 : i32
        %scan3A_489 = arith.addi %scan3A_387, %scan3A_488 : i32
        %mul3A_490 = arith.constant 1 : i32
        %mul3A_491 = arith.muli %scan3A_489, %mul3A_490 : i32
        %add3A_492 = arith.constant 0 : i32
        %add3A_493 = arith.addi %add3A_492, %mul3A_491 : i32
        %broadcast_in_dim3A_494 = vector.broadcast %add3A_493 : i32 to vector<16xi32>
        %add3A_495 = arith.constant 256 : i32
        %add3A_496 = arith.addi %add3A_495, %add3A_493 : i32
        %get3A_497 = arith.index_cast %add3A_496 : i32 to index
        %get3A_498 = arith.constant 0 : index
        %get3A_499 = tpu.vector_load %arg8[%get3A_497, %get3A_498] {strides = array<i32>} : memref<512x32xf32, #tpu.memory_space<vmem>>, vector<16xf32>,
        %mul3A_500 = arith.constant 5.65685415 : f32
        %mul3A_501 = vector.broadcast %mul3A_500 : f32 to vector<16xf32>
        %mul3A_502 = arith.mulf %get3A_499, %mul3A_501 : vector<16xf32>
        %scatter3A_503 = arith.constant 2 : i32
        %scatter3A_504 = arith.constant 0 : i32
        %scatter3A_505 = arith.constant 0 : i32
        %scatter3A_506 = arith.constant 0 : i32
        %scatter3A_507 = tpu.memref_slice %arg10[%scatter3A_503, %scatter3A_504, %scatter3A_505, %scatter3A_506] : memref<4x4x8x129xf32, #tpu.memory_space<vmem>> -> memref<1x4x8x129xf32, #tpu.memory_space<vmem>>
        %scatter3A_508 = tpu.memref_squeeze %scatter3A_507 : memref<1x4x8x129xf32, #tpu.memory_space<vmem>> -> memref<4x8x129xf32, #tpu.memory_space<vmem>>
        tpu.vector_store_idx %scatter3A_508[%select_n3A, %select_n3A_83, %broadcast_in_dim3A_494], %mul3A_502 : memref<4x8x129xf32, #tpu.memory_space<vmem>>[vector<16xi32>, vector<16xi32>, vector<16xi32>], vector<16xf32>,
        %add3A_509 = arith.constant 256 : i32
        %add3A_510 = arith.addi %add3A_509, %add3A_493 : i32
        %get3A_511 = arith.index_cast %add3A_510 : i32 to index
        %get3A_512 = arith.constant 16 : index
        %get3A_513 = tpu.vector_load %arg8[%get3A_511, %get3A_512] {strides = array<i32>} : memref<512x32xf32, #tpu.memory_space<vmem>>, vector<16xf32>,
        %mul3A_514 = arith.constant 5.65685415 : f32
        %mul3A_515 = vector.broadcast %mul3A_514 : f32 to vector<16xf32>
        %mul3A_516 = arith.mulf %get3A_513, %mul3A_515 : vector<16xf32>
        %scatter3A_517 = arith.constant 2 : i32
        %scatter3A_518 = arith.constant 0 : i32
        %scatter3A_519 = arith.constant 0 : i32
        %scatter3A_520 = arith.constant 0 : i32
        %scatter3A_521 = tpu.memref_slice %arg10[%scatter3A_517, %scatter3A_518, %scatter3A_519, %scatter3A_520] : memref<4x4x8x129xf32, #tpu.memory_space<vmem>> -> memref<1x4x8x129xf32, #tpu.memory_space<vmem>>
        %scatter3A_522 = tpu.memref_squeeze %scatter3A_521 : memref<1x4x8x129xf32, #tpu.memory_space<vmem>> -> memref<4x8x129xf32, #tpu.memory_space<vmem>>
        tpu.vector_store_idx %scatter3A_522[%select_n3A_60, %select_n3A_108, %broadcast_in_dim3A_494], %mul3A_516 : memref<4x8x129xf32, #tpu.memory_space<vmem>>[vector<16xi32>, vector<16xi32>, vector<16xi32>], vector<16xf32>,
        %scan3A_523 = arith.constant 4 : i32
        %scan3A_524 = arith.addi %scan3A_387, %scan3A_523 : i32
        %mul3A_525 = arith.constant 1 : i32
        %mul3A_526 = arith.muli %scan3A_524, %mul3A_525 : i32
        %add3A_527 = arith.constant 0 : i32
        %add3A_528 = arith.addi %add3A_527, %mul3A_526 : i32
        %broadcast_in_dim3A_529 = vector.broadcast %add3A_528 : i32 to vector<16xi32>
        %add3A_530 = arith.constant 256 : i32
        %add3A_531 = arith.addi %add3A_530, %add3A_528 : i32
        %get3A_532 = arith.index_cast %add3A_531 : i32 to index
        %get3A_533 = arith.constant 0 : index
        %get3A_534 = tpu.vector_load %arg8[%get3A_532, %get3A_533] {strides = array<i32>} : memref<512x32xf32, #tpu.memory_space<vmem>>, vector<16xf32>,
        %mul3A_535 = arith.constant 5.65685415 : f32
        %mul3A_536 = vector.broadcast %mul3A_535 : f32 to vector<16xf32>
        %mul3A_537 = arith.mulf %get3A_534, %mul3A_536 : vector<16xf32>
        %scatter3A_538 = arith.constant 2 : i32
        %scatter3A_539 = arith.constant 0 : i32
        %scatter3A_540 = arith.constant 0 : i32
        %scatter3A_541 = arith.constant 0 : i32
        %scatter3A_542 = tpu.memref_slice %arg10[%scatter3A_538, %scatter3A_539, %scatter3A_540, %scatter3A_541] : memref<4x4x8x129xf32, #tpu.memory_space<vmem>> -> memref<1x4x8x129xf32, #tpu.memory_space<vmem>>
        %scatter3A_543 = tpu.memref_squeeze %scatter3A_542 : memref<1x4x8x129xf32, #tpu.memory_space<vmem>> -> memref<4x8x129xf32, #tpu.memory_space<vmem>>
        tpu.vector_store_idx %scatter3A_543[%select_n3A, %select_n3A_83, %broadcast_in_dim3A_529], %mul3A_537 : memref<4x8x129xf32, #tpu.memory_space<vmem>>[vector<16xi32>, vector<16xi32>, vector<16xi32>], vector<16xf32>,
        %add3A_544 = arith.constant 256 : i32
        %add3A_545 = arith.addi %add3A_544, %add3A_528 : i32
        %get3A_546 = arith.index_cast %add3A_545 : i32 to index
        %get3A_547 = arith.constant 16 : index
        %get3A_548 = tpu.vector_load %arg8[%get3A_546, %get3A_547] {strides = array<i32>} : memref<512x32xf32, #tpu.memory_space<vmem>>, vector<16xf32>,
        %mul3A_549 = arith.constant 5.65685415 : f32
        %mul3A_550 = vector.broadcast %mul3A_549 : f32 to vector<16xf32>
        %mul3A_551 = arith.mulf %get3A_548, %mul3A_550 : vector<16xf32>
        %scatter3A_552 = arith.constant 2 : i32
        %scatter3A_553 = arith.constant 0 : i32
        %scatter3A_554 = arith.constant 0 : i32
        %scatter3A_555 = arith.constant 0 : i32
        %scatter3A_556 = tpu.memref_slice %arg10[%scatter3A_552, %scatter3A_553, %scatter3A_554, %scatter3A_555] : memref<4x4x8x129xf32, #tpu.memory_space<vmem>> -> memref<1x4x8x129xf32, #tpu.memory_space<vmem>>
        %scatter3A_557 = tpu.memref_squeeze %scatter3A_556 : memref<1x4x8x129xf32, #tpu.memory_space<vmem>> -> memref<4x8x129xf32, #tpu.memory_space<vmem>>
        tpu.vector_store_idx %scatter3A_557[%select_n3A_60, %select_n3A_108, %broadcast_in_dim3A_529], %mul3A_551 : memref<4x8x129xf32, #tpu.memory_space<vmem>>[vector<16xi32>, vector<16xi32>, vector<16xi32>], vector<16xf32>,
        %scan3A_558 = arith.constant 5 : i32
        %scan3A_559 = arith.addi %scan3A_387, %scan3A_558 : i32
        %mul3A_560 = arith.constant 1 : i32
        %mul3A_561 = arith.muli %scan3A_559, %mul3A_560 : i32
        %add3A_562 = arith.constant 0 : i32
        %add3A_563 = arith.addi %add3A_562, %mul3A_561 : i32
        %broadcast_in_dim3A_564 = vector.broadcast %add3A_563 : i32 to vector<16xi32>
        %add3A_565 = arith.constant 256 : i32
        %add3A_566 = arith.addi %add3A_565, %add3A_563 : i32
        %get3A_567 = arith.index_cast %add3A_566 : i32 to index
        %get3A_568 = arith.constant 0 : index
        %get3A_569 = tpu.vector_load %arg8[%get3A_567, %get3A_568] {strides = array<i32>} : memref<512x32xf32, #tpu.memory_space<vmem>>, vector<16xf32>,
        %mul3A_570 = arith.constant 5.65685415 : f32
        %mul3A_571 = vector.broadcast %mul3A_570 : f32 to vector<16xf32>
        %mul3A_572 = arith.mulf %get3A_569, %mul3A_571 : vector<16xf32>
        %scatter3A_573 = arith.constant 2 : i32
        %scatter3A_574 = arith.constant 0 : i32
        %scatter3A_575 = arith.constant 0 : i32
        %scatter3A_576 = arith.constant 0 : i32
        %scatter3A_577 = tpu.memref_slice %arg10[%scatter3A_573, %scatter3A_574, %scatter3A_575, %scatter3A_576] : memref<4x4x8x129xf32, #tpu.memory_space<vmem>> -> memref<1x4x8x129xf32, #tpu.memory_space<vmem>>
        %scatter3A_578 = tpu.memref_squeeze %scatter3A_577 : memref<1x4x8x129xf32, #tpu.memory_space<vmem>> -> memref<4x8x129xf32, #tpu.memory_space<vmem>>
        tpu.vector_store_idx %scatter3A_578[%select_n3A, %select_n3A_83, %broadcast_in_dim3A_564], %mul3A_572 : memref<4x8x129xf32, #tpu.memory_space<vmem>>[vector<16xi32>, vector<16xi32>, vector<16xi32>], vector<16xf32>,
        %add3A_579 = arith.constant 256 : i32
        %add3A_580 = arith.addi %add3A_579, %add3A_563 : i32
        %get3A_581 = arith.index_cast %add3A_580 : i32 to index
        %get3A_582 = arith.constant 16 : index
        %get3A_583 = tpu.vector_load %arg8[%get3A_581, %get3A_582] {strides = array<i32>} : memref<512x32xf32, #tpu.memory_space<vmem>>, vector<16xf32>,
        %mul3A_584 = arith.constant 5.65685415 : f32
        %mul3A_585 = vector.broadcast %mul3A_584 : f32 to vector<16xf32>
        %mul3A_586 = arith.mulf %get3A_583, %mul3A_585 : vector<16xf32>
        %scatter3A_587 = arith.constant 2 : i32
        %scatter3A_588 = arith.constant 0 : i32
        %scatter3A_589 = arith.constant 0 : i32
        %scatter3A_590 = arith.constant 0 : i32
        %scatter3A_591 = tpu.memref_slice %arg10[%scatter3A_587, %scatter3A_588, %scatter3A_589, %scatter3A_590] : memref<4x4x8x129xf32, #tpu.memory_space<vmem>> -> memref<1x4x8x129xf32, #tpu.memory_space<vmem>>
        %scatter3A_592 = tpu.memref_squeeze %scatter3A_591 : memref<1x4x8x129xf32, #tpu.memory_space<vmem>> -> memref<4x8x129xf32, #tpu.memory_space<vmem>>
        tpu.vector_store_idx %scatter3A_592[%select_n3A_60, %select_n3A_108, %broadcast_in_dim3A_564], %mul3A_586 : memref<4x8x129xf32, #tpu.memory_space<vmem>>[vector<16xi32>, vector<16xi32>, vector<16xi32>], vector<16xf32>,
        %scan3A_593 = arith.constant 6 : i32
        %scan3A_594 = arith.addi %scan3A_387, %scan3A_593 : i32
        %mul3A_595 = arith.constant 1 : i32
        %mul3A_596 = arith.muli %scan3A_594, %mul3A_595 : i32
        %add3A_597 = arith.constant 0 : i32
        %add3A_598 = arith.addi %add3A_597, %mul3A_596 : i32
        %broadcast_in_dim3A_599 = vector.broadcast %add3A_598 : i32 to vector<16xi32>
        %add3A_600 = arith.constant 256 : i32
        %add3A_601 = arith.addi %add3A_600, %add3A_598 : i32
        %get3A_602 = arith.index_cast %add3A_601 : i32 to index
        %get3A_603 = arith.constant 0 : index
        %get3A_604 = tpu.vector_load %arg8[%get3A_602, %get3A_603] {strides = array<i32>} : memref<512x32xf32, #tpu.memory_space<vmem>>, vector<16xf32>,
        %mul3A_605 = arith.constant 5.65685415 : f32
        %mul3A_606 = vector.broadcast %mul3A_605 : f32 to vector<16xf32>
        %mul3A_607 = arith.mulf %get3A_604, %mul3A_606 : vector<16xf32>
        %scatter3A_608 = arith.constant 2 : i32
        %scatter3A_609 = arith.constant 0 : i32
        %scatter3A_610 = arith.constant 0 : i32
        %scatter3A_611 = arith.constant 0 : i32
        %scatter3A_612 = tpu.memref_slice %arg10[%scatter3A_608, %scatter3A_609, %scatter3A_610, %scatter3A_611] : memref<4x4x8x129xf32, #tpu.memory_space<vmem>> -> memref<1x4x8x129xf32, #tpu.memory_space<vmem>>
        %scatter3A_613 = tpu.memref_squeeze %scatter3A_612 : memref<1x4x8x129xf32, #tpu.memory_space<vmem>> -> memref<4x8x129xf32, #tpu.memory_space<vmem>>
        tpu.vector_store_idx %scatter3A_613[%select_n3A, %select_n3A_83, %broadcast_in_dim3A_599], %mul3A_607 : memref<4x8x129xf32, #tpu.memory_space<vmem>>[vector<16xi32>, vector<16xi32>, vector<16xi32>], vector<16xf32>,
        %add3A_614 = arith.constant 256 : i32
        %add3A_615 = arith.addi %add3A_614, %add3A_598 : i32
        %get3A_616 = arith.index_cast %add3A_615 : i32 to index
        %get3A_617 = arith.constant 16 : index
        %get3A_618 = tpu.vector_load %arg8[%get3A_616, %get3A_617] {strides = array<i32>} : memref<512x32xf32, #tpu.memory_space<vmem>>, vector<16xf32>,
        %mul3A_619 = arith.constant 5.65685415 : f32
        %mul3A_620 = vector.broadcast %mul3A_619 : f32 to vector<16xf32>
        %mul3A_621 = arith.mulf %get3A_618, %mul3A_620 : vector<16xf32>
        %scatter3A_622 = arith.constant 2 : i32
        %scatter3A_623 = arith.constant 0 : i32
        %scatter3A_624 = arith.constant 0 : i32
        %scatter3A_625 = arith.constant 0 : i32
        %scatter3A_626 = tpu.memref_slice %arg10[%scatter3A_622, %scatter3A_623, %scatter3A_624, %scatter3A_625] : memref<4x4x8x129xf32, #tpu.memory_space<vmem>> -> memref<1x4x8x129xf32, #tpu.memory_space<vmem>>
        %scatter3A_627 = tpu.memref_squeeze %scatter3A_626 : memref<1x4x8x129xf32, #tpu.memory_space<vmem>> -> memref<4x8x129xf32, #tpu.memory_space<vmem>>
        tpu.vector_store_idx %scatter3A_627[%select_n3A_60, %select_n3A_108, %broadcast_in_dim3A_599], %mul3A_621 : memref<4x8x129xf32, #tpu.memory_space<vmem>>[vector<16xi32>, vector<16xi32>, vector<16xi32>], vector<16xf32>,
        %scan3A_628 = arith.constant 7 : i32
        %scan3A_629 = arith.addi %scan3A_387, %scan3A_628 : i32
        %mul3A_630 = arith.constant 1 : i32
        %mul3A_631 = arith.muli %scan3A_629, %mul3A_630 : i32
        %add3A_632 = arith.constant 0 : i32
        %add3A_633 = arith.addi %add3A_632, %mul3A_631 : i32
        %broadcast_in_dim3A_634 = vector.broadcast %add3A_633 : i32 to vector<16xi32>
        %add3A_635 = arith.constant 256 : i32
        %add3A_636 = arith.addi %add3A_635, %add3A_633 : i32
        %get3A_637 = arith.index_cast %add3A_636 : i32 to index
        %get3A_638 = arith.constant 0 : index
        %get3A_639 = tpu.vector_load %arg8[%get3A_637, %get3A_638] {strides = array<i32>} : memref<512x32xf32, #tpu.memory_space<vmem>>, vector<16xf32>,
        %mul3A_640 = arith.constant 5.65685415 : f32
        %mul3A_641 = vector.broadcast %mul3A_640 : f32 to vector<16xf32>
        %mul3A_642 = arith.mulf %get3A_639, %mul3A_641 : vector<16xf32>
        %scatter3A_643 = arith.constant 2 : i32
        %scatter3A_644 = arith.constant 0 : i32
        %scatter3A_645 = arith.constant 0 : i32
        %scatter3A_646 = arith.constant 0 : i32
        %scatter3A_647 = tpu.memref_slice %arg10[%scatter3A_643, %scatter3A_644, %scatter3A_645, %scatter3A_646] : memref<4x4x8x129xf32, #tpu.memory_space<vmem>> -> memref<1x4x8x129xf32, #tpu.memory_space<vmem>>
        %scatter3A_648 = tpu.memref_squeeze %scatter3A_647 : memref<1x4x8x129xf32, #tpu.memory_space<vmem>> -> memref<4x8x129xf32, #tpu.memory_space<vmem>>
        tpu.vector_store_idx %scatter3A_648[%select_n3A, %select_n3A_83, %broadcast_in_dim3A_634], %mul3A_642 : memref<4x8x129xf32, #tpu.memory_space<vmem>>[vector<16xi32>, vector<16xi32>, vector<16xi32>], vector<16xf32>,
        %add3A_649 = arith.constant 256 : i32
        %add3A_650 = arith.addi %add3A_649, %add3A_633 : i32
        %get3A_651 = arith.index_cast %add3A_650 : i32 to index
        %get3A_652 = arith.constant 16 : index
        %get3A_653 = tpu.vector_load %arg8[%get3A_651, %get3A_652] {strides = array<i32>} : memref<512x32xf32, #tpu.memory_space<vmem>>, vector<16xf32>,
        %mul3A_654 = arith.constant 5.65685415 : f32
        %mul3A_655 = vector.broadcast %mul3A_654 : f32 to vector<16xf32>
        %mul3A_656 = arith.mulf %get3A_653, %mul3A_655 : vector<16xf32>
        %scatter3A_657 = arith.constant 2 : i32
        %scatter3A_658 = arith.constant 0 : i32
        %scatter3A_659 = arith.constant 0 : i32
        %scatter3A_660 = arith.constant 0 : i32
        %scatter3A_661 = tpu.memref_slice %arg10[%scatter3A_657, %scatter3A_658, %scatter3A_659, %scatter3A_660] : memref<4x4x8x129xf32, #tpu.memory_space<vmem>> -> memref<1x4x8x129xf32, #tpu.memory_space<vmem>>
        %scatter3A_662 = tpu.memref_squeeze %scatter3A_661 : memref<1x4x8x129xf32, #tpu.memory_space<vmem>> -> memref<4x8x129xf32, #tpu.memory_space<vmem>>
        tpu.vector_store_idx %scatter3A_662[%select_n3A_60, %select_n3A_108, %broadcast_in_dim3A_634], %mul3A_656 : memref<4x8x129xf32, #tpu.memory_space<vmem>>[vector<16xi32>, vector<16xi32>, vector<16xi32>], vector<16xf32>,
      }
      %scan3A_359 = arith.constant 128 : i32
      %scan3A_360 = arith.constant 0 : i32
      %scan3A_361 = arith.constant 128 : i32
      %scan3A_362 = arith.addi %scan3A_360, %scan3A_361 : i32
      %scan3A_363 = arith.constant 8 : i32
      scf.for %scan3A_387 = %scan3A_360 to %scan3A_362 step %scan3A_363  : i32 {
        %mul3A_388 = arith.constant 1 : i32
        %mul3A_389 = arith.muli %scan3A_387, %mul3A_388 : i32
        %add3A_390 = arith.constant 0 : i32
        %add3A_391 = arith.addi %add3A_390, %mul3A_389 : i32
        %broadcast_in_dim3A = vector.broadcast %add3A_391 : i32 to vector<16xi32>
        %add3A_392 = arith.constant 384 : i32
        %add3A_393 = arith.addi %add3A_392, %add3A_391 : i32
        %get3A = arith.index_cast %add3A_393 : i32 to index
        %get3A_394 = arith.constant 0 : index
        %get3A_395 = tpu.vector_load %arg8[%get3A, %get3A_394] {strides = array<i32>} : memref<512x32xf32, #tpu.memory_space<vmem>>, vector<16xf32>,
        %mul3A_396 = arith.constant 5.65685415 : f32
        %mul3A_397 = vector.broadcast %mul3A_396 : f32 to vector<16xf32>
        %mul3A_398 = arith.mulf %get3A_395, %mul3A_397 : vector<16xf32>
        %scatter3A = arith.constant 3 : i32
        %scatter3A_399 = arith.constant 0 : i32
        %scatter3A_400 = arith.constant 0 : i32
        %scatter3A_401 = arith.constant 0 : i32
        %scatter3A_402 = tpu.memref_slice %arg10[%scatter3A, %scatter3A_399, %scatter3A_400, %scatter3A_401] : memref<4x4x8x129xf32, #tpu.memory_space<vmem>> -> memref<1x4x8x129xf32, #tpu.memory_space<vmem>>
        %scatter3A_403 = tpu.memref_squeeze %scatter3A_402 : memref<1x4x8x129xf32, #tpu.memory_space<vmem>> -> memref<4x8x129xf32, #tpu.memory_space<vmem>>
        tpu.vector_store_idx %scatter3A_403[%select_n3A, %select_n3A_83, %broadcast_in_dim3A], %mul3A_398 : memref<4x8x129xf32, #tpu.memory_space<vmem>>[vector<16xi32>, vector<16xi32>, vector<16xi32>], vector<16xf32>,
        %add3A_404 = arith.constant 384 : i32
        %add3A_405 = arith.addi %add3A_404, %add3A_391 : i32
        %get3A_406 = arith.index_cast %add3A_405 : i32 to index
        %get3A_407 = arith.constant 16 : index
        %get3A_408 = tpu.vector_load %arg8[%get3A_406, %get3A_407] {strides = array<i32>} : memref<512x32xf32, #tpu.memory_space<vmem>>, vector<16xf32>,
        %mul3A_409 = arith.constant 5.65685415 : f32
        %mul3A_410 = vector.broadcast %mul3A_409 : f32 to vector<16xf32>
        %mul3A_411 = arith.mulf %get3A_408, %mul3A_410 : vector<16xf32>
        %scatter3A_412 = arith.constant 3 : i32
        %scatter3A_413 = arith.constant 0 : i32
        %scatter3A_414 = arith.constant 0 : i32
        %scatter3A_415 = arith.constant 0 : i32
        %scatter3A_416 = tpu.memref_slice %arg10[%scatter3A_412, %scatter3A_413, %scatter3A_414, %scatter3A_415] : memref<4x4x8x129xf32, #tpu.memory_space<vmem>> -> memref<1x4x8x129xf32, #tpu.memory_space<vmem>>
        %scatter3A_417 = tpu.memref_squeeze %scatter3A_416 : memref<1x4x8x129xf32, #tpu.memory_space<vmem>> -> memref<4x8x129xf32, #tpu.memory_space<vmem>>
        tpu.vector_store_idx %scatter3A_417[%select_n3A_60, %select_n3A_108, %broadcast_in_dim3A], %mul3A_411 : memref<4x8x129xf32, #tpu.memory_space<vmem>>[vector<16xi32>, vector<16xi32>, vector<16xi32>], vector<16xf32>,
        %scan3A_418 = arith.constant 1 : i32
        %scan3A_419 = arith.addi %scan3A_387, %scan3A_418 : i32
        %mul3A_420 = arith.constant 1 : i32
        %mul3A_421 = arith.muli %scan3A_419, %mul3A_420 : i32
        %add3A_422 = arith.constant 0 : i32
        %add3A_423 = arith.addi %add3A_422, %mul3A_421 : i32
        %broadcast_in_dim3A_424 = vector.broadcast %add3A_423 : i32 to vector<16xi32>
        %add3A_425 = arith.constant 384 : i32
        %add3A_426 = arith.addi %add3A_425, %add3A_423 : i32
        %get3A_427 = arith.index_cast %add3A_426 : i32 to index
        %get3A_428 = arith.constant 0 : index
        %get3A_429 = tpu.vector_load %arg8[%get3A_427, %get3A_428] {strides = array<i32>} : memref<512x32xf32, #tpu.memory_space<vmem>>, vector<16xf32>,
        %mul3A_430 = arith.constant 5.65685415 : f32
        %mul3A_431 = vector.broadcast %mul3A_430 : f32 to vector<16xf32>
        %mul3A_432 = arith.mulf %get3A_429, %mul3A_431 : vector<16xf32>
        %scatter3A_433 = arith.constant 3 : i32
        %scatter3A_434 = arith.constant 0 : i32
        %scatter3A_435 = arith.constant 0 : i32
        %scatter3A_436 = arith.constant 0 : i32
        %scatter3A_437 = tpu.memref_slice %arg10[%scatter3A_433, %scatter3A_434, %scatter3A_435, %scatter3A_436] : memref<4x4x8x129xf32, #tpu.memory_space<vmem>> -> memref<1x4x8x129xf32, #tpu.memory_space<vmem>>
        %scatter3A_438 = tpu.memref_squeeze %scatter3A_437 : memref<1x4x8x129xf32, #tpu.memory_space<vmem>> -> memref<4x8x129xf32, #tpu.memory_space<vmem>>
        tpu.vector_store_idx %scatter3A_438[%select_n3A, %select_n3A_83, %broadcast_in_dim3A_424], %mul3A_432 : memref<4x8x129xf32, #tpu.memory_space<vmem>>[vector<16xi32>, vector<16xi32>, vector<16xi32>], vector<16xf32>,
        %add3A_439 = arith.constant 384 : i32
        %add3A_440 = arith.addi %add3A_439, %add3A_423 : i32
        %get3A_441 = arith.index_cast %add3A_440 : i32 to index
        %get3A_442 = arith.constant 16 : index
        %get3A_443 = tpu.vector_load %arg8[%get3A_441, %get3A_442] {strides = array<i32>} : memref<512x32xf32, #tpu.memory_space<vmem>>, vector<16xf32>,
        %mul3A_444 = arith.constant 5.65685415 : f32
        %mul3A_445 = vector.broadcast %mul3A_444 : f32 to vector<16xf32>
        %mul3A_446 = arith.mulf %get3A_443, %mul3A_445 : vector<16xf32>
        %scatter3A_447 = arith.constant 3 : i32
        %scatter3A_448 = arith.constant 0 : i32
        %scatter3A_449 = arith.constant 0 : i32
        %scatter3A_450 = arith.constant 0 : i32
        %scatter3A_451 = tpu.memref_slice %arg10[%scatter3A_447, %scatter3A_448, %scatter3A_449, %scatter3A_450] : memref<4x4x8x129xf32, #tpu.memory_space<vmem>> -> memref<1x4x8x129xf32, #tpu.memory_space<vmem>>
        %scatter3A_452 = tpu.memref_squeeze %scatter3A_451 : memref<1x4x8x129xf32, #tpu.memory_space<vmem>> -> memref<4x8x129xf32, #tpu.memory_space<vmem>>
        tpu.vector_store_idx %scatter3A_452[%select_n3A_60, %select_n3A_108, %broadcast_in_dim3A_424], %mul3A_446 : memref<4x8x129xf32, #tpu.memory_space<vmem>>[vector<16xi32>, vector<16xi32>, vector<16xi32>], vector<16xf32>,
        %scan3A_453 = arith.constant 2 : i32
        %scan3A_454 = arith.addi %scan3A_387, %scan3A_453 : i32
        %mul3A_455 = arith.constant 1 : i32
        %mul3A_456 = arith.muli %scan3A_454, %mul3A_455 : i32
        %add3A_457 = arith.constant 0 : i32
        %add3A_458 = arith.addi %add3A_457, %mul3A_456 : i32
        %broadcast_in_dim3A_459 = vector.broadcast %add3A_458 : i32 to vector<16xi32>
        %add3A_460 = arith.constant 384 : i32
        %add3A_461 = arith.addi %add3A_460, %add3A_458 : i32
        %get3A_462 = arith.index_cast %add3A_461 : i32 to index
        %get3A_463 = arith.constant 0 : index
        %get3A_464 = tpu.vector_load %arg8[%get3A_462, %get3A_463] {strides = array<i32>} : memref<512x32xf32, #tpu.memory_space<vmem>>, vector<16xf32>,
        %mul3A_465 = arith.constant 5.65685415 : f32
        %mul3A_466 = vector.broadcast %mul3A_465 : f32 to vector<16xf32>
        %mul3A_467 = arith.mulf %get3A_464, %mul3A_466 : vector<16xf32>
        %scatter3A_468 = arith.constant 3 : i32
        %scatter3A_469 = arith.constant 0 : i32
        %scatter3A_470 = arith.constant 0 : i32
        %scatter3A_471 = arith.constant 0 : i32
        %scatter3A_472 = tpu.memref_slice %arg10[%scatter3A_468, %scatter3A_469, %scatter3A_470, %scatter3A_471] : memref<4x4x8x129xf32, #tpu.memory_space<vmem>> -> memref<1x4x8x129xf32, #tpu.memory_space<vmem>>
        %scatter3A_473 = tpu.memref_squeeze %scatter3A_472 : memref<1x4x8x129xf32, #tpu.memory_space<vmem>> -> memref<4x8x129xf32, #tpu.memory_space<vmem>>
        tpu.vector_store_idx %scatter3A_473[%select_n3A, %select_n3A_83, %broadcast_in_dim3A_459], %mul3A_467 : memref<4x8x129xf32, #tpu.memory_space<vmem>>[vector<16xi32>, vector<16xi32>, vector<16xi32>], vector<16xf32>,
        %add3A_474 = arith.constant 384 : i32
        %add3A_475 = arith.addi %add3A_474, %add3A_458 : i32
        %get3A_476 = arith.index_cast %add3A_475 : i32 to index
        %get3A_477 = arith.constant 16 : index
        %get3A_478 = tpu.vector_load %arg8[%get3A_476, %get3A_477] {strides = array<i32>} : memref<512x32xf32, #tpu.memory_space<vmem>>, vector<16xf32>,
        %mul3A_479 = arith.constant 5.65685415 : f32
        %mul3A_480 = vector.broadcast %mul3A_479 : f32 to vector<16xf32>
        %mul3A_481 = arith.mulf %get3A_478, %mul3A_480 : vector<16xf32>
        %scatter3A_482 = arith.constant 3 : i32
        %scatter3A_483 = arith.constant 0 : i32
        %scatter3A_484 = arith.constant 0 : i32
        %scatter3A_485 = arith.constant 0 : i32
        %scatter3A_486 = tpu.memref_slice %arg10[%scatter3A_482, %scatter3A_483, %scatter3A_484, %scatter3A_485] : memref<4x4x8x129xf32, #tpu.memory_space<vmem>> -> memref<1x4x8x129xf32, #tpu.memory_space<vmem>>
        %scatter3A_487 = tpu.memref_squeeze %scatter3A_486 : memref<1x4x8x129xf32, #tpu.memory_space<vmem>> -> memref<4x8x129xf32, #tpu.memory_space<vmem>>
        tpu.vector_store_idx %scatter3A_487[%select_n3A_60, %select_n3A_108, %broadcast_in_dim3A_459], %mul3A_481 : memref<4x8x129xf32, #tpu.memory_space<vmem>>[vector<16xi32>, vector<16xi32>, vector<16xi32>], vector<16xf32>,
        %scan3A_488 = arith.constant 3 : i32
        %scan3A_489 = arith.addi %scan3A_387, %scan3A_488 : i32
        %mul3A_490 = arith.constant 1 : i32
        %mul3A_491 = arith.muli %scan3A_489, %mul3A_490 : i32
        %add3A_492 = arith.constant 0 : i32
        %add3A_493 = arith.addi %add3A_492, %mul3A_491 : i32
        %broadcast_in_dim3A_494 = vector.broadcast %add3A_493 : i32 to vector<16xi32>
        %add3A_495 = arith.constant 384 : i32
        %add3A_496 = arith.addi %add3A_495, %add3A_493 : i32
        %get3A_497 = arith.index_cast %add3A_496 : i32 to index
        %get3A_498 = arith.constant 0 : index
        %get3A_499 = tpu.vector_load %arg8[%get3A_497, %get3A_498] {strides = array<i32>} : memref<512x32xf32, #tpu.memory_space<vmem>>, vector<16xf32>,
        %mul3A_500 = arith.constant 5.65685415 : f32
        %mul3A_501 = vector.broadcast %mul3A_500 : f32 to vector<16xf32>
        %mul3A_502 = arith.mulf %get3A_499, %mul3A_501 : vector<16xf32>
        %scatter3A_503 = arith.constant 3 : i32
        %scatter3A_504 = arith.constant 0 : i32
        %scatter3A_505 = arith.constant 0 : i32
        %scatter3A_506 = arith.constant 0 : i32
        %scatter3A_507 = tpu.memref_slice %arg10[%scatter3A_503, %scatter3A_504, %scatter3A_505, %scatter3A_506] : memref<4x4x8x129xf32, #tpu.memory_space<vmem>> -> memref<1x4x8x129xf32, #tpu.memory_space<vmem>>
        %scatter3A_508 = tpu.memref_squeeze %scatter3A_507 : memref<1x4x8x129xf32, #tpu.memory_space<vmem>> -> memref<4x8x129xf32, #tpu.memory_space<vmem>>
        tpu.vector_store_idx %scatter3A_508[%select_n3A, %select_n3A_83, %broadcast_in_dim3A_494], %mul3A_502 : memref<4x8x129xf32, #tpu.memory_space<vmem>>[vector<16xi32>, vector<16xi32>, vector<16xi32>], vector<16xf32>,
        %add3A_509 = arith.constant 384 : i32
        %add3A_510 = arith.addi %add3A_509, %add3A_493 : i32
        %get3A_511 = arith.index_cast %add3A_510 : i32 to index
        %get3A_512 = arith.constant 16 : index
        %get3A_513 = tpu.vector_load %arg8[%get3A_511, %get3A_512] {strides = array<i32>} : memref<512x32xf32, #tpu.memory_space<vmem>>, vector<16xf32>,
        %mul3A_514 = arith.constant 5.65685415 : f32
        %mul3A_515 = vector.broadcast %mul3A_514 : f32 to vector<16xf32>
        %mul3A_516 = arith.mulf %get3A_513, %mul3A_515 : vector<16xf32>
        %scatter3A_517 = arith.constant 3 : i32
        %scatter3A_518 = arith.constant 0 : i32
        %scatter3A_519 = arith.constant 0 : i32
        %scatter3A_520 = arith.constant 0 : i32
        %scatter3A_521 = tpu.memref_slice %arg10[%scatter3A_517, %scatter3A_518, %scatter3A_519, %scatter3A_520] : memref<4x4x8x129xf32, #tpu.memory_space<vmem>> -> memref<1x4x8x129xf32, #tpu.memory_space<vmem>>
        %scatter3A_522 = tpu.memref_squeeze %scatter3A_521 : memref<1x4x8x129xf32, #tpu.memory_space<vmem>> -> memref<4x8x129xf32, #tpu.memory_space<vmem>>
        tpu.vector_store_idx %scatter3A_522[%select_n3A_60, %select_n3A_108, %broadcast_in_dim3A_494], %mul3A_516 : memref<4x8x129xf32, #tpu.memory_space<vmem>>[vector<16xi32>, vector<16xi32>, vector<16xi32>], vector<16xf32>,
        %scan3A_523 = arith.constant 4 : i32
        %scan3A_524 = arith.addi %scan3A_387, %scan3A_523 : i32
        %mul3A_525 = arith.constant 1 : i32
        %mul3A_526 = arith.muli %scan3A_524, %mul3A_525 : i32
        %add3A_527 = arith.constant 0 : i32
        %add3A_528 = arith.addi %add3A_527, %mul3A_526 : i32
        %broadcast_in_dim3A_529 = vector.broadcast %add3A_528 : i32 to vector<16xi32>
        %add3A_530 = arith.constant 384 : i32
        %add3A_531 = arith.addi %add3A_530, %add3A_528 : i32
        %get3A_532 = arith.index_cast %add3A_531 : i32 to index
        %get3A_533 = arith.constant 0 : index
        %get3A_534 = tpu.vector_load %arg8[%get3A_532, %get3A_533] {strides = array<i32>} : memref<512x32xf32, #tpu.memory_space<vmem>>, vector<16xf32>,
        %mul3A_535 = arith.constant 5.65685415 : f32
        %mul3A_536 = vector.broadcast %mul3A_535 : f32 to vector<16xf32>
        %mul3A_537 = arith.mulf %get3A_534, %mul3A_536 : vector<16xf32>
        %scatter3A_538 = arith.constant 3 : i32
        %scatter3A_539 = arith.constant 0 : i32
        %scatter3A_540 = arith.constant 0 : i32
        %scatter3A_541 = arith.constant 0 : i32
        %scatter3A_542 = tpu.memref_slice %arg10[%scatter3A_538, %scatter3A_539, %scatter3A_540, %scatter3A_541] : memref<4x4x8x129xf32, #tpu.memory_space<vmem>> -> memref<1x4x8x129xf32, #tpu.memory_space<vmem>>
        %scatter3A_543 = tpu.memref_squeeze %scatter3A_542 : memref<1x4x8x129xf32, #tpu.memory_space<vmem>> -> memref<4x8x129xf32, #tpu.memory_space<vmem>>
        tpu.vector_store_idx %scatter3A_543[%select_n3A, %select_n3A_83, %broadcast_in_dim3A_529], %mul3A_537 : memref<4x8x129xf32, #tpu.memory_space<vmem>>[vector<16xi32>, vector<16xi32>, vector<16xi32>], vector<16xf32>,
        %add3A_544 = arith.constant 384 : i32
        %add3A_545 = arith.addi %add3A_544, %add3A_528 : i32
        %get3A_546 = arith.index_cast %add3A_545 : i32 to index
        %get3A_547 = arith.constant 16 : index
        %get3A_548 = tpu.vector_load %arg8[%get3A_546, %get3A_547] {strides = array<i32>} : memref<512x32xf32, #tpu.memory_space<vmem>>, vector<16xf32>,
        %mul3A_549 = arith.constant 5.65685415 : f32
        %mul3A_550 = vector.broadcast %mul3A_549 : f32 to vector<16xf32>
        %mul3A_551 = arith.mulf %get3A_548, %mul3A_550 : vector<16xf32>
        %scatter3A_552 = arith.constant 3 : i32
        %scatter3A_553 = arith.constant 0 : i32
        %scatter3A_554 = arith.constant 0 : i32
        %scatter3A_555 = arith.constant 0 : i32
        %scatter3A_556 = tpu.memref_slice %arg10[%scatter3A_552, %scatter3A_553, %scatter3A_554, %scatter3A_555] : memref<4x4x8x129xf32, #tpu.memory_space<vmem>> -> memref<1x4x8x129xf32, #tpu.memory_space<vmem>>
        %scatter3A_557 = tpu.memref_squeeze %scatter3A_556 : memref<1x4x8x129xf32, #tpu.memory_space<vmem>> -> memref<4x8x129xf32, #tpu.memory_space<vmem>>
        tpu.vector_store_idx %scatter3A_557[%select_n3A_60, %select_n3A_108, %broadcast_in_dim3A_529], %mul3A_551 : memref<4x8x129xf32, #tpu.memory_space<vmem>>[vector<16xi32>, vector<16xi32>, vector<16xi32>], vector<16xf32>,
        %scan3A_558 = arith.constant 5 : i32
        %scan3A_559 = arith.addi %scan3A_387, %scan3A_558 : i32
        %mul3A_560 = arith.constant 1 : i32
        %mul3A_561 = arith.muli %scan3A_559, %mul3A_560 : i32
        %add3A_562 = arith.constant 0 : i32
        %add3A_563 = arith.addi %add3A_562, %mul3A_561 : i32
        %broadcast_in_dim3A_564 = vector.broadcast %add3A_563 : i32 to vector<16xi32>
        %add3A_565 = arith.constant 384 : i32
        %add3A_566 = arith.addi %add3A_565, %add3A_563 : i32
        %get3A_567 = arith.index_cast %add3A_566 : i32 to index
        %get3A_568 = arith.constant 0 : index
        %get3A_569 = tpu.vector_load %arg8[%get3A_567, %get3A_568] {strides = array<i32>} : memref<512x32xf32, #tpu.memory_space<vmem>>, vector<16xf32>,
        %mul3A_570 = arith.constant 5.65685415 : f32
        %mul3A_571 = vector.broadcast %mul3A_570 : f32 to vector<16xf32>
        %mul3A_572 = arith.mulf %get3A_569, %mul3A_571 : vector<16xf32>
        %scatter3A_573 = arith.constant 3 : i32
        %scatter3A_574 = arith.constant 0 : i32
        %scatter3A_575 = arith.constant 0 : i32
        %scatter3A_576 = arith.constant 0 : i32
        %scatter3A_577 = tpu.memref_slice %arg10[%scatter3A_573, %scatter3A_574, %scatter3A_575, %scatter3A_576] : memref<4x4x8x129xf32, #tpu.memory_space<vmem>> -> memref<1x4x8x129xf32, #tpu.memory_space<vmem>>
        %scatter3A_578 = tpu.memref_squeeze %scatter3A_577 : memref<1x4x8x129xf32, #tpu.memory_space<vmem>> -> memref<4x8x129xf32, #tpu.memory_space<vmem>>
        tpu.vector_store_idx %scatter3A_578[%select_n3A, %select_n3A_83, %broadcast_in_dim3A_564], %mul3A_572 : memref<4x8x129xf32, #tpu.memory_space<vmem>>[vector<16xi32>, vector<16xi32>, vector<16xi32>], vector<16xf32>,
        %add3A_579 = arith.constant 384 : i32
        %add3A_580 = arith.addi %add3A_579, %add3A_563 : i32
        %get3A_581 = arith.index_cast %add3A_580 : i32 to index
        %get3A_582 = arith.constant 16 : index
        %get3A_583 = tpu.vector_load %arg8[%get3A_581, %get3A_582] {strides = array<i32>} : memref<512x32xf32, #tpu.memory_space<vmem>>, vector<16xf32>,
        %mul3A_584 = arith.constant 5.65685415 : f32
        %mul3A_585 = vector.broadcast %mul3A_584 : f32 to vector<16xf32>
        %mul3A_586 = arith.mulf %get3A_583, %mul3A_585 : vector<16xf32>
        %scatter3A_587 = arith.constant 3 : i32
        %scatter3A_588 = arith.constant 0 : i32
        %scatter3A_589 = arith.constant 0 : i32
        %scatter3A_590 = arith.constant 0 : i32
        %scatter3A_591 = tpu.memref_slice %arg10[%scatter3A_587, %scatter3A_588, %scatter3A_589, %scatter3A_590] : memref<4x4x8x129xf32, #tpu.memory_space<vmem>> -> memref<1x4x8x129xf32, #tpu.memory_space<vmem>>
        %scatter3A_592 = tpu.memref_squeeze %scatter3A_591 : memref<1x4x8x129xf32, #tpu.memory_space<vmem>> -> memref<4x8x129xf32, #tpu.memory_space<vmem>>
        tpu.vector_store_idx %scatter3A_592[%select_n3A_60, %select_n3A_108, %broadcast_in_dim3A_564], %mul3A_586 : memref<4x8x129xf32, #tpu.memory_space<vmem>>[vector<16xi32>, vector<16xi32>, vector<16xi32>], vector<16xf32>,
        %scan3A_593 = arith.constant 6 : i32
        %scan3A_594 = arith.addi %scan3A_387, %scan3A_593 : i32
        %mul3A_595 = arith.constant 1 : i32
        %mul3A_596 = arith.muli %scan3A_594, %mul3A_595 : i32
        %add3A_597 = arith.constant 0 : i32
        %add3A_598 = arith.addi %add3A_597, %mul3A_596 : i32
        %broadcast_in_dim3A_599 = vector.broadcast %add3A_598 : i32 to vector<16xi32>
        %add3A_600 = arith.constant 384 : i32
        %add3A_601 = arith.addi %add3A_600, %add3A_598 : i32
        %get3A_602 = arith.index_cast %add3A_601 : i32 to index
        %get3A_603 = arith.constant 0 : index
        %get3A_604 = tpu.vector_load %arg8[%get3A_602, %get3A_603] {strides = array<i32>} : memref<512x32xf32, #tpu.memory_space<vmem>>, vector<16xf32>,
        %mul3A_605 = arith.constant 5.65685415 : f32
        %mul3A_606 = vector.broadcast %mul3A_605 : f32 to vector<16xf32>
        %mul3A_607 = arith.mulf %get3A_604, %mul3A_606 : vector<16xf32>
        %scatter3A_608 = arith.constant 3 : i32
        %scatter3A_609 = arith.constant 0 : i32
        %scatter3A_610 = arith.constant 0 : i32
        %scatter3A_611 = arith.constant 0 : i32
        %scatter3A_612 = tpu.memref_slice %arg10[%scatter3A_608, %scatter3A_609, %scatter3A_610, %scatter3A_611] : memref<4x4x8x129xf32, #tpu.memory_space<vmem>> -> memref<1x4x8x129xf32, #tpu.memory_space<vmem>>
        %scatter3A_613 = tpu.memref_squeeze %scatter3A_612 : memref<1x4x8x129xf32, #tpu.memory_space<vmem>> -> memref<4x8x129xf32, #tpu.memory_space<vmem>>
        tpu.vector_store_idx %scatter3A_613[%select_n3A, %select_n3A_83, %broadcast_in_dim3A_599], %mul3A_607 : memref<4x8x129xf32, #tpu.memory_space<vmem>>[vector<16xi32>, vector<16xi32>, vector<16xi32>], vector<16xf32>,
        %add3A_614 = arith.constant 384 : i32
        %add3A_615 = arith.addi %add3A_614, %add3A_598 : i32
        %get3A_616 = arith.index_cast %add3A_615 : i32 to index
        %get3A_617 = arith.constant 16 : index
        %get3A_618 = tpu.vector_load %arg8[%get3A_616, %get3A_617] {strides = array<i32>} : memref<512x32xf32, #tpu.memory_space<vmem>>, vector<16xf32>,
        %mul3A_619 = arith.constant 5.65685415 : f32
        %mul3A_620 = vector.broadcast %mul3A_619 : f32 to vector<16xf32>
        %mul3A_621 = arith.mulf %get3A_618, %mul3A_620 : vector<16xf32>
        %scatter3A_622 = arith.constant 3 : i32
        %scatter3A_623 = arith.constant 0 : i32
        %scatter3A_624 = arith.constant 0 : i32
        %scatter3A_625 = arith.constant 0 : i32
        %scatter3A_626 = tpu.memref_slice %arg10[%scatter3A_622, %scatter3A_623, %scatter3A_624, %scatter3A_625] : memref<4x4x8x129xf32, #tpu.memory_space<vmem>> -> memref<1x4x8x129xf32, #tpu.memory_space<vmem>>
        %scatter3A_627 = tpu.memref_squeeze %scatter3A_626 : memref<1x4x8x129xf32, #tpu.memory_space<vmem>> -> memref<4x8x129xf32, #tpu.memory_space<vmem>>
        tpu.vector_store_idx %scatter3A_627[%select_n3A_60, %select_n3A_108, %broadcast_in_dim3A_599], %mul3A_621 : memref<4x8x129xf32, #tpu.memory_space<vmem>>[vector<16xi32>, vector<16xi32>, vector<16xi32>], vector<16xf32>,
        %scan3A_628 = arith.constant 7 : i32
        %scan3A_629 = arith.addi %scan3A_387, %scan3A_628 : i32
        %mul3A_630 = arith.constant 1 : i32
        %mul3A_631 = arith.muli %scan3A_629, %mul3A_630 : i32
        %add3A_632 = arith.constant 0 : i32
        %add3A_633 = arith.addi %add3A_632, %mul3A_631 : i32
        %broadcast_in_dim3A_634 = vector.broadcast %add3A_633 : i32 to vector<16xi32>
        %add3A_635 = arith.constant 384 : i32
        %add3A_636 = arith.addi %add3A_635, %add3A_633 : i32
        %get3A_637 = arith.index_cast %add3A_636 : i32 to index
        %get3A_638 = arith.constant 0 : index
        %get3A_639 = tpu.vector_load %arg8[%get3A_637, %get3A_638] {strides = array<i32>} : memref<512x32xf32, #tpu.memory_space<vmem>>, vector<16xf32>,
        %mul3A_640 = arith.constant 5.65685415 : f32
        %mul3A_641 = vector.broadcast %mul3A_640 : f32 to vector<16xf32>
        %mul3A_642 = arith.mulf %get3A_639, %mul3A_641 : vector<16xf32>
        %scatter3A_643 = arith.constant 3 : i32
        %scatter3A_644 = arith.constant 0 : i32
        %scatter3A_645 = arith.constant 0 : i32
        %scatter3A_646 = arith.constant 0 : i32
        %scatter3A_647 = tpu.memref_slice %arg10[%scatter3A_643, %scatter3A_644, %scatter3A_645, %scatter3A_646] : memref<4x4x8x129xf32, #tpu.memory_space<vmem>> -> memref<1x4x8x129xf32, #tpu.memory_space<vmem>>
        %scatter3A_648 = tpu.memref_squeeze %scatter3A_647 : memref<1x4x8x129xf32, #tpu.memory_space<vmem>> -> memref<4x8x129xf32, #tpu.memory_space<vmem>>
        tpu.vector_store_idx %scatter3A_648[%select_n3A, %select_n3A_83, %broadcast_in_dim3A_634], %mul3A_642 : memref<4x8x129xf32, #tpu.memory_space<vmem>>[vector<16xi32>, vector<16xi32>, vector<16xi32>], vector<16xf32>,
        %add3A_649 = arith.constant 384 : i32
        %add3A_650 = arith.addi %add3A_649, %add3A_633 : i32
        %get3A_651 = arith.index_cast %add3A_650 : i32 to index
        %get3A_652 = arith.constant 16 : index
        %get3A_653 = tpu.vector_load %arg8[%get3A_651, %get3A_652] {strides = array<i32>} : memref<512x32xf32, #tpu.memory_space<vmem>>, vector<16xf32>,
        %mul3A_654 = arith.constant 5.65685415 : f32
        %mul3A_655 = vector.broadcast %mul3A_654 : f32 to vector<16xf32>
        %mul3A_656 = arith.mulf %get3A_653, %mul3A_655 : vector<16xf32>
        %scatter3A_657 = arith.constant 3 : i32
        %scatter3A_658 = arith.constant 0 : i32
        %scatter3A_659 = arith.constant 0 : i32
        %scatter3A_660 = arith.constant 0 : i32
        %scatter3A_661 = tpu.memref_slice %arg10[%scatter3A_657, %scatter3A_658, %scatter3A_659, %scatter3A_660] : memref<4x4x8x129xf32, #tpu.memory_space<vmem>> -> memref<1x4x8x129xf32, #tpu.memory_space<vmem>>
        %scatter3A_662 = tpu.memref_squeeze %scatter3A_661 : memref<1x4x8x129xf32, #tpu.memory_space<vmem>> -> memref<4x8x129xf32, #tpu.memory_space<vmem>>
        tpu.vector_store_idx %scatter3A_662[%select_n3A_60, %select_n3A_108, %broadcast_in_dim3A_634], %mul3A_656 : memref<4x8x129xf32, #tpu.memory_space<vmem>>[vector<16xi32>, vector<16xi32>, vector<16xi32>], vector<16xf32>,
      }
      %scan3A_364 = arith.constant 128 : i32
      %mul3A_365 = arith.constant 4 : i32
      %mul3A_366 = arith.muli %add3A_292, %mul3A_365 : i32
      %dma_start3A_367 = arith.constant 0 : i32
      %dma_start3A_368 = arith.constant 0 : i32
      %dma_start3A_369 = arith.constant 0 : i32
      %dma_start3A_370 = arith.constant 0 : i32
      %dma_start3A_371 = tpu.memref_slice %arg10[%dma_start3A_367, %dma_start3A_368, %dma_start3A_369, %dma_start3A_370] : memref<4x4x8x129xf32, #tpu.memory_space<vmem>> -> memref<4x4x8x128xf32, #tpu.memory_space<vmem>>
      %dma_start3A_372 = arith.constant 0 : i32
      %dma_start3A_373 = arith.constant 0 : i32
      %dma_start3A_374 = arith.constant 0 : i32
      %dma_start3A_375 = tpu.memref_slice %arg4[%mul3A_366, %dma_start3A_372, %add3A, %dma_start3A_373, %dma_start3A_374] : memref<200x4x32x8x128xf32, #tpu.memory_space<hbm>> -> memref<4x4x1x8x128xf32, #tpu.memory_space<hbm>>
      %dma_start3A_376 = tpu.memref_squeeze %dma_start3A_375 : memref<4x4x1x8x128xf32, #tpu.memory_space<hbm>> -> memref<4x4x8x128xf32, #tpu.memory_space<hbm>>
      %dma_start3A_377 = arith.constant 0 : i32
      %dma_start3A_378 = arith.constant 0 : i32
      %dma_start3A_379 = arith.constant 0 : i32
      %dma_start3A_380 = tpu.memref_slice %arg4[%mul3A_366, %dma_start3A_377, %add3A, %dma_start3A_378, %dma_start3A_379] : memref<200x4x32x8x128xf32, #tpu.memory_space<hbm>> -> memref<4x4x1x8x128xf32, #tpu.memory_space<hbm>>
      %dma_start3A_381 = tpu.memref_squeeze %dma_start3A_380 : memref<4x4x1x8x128xf32, #tpu.memory_space<hbm>> -> memref<4x4x8x128xf32, #tpu.memory_space<hbm>>
      %dma_start3A_382 = arith.constant 0 : i32
      %dma_start3A_383 = arith.constant 0 : i32
      %dma_start3A_384 = arith.constant 0 : i32
      %dma_start3A_385 = arith.constant 0 : i32
      %dma_start3A_386 = tpu.memref_slice %arg10[%dma_start3A_382, %dma_start3A_383, %dma_start3A_384, %dma_start3A_385] : memref<4x4x8x129xf32, #tpu.memory_space<vmem>> -> memref<4x4x8x128xf32, #tpu.memory_space<vmem>>
      tpu.enqueue_dma source(%dma_start3A_386 : memref<4x4x8x128xf32, #tpu.memory_space<vmem>>) target(%dma_start3A_381 : memref<4x4x8x128xf32, #tpu.memory_space<hbm>>) target_semaphore(%arg14 : memref<!tpu.dma_semaphore, #tpu.memory_space<semaphore_mem>>)
    }
    %scan3A_151 = arith.constant 25 : i32
    %dma_wait3A = arith.constant 0 : i32
    %dma_wait3A_152 = arith.constant 0 : i32
    %dma_wait3A_153 = arith.constant 0 : i32
    %dma_wait3A_154 = arith.constant 0 : i32
    %dma_wait3A_155 = tpu.memref_slice %arg9[%dma_wait3A, %dma_wait3A_152, %dma_wait3A_153, %dma_wait3A_154] : memref<4x4x8x129xf32, #tpu.memory_space<vmem>> -> memref<4x4x8x128xf32, #tpu.memory_space<vmem>>
    %dma_wait3A_156 = arith.constant 0 : i32
    %dma_wait3A_157 = arith.constant 0 : i32
    %dma_wait3A_158 = arith.constant 0 : i32
    %dma_wait3A_159 = arith.constant 0 : i32
    %dma_wait3A_160 = tpu.memref_slice %arg4[%dma_wait3A_156, %dma_wait3A_157, %add3A, %dma_wait3A_158, %dma_wait3A_159] : memref<200x4x32x8x128xf32, #tpu.memory_space<hbm>> -> memref<4x4x1x8x128xf32, #tpu.memory_space<hbm>>
    %dma_wait3A_161 = tpu.memref_squeeze %dma_wait3A_160 : memref<4x4x1x8x128xf32, #tpu.memory_space<hbm>> -> memref<4x4x8x128xf32, #tpu.memory_space<hbm>>
    %dma_wait3A_162 = arith.constant 0 : i32
    %dma_wait3A_163 = arith.constant 0 : i32
    %dma_wait3A_164 = arith.constant 0 : i32
    %dma_wait3A_165 = arith.constant 0 : i32
    %dma_wait3A_166 = tpu.memref_slice %arg4[%dma_wait3A_162, %dma_wait3A_163, %add3A, %dma_wait3A_164, %dma_wait3A_165] : memref<200x4x32x8x128xf32, #tpu.memory_space<hbm>> -> memref<4x4x1x8x128xf32, #tpu.memory_space<hbm>>
    %dma_wait3A_167 = tpu.memref_squeeze %dma_wait3A_166 : memref<4x4x1x8x128xf32, #tpu.memory_space<hbm>> -> memref<4x4x8x128xf32, #tpu.memory_space<hbm>>
    %dma_wait3A_168 = arith.constant 0 : i32
    %dma_wait3A_169 = arith.constant 0 : i32
    %dma_wait3A_170 = arith.constant 0 : i32
    %dma_wait3A_171 = arith.constant 0 : i32
    %dma_wait3A_172 = tpu.memref_slice %arg9[%dma_wait3A_168, %dma_wait3A_169, %dma_wait3A_170, %dma_wait3A_171] : memref<4x4x8x129xf32, #tpu.memory_space<vmem>> -> memref<4x4x8x128xf32, #tpu.memory_space<vmem>>
    tpu.wait_dma2 semaphore(%arg13 : memref<!tpu.dma_semaphore, #tpu.memory_space<semaphore_mem>>) src(%dma_wait3A_172 : memref<4x4x8x128xf32, #tpu.memory_space<vmem>>) dst(%dma_wait3A_167 : memref<4x4x8x128xf32, #tpu.memory_space<hbm>>)
    %dma_wait3A_173 = arith.constant 0 : i32
    %dma_wait3A_174 = arith.constant 0 : i32
    %dma_wait3A_175 = arith.constant 0 : i32
    %dma_wait3A_176 = arith.constant 0 : i32
    %dma_wait3A_177 = tpu.memref_slice %arg10[%dma_wait3A_173, %dma_wait3A_174, %dma_wait3A_175, %dma_wait3A_176] : memref<4x4x8x129xf32, #tpu.memory_space<vmem>> -> memref<4x4x8x128xf32, #tpu.memory_space<vmem>>
    %dma_wait3A_178 = arith.constant 0 : i32
    %dma_wait3A_179 = arith.constant 0 : i32
    %dma_wait3A_180 = arith.constant 0 : i32
    %dma_wait3A_181 = arith.constant 0 : i32
    %dma_wait3A_182 = tpu.memref_slice %arg4[%dma_wait3A_178, %dma_wait3A_179, %add3A, %dma_wait3A_180, %dma_wait3A_181] : memref<200x4x32x8x128xf32, #tpu.memory_space<hbm>> -> memref<4x4x1x8x128xf32, #tpu.memory_space<hbm>>
    %dma_wait3A_183 = tpu.memref_squeeze %dma_wait3A_182 : memref<4x4x1x8x128xf32, #tpu.memory_space<hbm>> -> memref<4x4x8x128xf32, #tpu.memory_space<hbm>>
    %dma_wait3A_184 = arith.constant 0 : i32
    %dma_wait3A_185 = arith.constant 0 : i32
    %dma_wait3A_186 = arith.constant 0 : i32
    %dma_wait3A_187 = arith.constant 0 : i32
    %dma_wait3A_188 = tpu.memref_slice %arg4[%dma_wait3A_184, %dma_wait3A_185, %add3A, %dma_wait3A_186, %dma_wait3A_187] : memref<200x4x32x8x128xf32, #tpu.memory_space<hbm>> -> memref<4x4x1x8x128xf32, #tpu.memory_space<hbm>>
    %dma_wait3A_189 = tpu.memref_squeeze %dma_wait3A_188 : memref<4x4x1x8x128xf32, #tpu.memory_space<hbm>> -> memref<4x4x8x128xf32, #tpu.memory_space<hbm>>
    %dma_wait3A_190 = arith.constant 0 : i32
    %dma_wait3A_191 = arith.constant 0 : i32
    %dma_wait3A_192 = arith.constant 0 : i32
    %dma_wait3A_193 = arith.constant 0 : i32
    %dma_wait3A_194 = tpu.memref_slice %arg10[%dma_wait3A_190, %dma_wait3A_191, %dma_wait3A_192, %dma_wait3A_193] : memref<4x4x8x129xf32, #tpu.memory_space<vmem>> -> memref<4x4x8x128xf32, #tpu.memory_space<vmem>>
    tpu.wait_dma2 semaphore(%arg14 : memref<!tpu.dma_semaphore, #tpu.memory_space<semaphore_mem>>) src(%dma_wait3A_194 : memref<4x4x8x128xf32, #tpu.memory_space<vmem>>) dst(%dma_wait3A_189 : memref<4x4x8x128xf32, #tpu.memory_space<hbm>>)
    return
  }
}

</mosaic_0001>

<sc_bundles>
// kernel: kernel.3.cloned.1.call-start
scs
__scs_entry_jumppad:
0x0: {  	(pc) =	sbr.rel $0x88, $3  }
0x1: {  	(tag) =	ssettag $0x0;
	lr =	simm.s32 $0x1  }
0x2: {  	[smem:$0x3F9F] =	sst lr;
	_ =	strace $0xD0000000  }
0x3: {  	_ = 	snop  }
0x4: {  	_ = 	snop  }
0x5: {  	_ = 	snop  }
0x6: {  	_ = 	snop  }
0x7: {  	_ = 	snop  }
__scs_overlays_trampoline_lowered:
0x8: {  	[smem:$0x3FAE] =	sst s0  }
0x9: {  	[smem:$0x3FAF] =	sst s1  }
0xa: {  	[smem:$0x3FB0] =	sst s2  }
0xb: {  	[smem:$0x3FB1] =	sst s3  }
0xc: {  	[smem:$0x3FB2] =	sst s4  }
0xd: {  	[smem:$0x3FB3] =	sst s5  }
0xe: {  	[smem:$0x3FB4] =	sst s6  }
0xf: {  	[smem:$0x3FB5] =	sst s7  }
0x10: {  	[smem:$0x3FB6] =	sst s8  }
0x11: {  	[smem:$0x3FB7] =	sst s9;
	s0 =	simm.s32 @!p0 $0x0  }
0x12: {  	s1 =	sld [smem:$0x3F9D];
	s0 =	simm.s32 @p0 $0x1  }
0x13: {  	[smem:$0x3FB8] =	sst s0;
	s0 =	simm.s32 @!p1 $0x0  }
0x14: {  	s2 =	sld [smem:$0x3F9C];
	s0 =	simm.s32 @p1 $0x1  }
0x15: {  	[smem:$0x3FB9] =	sst s0;
	s0 =	simm.s32 @!p2 $0x0  }
0x16: {  	s3 =	sld [smem:$0x3FDB];
	s0 =	simm.s32 @p2 $0x1  }
0x17: {  	s4 =	simm.s32 $0x1BF5;
	[smem:$0x3FBB] =	sst s0  }
0x18: {  	s0 =	sld [smem:$0x3F9E];
	_ =	swait.ge [sflag:s4], $0x0  }
0x19: {  	s7 =	sld [smem:$0x3F9F]  }
0x1a: {  	s8 =	sadd.s32 $0xFFFFE003, lr  }
0x1b: {  	s9 =	sadd.s32 $0xFFFFFEF7, lr;
	s5 =	simm.s32 $0xFFFFFFFF;
	p2 =	slt.u32 s8, $0xFFFFF086  }
0x1c: {  	p1 =	slt.u32 s9, $0xF7A;
	s5 =	simm.s32 @!p2 $0x0  }
0x1d: {  	s5 =	simm.s32 @p1 $0x1;
	p0 =	seq.s32 s7, s2  }
0x1e: {  	s7 =	smul.u32 @!p0 $0xF7A, s2;
	p2 =	seq.s32 @!p0 s5, $0x0  }
0x1f: {  	s9 =	smul.u32 $0xF7A, s1;
	s8 =	simm.s32 @!p0 $0x1BF5;
	p2 =	por !p2, p0  }
0x20: {  	[sflag:s8] =	ssyncset.s32 @!p0 $0xFFFFF086;
	s6 =	sadd.s32 @!p0 s3, s7;
	s7 =	simm.s32 @!p0 $0x108  }
0x21: {  	s3 =	sadd.s32 s3, s9;
	s6 =	sadd.s32 @!p0 $0x88, s6;
	s7 =	simm.s32 @p2 $0x1082  }
0x22: {  	[simem:s7], [sflag:s8] =	dma.local @!p0 [hbm:s6], $0xF7A  }
0x23: {  	s9 =	sor.u32 $0xD0000000, s2;
	s6 =	simm.s32 $0x108;
	_ =	swait.ge @!p0 [sflag:s8], $0x0  }
0x24: {  	s3 =	sadd.s32 $0x88, s3;
	s6 =	simm.s32 @!p1 $0x1082;
	[sflag:s4] =	ssyncset.s32 $0xFFFFF086  }
0x25: {  	[simem:s6], [sflag:s4] =	dma.local [hbm:s3], $0xF7A  }
0x26: {  	[smem:$0x3F9F] =	sst s1;
	(tag) =	ssettag s2;
	_ =	strace s9  }
0x27: {  	s1 =	sld [smem:$0x3FAF]  }
0x28: {  	s2 =	sld [smem:$0x3FB0]  }
0x29: {  	s4 =	sld [smem:$0x3FB2]  }
0x2a: {  	p0 =	seq.s32 s5, $0x0;
	s5 =	sld [smem:$0x3FB3]  }
0x2b: {  	s6 =	sld [smem:$0x3FB4]  }
0x2c: {  	s7 =	sld [smem:$0x3FB5]  }
0x2d: {  	s3 =	simm.s32 $0x108;
	s8 =	sld [smem:$0x3FB6]  }
0x2e: {  	s3 =	simm.s32 @!p0 $0x1082;
	s9 =	sld [smem:$0x3FB7]  }
0x2f: {  	lr =	sadd.s32 s0, s3;
	s0 =	sld [smem:$0x3FAE]  }
0x30: {  	s3 =	sld [smem:$0x3FB1]  }
0x31: {  	[smem:$0x3FBA] =	sst s10  }
0x32: {  	s10 =	sld [smem:$0x3FB8];
	_ =	sdelay $0x3  }
0x33: {  	p0 =	seq.s32 s10, $0x1;
	s10 =	sld [smem:$0x3FBA];
	_ =	sdelay $0x3  }
0x34: {  	[smem:$0x3FBA] =	sst s10  }
0x35: {  	s10 =	sld [smem:$0x3FB9];
	_ =	sdelay $0x3  }
0x36: {  	p1 =	seq.s32 s10, $0x1;
	s10 =	sld [smem:$0x3FBA];
	_ =	sdelay $0x3  }
0x37: {  	[smem:$0x3FBA] =	sst s10  }
0x38: {  	s10 =	sld [smem:$0x3FBB]  }
0x39: {  	_ = 	snop;
	(pc) =	sbr.ind lr, $3  }
0x3a: {  	_ = 	snop  }
0x3b: {  	_ = 	snop  }
0x3c: {  	p2 =	seq.s32 s10, $0x1;
	s10 =	sld [smem:$0x3FBA]  }
0x3d: {  	_ =	shalt  }
0x3e: {  	_ =	shalt  }
0x3f: {  	_ =	shalt  }
0x40: {  	_ =	shalt  }
0x41: {  	_ =	shalt  }
0x42: {  	_ =	shalt  }
0x43: {  	_ =	shalt  }
0x44: {  	_ =	shalt  }
0x45: {  	_ =	shalt  }
0x46: {  	_ =	shalt  }
0x47: {  	_ =	shalt  }
0x48: {  	_ =	shalt  }
0x49: {  	_ =	shalt  }
0x4a: {  	_ =	shalt  }
0x4b: {  	_ =	shalt  }
0x4c: {  	_ =	shalt  }
0x4d: {  	_ =	shalt  }
0x4e: {  	_ =	shalt  }
0x4f: {  	_ =	shalt  }
0x50: {  	_ =	shalt  }
0x51: {  	_ =	shalt  }
0x52: {  	_ =	shalt  }
0x53: {  	_ =	shalt  }
0x54: {  	_ =	shalt  }
0x55: {  	_ =	shalt  }
0x56: {  	_ =	shalt  }
0x57: {  	_ =	shalt  }
0x58: {  	_ =	shalt  }
0x59: {  	_ =	shalt  }
0x5a: {  	_ =	shalt  }
0x5b: {  	_ =	shalt  }
0x5c: {  	_ =	shalt  }
0x5d: {  	_ =	shalt  }
0x5e: {  	_ =	shalt  }
0x5f: {  	_ =	shalt  }
0x60: {  	_ =	shalt  }
0x61: {  	_ =	shalt  }
0x62: {  	_ =	shalt  }
0x63: {  	_ =	shalt  }
0x64: {  	_ =	shalt  }
0x65: {  	_ =	shalt  }
0x66: {  	_ =	shalt  }
0x67: {  	_ =	shalt  }
0x68: {  	_ =	shalt  }
0x69: {  	_ =	shalt  }
0x6a: {  	_ =	shalt  }
0x6b: {  	_ =	shalt  }
0x6c: {  	_ =	shalt  }
0x6d: {  	_ =	shalt  }
0x6e: {  	_ =	shalt  }
0x6f: {  	_ =	shalt  }
0x70: {  	_ =	shalt  }
0x71: {  	_ =	shalt  }
0x72: {  	_ =	shalt  }
0x73: {  	_ =	shalt  }
0x74: {  	_ =	shalt  }
0x75: {  	_ =	shalt  }
0x76: {  	_ =	shalt  }
0x77: {  	_ =	shalt  }
0x78: {  	_ =	shalt  }
0x79: {  	_ =	shalt  }
0x7a: {  	_ =	shalt  }
0x7b: {  	_ =	shalt  }
0x7c: {  	_ =	shalt  }
0x7d: {  	_ =	shalt  }
0x7e: {  	_ =	shalt  }
0x7f: {  	_ =	shalt  }
0x80: {  	_ =	shalt  }
0x81: {  	_ =	shalt  }
0x82: {  	_ =	shalt  }
0x83: {  	_ =	shalt  }
0x84: {  	_ =	shalt  }
0x85: {  	_ =	shalt  }
0x86: {  	_ =	shalt  }
0x87: {  	_ =	shalt  }
.Lfunc_end0:
.L_simem_size_0:
called_computation_lowered:
.L_overlay_start_0:
0x88: {  	s2 =	sld [smem:$0x3FD9]  }
0x89: {  	s3 =	sld [smem:$0x3FFE];
	_ =	sdelay $0x1  }
0x8a: {  	s1 =	srdreg.scid  }
0x8b: {  	s0 =	sand.u32 $0x1, s1  }
0x8c: {  	s17 =	sshll.u32 s0, $0xA;
	s2 =	sadd.s32 s3, s2  }
0x8d: {  	s2 =	sadd.s32 s2, s17  }
0x8e: {  	[smem:$0x3FC6] =	sst s2  }
0x8f: {  	_ = 	snop  }
0x90: {  	s2 =	sld [smem:$0x3FC9]  }
0x91: {  	s18 =	sld [smem:$0x3FD0];
	(tm) =	ssettm $0x1  }
0x92: {  	s4 =	sld [smem:$0x3FFB];
	_ =	sdelay $0x3  }
0x93: {  	_ =	strace s4  }
0x94: {  	s4 =	sld [smem:$0x3FFC];
	_ =	sdelay $0x3  }
0x95: {  	_ =	strace s4  }
0x96: {  	s4 =	sld [smem:$0x3FFD];
	_ =	sdelay $0x3  }
0x97: {  	_ =	strace s4  }
0x98: {  	_ =	strace $0x8FFFFFFF  }
0x99: {  	s19 =	sld [smem:$0x3FDB];
	_ =	sdelay $0x1  }
0x9a: {  	s5 =	simm.s32 $_scs_section_size  }
0x9b: {  	s6 =	simm.s32 $_size__tile_overlayer_lowered;
	s7 =	simm.s32 $_tile_overlayer_lowered  }
0x9c: {  	s22 =	simm.s32 $0x1BFF;
	s21 =	sshll.u32 s7, $0x1;
	s4 =	sadd.s32 s5, s19  }
0x9d: {  	s8 =	simm.s32 $0x0;
	s20 =	sshll.u32 s6, $0x1;
	s6 =	sadd.s32 s21, s4  }
0x9e: {  	[timem:s8], [sflag:s22] =	dma.local [hbm:s6], s20  }
0x9f: {  	_ =	swait.ge [sflag:s22], s20  }
0xa0: {  	s5 =	ssub.s32 $0x0, s20;
	[sflag:s22] =	ssyncset.done $0x0  }
0xa1: {  	[sflag:s22] =	ssyncadd.s32 s5;
	_ =	sdelay $0x1  }
0xa2: {  	s23 =	simm.s32 $0x1B8B  }
0xa3: {  	_ =	swait.ge [sflag:s23], $0x1  }
0xa4: {  	[sflag:s23] =	ssyncset.done $0x0  }
0xa5: {  	s25 =	simm.s32 $0x1B8E;
	s24 =	sld [smem:$0x3FFE];
	[sflag:s23] =	ssyncadd.s32 $0xFFFFFFFF  }
0xa6: {  	s26 =	simm.s32 $execute0_lowered;
	[smem:$0x3FD2] =	sst s25  }
0xa7: {  	s6 =	sshll.u32 s26, $0x1;
	_ =	strace $0x80000046;
	[dreg:$0x1] =	wrdreg $0xFFFFFFFF  }
0xa8: {  	s28 =	simm.s32 $_size_execute0_lowered;
	s4 =	sadd.s32 s4, s6;
	[dreg:$0x0] =	wrdreg $0x0  }
0xa9: {  	s6 =	sshll.u32 s28, $0x1;
	[dreg:$0x2] =	wrdreg s4  }
0xaa: {  	[dreg:$0x3] =	wrdreg s6  }
0xab: {  	[dreg:$0x4] =	wrdreg $0xC0  }
0xac: {  	_ =	task [dreg:s8], $0x5FFFF  }
0xad: {  	[dreg:$0x1] =	wrdreg $0xFFFFFFFF  }
0xae: {  	[dreg:$0x0] =	wrdreg $0x60  }
0xaf: {  	[dreg:$0x2] =	wrdreg s2  }
0xb0: {  	[dreg:$0x3] =	wrdreg s24  }
0xb1: {  	[dreg:$0x4] =	wrdreg s18  }
0xb2: {  	[dreg:$0x5] =	wrdreg $0x9  }
0xb3: {  	_ =	task.clear_ibuf [dreg:s8], $0x6FFFF;
	_ =	strace $0x90000046  }
0xb4: {  	s29 =	simm.s32 $0x9;
	_ =	strace $0x80000048  }
0xb5: {  	_ =	swait.ge [sflag:s29], $0x1  }
0xb6: {  	[sflag:s29] =	ssyncadd.s32 $0xFFFFFFFF  }
0xb7: {  	_ =	strace $0x90000048  }
0xb8: {  	_ =	sfence  }
0xb9: {  	s30 =	sld [smem:$0x0];
	_ =	sdelay $0x2  }
0xba: {  	s31 =	sshll.u32 s1, $0xD;
	s1 =	sshrl.u32 s1, $0x2  }
0xbb: {  	s3 =	sand.u32 $0x4000, s31;
	s1 =	sadd.s32 s1, s30  }
0xbc: {  	s0 =	sor.u32 s3, s0;
	s1 =	sshll.u32 s1, $0x11  }
0xbd: {  	s0 =	sor.u32 s1, s0  }
0xbe: {  	s0 =	sadd.s32 $0x8F2B, s0  }
0xbf: {  	[sflag:s0] =	ssyncadd.remote.s32 $0x1  }
0xc0: {  	_ =	sfence.sel $0xFFFF  }
0xc1: {  	[dreg:$0x0] =	wrdreg $0xFFFFFFFF;
	(pc) =	sbr.abs _section_cstart, $3  }
0xc2: {  	[dreg:$0x1] =	wrdreg $0xFFFFFFFF  }
0xc3: {  	_ =	task.clear_ibuf [dreg:s8], $0x2FFFF;
	_ =	strace $0x9FFFFFFF  }
0xc4: {  	(tm) =	ssettm $0x7FFFFFFF  }
0xc5: {  	_ =	shalt  }
tec
execute0_lowered:
.L_overlay_start_1:
0x0: {  	(tag) =	ssettag $0x1  }
0x1: {  	s7 =	rddreg [dreg:$0x0]  }
0x2: {  	s0 =	rddreg [dreg:$0x1]  }
0x3: {  	s10 =	rddreg [dreg:$0x2]  }
0x4: {  	s1 =	srdreg.scid;
	s2 =	stileid.u32;
	s4 =	simm.s32 $0x0  }
0x5: {  	s12 =	simm.s32 $0x5;
	s13 =	simm.s32 $0x80;
	s20 =	simm.s32 $0x200  }
0x6: {  	s28 =	simm.s32 $0x7400;
	s29 =	simm.s32 $0x1;
	s30 =	simm.s32 $0x8400  }
0x7: {  	s31 =	simm.s32 $0x9500;
	s14 =	simm.s32 $0x2;
	s15 =	simm.s32 $0xC800  }
0x8: {  	s16 =	simm.s32 $0xD900;
	s17 =	simm.s32 $0xEA00;
	s18 =	simm.s32 $0xFB00  }
0x9: {  	v0 =	vlaneseq.u32;
	s1 =	sand.u32 $0x1, s1;
	s2 =	sshll.u32 s2, $0xB;
	[smem:$0x7FF] =	sst s4  }
0xa: {  	v1 =	vimm.s32 $0x0;
	vm0 =	vcmask $0x300;
	s6 =	sadd.s32 $0xF42800, s0;
	s25 =	smov.u32 s7;
	s8 =	sadd.s32 $0x40, s7;
	v0 =	vmul.u32 $0x88, v0  }
0xb: {  	v1 =	vsel vm0, $0x3, v1;
	s3 =	sshll.u32 s1, $0xA;
	s1 =	ssub.s32 $0x2, s1;
	_ =	strace $0x80000047  }
.Ltmp0:
0xc: {  	s5 =	sor.u32 s3, s2;
	s23 =	sshrl.u32 s1, $0x1;
	v2 =	vadd.s32 $0x880, v0;
	v3 =	vor.u32 $0x1, v0;
	v4 =	vadd.s32 $0x881, v0;
	(pc) =	sbr.rel .LBB2_1-.Ltmp0, $4  }
0xd: {  	v5 =	vor.u32 $0x2, v0;
	v6 =	vadd.s32 $0x882, v0;
	v7 =	vor.u32 $0x3, v0;
	s2 =	simm.s32 $0xB700;
	s3 =	sshrl.u32 s5, $0x3;
	s24 =	ssub.s32 s1, s23  }
0xe: {  	v8 =	vadd.s32 $0x883, v0;
	v9 =	vor.u32 $0x4, v0;
	v10 =	vadd.s32 $0x884, v0;
	s9 =	sor.u32 $0x8000, s5;
	s26 =	sadd.s32 s7, s3;
	s0 =	smax.u32 s24, $0x1  }
0xf: {  	v11 =	vor.u32 $0x5, v0;
	v12 =	vadd.s32 $0x885, v0;
	v13 =	vor.u32 $0x6, v0;
	s7 =	simm.s32 $0x0;
	[dreg:$0x4] =	wrdreg s26;
	s26 =	smov.u32 s10  }
0x10: {  	v14 =	vadd.s32 $0x886, v0;
	v15 =	vor.u32 $0x7, v0;
	v16 =	vadd.s32 $0x887, v0;
	s10 =	sadd.s32 $0x10000, s10;
	[dreg:$0x5] =	wrdreg s0;
	s0 =	simm.s32 $0xA600  }
.LBB2_29:
0x11: {  	s1 =	simm.s32 $0x3  }
0x12: {  	_ =	swait.ge [sflag:s1], $0x4000  }
0x13: {  	[sflag:s1] =	ssyncset.done $0x0  }
0x14: {  	s3 =	simm.s32 $0x4;
	[sflag:s1] =	ssyncadd.s32 $0xFFFFC000  }
0x15: {  	_ =	swait.ge [sflag:s3], $0x4000  }
0x16: {  	s7 =	rddreg [dreg:$0x6]  }
0x17: {  	s24 =	rddreg [dreg:$0x5];
	s7 =	sadd.s32 $0x1, s7  }
0x18: {  	p0 =	sne.s32 s7, s24  }
.Ltmp1:
0x19: {  	_ = 	snop;
	(pc) =	sbr.rel @!p0 .LBB2_30-.Ltmp1, $3  }
0x1a: {  	_ =	sdelay $0x1  }
0x1b: {  	[sflag:s3] =	ssyncset.done $0x0  }
0x1c: {  	[sflag:s3] =	ssyncadd.s32 $0xFFFFC000  }
.LBB2_1:
0x1d: {  	[dreg:$0x6] =	wrdreg s7  }
0x1e: {  	s1 =	rddreg [dreg:$0x4]  }
0x1f: {  	[tilespmem:s4], [sflag:$0x5] =	stream.linear.gather [hbm4b:s1+s4], $0x200, $0x38;
	[tilespmem:$0x10C00] =	vst v63  }
0x20: {  	_ =	swait.ge [sflag:s12], $0x200  }
0x21: {  	[sflag:s12] =	ssyncset.done $0x0  }
0x22: {  	s19 =	simm.s32 $0x400;
	[sflag:s12] =	ssyncadd.s32 $0xFFFFFE00  }
0x23: {  	[tilespmem:s19], [sflag:$0x1] =	stream.indirect.gather [hbm4b:s6+s13], $0x20, s4, s13, $0xb8;
	[tilespmem:$0x10C00] =	vst v63  }
0x24: {  	s21 =	simm.s32 $0x1400  }
0x25: {  	[tilespmem:s21], [sflag:$0x1] =	stream.indirect.gather [hbm4b:s6+s13], $0x20, s13, s13, $0xb8;
	[tilespmem:$0x10C00] =	vst v63  }
0x26: {  	s22 =	simm.s32 $0x100;
	s3 =	simm.s32 $0x2400  }
0x27: {  	[tilespmem:s3], [sflag:$0x1] =	stream.indirect.gather [hbm4b:s6+s13], $0x20, s22, s13, $0xb8;
	[tilespmem:$0x10C00] =	vst v63  }
0x28: {  	s23 =	simm.s32 $0x180;
	s24 =	simm.s32 $0x3400;
	s19 =	simm.s32 $0x0  }
0x29: {  	[tilespmem:s24], [sflag:$0x1] =	stream.indirect.gather [hbm4b:s6+s13], $0x20, s23, s13, $0xb8;
	[tilespmem:$0x10C00] =	vst v63  }
.LBB2_2:
0x2a: {  	s11 =	sshll.u32 s19, $0xF  }
0x2b: {  	s1 =	sor.u32 s5, s11  }
0x2c: {  	s1 =	sshrl.u32 s1, $0x3  }
0x2d: {  	s1 =	sadd.s32 s1, s8  }
0x2e: {  	[tilespmem:s20], [sflag:$0x5] =	stream.linear.gather [hbm4b:s1+s4], $0x200, $0x38;
	[tilespmem:$0x10C00] =	vst v63  }
0x2f: {  	_ =	swait.ge [sflag:s12], $0x200  }
0x30: {  	[sflag:s12] =	ssyncset.done $0x0  }
0x31: {  	s23 =	simm.s32 $0x4400;
	[sflag:s12] =	ssyncadd.s32 $0xFFFFFE00  }
0x32: {  	[tilespmem:s23], [sflag:$0x2] =	stream.indirect.gather [hbm4b:s6+s13], $0x20, s20, s13, $0xb8;
	[tilespmem:$0x10C00] =	vst v63  }
0x33: {  	s24 =	simm.s32 $0x280;
	s3 =	simm.s32 $0x5400  }
0x34: {  	[tilespmem:s3], [sflag:$0x2] =	stream.indirect.gather [hbm4b:s6+s13], $0x20, s24, s13, $0xb8;
	[tilespmem:$0x10C00] =	vst v63  }
0x35: {  	s7 =	simm.s32 $0x6400;
	s3 =	simm.s32 $0x300  }
0x36: {  	[tilespmem:s7], [sflag:$0x2] =	stream.indirect.gather [hbm4b:s6+s13], $0x20, s3, s13, $0xb8;
	[tilespmem:$0x10C00] =	vst v63  }
0x37: {  	s21 =	simm.s32 $0x380  }
0x38: {  	[tilespmem:s28], [sflag:$0x2] =	stream.indirect.gather [hbm4b:s6+s13], $0x20, s21, s13, $0xb8;
	[tilespmem:$0x10C00] =	vst v63  }
0x39: {  	_ =	swait.ge [sflag:s29], $0x1000  }
0x3a: {  	[sflag:s29] =	ssyncset.done $0x0  }
0x3b: {  	[sflag:s29] =	ssyncadd.s32 $0xFFFFF000  }
0x3c: {  	_ =	swait.ge [sflag:s29], $0x1000  }
0x3d: {  	[sflag:s29] =	ssyncset.done $0x0  }
0x3e: {  	[sflag:s29] =	ssyncadd.s32 $0xFFFFF000  }
0x3f: {  	_ =	swait.ge [sflag:s29], $0x1000  }
0x40: {  	[sflag:s29] =	ssyncset.done $0x0  }
0x41: {  	[sflag:s29] =	ssyncadd.s32 $0xFFFFF000  }
0x42: {  	_ =	swait.ge [sflag:s29], $0x1000  }
0x43: {  	p0 =	seq.s32 s19, $0x0;
	[sflag:s29] =	ssyncset.done $0x0  }
0x44: {  	s22 =	simm.s32 $0x0;
	s1 =	simm.s32 @!p0 $0x3;
	[sflag:s29] =	ssyncadd.s32 $0xFFFFF000  }
0x45: {  	v17 =	vmov s22;
	_ =	swait.ge @!p0 [sflag:s1], $0x4000  }
0x46: {  	v17 =	vshrl.u32 v17, $0x3;
	[sflag:s1] =	ssyncset.done @!p0 $0x0  }
0x47: {  	v17 =	vshll.u32 v17, v1;
	s3 =	simm.s32 $0x480;
	[sflag:s1] =	ssyncadd.s32 @!p0 $0xFFFFC000  }
0x48: {  	v17 =	vbroadcast v17, $0x0;
	v18 =	vld [tilespmem:s3+$0xFFFFFF80];
	_ =	sdelay $0x1  }
0x49: {  	v19 =	vadd.s32 v0, v17;
	_ =	sdelay $0x2  }
0x4a: {  	v18 =	vmul.f32 $5.656854150e+00, v18;
	_ =	sdelay $0x1  }
0x4b: {  	[tilespmem:v19+s30+$0x0] =	vst.idx.msk $0xffff, v18  }
0x4c: {  	v18 =	vld [tilespmem:s3+$0xFFFFFF90];
	_ =	sdelay $0x1  }
0x4d: {  	v17 =	vadd.s32 v2, v17;
	_ =	sdelay $0x1  }
0x4e: {  	s23 =	simm.s32 $0x1  }
0x4f: {  	v19 =	vmov s23;
	v18 =	vmul.f32 $5.656854150e+00, v18  }
0x50: {  	v19 =	vshrl.u32 v19, $0x3  }
0x51: {  	[tilespmem:v17+s30+$0x0] =	vst.idx.msk $0xffff, v18;
	v17 =	vshll.u32 v19, v1  }
0x52: {  	v18 =	vld [tilespmem:s3+$0xFFFFFFA0];
	v17 =	vbroadcast v17, $0x0;
	_ =	sdelay $0x1  }
0x53: {  	v19 =	vadd.s32 v3, v17;
	_ =	sdelay $0x2  }
0x54: {  	v18 =	vmul.f32 $5.656854150e+00, v18;
	_ =	sdelay $0x1  }
0x55: {  	[tilespmem:v19+s30+$0x0] =	vst.idx.msk $0xffff, v18  }
0x56: {  	v18 =	vld [tilespmem:s3+$0xFFFFFFB0];
	_ =	sdelay $0x1  }
0x57: {  	v17 =	vadd.s32 v4, v17;
	_ =	sdelay $0x1  }
0x58: {  	s24 =	simm.s32 $0x2  }
0x59: {  	v19 =	vmov s24;
	v18 =	vmul.f32 $5.656854150e+00, v18  }
0x5a: {  	v19 =	vshrl.u32 v19, $0x3  }
0x5b: {  	[tilespmem:v17+s30+$0x0] =	vst.idx.msk $0xffff, v18;
	v17 =	vshll.u32 v19, v1  }
0x5c: {  	v18 =	vld [tilespmem:s3+$0xFFFFFFC0];
	v17 =	vbroadcast v17, $0x0;
	_ =	sdelay $0x1  }
0x5d: {  	v19 =	vadd.s32 v5, v17;
	_ =	sdelay $0x2  }
0x5e: {  	v18 =	vmul.f32 $5.656854150e+00, v18;
	_ =	sdelay $0x1  }
0x5f: {  	[tilespmem:v19+s30+$0x0] =	vst.idx.msk $0xffff, v18  }
0x60: {  	v18 =	vld [tilespmem:s3+$0xFFFFFFD0];
	_ =	sdelay $0x1  }
0x61: {  	v17 =	vadd.s32 v6, v17;
	_ =	sdelay $0x1  }
0x62: {  	s7 =	simm.s32 $0x3  }
0x63: {  	v19 =	vmov s7;
	v18 =	vmul.f32 $5.656854150e+00, v18  }
0x64: {  	v19 =	vshrl.u32 v19, $0x3  }
0x65: {  	[tilespmem:v17+s30+$0x0] =	vst.idx.msk $0xffff, v18;
	v17 =	vshll.u32 v19, v1  }
0x66: {  	v18 =	vld [tilespmem:s3+$0xFFFFFFE0];
	v17 =	vbroadcast v17, $0x0;
	_ =	sdelay $0x1  }
0x67: {  	v19 =	vadd.s32 v7, v17;
	_ =	sdelay $0x2  }
0x68: {  	v18 =	vmul.f32 $5.656854150e+00, v18;
	_ =	sdelay $0x1  }
0x69: {  	[tilespmem:v19+s30+$0x0] =	vst.idx.msk $0xffff, v18  }
0x6a: {  	v18 =	vld [tilespmem:s3+$0xFFFFFFF0];
	_ =	sdelay $0x1  }
0x6b: {  	v17 =	vadd.s32 v8, v17;
	_ =	sdelay $0x1  }
0x6c: {  	s21 =	simm.s32 $0x4  }
0x6d: {  	v19 =	vmov s21;
	v18 =	vmul.f32 $5.656854150e+00, v18  }
0x6e: {  	v19 =	vshrl.u32 v19, $0x3  }
0x6f: {  	[tilespmem:v17+s30+$0x0] =	vst.idx.msk $0xffff, v18;
	v17 =	vshll.u32 v19, v1  }
0x70: {  	v18 =	vld [tilespmem:s3+$0x0];
	v17 =	vbroadcast v17, $0x0;
	_ =	sdelay $0x1  }
0x71: {  	v19 =	vadd.s32 v9, v17;
	_ =	sdelay $0x2  }
0x72: {  	v18 =	vmul.f32 $5.656854150e+00, v18;
	_ =	sdelay $0x1  }
0x73: {  	[tilespmem:v19+s30+$0x0] =	vst.idx.msk $0xffff, v18  }
0x74: {  	v18 =	vld [tilespmem:s3+$0x10];
	_ =	sdelay $0x1  }
0x75: {  	v17 =	vadd.s32 v10, v17;
	_ =	sdelay $0x1  }
0x76: {  	s22 =	simm.s32 $0x5  }
0x77: {  	v19 =	vmov s22;
	v18 =	vmul.f32 $5.656854150e+00, v18  }
0x78: {  	v19 =	vshrl.u32 v19, $0x3  }
0x79: {  	[tilespmem:v17+s30+$0x0] =	vst.idx.msk $0xffff, v18;
	v17 =	vshll.u32 v19, v1  }
0x7a: {  	v18 =	vld [tilespmem:s3+$0x20];
	v17 =	vbroadcast v17, $0x0;
	_ =	sdelay $0x1  }
0x7b: {  	v19 =	vadd.s32 v11, v17;
	_ =	sdelay $0x2  }
0x7c: {  	v18 =	vmul.f32 $5.656854150e+00, v18;
	_ =	sdelay $0x1  }
0x7d: {  	[tilespmem:v19+s30+$0x0] =	vst.idx.msk $0xffff, v18  }
0x7e: {  	v18 =	vld [tilespmem:s3+$0x30];
	_ =	sdelay $0x1  }
0x7f: {  	v17 =	vadd.s32 v12, v17;
	_ =	sdelay $0x1  }
0x80: {  	s23 =	simm.s32 $0x6  }
0x81: {  	v19 =	vmov s23;
	v18 =	vmul.f32 $5.656854150e+00, v18  }
0x82: {  	v19 =	vshrl.u32 v19, $0x3  }
0x83: {  	[tilespmem:v17+s30+$0x0] =	vst.idx.msk $0xffff, v18;
	v17 =	vshll.u32 v19, v1  }
0x84: {  	v18 =	vld [tilespmem:s3+$0x40];
	v17 =	vbroadcast v17, $0x0;
	_ =	sdelay $0x1  }
0x85: {  	v19 =	vadd.s32 v13, v17;
	_ =	sdelay $0x2  }
0x86: {  	v18 =	vmul.f32 $5.656854150e+00, v18;
	_ =	sdelay $0x1  }
0x87: {  	[tilespmem:v19+s30+$0x0] =	vst.idx.msk $0xffff, v18  }
0x88: {  	v18 =	vld [tilespmem:s3+$0x50];
	_ =	sdelay $0x1  }
0x89: {  	v17 =	vadd.s32 v14, v17;
	_ =	sdelay $0x1  }
0x8a: {  	s24 =	simm.s32 $0x7  }
0x8b: {  	v19 =	vmov s24;
	v18 =	vmul.f32 $5.656854150e+00, v18  }
0x8c: {  	v19 =	vshrl.u32 v19, $0x3  }
0x8d: {  	[tilespmem:v17+s30+$0x0] =	vst.idx.msk $0xffff, v18;
	v17 =	vshll.u32 v19, v1  }
0x8e: {  	v18 =	vld [tilespmem:s3+$0x60];
	v17 =	vbroadcast v17, $0x0;
	_ =	sdelay $0x1  }
0x8f: {  	v19 =	vadd.s32 v15, v17;
	_ =	sdelay $0x2  }
0x90: {  	v18 =	vmul.f32 $5.656854150e+00, v18;
	_ =	sdelay $0x1  }
0x91: {  	[tilespmem:v19+s30+$0x0] =	vst.idx.msk $0xffff, v18  }
0x92: {  	v18 =	vld [tilespmem:s3+$0x70];
	_ =	sdelay $0x1  }
0x93: {  	v17 =	vadd.s32 v16, v17  }
0x94: {  	s1 =	simm.s32 $0x8  }
0x95: {  	v19 =	vmov s1  }
0x96: {  	s7 =	sshll.u32 s19, $0x14;
	s21 =	simm.s32 $0x10;
	v19 =	vshrl.u32 v19, $0x3;
	v18 =	vmul.f32 $5.656854150e+00, v18  }
.LBB2_3:
0x97: {  	p1 =	slt.u32 s21, $0x78  }
0x98: {  	v19 =	vshll.u32 v19, v1;
	[tilespmem:v17+s30+$0x0] =	vst.idx.msk $0xffff, v18;
	s3 =	sadd.s32 $0x100, s3;
	s22 =	smov.u32 s21;
	s21 =	sadd.s32 $0x8, s21  }
0x99: {  	v17 =	vld [tilespmem:s3+$0xFFFFFF80];
	v18 =	vbroadcast v19, $0x0;
	_ =	sdelay $0x1  }
0x9a: {  	v19 =	vadd.s32 v0, v18;
	_ =	sdelay $0x2  }
0x9b: {  	v17 =	vmul.f32 $5.656854150e+00, v17;
	_ =	sdelay $0x1  }
0x9c: {  	[tilespmem:v19+s30+$0x0] =	vst.idx.msk $0xffff, v17  }
0x9d: {  	v17 =	vld [tilespmem:s3+$0xFFFFFF90];
	_ =	sdelay $0x1  }
0x9e: {  	v18 =	vadd.s32 v2, v18;
	_ =	sdelay $0x1  }
0x9f: {  	s23 =	sadd.s32 $0x1, s1  }
0xa0: {  	v19 =	vmov s23;
	v17 =	vmul.f32 $5.656854150e+00, v17  }
0xa1: {  	v19 =	vshrl.u32 v19, $0x3  }
0xa2: {  	[tilespmem:v18+s30+$0x0] =	vst.idx.msk $0xffff, v17;
	v17 =	vshll.u32 v19, v1  }
0xa3: {  	v18 =	vld [tilespmem:s3+$0xFFFFFFA0];
	v17 =	vbroadcast v17, $0x0;
	_ =	sdelay $0x1  }
0xa4: {  	v19 =	vadd.s32 v3, v17;
	_ =	sdelay $0x2  }
0xa5: {  	v18 =	vmul.f32 $5.656854150e+00, v18;
	_ =	sdelay $0x1  }
0xa6: {  	[tilespmem:v19+s30+$0x0] =	vst.idx.msk $0xffff, v18  }
0xa7: {  	v18 =	vld [tilespmem:s3+$0xFFFFFFB0];
	_ =	sdelay $0x1  }
0xa8: {  	v17 =	vadd.s32 v4, v17;
	_ =	sdelay $0x1  }
0xa9: {  	s23 =	sadd.s32 $0x2, s1  }
0xaa: {  	v19 =	vmov s23;
	v18 =	vmul.f32 $5.656854150e+00, v18  }
0xab: {  	v19 =	vshrl.u32 v19, $0x3  }
0xac: {  	[tilespmem:v17+s30+$0x0] =	vst.idx.msk $0xffff, v18;
	v17 =	vshll.u32 v19, v1  }
0xad: {  	v18 =	vld [tilespmem:s3+$0xFFFFFFC0];
	v17 =	vbroadcast v17, $0x0;
	_ =	sdelay $0x1  }
0xae: {  	v19 =	vadd.s32 v5, v17;
	_ =	sdelay $0x2  }
0xaf: {  	v18 =	vmul.f32 $5.656854150e+00, v18;
	_ =	sdelay $0x1  }
0xb0: {  	[tilespmem:v19+s30+$0x0] =	vst.idx.msk $0xffff, v18  }
0xb1: {  	v18 =	vld [tilespmem:s3+$0xFFFFFFD0];
	_ =	sdelay $0x1  }
0xb2: {  	v17 =	vadd.s32 v6, v17;
	_ =	sdelay $0x1  }
0xb3: {  	s23 =	sadd.s32 $0x3, s1  }
0xb4: {  	v19 =	vmov s23;
	v18 =	vmul.f32 $5.656854150e+00, v18  }
0xb5: {  	v19 =	vshrl.u32 v19, $0x3  }
0xb6: {  	[tilespmem:v17+s30+$0x0] =	vst.idx.msk $0xffff, v18;
	v17 =	vshll.u32 v19, v1  }
0xb7: {  	v18 =	vld [tilespmem:s3+$0xFFFFFFE0];
	v17 =	vbroadcast v17, $0x0;
	_ =	sdelay $0x1  }
0xb8: {  	v19 =	vadd.s32 v7, v17;
	_ =	sdelay $0x2  }
0xb9: {  	v18 =	vmul.f32 $5.656854150e+00, v18;
	_ =	sdelay $0x1  }
0xba: {  	[tilespmem:v19+s30+$0x0] =	vst.idx.msk $0xffff, v18  }
0xbb: {  	v18 =	vld [tilespmem:s3+$0xFFFFFFF0];
	_ =	sdelay $0x1  }
0xbc: {  	v17 =	vadd.s32 v8, v17;
	_ =	sdelay $0x1  }
0xbd: {  	s23 =	sadd.s32 $0x4, s1  }
0xbe: {  	v19 =	vmov s23;
	v18 =	vmul.f32 $5.656854150e+00, v18  }
0xbf: {  	v19 =	vshrl.u32 v19, $0x3  }
0xc0: {  	[tilespmem:v17+s30+$0x0] =	vst.idx.msk $0xffff, v18;
	v17 =	vshll.u32 v19, v1  }
0xc1: {  	v18 =	vld [tilespmem:s3+$0x0];
	v17 =	vbroadcast v17, $0x0;
	_ =	sdelay $0x1  }
0xc2: {  	v19 =	vadd.s32 v9, v17;
	_ =	sdelay $0x2  }
0xc3: {  	v18 =	vmul.f32 $5.656854150e+00, v18;
	_ =	sdelay $0x1  }
0xc4: {  	[tilespmem:v19+s30+$0x0] =	vst.idx.msk $0xffff, v18  }
0xc5: {  	v18 =	vld [tilespmem:s3+$0x10];
	_ =	sdelay $0x1  }
0xc6: {  	v17 =	vadd.s32 v10, v17;
	_ =	sdelay $0x1  }
0xc7: {  	s23 =	sadd.s32 $0x5, s1  }
0xc8: {  	v19 =	vmov s23;
	v18 =	vmul.f32 $5.656854150e+00, v18  }
0xc9: {  	v19 =	vshrl.u32 v19, $0x3  }
0xca: {  	[tilespmem:v17+s30+$0x0] =	vst.idx.msk $0xffff, v18;
	v17 =	vshll.u32 v19, v1  }
0xcb: {  	v18 =	vld [tilespmem:s3+$0x20];
	v17 =	vbroadcast v17, $0x0;
	_ =	sdelay $0x1  }
0xcc: {  	v19 =	vadd.s32 v11, v17;
	_ =	sdelay $0x2  }
0xcd: {  	v18 =	vmul.f32 $5.656854150e+00, v18;
	_ =	sdelay $0x1  }
0xce: {  	[tilespmem:v19+s30+$0x0] =	vst.idx.msk $0xffff, v18  }
0xcf: {  	v18 =	vld [tilespmem:s3+$0x30];
	_ =	sdelay $0x1  }
0xd0: {  	v17 =	vadd.s32 v12, v17;
	_ =	sdelay $0x1  }
0xd1: {  	s23 =	sadd.s32 $0x6, s1  }
0xd2: {  	v19 =	vmov s23;
	v18 =	vmul.f32 $5.656854150e+00, v18  }
0xd3: {  	v19 =	vshrl.u32 v19, $0x3  }
0xd4: {  	[tilespmem:v17+s30+$0x0] =	vst.idx.msk $0xffff, v18;
	v17 =	vshll.u32 v19, v1  }
0xd5: {  	v18 =	vld [tilespmem:s3+$0x40];
	v17 =	vbroadcast v17, $0x0;
	_ =	sdelay $0x1  }
0xd6: {  	v19 =	vadd.s32 v13, v17;
	_ =	sdelay $0x2  }
0xd7: {  	v18 =	vmul.f32 $5.656854150e+00, v18;
	_ =	sdelay $0x1  }
0xd8: {  	[tilespmem:v19+s30+$0x0] =	vst.idx.msk $0xffff, v18  }
0xd9: {  	v18 =	vld [tilespmem:s3+$0x50];
	_ =	sdelay $0x1  }
0xda: {  	v17 =	vadd.s32 v14, v17;
	_ =	sdelay $0x1  }
0xdb: {  	s23 =	sadd.s32 $0x7, s1;
	s1 =	smov.u32 s22  }
0xdc: {  	v19 =	vmov s23;
	v18 =	vmul.f32 $5.656854150e+00, v18  }
0xdd: {  	v19 =	vshrl.u32 v19, $0x3  }
0xde: {  	[tilespmem:v17+s30+$0x0] =	vst.idx.msk $0xffff, v18;
	v17 =	vshll.u32 v19, v1  }
0xdf: {  	v18 =	vld [tilespmem:s3+$0x60];
	v17 =	vbroadcast v17, $0x0;
	_ =	sdelay $0x1  }
0xe0: {  	v19 =	vadd.s32 v15, v17;
	_ =	sdelay $0x2  }
0xe1: {  	v18 =	vmul.f32 $5.656854150e+00, v18;
	_ =	sdelay $0x1  }
0xe2: {  	[tilespmem:v19+s30+$0x0] =	vst.idx.msk $0xffff, v18  }
0xe3: {  	v18 =	vld [tilespmem:s3+$0x70];
	_ =	sdelay $0x1  }
.Ltmp2:
0xe4: {  	v17 =	vadd.s32 v16, v17;
	(pc) =	sbr.rel @p1 .LBB2_3-.Ltmp2, $3  }
0xe5: {  	_ =	sdelay $0x1  }
0xe6: {  	v19 =	vmov s1;
	v18 =	vmul.f32 $5.656854150e+00, v18  }
0xe7: {  	v19 =	vshrl.u32 v19, $0x3  }
0xe8: {  	_ =	sdelay $0x3  }
0xe9: {  	v19 =	vshll.u32 v19, v1;
	[tilespmem:v17+s30+$0x0] =	vst.idx.msk $0xffff, v18;
	s3 =	sadd.s32 $0x100, s3  }
0xea: {  	v17 =	vld [tilespmem:s3+$0xFFFFFF80];
	v18 =	vbroadcast v19, $0x0;
	_ =	sdelay $0x1  }
0xeb: {  	v19 =	vadd.s32 v0, v18;
	_ =	sdelay $0x2  }
0xec: {  	v17 =	vmul.f32 $5.656854150e+00, v17;
	_ =	sdelay $0x1  }
0xed: {  	[tilespmem:v19+s30+$0x0] =	vst.idx.msk $0xffff, v17  }
0xee: {  	v17 =	vld [tilespmem:s3+$0xFFFFFF90];
	_ =	sdelay $0x1  }
0xef: {  	v18 =	vadd.s32 v2, v18;
	_ =	sdelay $0x1  }
0xf0: {  	s21 =	sadd.s32 $0x1, s1  }
0xf1: {  	v19 =	vmov s21;
	v17 =	vmul.f32 $5.656854150e+00, v17  }
0xf2: {  	v19 =	vshrl.u32 v19, $0x3  }
0xf3: {  	[tilespmem:v18+s30+$0x0] =	vst.idx.msk $0xffff, v17;
	v17 =	vshll.u32 v19, v1  }
0xf4: {  	v18 =	vld [tilespmem:s3+$0xFFFFFFA0];
	v17 =	vbroadcast v17, $0x0;
	_ =	sdelay $0x1  }
0xf5: {  	v19 =	vadd.s32 v3, v17;
	_ =	sdelay $0x2  }
0xf6: {  	v18 =	vmul.f32 $5.656854150e+00, v18;
	_ =	sdelay $0x1  }
0xf7: {  	[tilespmem:v19+s30+$0x0] =	vst.idx.msk $0xffff, v18  }
0xf8: {  	v18 =	vld [tilespmem:s3+$0xFFFFFFB0];
	_ =	sdelay $0x1  }
0xf9: {  	v17 =	vadd.s32 v4, v17;
	_ =	sdelay $0x1  }
0xfa: {  	s23 =	sadd.s32 $0x2, s1  }
0xfb: {  	v19 =	vmov s23;
	v18 =	vmul.f32 $5.656854150e+00, v18  }
0xfc: {  	v19 =	vshrl.u32 v19, $0x3  }
0xfd: {  	[tilespmem:v17+s30+$0x0] =	vst.idx.msk $0xffff, v18;
	v17 =	vshll.u32 v19, v1  }
0xfe: {  	v18 =	vld [tilespmem:s3+$0xFFFFFFC0];
	v17 =	vbroadcast v17, $0x0;
	_ =	sdelay $0x1  }
0xff: {  	v19 =	vadd.s32 v5, v17;
	_ =	sdelay $0x2  }
0x100: {  	v18 =	vmul.f32 $5.656854150e+00, v18;
	_ =	sdelay $0x1  }
0x101: {  	[tilespmem:v19+s30+$0x0] =	vst.idx.msk $0xffff, v18  }
0x102: {  	v18 =	vld [tilespmem:s3+$0xFFFFFFD0];
	_ =	sdelay $0x1  }
0x103: {  	v17 =	vadd.s32 v6, v17;
	_ =	sdelay $0x1  }
0x104: {  	s24 =	sadd.s32 $0x3, s1  }
0x105: {  	v19 =	vmov s24;
	v18 =	vmul.f32 $5.656854150e+00, v18  }
0x106: {  	v19 =	vshrl.u32 v19, $0x3  }
0x107: {  	[tilespmem:v17+s30+$0x0] =	vst.idx.msk $0xffff, v18;
	v17 =	vshll.u32 v19, v1  }
0x108: {  	v18 =	vld [tilespmem:s3+$0xFFFFFFE0];
	v17 =	vbroadcast v17, $0x0;
	_ =	sdelay $0x1  }
0x109: {  	v19 =	vadd.s32 v7, v17;
	_ =	sdelay $0x2  }
0x10a: {  	v18 =	vmul.f32 $5.656854150e+00, v18;
	_ =	sdelay $0x1  }
0x10b: {  	[tilespmem:v19+s30+$0x0] =	vst.idx.msk $0xffff, v18  }
0x10c: {  	v18 =	vld [tilespmem:s3+$0xFFFFFFF0];
	_ =	sdelay $0x1  }
0x10d: {  	v17 =	vadd.s32 v8, v17;
	_ =	sdelay $0x1  }
0x10e: {  	s22 =	sadd.s32 $0x4, s1  }
0x10f: {  	v19 =	vmov s22;
	v18 =	vmul.f32 $5.656854150e+00, v18  }
0x110: {  	v19 =	vshrl.u32 v19, $0x3  }
0x111: {  	[tilespmem:v17+s30+$0x0] =	vst.idx.msk $0xffff, v18;
	v17 =	vshll.u32 v19, v1  }
0x112: {  	v18 =	vld [tilespmem:s3+$0x0];
	v17 =	vbroadcast v17, $0x0;
	_ =	sdelay $0x1  }
0x113: {  	v19 =	vadd.s32 v9, v17;
	_ =	sdelay $0x2  }
0x114: {  	v18 =	vmul.f32 $5.656854150e+00, v18;
	_ =	sdelay $0x1  }
0x115: {  	[tilespmem:v19+s30+$0x0] =	vst.idx.msk $0xffff, v18  }
0x116: {  	v18 =	vld [tilespmem:s3+$0x10];
	_ =	sdelay $0x1  }
0x117: {  	v17 =	vadd.s32 v10, v17;
	_ =	sdelay $0x1  }
0x118: {  	s23 =	sadd.s32 $0x5, s1  }
0x119: {  	v19 =	vmov s23;
	v18 =	vmul.f32 $5.656854150e+00, v18  }
0x11a: {  	v19 =	vshrl.u32 v19, $0x3  }
0x11b: {  	[tilespmem:v17+s30+$0x0] =	vst.idx.msk $0xffff, v18;
	v17 =	vshll.u32 v19, v1  }
0x11c: {  	v18 =	vld [tilespmem:s3+$0x20];
	v17 =	vbroadcast v17, $0x0;
	_ =	sdelay $0x1  }
0x11d: {  	v19 =	vadd.s32 v11, v17;
	_ =	sdelay $0x2  }
0x11e: {  	v18 =	vmul.f32 $5.656854150e+00, v18;
	_ =	sdelay $0x1  }
0x11f: {  	[tilespmem:v19+s30+$0x0] =	vst.idx.msk $0xffff, v18  }
0x120: {  	v18 =	vld [tilespmem:s3+$0x30];
	_ =	sdelay $0x1  }
0x121: {  	v17 =	vadd.s32 v12, v17;
	_ =	sdelay $0x1  }
0x122: {  	s24 =	sadd.s32 $0x6, s1  }
0x123: {  	v19 =	vmov s24;
	v18 =	vmul.f32 $5.656854150e+00, v18  }
0x124: {  	v19 =	vshrl.u32 v19, $0x3  }
0x125: {  	[tilespmem:v17+s30+$0x0] =	vst.idx.msk $0xffff, v18;
	v17 =	vshll.u32 v19, v1  }
0x126: {  	v18 =	vld [tilespmem:s3+$0x40];
	v17 =	vbroadcast v17, $0x0;
	_ =	sdelay $0x1  }
0x127: {  	v19 =	vadd.s32 v13, v17;
	_ =	sdelay $0x2  }
0x128: {  	v18 =	vmul.f32 $5.656854150e+00, v18;
	_ =	sdelay $0x1  }
0x129: {  	[tilespmem:v19+s30+$0x0] =	vst.idx.msk $0xffff, v18  }
0x12a: {  	v18 =	vld [tilespmem:s3+$0x50];
	_ =	sdelay $0x1  }
0x12b: {  	v17 =	vadd.s32 v14, v17;
	_ =	sdelay $0x1  }
0x12c: {  	s22 =	sadd.s32 $0x7, s1  }
0x12d: {  	v19 =	vmov s22;
	v18 =	vmul.f32 $5.656854150e+00, v18  }
0x12e: {  	v19 =	vshrl.u32 v19, $0x3  }
0x12f: {  	[tilespmem:v17+s30+$0x0] =	vst.idx.msk $0xffff, v18;
	v17 =	vshll.u32 v19, v1  }
0x130: {  	v18 =	vld [tilespmem:s3+$0x60];
	v17 =	vbroadcast v17, $0x0;
	_ =	sdelay $0x1  }
0x131: {  	v19 =	vadd.s32 v15, v17;
	_ =	sdelay $0x2  }
0x132: {  	v18 =	vmul.f32 $5.656854150e+00, v18;
	_ =	sdelay $0x1  }
0x133: {  	[tilespmem:v19+s30+$0x0] =	vst.idx.msk $0xffff, v18  }
0x134: {  	v18 =	vld [tilespmem:s3+$0x70];
	_ =	sdelay $0x1  }
0x135: {  	v17 =	vadd.s32 v16, v17;
	_ =	sdelay $0x1  }
0x136: {  	s23 =	simm.s32 $0x0  }
0x137: {  	v19 =	vmov s23;
	v18 =	vmul.f32 $5.656854150e+00, v18  }
0x138: {  	v19 =	vshrl.u32 v19, $0x3  }
0x139: {  	s24 =	simm.s32 $0x14F0;
	[tilespmem:v17+s30+$0x0] =	vst.idx.msk $0xffff, v18;
	v17 =	vshll.u32 v19, $0x3  }
0x13a: {  	v19 =	vld [tilespmem:s24+$0xFFFFFF10];
	v17 =	vbroadcast v17, $0x0;
	_ =	sdelay $0x1  }
0x13b: {  	v18 =	vadd.s32 v0, v17;
	_ =	sdelay $0x2  }
0x13c: {  	v19 =	vmul.f32 $5.656854150e+00, v19;
	_ =	sdelay $0x1  }
0x13d: {  	[tilespmem:v18+s31+$0x0] =	vst.idx.msk $0xffff, v19  }
0x13e: {  	v20 =	vld [tilespmem:s24+$0xFFFFFF20];
	_ =	sdelay $0x1  }
0x13f: {  	v19 =	vadd.s32 v2, v17;
	_ =	sdelay $0x2  }
0x140: {  	v20 =	vmul.f32 $5.656854150e+00, v20;
	_ =	sdelay $0x1  }
0x141: {  	[tilespmem:v19+s31+$0x0] =	vst.idx.msk $0xffff, v20  }
0x142: {  	v21 =	vld [tilespmem:s24+$0xFFFFFF30];
	_ =	sdelay $0x1  }
0x143: {  	v20 =	vadd.s32 v3, v17;
	_ =	sdelay $0x2  }
0x144: {  	v21 =	vmul.f32 $5.656854150e+00, v21;
	_ =	sdelay $0x1  }
0x145: {  	[tilespmem:v20+s31+$0x0] =	vst.idx.msk $0xffff, v21  }
0x146: {  	v22 =	vld [tilespmem:s24+$0xFFFFFF40];
	_ =	sdelay $0x1  }
0x147: {  	v21 =	vadd.s32 v4, v17;
	_ =	sdelay $0x2  }
0x148: {  	v22 =	vmul.f32 $5.656854150e+00, v22;
	_ =	sdelay $0x1  }
0x149: {  	[tilespmem:v21+s31+$0x0] =	vst.idx.msk $0xffff, v22  }
0x14a: {  	v23 =	vld [tilespmem:s24+$0xFFFFFF50];
	_ =	sdelay $0x1  }
0x14b: {  	v22 =	vadd.s32 v5, v17;
	_ =	sdelay $0x2  }
0x14c: {  	v23 =	vmul.f32 $5.656854150e+00, v23;
	_ =	sdelay $0x1  }
0x14d: {  	[tilespmem:v22+s31+$0x0] =	vst.idx.msk $0xffff, v23  }
0x14e: {  	v24 =	vld [tilespmem:s24+$0xFFFFFF60];
	_ =	sdelay $0x1  }
0x14f: {  	v23 =	vadd.s32 v6, v17;
	_ =	sdelay $0x2  }
0x150: {  	v24 =	vmul.f32 $5.656854150e+00, v24;
	_ =	sdelay $0x1  }
0x151: {  	[tilespmem:v23+s31+$0x0] =	vst.idx.msk $0xffff, v24  }
0x152: {  	v25 =	vld [tilespmem:s24+$0xFFFFFF70];
	_ =	sdelay $0x1  }
0x153: {  	v24 =	vadd.s32 v7, v17;
	_ =	sdelay $0x2  }
0x154: {  	v25 =	vmul.f32 $5.656854150e+00, v25;
	_ =	sdelay $0x1  }
0x155: {  	[tilespmem:v24+s31+$0x0] =	vst.idx.msk $0xffff, v25  }
0x156: {  	v26 =	vld [tilespmem:s24+$0xFFFFFF80];
	_ =	sdelay $0x1  }
0x157: {  	v25 =	vadd.s32 v8, v17;
	_ =	sdelay $0x2  }
0x158: {  	v26 =	vmul.f32 $5.656854150e+00, v26;
	_ =	sdelay $0x1  }
0x159: {  	[tilespmem:v25+s31+$0x0] =	vst.idx.msk $0xffff, v26  }
0x15a: {  	v27 =	vld [tilespmem:s24+$0xFFFFFF90];
	_ =	sdelay $0x1  }
0x15b: {  	v26 =	vadd.s32 v9, v17;
	_ =	sdelay $0x2  }
0x15c: {  	v27 =	vmul.f32 $5.656854150e+00, v27;
	_ =	sdelay $0x1  }
0x15d: {  	[tilespmem:v26+s31+$0x0] =	vst.idx.msk $0xffff, v27  }
0x15e: {  	v28 =	vld [tilespmem:s24+$0xFFFFFFA0];
	_ =	sdelay $0x1  }
0x15f: {  	v27 =	vadd.s32 v10, v17;
	_ =	sdelay $0x2  }
0x160: {  	v28 =	vmul.f32 $5.656854150e+00, v28;
	_ =	sdelay $0x1  }
0x161: {  	[tilespmem:v27+s31+$0x0] =	vst.idx.msk $0xffff, v28  }
0x162: {  	v29 =	vld [tilespmem:s24+$0xFFFFFFB0];
	_ =	sdelay $0x1  }
0x163: {  	v28 =	vadd.s32 v11, v17;
	_ =	sdelay $0x2  }
0x164: {  	v29 =	vmul.f32 $5.656854150e+00, v29;
	_ =	sdelay $0x1  }
0x165: {  	[tilespmem:v28+s31+$0x0] =	vst.idx.msk $0xffff, v29  }
0x166: {  	v30 =	vld [tilespmem:s24+$0xFFFFFFC0];
	_ =	sdelay $0x1  }
0x167: {  	v29 =	vadd.s32 v12, v17;
	_ =	sdelay $0x2  }
0x168: {  	v30 =	vmul.f32 $5.656854150e+00, v30;
	_ =	sdelay $0x1  }
0x169: {  	[tilespmem:v29+s31+$0x0] =	vst.idx.msk $0xffff, v30  }
0x16a: {  	v31 =	vld [tilespmem:s24+$0xFFFFFFD0];
	_ =	sdelay $0x1  }
0x16b: {  	v30 =	vadd.s32 v13, v17;
	_ =	sdelay $0x2  }
0x16c: {  	v31 =	vmul.f32 $5.656854150e+00, v31;
	_ =	sdelay $0x1  }
0x16d: {  	[tilespmem:v30+s31+$0x0] =	vst.idx.msk $0xffff, v31  }
0x16e: {  	v32 =	vld [tilespmem:s24+$0xFFFFFFE0];
	_ =	sdelay $0x1  }
0x16f: {  	v31 =	vadd.s32 v14, v17;
	_ =	sdelay $0x2  }
0x170: {  	v32 =	vmul.f32 $5.656854150e+00, v32;
	_ =	sdelay $0x1  }
0x171: {  	[tilespmem:v31+s31+$0x0] =	vst.idx.msk $0xffff, v32  }
0x172: {  	v33 =	vld [tilespmem:s24+$0xFFFFFFF0];
	_ =	sdelay $0x1  }
0x173: {  	v32 =	vadd.s32 v15, v17  }
0x174: {  	p1 =	por $0x1, $0x1  }
.Ltmp3:
0x175: {  	_ = 	snop;
	(pc) =	sbr.rel @!p1 .LBB2_5-.Ltmp3, $3  }
0x176: {  	v33 =	vmul.f32 $5.656854150e+00, v33;
	_ =	sdelay $0x1  }
0x177: {  	[tilespmem:v32+s31+$0x0] =	vst.idx.msk $0xffff, v33  }
0x178: {  	v17 =	vadd.s32 v16, v17;
	v34 =	vld [tilespmem:s24+$0x0]  }
0x179: {  	_ =	sdelay $0x2  }
0x17a: {  	s1 =	simm.s32 $0x8  }
0x17b: {  	v33 =	vmov s1;
	v34 =	vmul.f32 $5.656854150e+00, v34  }
0x17c: {  	v33 =	vshrl.u32 v33, $0x3  }
0x17d: {  	s3 =	simm.s32 $0x15F0;
	v33 =	vshll.u32 v33, $0x3;
	[tilespmem:v17+s31+$0x0] =	vst.idx.msk $0xffff, v34  }
0x17e: {  	v33 =	vbroadcast v33, $0x0;
	v34 =	vld [tilespmem:s3+$0xFFFFFF10];
	_ =	sdelay $0x1  }
0x17f: {  	v35 =	vadd.s32 v0, v33;
	_ =	sdelay $0x2  }
0x180: {  	v34 =	vmul.f32 $5.656854150e+00, v34;
	_ =	sdelay $0x1  }
0x181: {  	[tilespmem:v35+s31+$0x0] =	vst.idx.msk $0xffff, v34  }
0x182: {  	v34 =	vld [tilespmem:s3+$0xFFFFFF20];
	_ =	sdelay $0x1  }
0x183: {  	v50 =	vadd.s32 v2, v33;
	_ =	sdelay $0x2  }
0x184: {  	v34 =	vmul.f32 $5.656854150e+00, v34;
	_ =	sdelay $0x1  }
0x185: {  	[tilespmem:v50+s31+$0x0] =	vst.idx.msk $0xffff, v34  }
0x186: {  	v34 =	vld [tilespmem:s3+$0xFFFFFF30];
	_ =	sdelay $0x1  }
0x187: {  	v51 =	vadd.s32 v3, v33;
	_ =	sdelay $0x2  }
0x188: {  	v34 =	vmul.f32 $5.656854150e+00, v34;
	_ =	sdelay $0x1  }
0x189: {  	[tilespmem:v51+s31+$0x0] =	vst.idx.msk $0xffff, v34  }
0x18a: {  	v34 =	vld [tilespmem:s3+$0xFFFFFF40];
	_ =	sdelay $0x1  }
0x18b: {  	v52 =	vadd.s32 v4, v33;
	_ =	sdelay $0x2  }
0x18c: {  	v34 =	vmul.f32 $5.656854150e+00, v34;
	_ =	sdelay $0x1  }
0x18d: {  	[tilespmem:v52+s31+$0x0] =	vst.idx.msk $0xffff, v34  }
0x18e: {  	v34 =	vld [tilespmem:s3+$0xFFFFFF50];
	_ =	sdelay $0x1  }
0x18f: {  	v53 =	vadd.s32 v5, v33;
	_ =	sdelay $0x2  }
0x190: {  	v34 =	vmul.f32 $5.656854150e+00, v34;
	_ =	sdelay $0x1  }
0x191: {  	[tilespmem:v53+s31+$0x0] =	vst.idx.msk $0xffff, v34  }
0x192: {  	v34 =	vld [tilespmem:s3+$0xFFFFFF60];
	_ =	sdelay $0x1  }
0x193: {  	v54 =	vadd.s32 v6, v33;
	_ =	sdelay $0x2  }
0x194: {  	v34 =	vmul.f32 $5.656854150e+00, v34;
	_ =	sdelay $0x1  }
0x195: {  	[tilespmem:v54+s31+$0x0] =	vst.idx.msk $0xffff, v34  }
0x196: {  	v34 =	vld [tilespmem:s3+$0xFFFFFF70];
	_ =	sdelay $0x1  }
0x197: {  	v55 =	vadd.s32 v7, v33;
	_ =	sdelay $0x2  }
0x198: {  	v34 =	vmul.f32 $5.656854150e+00, v34;
	_ =	sdelay $0x1  }
0x199: {  	[tilespmem:v55+s31+$0x0] =	vst.idx.msk $0xffff, v34  }
0x19a: {  	v34 =	vld [tilespmem:s3+$0xFFFFFF80];
	_ =	sdelay $0x1  }
0x19b: {  	v56 =	vadd.s32 v8, v33;
	_ =	sdelay $0x2  }
0x19c: {  	v34 =	vmul.f32 $5.656854150e+00, v34;
	_ =	sdelay $0x1  }
0x19d: {  	[tilespmem:v56+s31+$0x0] =	vst.idx.msk $0xffff, v34  }
0x19e: {  	v34 =	vld [tilespmem:s3+$0xFFFFFF90];
	_ =	sdelay $0x1  }
0x19f: {  	v57 =	vadd.s32 v9, v33;
	_ =	sdelay $0x2  }
0x1a0: {  	v34 =	vmul.f32 $5.656854150e+00, v34;
	_ =	sdelay $0x1  }
0x1a1: {  	[tilespmem:v57+s31+$0x0] =	vst.idx.msk $0xffff, v34  }
0x1a2: {  	v34 =	vld [tilespmem:s3+$0xFFFFFFA0];
	_ =	sdelay $0x1  }
0x1a3: {  	v58 =	vadd.s32 v10, v33;
	_ =	sdelay $0x2  }
0x1a4: {  	v34 =	vmul.f32 $5.656854150e+00, v34;
	_ =	sdelay $0x1  }
0x1a5: {  	[tilespmem:v58+s31+$0x0] =	vst.idx.msk $0xffff, v34  }
0x1a6: {  	v34 =	vld [tilespmem:s3+$0xFFFFFFB0];
	_ =	sdelay $0x1  }
0x1a7: {  	v59 =	vadd.s32 v11, v33;
	_ =	sdelay $0x2  }
0x1a8: {  	v34 =	vmul.f32 $5.656854150e+00, v34;
	_ =	sdelay $0x1  }
0x1a9: {  	[tilespmem:v59+s31+$0x0] =	vst.idx.msk $0xffff, v34  }
0x1aa: {  	v34 =	vld [tilespmem:s3+$0xFFFFFFC0];
	_ =	sdelay $0x1  }
0x1ab: {  	v60 =	vadd.s32 v12, v33;
	_ =	sdelay $0x2  }
0x1ac: {  	v34 =	vmul.f32 $5.656854150e+00, v34;
	_ =	sdelay $0x1  }
0x1ad: {  	[tilespmem:v60+s31+$0x0] =	vst.idx.msk $0xffff, v34  }
0x1ae: {  	v34 =	vld [tilespmem:s3+$0xFFFFFFD0];
	_ =	sdelay $0x1  }
0x1af: {  	v61 =	vadd.s32 v13, v33;
	_ =	sdelay $0x2  }
0x1b0: {  	v34 =	vmul.f32 $5.656854150e+00, v34;
	_ =	sdelay $0x1  }
0x1b1: {  	[tilespmem:v61+s31+$0x0] =	vst.idx.msk $0xffff, v34  }
0x1b2: {  	v34 =	vld [tilespmem:s3+$0xFFFFFFE0];
	_ =	sdelay $0x1  }
0x1b3: {  	v62 =	vadd.s32 v14, v33;
	_ =	sdelay $0x2  }
0x1b4: {  	v34 =	vmul.f32 $5.656854150e+00, v34;
	_ =	sdelay $0x1  }
0x1b5: {  	[tilespmem:v62+s31+$0x0] =	vst.idx.msk $0xffff, v34  }
0x1b6: {  	v34 =	vld [tilespmem:s3+$0xFFFFFFF0];
	_ =	sdelay $0x1  }
0x1b7: {  	v63 =	vadd.s32 v15, v33;
	_ =	sdelay $0x2  }
0x1b8: {  	p2 =	por $0x1, $0x1;
	v34 =	vmul.f32 $5.656854150e+00, v34  }
.Ltmp4:
0x1b9: {  	_ = 	snop;
	(pc) =	sbr.rel @!p2 .LBB2_8-.Ltmp4, $3  }
0x1ba: {  	[tilespmem:v63+s31+$0x0] =	vst.idx.msk $0xffff, v34  }
0x1bb: {  	v34 =	vld [tilespmem:s3+$0x0];
	_ =	sdelay $0x1  }
0x1bc: {  	v33 =	vadd.s32 v16, v33  }
.LBB2_7:
0x1bd: {  	_ = 	snop  }
0x1be: {  	s1 =	sadd.s32 $0x8, s1  }
0x1bf: {  	v35 =	vmov s1;
	p2 =	slt.u32 s1, $0x78;
	v34 =	vmul.f32 $5.656854150e+00, v34  }
0x1c0: {  	v35 =	vshrl.u32 v35, $0x3  }
0x1c1: {  	s3 =	sadd.s32 $0x100, s3;
	v35 =	vshll.u32 v35, $0x3;
	[tilespmem:v33+s31+$0x0] =	vst.idx.msk $0xffff, v34  }
0x1c2: {  	v33 =	vbroadcast v35, $0x0;
	v34 =	vld [tilespmem:s3+$0xFFFFFF10];
	_ =	sdelay $0x1  }
0x1c3: {  	v35 =	vadd.s32 v0, v33;
	_ =	sdelay $0x2  }
0x1c4: {  	v34 =	vmul.f32 $5.656854150e+00, v34;
	_ =	sdelay $0x1  }
0x1c5: {  	[tilespmem:v35+s31+$0x0] =	vst.idx.msk $0xffff, v34  }
0x1c6: {  	v34 =	vld [tilespmem:s3+$0xFFFFFF20];
	_ =	sdelay $0x1  }
0x1c7: {  	v35 =	vadd.s32 v2, v33;
	_ =	sdelay $0x2  }
0x1c8: {  	v34 =	vmul.f32 $5.656854150e+00, v34;
	_ =	sdelay $0x1  }
0x1c9: {  	[tilespmem:v35+s31+$0x0] =	vst.idx.msk $0xffff, v34  }
0x1ca: {  	v34 =	vld [tilespmem:s3+$0xFFFFFF30];
	_ =	sdelay $0x1  }
0x1cb: {  	v35 =	vadd.s32 v3, v33;
	_ =	sdelay $0x2  }
0x1cc: {  	v34 =	vmul.f32 $5.656854150e+00, v34;
	_ =	sdelay $0x1  }
0x1cd: {  	[tilespmem:v35+s31+$0x0] =	vst.idx.msk $0xffff, v34  }
0x1ce: {  	v34 =	vld [tilespmem:s3+$0xFFFFFF40];
	_ =	sdelay $0x1  }
0x1cf: {  	v35 =	vadd.s32 v4, v33;
	_ =	sdelay $0x2  }
0x1d0: {  	v34 =	vmul.f32 $5.656854150e+00, v34;
	_ =	sdelay $0x1  }
0x1d1: {  	[tilespmem:v35+s31+$0x0] =	vst.idx.msk $0xffff, v34  }
0x1d2: {  	v34 =	vld [tilespmem:s3+$0xFFFFFF50];
	_ =	sdelay $0x1  }
0x1d3: {  	v35 =	vadd.s32 v5, v33;
	_ =	sdelay $0x2  }
0x1d4: {  	v34 =	vmul.f32 $5.656854150e+00, v34;
	_ =	sdelay $0x1  }
0x1d5: {  	[tilespmem:v35+s31+$0x0] =	vst.idx.msk $0xffff, v34  }
0x1d6: {  	v34 =	vld [tilespmem:s3+$0xFFFFFF60];
	_ =	sdelay $0x1  }
0x1d7: {  	v35 =	vadd.s32 v6, v33;
	_ =	sdelay $0x2  }
0x1d8: {  	v34 =	vmul.f32 $5.656854150e+00, v34;
	_ =	sdelay $0x1  }
0x1d9: {  	[tilespmem:v35+s31+$0x0] =	vst.idx.msk $0xffff, v34  }
0x1da: {  	v34 =	vld [tilespmem:s3+$0xFFFFFF70];
	_ =	sdelay $0x1  }
0x1db: {  	v35 =	vadd.s32 v7, v33;
	_ =	sdelay $0x2  }
0x1dc: {  	v34 =	vmul.f32 $5.656854150e+00, v34;
	_ =	sdelay $0x1  }
0x1dd: {  	[tilespmem:v35+s31+$0x0] =	vst.idx.msk $0xffff, v34  }
0x1de: {  	v34 =	vld [tilespmem:s3+$0xFFFFFF80];
	_ =	sdelay $0x1  }
0x1df: {  	v35 =	vadd.s32 v8, v33;
	_ =	sdelay $0x2  }
0x1e0: {  	v34 =	vmul.f32 $5.656854150e+00, v34;
	_ =	sdelay $0x1  }
0x1e1: {  	[tilespmem:v35+s31+$0x0] =	vst.idx.msk $0xffff, v34  }
0x1e2: {  	v34 =	vld [tilespmem:s3+$0xFFFFFF90];
	_ =	sdelay $0x1  }
0x1e3: {  	v35 =	vadd.s32 v9, v33;
	_ =	sdelay $0x2  }
0x1e4: {  	v34 =	vmul.f32 $5.656854150e+00, v34;
	_ =	sdelay $0x1  }
0x1e5: {  	[tilespmem:v35+s31+$0x0] =	vst.idx.msk $0xffff, v34  }
0x1e6: {  	v34 =	vld [tilespmem:s3+$0xFFFFFFA0];
	_ =	sdelay $0x1  }
0x1e7: {  	v35 =	vadd.s32 v10, v33;
	_ =	sdelay $0x2  }
0x1e8: {  	v34 =	vmul.f32 $5.656854150e+00, v34;
	_ =	sdelay $0x1  }
0x1e9: {  	[tilespmem:v35+s31+$0x0] =	vst.idx.msk $0xffff, v34  }
0x1ea: {  	v34 =	vld [tilespmem:s3+$0xFFFFFFB0];
	_ =	sdelay $0x1  }
0x1eb: {  	v35 =	vadd.s32 v11, v33;
	_ =	sdelay $0x2  }
0x1ec: {  	v34 =	vmul.f32 $5.656854150e+00, v34;
	_ =	sdelay $0x1  }
0x1ed: {  	[tilespmem:v35+s31+$0x0] =	vst.idx.msk $0xffff, v34  }
0x1ee: {  	v34 =	vld [tilespmem:s3+$0xFFFFFFC0];
	_ =	sdelay $0x1  }
0x1ef: {  	v35 =	vadd.s32 v12, v33;
	_ =	sdelay $0x2  }
0x1f0: {  	v34 =	vmul.f32 $5.656854150e+00, v34;
	_ =	sdelay $0x1  }
0x1f1: {  	[tilespmem:v35+s31+$0x0] =	vst.idx.msk $0xffff, v34  }
0x1f2: {  	v34 =	vld [tilespmem:s3+$0xFFFFFFD0];
	_ =	sdelay $0x1  }
0x1f3: {  	v35 =	vadd.s32 v13, v33;
	_ =	sdelay $0x2  }
0x1f4: {  	v34 =	vmul.f32 $5.656854150e+00, v34;
	_ =	sdelay $0x1  }
0x1f5: {  	[tilespmem:v35+s31+$0x0] =	vst.idx.msk $0xffff, v34  }
0x1f6: {  	v34 =	vld [tilespmem:s3+$0xFFFFFFE0];
	_ =	sdelay $0x1  }
0x1f7: {  	v35 =	vadd.s32 v14, v33;
	_ =	sdelay $0x2  }
0x1f8: {  	v34 =	vmul.f32 $5.656854150e+00, v34;
	_ =	sdelay $0x1  }
0x1f9: {  	[tilespmem:v35+s31+$0x0] =	vst.idx.msk $0xffff, v34  }
0x1fa: {  	v34 =	vld [tilespmem:s3+$0xFFFFFFF0];
	_ =	sdelay $0x1  }
0x1fb: {  	v35 =	vadd.s32 v15, v33;
	_ =	sdelay $0x2  }
0x1fc: {  	v34 =	vmul.f32 $5.656854150e+00, v34  }
.Ltmp5:
0x1fd: {  	(pc) =	sbr.rel @p2 .LBB2_7-.Ltmp5, $3  }
0x1fe: {  	[tilespmem:v35+s31+$0x0] =	vst.idx.msk $0xffff, v34  }
0x1ff: {  	v34 =	vld [tilespmem:s3+$0x0];
	_ =	sdelay $0x1  }
0x200: {  	v33 =	vadd.s32 v16, v33  }
.LBB2_8:
0x201: {  	_ =	sdelay $0x1  }
0x202: {  	v34 =	vmul.f32 $5.656854150e+00, v34;
	_ =	sdelay $0x1  }
0x203: {  	s1 =	simm.s32 $0x24F0;
	[tilespmem:v33+s31+$0x0] =	vst.idx.msk $0xffff, v34  }
0x204: {  	v33 =	vld [tilespmem:s1+$0xFFFFFF10];
	_ =	sdelay $0x4  }
0x205: {  	v33 =	vmul.f32 $5.656854150e+00, v33;
	_ =	sdelay $0x1  }
0x206: {  	[tilespmem:v18+s0+$0x0] =	vst.idx.msk $0xffff, v33  }
0x207: {  	v18 =	vld [tilespmem:s1+$0xFFFFFF20];
	_ =	sdelay $0x4  }
0x208: {  	v18 =	vmul.f32 $5.656854150e+00, v18;
	_ =	sdelay $0x1  }
0x209: {  	[tilespmem:v19+s0+$0x0] =	vst.idx.msk $0xffff, v18  }
0x20a: {  	v18 =	vld [tilespmem:s1+$0xFFFFFF30];
	_ =	sdelay $0x4  }
0x20b: {  	v18 =	vmul.f32 $5.656854150e+00, v18;
	_ =	sdelay $0x1  }
0x20c: {  	[tilespmem:v20+s0+$0x0] =	vst.idx.msk $0xffff, v18  }
0x20d: {  	v18 =	vld [tilespmem:s1+$0xFFFFFF40];
	_ =	sdelay $0x4  }
0x20e: {  	v18 =	vmul.f32 $5.656854150e+00, v18;
	_ =	sdelay $0x1  }
0x20f: {  	[tilespmem:v21+s0+$0x0] =	vst.idx.msk $0xffff, v18  }
0x210: {  	v18 =	vld [tilespmem:s1+$0xFFFFFF50];
	_ =	sdelay $0x4  }
0x211: {  	v18 =	vmul.f32 $5.656854150e+00, v18;
	_ =	sdelay $0x1  }
0x212: {  	[tilespmem:v22+s0+$0x0] =	vst.idx.msk $0xffff, v18  }
0x213: {  	v18 =	vld [tilespmem:s1+$0xFFFFFF60];
	_ =	sdelay $0x4  }
0x214: {  	v18 =	vmul.f32 $5.656854150e+00, v18;
	_ =	sdelay $0x1  }
0x215: {  	[tilespmem:v23+s0+$0x0] =	vst.idx.msk $0xffff, v18  }
0x216: {  	v18 =	vld [tilespmem:s1+$0xFFFFFF70];
	_ =	sdelay $0x4  }
0x217: {  	v18 =	vmul.f32 $5.656854150e+00, v18;
	_ =	sdelay $0x1  }
0x218: {  	[tilespmem:v24+s0+$0x0] =	vst.idx.msk $0xffff, v18  }
0x219: {  	v18 =	vld [tilespmem:s1+$0xFFFFFF80];
	_ =	sdelay $0x4  }
0x21a: {  	v18 =	vmul.f32 $5.656854150e+00, v18;
	_ =	sdelay $0x1  }
0x21b: {  	[tilespmem:v25+s0+$0x0] =	vst.idx.msk $0xffff, v18  }
0x21c: {  	v18 =	vld [tilespmem:s1+$0xFFFFFF90];
	_ =	sdelay $0x4  }
0x21d: {  	v18 =	vmul.f32 $5.656854150e+00, v18;
	_ =	sdelay $0x1  }
0x21e: {  	[tilespmem:v26+s0+$0x0] =	vst.idx.msk $0xffff, v18  }
0x21f: {  	v18 =	vld [tilespmem:s1+$0xFFFFFFA0];
	_ =	sdelay $0x4  }
0x220: {  	v18 =	vmul.f32 $5.656854150e+00, v18;
	_ =	sdelay $0x1  }
0x221: {  	[tilespmem:v27+s0+$0x0] =	vst.idx.msk $0xffff, v18  }
0x222: {  	v18 =	vld [tilespmem:s1+$0xFFFFFFB0];
	_ =	sdelay $0x4  }
0x223: {  	v18 =	vmul.f32 $5.656854150e+00, v18;
	_ =	sdelay $0x1  }
0x224: {  	[tilespmem:v28+s0+$0x0] =	vst.idx.msk $0xffff, v18  }
0x225: {  	v18 =	vld [tilespmem:s1+$0xFFFFFFC0];
	_ =	sdelay $0x4  }
0x226: {  	v18 =	vmul.f32 $5.656854150e+00, v18;
	_ =	sdelay $0x1  }
0x227: {  	[tilespmem:v29+s0+$0x0] =	vst.idx.msk $0xffff, v18  }
0x228: {  	v18 =	vld [tilespmem:s1+$0xFFFFFFD0];
	_ =	sdelay $0x4  }
0x229: {  	v18 =	vmul.f32 $5.656854150e+00, v18;
	_ =	sdelay $0x1  }
0x22a: {  	[tilespmem:v30+s0+$0x0] =	vst.idx.msk $0xffff, v18  }
0x22b: {  	v18 =	vld [tilespmem:s1+$0xFFFFFFE0];
	_ =	sdelay $0x4  }
0x22c: {  	v18 =	vmul.f32 $5.656854150e+00, v18;
	_ =	sdelay $0x1  }
0x22d: {  	[tilespmem:v31+s0+$0x0] =	vst.idx.msk $0xffff, v18  }
0x22e: {  	v18 =	vld [tilespmem:s1+$0xFFFFFFF0];
	_ =	sdelay $0x3  }
.Ltmp6:
0x22f: {  	_ = 	snop;
	(pc) =	sbr.rel @!p1 .LBB2_11-.Ltmp6, $3  }
0x230: {  	v18 =	vmul.f32 $5.656854150e+00, v18;
	_ =	sdelay $0x1  }
0x231: {  	[tilespmem:v32+s0+$0x0] =	vst.idx.msk $0xffff, v18  }
0x232: {  	v18 =	vld [tilespmem:s1+$0x0]  }
0x233: {  	_ =	sdelay $0x2  }
0x234: {  	s1 =	simm.s32 $0x8  }
0x235: {  	v19 =	vmov s1;
	v18 =	vmul.f32 $5.656854150e+00, v18  }
0x236: {  	v19 =	vshrl.u32 v19, $0x3  }
0x237: {  	s3 =	simm.s32 $0x25F0;
	v19 =	vshll.u32 v19, $0x3;
	[tilespmem:v17+s0+$0x0] =	vst.idx.msk $0xffff, v18  }
0x238: {  	v19 =	vbroadcast v19, $0x0;
	v17 =	vld [tilespmem:s3+$0xFFFFFF10];
	_ =	sdelay $0x1  }
0x239: {  	v18 =	vadd.s32 v0, v19;
	_ =	sdelay $0x2  }
0x23a: {  	v17 =	vmul.f32 $5.656854150e+00, v17;
	_ =	sdelay $0x1  }
0x23b: {  	[tilespmem:v18+s0+$0x0] =	vst.idx.msk $0xffff, v17  }
0x23c: {  	v17 =	vld [tilespmem:s3+$0xFFFFFF20];
	_ =	sdelay $0x1  }
0x23d: {  	v18 =	vadd.s32 v2, v19;
	_ =	sdelay $0x2  }
0x23e: {  	v17 =	vmul.f32 $5.656854150e+00, v17;
	_ =	sdelay $0x1  }
0x23f: {  	[tilespmem:v18+s0+$0x0] =	vst.idx.msk $0xffff, v17  }
0x240: {  	v17 =	vld [tilespmem:s3+$0xFFFFFF30];
	_ =	sdelay $0x1  }
0x241: {  	v18 =	vadd.s32 v3, v19;
	_ =	sdelay $0x2  }
0x242: {  	v17 =	vmul.f32 $5.656854150e+00, v17;
	_ =	sdelay $0x1  }
0x243: {  	[tilespmem:v18+s0+$0x0] =	vst.idx.msk $0xffff, v17  }
0x244: {  	v17 =	vld [tilespmem:s3+$0xFFFFFF40];
	_ =	sdelay $0x1  }
0x245: {  	v18 =	vadd.s32 v4, v19;
	_ =	sdelay $0x2  }
0x246: {  	v17 =	vmul.f32 $5.656854150e+00, v17;
	_ =	sdelay $0x1  }
0x247: {  	[tilespmem:v18+s0+$0x0] =	vst.idx.msk $0xffff, v17  }
0x248: {  	v17 =	vld [tilespmem:s3+$0xFFFFFF50];
	_ =	sdelay $0x1  }
0x249: {  	v18 =	vadd.s32 v5, v19;
	_ =	sdelay $0x2  }
0x24a: {  	v17 =	vmul.f32 $5.656854150e+00, v17;
	_ =	sdelay $0x1  }
0x24b: {  	[tilespmem:v18+s0+$0x0] =	vst.idx.msk $0xffff, v17  }
0x24c: {  	v17 =	vld [tilespmem:s3+$0xFFFFFF60];
	_ =	sdelay $0x1  }
0x24d: {  	v18 =	vadd.s32 v6, v19;
	_ =	sdelay $0x2  }
0x24e: {  	v17 =	vmul.f32 $5.656854150e+00, v17;
	_ =	sdelay $0x1  }
0x24f: {  	[tilespmem:v18+s0+$0x0] =	vst.idx.msk $0xffff, v17  }
0x250: {  	v17 =	vld [tilespmem:s3+$0xFFFFFF70];
	_ =	sdelay $0x1  }
0x251: {  	v18 =	vadd.s32 v7, v19;
	_ =	sdelay $0x2  }
0x252: {  	v17 =	vmul.f32 $5.656854150e+00, v17;
	_ =	sdelay $0x1  }
0x253: {  	[tilespmem:v18+s0+$0x0] =	vst.idx.msk $0xffff, v17  }
0x254: {  	v17 =	vld [tilespmem:s3+$0xFFFFFF80];
	_ =	sdelay $0x1  }
0x255: {  	v18 =	vadd.s32 v8, v19;
	_ =	sdelay $0x2  }
0x256: {  	v17 =	vmul.f32 $5.656854150e+00, v17;
	_ =	sdelay $0x1  }
0x257: {  	[tilespmem:v18+s0+$0x0] =	vst.idx.msk $0xffff, v17  }
0x258: {  	v17 =	vld [tilespmem:s3+$0xFFFFFF90];
	_ =	sdelay $0x1  }
0x259: {  	v18 =	vadd.s32 v9, v19;
	_ =	sdelay $0x2  }
0x25a: {  	v17 =	vmul.f32 $5.656854150e+00, v17;
	_ =	sdelay $0x1  }
0x25b: {  	[tilespmem:v18+s0+$0x0] =	vst.idx.msk $0xffff, v17  }
0x25c: {  	v17 =	vld [tilespmem:s3+$0xFFFFFFA0];
	_ =	sdelay $0x1  }
0x25d: {  	v18 =	vadd.s32 v10, v19;
	_ =	sdelay $0x2  }
0x25e: {  	v17 =	vmul.f32 $5.656854150e+00, v17;
	_ =	sdelay $0x1  }
0x25f: {  	[tilespmem:v18+s0+$0x0] =	vst.idx.msk $0xffff, v17  }
0x260: {  	v17 =	vld [tilespmem:s3+$0xFFFFFFB0];
	_ =	sdelay $0x1  }
0x261: {  	v18 =	vadd.s32 v11, v19;
	_ =	sdelay $0x2  }
0x262: {  	v17 =	vmul.f32 $5.656854150e+00, v17;
	_ =	sdelay $0x1  }
0x263: {  	[tilespmem:v18+s0+$0x0] =	vst.idx.msk $0xffff, v17  }
0x264: {  	v17 =	vld [tilespmem:s3+$0xFFFFFFC0];
	_ =	sdelay $0x1  }
0x265: {  	v18 =	vadd.s32 v12, v19;
	_ =	sdelay $0x2  }
0x266: {  	v17 =	vmul.f32 $5.656854150e+00, v17;
	_ =	sdelay $0x1  }
0x267: {  	[tilespmem:v18+s0+$0x0] =	vst.idx.msk $0xffff, v17  }
0x268: {  	v17 =	vld [tilespmem:s3+$0xFFFFFFD0];
	_ =	sdelay $0x1  }
0x269: {  	v18 =	vadd.s32 v13, v19;
	_ =	sdelay $0x2  }
0x26a: {  	v17 =	vmul.f32 $5.656854150e+00, v17;
	_ =	sdelay $0x1  }
0x26b: {  	[tilespmem:v18+s0+$0x0] =	vst.idx.msk $0xffff, v17  }
0x26c: {  	v17 =	vld [tilespmem:s3+$0xFFFFFFE0];
	_ =	sdelay $0x1  }
0x26d: {  	v18 =	vadd.s32 v14, v19;
	_ =	sdelay $0x2  }
0x26e: {  	v17 =	vmul.f32 $5.656854150e+00, v17;
	_ =	sdelay $0x1  }
0x26f: {  	[tilespmem:v18+s0+$0x0] =	vst.idx.msk $0xffff, v17  }
0x270: {  	v17 =	vld [tilespmem:s3+$0xFFFFFFF0];
	_ =	sdelay $0x1  }
0x271: {  	v18 =	vadd.s32 v15, v19;
	_ =	sdelay $0x2  }
0x272: {  	p1 =	por $0x1, $0x1;
	v17 =	vmul.f32 $5.656854150e+00, v17  }
.Ltmp7:
0x273: {  	_ = 	snop;
	(pc) =	sbr.rel @!p1 .LBB2_11-.Ltmp7, $3  }
0x274: {  	[tilespmem:v18+s0+$0x0] =	vst.idx.msk $0xffff, v17  }
0x275: {  	v18 =	vld [tilespmem:s3+$0x0];
	_ =	sdelay $0x1  }
0x276: {  	v17 =	vadd.s32 v16, v19  }
.LBB2_10:
0x277: {  	_ = 	snop  }
0x278: {  	s1 =	sadd.s32 $0x8, s1  }
0x279: {  	v19 =	vmov s1;
	p1 =	slt.u32 s1, $0x78;
	v18 =	vmul.f32 $5.656854150e+00, v18  }
0x27a: {  	v19 =	vshrl.u32 v19, $0x3  }
0x27b: {  	s3 =	sadd.s32 $0x100, s3;
	v19 =	vshll.u32 v19, $0x3;
	[tilespmem:v17+s0+$0x0] =	vst.idx.msk $0xffff, v18  }
0x27c: {  	v17 =	vbroadcast v19, $0x0;
	v18 =	vld [tilespmem:s3+$0xFFFFFF10];
	_ =	sdelay $0x1  }
0x27d: {  	v19 =	vadd.s32 v0, v17;
	_ =	sdelay $0x2  }
0x27e: {  	v18 =	vmul.f32 $5.656854150e+00, v18;
	_ =	sdelay $0x1  }
0x27f: {  	[tilespmem:v19+s0+$0x0] =	vst.idx.msk $0xffff, v18  }
0x280: {  	v18 =	vld [tilespmem:s3+$0xFFFFFF20];
	_ =	sdelay $0x1  }
0x281: {  	v19 =	vadd.s32 v2, v17;
	_ =	sdelay $0x2  }
0x282: {  	v18 =	vmul.f32 $5.656854150e+00, v18;
	_ =	sdelay $0x1  }
0x283: {  	[tilespmem:v19+s0+$0x0] =	vst.idx.msk $0xffff, v18  }
0x284: {  	v18 =	vld [tilespmem:s3+$0xFFFFFF30];
	_ =	sdelay $0x1  }
0x285: {  	v19 =	vadd.s32 v3, v17;
	_ =	sdelay $0x2  }
0x286: {  	v18 =	vmul.f32 $5.656854150e+00, v18;
	_ =	sdelay $0x1  }
0x287: {  	[tilespmem:v19+s0+$0x0] =	vst.idx.msk $0xffff, v18  }
0x288: {  	v18 =	vld [tilespmem:s3+$0xFFFFFF40];
	_ =	sdelay $0x1  }
0x289: {  	v19 =	vadd.s32 v4, v17;
	_ =	sdelay $0x2  }
0x28a: {  	v18 =	vmul.f32 $5.656854150e+00, v18;
	_ =	sdelay $0x1  }
0x28b: {  	[tilespmem:v19+s0+$0x0] =	vst.idx.msk $0xffff, v18  }
0x28c: {  	v18 =	vld [tilespmem:s3+$0xFFFFFF50];
	_ =	sdelay $0x1  }
0x28d: {  	v19 =	vadd.s32 v5, v17;
	_ =	sdelay $0x2  }
0x28e: {  	v18 =	vmul.f32 $5.656854150e+00, v18;
	_ =	sdelay $0x1  }
0x28f: {  	[tilespmem:v19+s0+$0x0] =	vst.idx.msk $0xffff, v18  }
0x290: {  	v18 =	vld [tilespmem:s3+$0xFFFFFF60];
	_ =	sdelay $0x1  }
0x291: {  	v19 =	vadd.s32 v6, v17;
	_ =	sdelay $0x2  }
0x292: {  	v18 =	vmul.f32 $5.656854150e+00, v18;
	_ =	sdelay $0x1  }
0x293: {  	[tilespmem:v19+s0+$0x0] =	vst.idx.msk $0xffff, v18  }
0x294: {  	v18 =	vld [tilespmem:s3+$0xFFFFFF70];
	_ =	sdelay $0x1  }
0x295: {  	v19 =	vadd.s32 v7, v17;
	_ =	sdelay $0x2  }
0x296: {  	v18 =	vmul.f32 $5.656854150e+00, v18;
	_ =	sdelay $0x1  }
0x297: {  	[tilespmem:v19+s0+$0x0] =	vst.idx.msk $0xffff, v18  }
0x298: {  	v18 =	vld [tilespmem:s3+$0xFFFFFF80];
	_ =	sdelay $0x1  }
0x299: {  	v19 =	vadd.s32 v8, v17;
	_ =	sdelay $0x2  }
0x29a: {  	v18 =	vmul.f32 $5.656854150e+00, v18;
	_ =	sdelay $0x1  }
0x29b: {  	[tilespmem:v19+s0+$0x0] =	vst.idx.msk $0xffff, v18  }
0x29c: {  	v18 =	vld [tilespmem:s3+$0xFFFFFF90];
	_ =	sdelay $0x1  }
0x29d: {  	v19 =	vadd.s32 v9, v17;
	_ =	sdelay $0x2  }
0x29e: {  	v18 =	vmul.f32 $5.656854150e+00, v18;
	_ =	sdelay $0x1  }
0x29f: {  	[tilespmem:v19+s0+$0x0] =	vst.idx.msk $0xffff, v18  }
0x2a0: {  	v18 =	vld [tilespmem:s3+$0xFFFFFFA0];
	_ =	sdelay $0x1  }
0x2a1: {  	v19 =	vadd.s32 v10, v17;
	_ =	sdelay $0x2  }
0x2a2: {  	v18 =	vmul.f32 $5.656854150e+00, v18;
	_ =	sdelay $0x1  }
0x2a3: {  	[tilespmem:v19+s0+$0x0] =	vst.idx.msk $0xffff, v18  }
0x2a4: {  	v18 =	vld [tilespmem:s3+$0xFFFFFFB0];
	_ =	sdelay $0x1  }
0x2a5: {  	v19 =	vadd.s32 v11, v17;
	_ =	sdelay $0x2  }
0x2a6: {  	v18 =	vmul.f32 $5.656854150e+00, v18;
	_ =	sdelay $0x1  }
0x2a7: {  	[tilespmem:v19+s0+$0x0] =	vst.idx.msk $0xffff, v18  }
0x2a8: {  	v18 =	vld [tilespmem:s3+$0xFFFFFFC0];
	_ =	sdelay $0x1  }
0x2a9: {  	v19 =	vadd.s32 v12, v17;
	_ =	sdelay $0x2  }
0x2aa: {  	v18 =	vmul.f32 $5.656854150e+00, v18;
	_ =	sdelay $0x1  }
0x2ab: {  	[tilespmem:v19+s0+$0x0] =	vst.idx.msk $0xffff, v18  }
0x2ac: {  	v18 =	vld [tilespmem:s3+$0xFFFFFFD0];
	_ =	sdelay $0x1  }
0x2ad: {  	v19 =	vadd.s32 v13, v17;
	_ =	sdelay $0x2  }
0x2ae: {  	v18 =	vmul.f32 $5.656854150e+00, v18;
	_ =	sdelay $0x1  }
0x2af: {  	[tilespmem:v19+s0+$0x0] =	vst.idx.msk $0xffff, v18  }
0x2b0: {  	v18 =	vld [tilespmem:s3+$0xFFFFFFE0];
	_ =	sdelay $0x1  }
0x2b1: {  	v19 =	vadd.s32 v14, v17;
	_ =	sdelay $0x2  }
0x2b2: {  	v18 =	vmul.f32 $5.656854150e+00, v18;
	_ =	sdelay $0x1  }
0x2b3: {  	[tilespmem:v19+s0+$0x0] =	vst.idx.msk $0xffff, v18  }
0x2b4: {  	v18 =	vld [tilespmem:s3+$0xFFFFFFF0];
	_ =	sdelay $0x1  }
0x2b5: {  	v19 =	vadd.s32 v15, v17;
	_ =	sdelay $0x2  }
0x2b6: {  	v18 =	vmul.f32 $5.656854150e+00, v18  }
.Ltmp8:
0x2b7: {  	(pc) =	sbr.rel @p1 .LBB2_10-.Ltmp8, $3  }
0x2b8: {  	[tilespmem:v19+s0+$0x0] =	vst.idx.msk $0xffff, v18  }
0x2b9: {  	v18 =	vld [tilespmem:s3+$0x0];
	_ =	sdelay $0x1  }
0x2ba: {  	v17 =	vadd.s32 v16, v17  }
.LBB2_11:
0x2bb: {  	_ =	sdelay $0x2  }
0x2bc: {  	s1 =	simm.s32 $0x0  }
0x2bd: {  	v19 =	vmov s1;
	v18 =	vmul.f32 $5.656854150e+00, v18  }
0x2be: {  	v19 =	vshrl.u32 v19, $0x3  }
0x2bf: {  	s3 =	simm.s32 $0x34F0;
	[tilespmem:v17+s0+$0x0] =	vst.idx.msk $0xffff, v18;
	v17 =	vshll.u32 v19, $0x3  }
0x2c0: {  	v18 =	vld [tilespmem:s3+$0xFFFFFF10];
	v17 =	vbroadcast v17, $0x0;
	_ =	sdelay $0x1  }
0x2c1: {  	v19 =	vadd.s32 v0, v17;
	_ =	sdelay $0x2  }
0x2c2: {  	v18 =	vmul.f32 $5.656854150e+00, v18;
	_ =	sdelay $0x1  }
0x2c3: {  	[tilespmem:v19+s2+$0x0] =	vst.idx.msk $0xffff, v18  }
0x2c4: {  	v18 =	vld [tilespmem:s3+$0xFFFFFF20];
	_ =	sdelay $0x1  }
0x2c5: {  	v19 =	vadd.s32 v2, v17;
	_ =	sdelay $0x2  }
0x2c6: {  	v18 =	vmul.f32 $5.656854150e+00, v18;
	_ =	sdelay $0x1  }
0x2c7: {  	[tilespmem:v19+s2+$0x0] =	vst.idx.msk $0xffff, v18  }
0x2c8: {  	v18 =	vld [tilespmem:s3+$0xFFFFFF30];
	_ =	sdelay $0x1  }
0x2c9: {  	v19 =	vadd.s32 v3, v17;
	_ =	sdelay $0x2  }
0x2ca: {  	v18 =	vmul.f32 $5.656854150e+00, v18;
	_ =	sdelay $0x1  }
0x2cb: {  	[tilespmem:v19+s2+$0x0] =	vst.idx.msk $0xffff, v18  }
0x2cc: {  	v18 =	vld [tilespmem:s3+$0xFFFFFF40];
	_ =	sdelay $0x1  }
0x2cd: {  	v19 =	vadd.s32 v4, v17;
	_ =	sdelay $0x2  }
0x2ce: {  	v18 =	vmul.f32 $5.656854150e+00, v18;
	_ =	sdelay $0x1  }
0x2cf: {  	[tilespmem:v19+s2+$0x0] =	vst.idx.msk $0xffff, v18  }
0x2d0: {  	v18 =	vld [tilespmem:s3+$0xFFFFFF50];
	_ =	sdelay $0x1  }
0x2d1: {  	v19 =	vadd.s32 v5, v17;
	_ =	sdelay $0x2  }
0x2d2: {  	v18 =	vmul.f32 $5.656854150e+00, v18;
	_ =	sdelay $0x1  }
0x2d3: {  	[tilespmem:v19+s2+$0x0] =	vst.idx.msk $0xffff, v18  }
0x2d4: {  	v18 =	vld [tilespmem:s3+$0xFFFFFF60];
	_ =	sdelay $0x1  }
0x2d5: {  	v19 =	vadd.s32 v6, v17;
	_ =	sdelay $0x2  }
0x2d6: {  	v18 =	vmul.f32 $5.656854150e+00, v18;
	_ =	sdelay $0x1  }
0x2d7: {  	[tilespmem:v19+s2+$0x0] =	vst.idx.msk $0xffff, v18  }
0x2d8: {  	v18 =	vld [tilespmem:s3+$0xFFFFFF70];
	_ =	sdelay $0x1  }
0x2d9: {  	v19 =	vadd.s32 v7, v17;
	_ =	sdelay $0x2  }
0x2da: {  	v18 =	vmul.f32 $5.656854150e+00, v18;
	_ =	sdelay $0x1  }
0x2db: {  	[tilespmem:v19+s2+$0x0] =	vst.idx.msk $0xffff, v18  }
0x2dc: {  	v18 =	vld [tilespmem:s3+$0xFFFFFF80];
	_ =	sdelay $0x1  }
0x2dd: {  	v19 =	vadd.s32 v8, v17;
	_ =	sdelay $0x2  }
0x2de: {  	v18 =	vmul.f32 $5.656854150e+00, v18;
	_ =	sdelay $0x1  }
0x2df: {  	[tilespmem:v19+s2+$0x0] =	vst.idx.msk $0xffff, v18  }
0x2e0: {  	v18 =	vld [tilespmem:s3+$0xFFFFFF90];
	_ =	sdelay $0x1  }
0x2e1: {  	v19 =	vadd.s32 v9, v17;
	_ =	sdelay $0x2  }
0x2e2: {  	v18 =	vmul.f32 $5.656854150e+00, v18;
	_ =	sdelay $0x1  }
0x2e3: {  	[tilespmem:v19+s2+$0x0] =	vst.idx.msk $0xffff, v18  }
0x2e4: {  	v18 =	vld [tilespmem:s3+$0xFFFFFFA0];
	_ =	sdelay $0x1  }
0x2e5: {  	v19 =	vadd.s32 v10, v17;
	_ =	sdelay $0x2  }
0x2e6: {  	v18 =	vmul.f32 $5.656854150e+00, v18;
	_ =	sdelay $0x1  }
0x2e7: {  	[tilespmem:v19+s2+$0x0] =	vst.idx.msk $0xffff, v18  }
0x2e8: {  	v18 =	vld [tilespmem:s3+$0xFFFFFFB0];
	_ =	sdelay $0x1  }
0x2e9: {  	v19 =	vadd.s32 v11, v17;
	_ =	sdelay $0x2  }
0x2ea: {  	v18 =	vmul.f32 $5.656854150e+00, v18;
	_ =	sdelay $0x1  }
0x2eb: {  	[tilespmem:v19+s2+$0x0] =	vst.idx.msk $0xffff, v18  }
0x2ec: {  	v18 =	vld [tilespmem:s3+$0xFFFFFFC0];
	_ =	sdelay $0x1  }
0x2ed: {  	v19 =	vadd.s32 v12, v17;
	_ =	sdelay $0x2  }
0x2ee: {  	v18 =	vmul.f32 $5.656854150e+00, v18;
	_ =	sdelay $0x1  }
0x2ef: {  	[tilespmem:v19+s2+$0x0] =	vst.idx.msk $0xffff, v18  }
0x2f0: {  	v18 =	vld [tilespmem:s3+$0xFFFFFFD0];
	_ =	sdelay $0x1  }
0x2f1: {  	v19 =	vadd.s32 v13, v17;
	_ =	sdelay $0x2  }
0x2f2: {  	v18 =	vmul.f32 $5.656854150e+00, v18;
	_ =	sdelay $0x1  }
0x2f3: {  	[tilespmem:v19+s2+$0x0] =	vst.idx.msk $0xffff, v18  }
0x2f4: {  	v18 =	vld [tilespmem:s3+$0xFFFFFFE0];
	_ =	sdelay $0x1  }
0x2f5: {  	v19 =	vadd.s32 v14, v17;
	_ =	sdelay $0x2  }
0x2f6: {  	v18 =	vmul.f32 $5.656854150e+00, v18;
	_ =	sdelay $0x1  }
0x2f7: {  	[tilespmem:v19+s2+$0x0] =	vst.idx.msk $0xffff, v18  }
0x2f8: {  	v18 =	vld [tilespmem:s3+$0xFFFFFFF0];
	_ =	sdelay $0x1  }
0x2f9: {  	v19 =	vadd.s32 v15, v17;
	_ =	sdelay $0x2  }
0x2fa: {  	v18 =	vmul.f32 $5.656854150e+00, v18;
	_ =	sdelay $0x1  }
0x2fb: {  	[tilespmem:v19+s2+$0x0] =	vst.idx.msk $0xffff, v18  }
0x2fc: {  	v18 =	vld [tilespmem:s3+$0x0];
	_ =	sdelay $0x1  }
0x2fd: {  	v17 =	vadd.s32 v16, v17  }
.LBB2_12:
0x2fe: {  	_ = 	snop  }
0x2ff: {  	s1 =	sadd.s32 $0x8, s1  }
0x300: {  	v19 =	vmov s1;
	p1 =	slt.u32 s1, $0x78;
	v18 =	vmul.f32 $5.656854150e+00, v18  }
0x301: {  	v19 =	vshrl.u32 v19, $0x3  }
0x302: {  	s3 =	sadd.s32 $0x100, s3;
	v19 =	vshll.u32 v19, $0x3;
	[tilespmem:v17+s2+$0x0] =	vst.idx.msk $0xffff, v18  }
0x303: {  	v17 =	vbroadcast v19, $0x0;
	v18 =	vld [tilespmem:s3+$0xFFFFFF10];
	_ =	sdelay $0x1  }
0x304: {  	v19 =	vadd.s32 v0, v17;
	_ =	sdelay $0x2  }
0x305: {  	v18 =	vmul.f32 $5.656854150e+00, v18;
	_ =	sdelay $0x1  }
0x306: {  	[tilespmem:v19+s2+$0x0] =	vst.idx.msk $0xffff, v18  }
0x307: {  	v18 =	vld [tilespmem:s3+$0xFFFFFF20];
	_ =	sdelay $0x1  }
0x308: {  	v19 =	vadd.s32 v2, v17;
	_ =	sdelay $0x2  }
0x309: {  	v18 =	vmul.f32 $5.656854150e+00, v18;
	_ =	sdelay $0x1  }
0x30a: {  	[tilespmem:v19+s2+$0x0] =	vst.idx.msk $0xffff, v18  }
0x30b: {  	v18 =	vld [tilespmem:s3+$0xFFFFFF30];
	_ =	sdelay $0x1  }
0x30c: {  	v19 =	vadd.s32 v3, v17;
	_ =	sdelay $0x2  }
0x30d: {  	v18 =	vmul.f32 $5.656854150e+00, v18;
	_ =	sdelay $0x1  }
0x30e: {  	[tilespmem:v19+s2+$0x0] =	vst.idx.msk $0xffff, v18  }
0x30f: {  	v18 =	vld [tilespmem:s3+$0xFFFFFF40];
	_ =	sdelay $0x1  }
0x310: {  	v19 =	vadd.s32 v4, v17;
	_ =	sdelay $0x2  }
0x311: {  	v18 =	vmul.f32 $5.656854150e+00, v18;
	_ =	sdelay $0x1  }
0x312: {  	[tilespmem:v19+s2+$0x0] =	vst.idx.msk $0xffff, v18  }
0x313: {  	v18 =	vld [tilespmem:s3+$0xFFFFFF50];
	_ =	sdelay $0x1  }
0x314: {  	v19 =	vadd.s32 v5, v17;
	_ =	sdelay $0x2  }
0x315: {  	v18 =	vmul.f32 $5.656854150e+00, v18;
	_ =	sdelay $0x1  }
0x316: {  	[tilespmem:v19+s2+$0x0] =	vst.idx.msk $0xffff, v18  }
0x317: {  	v18 =	vld [tilespmem:s3+$0xFFFFFF60];
	_ =	sdelay $0x1  }
0x318: {  	v19 =	vadd.s32 v6, v17;
	_ =	sdelay $0x2  }
0x319: {  	v18 =	vmul.f32 $5.656854150e+00, v18;
	_ =	sdelay $0x1  }
0x31a: {  	[tilespmem:v19+s2+$0x0] =	vst.idx.msk $0xffff, v18  }
0x31b: {  	v18 =	vld [tilespmem:s3+$0xFFFFFF70];
	_ =	sdelay $0x1  }
0x31c: {  	v19 =	vadd.s32 v7, v17;
	_ =	sdelay $0x2  }
0x31d: {  	v18 =	vmul.f32 $5.656854150e+00, v18;
	_ =	sdelay $0x1  }
0x31e: {  	[tilespmem:v19+s2+$0x0] =	vst.idx.msk $0xffff, v18  }
0x31f: {  	v18 =	vld [tilespmem:s3+$0xFFFFFF80];
	_ =	sdelay $0x1  }
0x320: {  	v19 =	vadd.s32 v8, v17;
	_ =	sdelay $0x2  }
0x321: {  	v18 =	vmul.f32 $5.656854150e+00, v18;
	_ =	sdelay $0x1  }
0x322: {  	[tilespmem:v19+s2+$0x0] =	vst.idx.msk $0xffff, v18  }
0x323: {  	v18 =	vld [tilespmem:s3+$0xFFFFFF90];
	_ =	sdelay $0x1  }
0x324: {  	v19 =	vadd.s32 v9, v17;
	_ =	sdelay $0x2  }
0x325: {  	v18 =	vmul.f32 $5.656854150e+00, v18;
	_ =	sdelay $0x1  }
0x326: {  	[tilespmem:v19+s2+$0x0] =	vst.idx.msk $0xffff, v18  }
0x327: {  	v18 =	vld [tilespmem:s3+$0xFFFFFFA0];
	_ =	sdelay $0x1  }
0x328: {  	v19 =	vadd.s32 v10, v17;
	_ =	sdelay $0x2  }
0x329: {  	v18 =	vmul.f32 $5.656854150e+00, v18;
	_ =	sdelay $0x1  }
0x32a: {  	[tilespmem:v19+s2+$0x0] =	vst.idx.msk $0xffff, v18  }
0x32b: {  	v18 =	vld [tilespmem:s3+$0xFFFFFFB0];
	_ =	sdelay $0x1  }
0x32c: {  	v19 =	vadd.s32 v11, v17;
	_ =	sdelay $0x2  }
0x32d: {  	v18 =	vmul.f32 $5.656854150e+00, v18;
	_ =	sdelay $0x1  }
0x32e: {  	[tilespmem:v19+s2+$0x0] =	vst.idx.msk $0xffff, v18  }
0x32f: {  	v18 =	vld [tilespmem:s3+$0xFFFFFFC0];
	_ =	sdelay $0x1  }
0x330: {  	v19 =	vadd.s32 v12, v17;
	_ =	sdelay $0x2  }
0x331: {  	v18 =	vmul.f32 $5.656854150e+00, v18;
	_ =	sdelay $0x1  }
0x332: {  	[tilespmem:v19+s2+$0x0] =	vst.idx.msk $0xffff, v18  }
0x333: {  	v18 =	vld [tilespmem:s3+$0xFFFFFFD0];
	_ =	sdelay $0x1  }
0x334: {  	v19 =	vadd.s32 v13, v17;
	_ =	sdelay $0x2  }
0x335: {  	v18 =	vmul.f32 $5.656854150e+00, v18;
	_ =	sdelay $0x1  }
0x336: {  	[tilespmem:v19+s2+$0x0] =	vst.idx.msk $0xffff, v18  }
0x337: {  	v18 =	vld [tilespmem:s3+$0xFFFFFFE0];
	_ =	sdelay $0x1  }
0x338: {  	v19 =	vadd.s32 v14, v17;
	_ =	sdelay $0x2  }
0x339: {  	v18 =	vmul.f32 $5.656854150e+00, v18;
	_ =	sdelay $0x1  }
0x33a: {  	[tilespmem:v19+s2+$0x0] =	vst.idx.msk $0xffff, v18  }
0x33b: {  	v18 =	vld [tilespmem:s3+$0xFFFFFFF0];
	_ =	sdelay $0x1  }
0x33c: {  	v19 =	vadd.s32 v15, v17;
	_ =	sdelay $0x2  }
0x33d: {  	v18 =	vmul.f32 $5.656854150e+00, v18  }
.Ltmp9:
0x33e: {  	(pc) =	sbr.rel @p1 .LBB2_12-.Ltmp9, $3  }
0x33f: {  	[tilespmem:v19+s2+$0x0] =	vst.idx.msk $0xffff, v18  }
0x340: {  	v18 =	vld [tilespmem:s3+$0x0];
	_ =	sdelay $0x1  }
0x341: {  	v17 =	vadd.s32 v16, v17  }
0x342: {  	_ =	sdelay $0x1  }
0x343: {  	s1 =	sor.u32 s5, s7;
	v18 =	vmul.f32 $5.656854150e+00, v18  }
0x344: {  	s7 =	sshrl.u32 s1, $0x3  }
0x345: {  	s21 =	simm.s32 $0x8400;
	s3 =	sadd.s32 s26, s7;
	[tilespmem:v17+s2+$0x0] =	vst.idx.msk $0xffff, v18  }
0x346: {  	[hbm4b:s3+s4] =	stream.linear.scatter [tilespmem:s21], [sflag:$0x3], $0x80, $0x38;
	[tilespmem:$0x10C00] =	vst v63  }
0x347: {  	s22 =	simm.s32 $0x8488;
	s21 =	sadd.s32 $0x10, s3  }
0x348: {  	[hbm4b:s21+s4] =	stream.linear.scatter [tilespmem:s22], [sflag:$0x3], $0x80, $0x38;
	[tilespmem:$0x10C00] =	vst v63  }
0x349: {  	s23 =	simm.s32 $0x8510;
	s24 =	sadd.s32 $0x20, s3  }
0x34a: {  	[hbm4b:s24+s4] =	stream.linear.scatter [tilespmem:s23], [sflag:$0x3], $0x80, $0x38;
	[tilespmem:$0x10C00] =	vst v63  }
0x34b: {  	s21 =	simm.s32 $0x8598;
	s22 =	sadd.s32 $0x30, s3  }
0x34c: {  	[hbm4b:s22+s4] =	stream.linear.scatter [tilespmem:s21], [sflag:$0x3], $0x80, $0x38;
	[tilespmem:$0x10C00] =	vst v63  }
0x34d: {  	s23 =	simm.s32 $0x8620;
	s24 =	sadd.s32 $0x40, s3  }
0x34e: {  	[hbm4b:s24+s4] =	stream.linear.scatter [tilespmem:s23], [sflag:$0x3], $0x80, $0x38;
	[tilespmem:$0x10C00] =	vst v63  }
0x34f: {  	s1 =	simm.s32 $0x440;
	s21 =	simm.s32 $0x86A8;
	s22 =	sadd.s32 $0x50, s3  }
0x350: {  	[hbm4b:s22+s4] =	stream.linear.scatter [tilespmem:s21], [sflag:$0x3], $0x80, $0x38;
	[tilespmem:$0x10C00] =	vst v63  }
0x351: {  	s23 =	simm.s32 $0x8730;
	s24 =	sadd.s32 $0x60, s3;
	s21 =	simm.s32 $0x2200  }
0x352: {  	[hbm4b:s24+s4] =	stream.linear.scatter [tilespmem:s23], [sflag:$0x3], $0x80, $0x38;
	[tilespmem:$0x10C00] =	vst v63  }
0x353: {  	s22 =	simm.s32 $0x87B8;
	s23 =	sadd.s32 $0x70, s3;
	s3 =	sadd.s32 $0x1000, s3  }
.LBB2_14:
0x354: {  	[hbm4b:s23+s4] =	stream.linear.scatter [tilespmem:s22], [sflag:$0x3], $0x80, $0x38;
	[tilespmem:$0x10C00] =	vst v63  }
0x355: {  	s22 =	smov.u32 s1;
	s1 =	smov.u32 s21  }
0x356: {  	s24 =	sadd.s32 $0x1100, s21;
	s1 =	sshra.s32 s1, $0x2;
	s23 =	sadd.s32 $0x8400, s22  }
0x357: {  	[hbm4b:s3+s4] =	stream.linear.scatter [tilespmem:s23], [sflag:$0x3], $0x80, $0x38;
	[tilespmem:$0x10C00] =	vst v63  }
0x358: {  	p1 =	sne.s32 s21, $0xFF00;
	s21 =	sadd.s32 $0x8488, s22;
	s23 =	sadd.s32 $0x10, s3  }
0x359: {  	[hbm4b:s23+s4] =	stream.linear.scatter [tilespmem:s21], [sflag:$0x3], $0x80, $0x38;
	[tilespmem:$0x10C00] =	vst v63  }
0x35a: {  	s21 =	sadd.s32 $0x8510, s22;
	s23 =	sadd.s32 $0x20, s3  }
0x35b: {  	[hbm4b:s23+s4] =	stream.linear.scatter [tilespmem:s21], [sflag:$0x3], $0x80, $0x38;
	[tilespmem:$0x10C00] =	vst v63  }
0x35c: {  	s21 =	sadd.s32 $0x8598, s22;
	s23 =	sadd.s32 $0x30, s3  }
0x35d: {  	[hbm4b:s23+s4] =	stream.linear.scatter [tilespmem:s21], [sflag:$0x3], $0x80, $0x38;
	[tilespmem:$0x10C00] =	vst v63  }
0x35e: {  	s21 =	sadd.s32 $0x8620, s22;
	s23 =	sadd.s32 $0x40, s3  }
0x35f: {  	[hbm4b:s23+s4] =	stream.linear.scatter [tilespmem:s21], [sflag:$0x3], $0x80, $0x38;
	[tilespmem:$0x10C00] =	vst v63  }
.Ltmp10:
0x360: {  	s21 =	sadd.s32 $0x86A8, s22;
	s23 =	sadd.s32 $0x50, s3;
	(pc) =	sbr.rel @p1 .LBB2_14-.Ltmp10, $4  }
0x361: {  	[hbm4b:s23+s4] =	stream.linear.scatter [tilespmem:s21], [sflag:$0x3], $0x80, $0x38;
	[tilespmem:$0x10C00] =	vst v63  }
0x362: {  	s21 =	sadd.s32 $0x8730, s22;
	s23 =	sadd.s32 $0x60, s3;
	s22 =	sadd.s32 $0x87B8, s22  }
0x363: {  	[hbm4b:s23+s4] =	stream.linear.scatter [tilespmem:s21], [sflag:$0x3], $0x80, $0x38;
	[tilespmem:$0x10C00] =	vst v63  }
0x364: {  	s23 =	sadd.s32 $0x70, s3;
	s3 =	sadd.s32 $0x1000, s3;
	s21 =	smov.u32 s24  }
0x365: {  	[hbm4b:s23+s4] =	stream.linear.scatter [tilespmem:s22], [sflag:$0x3], $0x80, $0x38;
	[tilespmem:$0x10C00] =	vst v63  }
0x366: {  	s21 =	sadd.s32 $0x8400, s1  }
0x367: {  	[hbm4b:s3+s4] =	stream.linear.scatter [tilespmem:s21], [sflag:$0x3], $0x80, $0x38;
	[tilespmem:$0x10C00] =	vst v63  }
0x368: {  	s23 =	sadd.s32 $0x8488, s1;
	s24 =	sadd.s32 $0x10, s3  }
0x369: {  	[hbm4b:s24+s4] =	stream.linear.scatter [tilespmem:s23], [sflag:$0x3], $0x80, $0x38;
	[tilespmem:$0x10C00] =	vst v63  }
0x36a: {  	s23 =	sadd.s32 $0x8510, s1;
	s24 =	sadd.s32 $0x20, s3  }
0x36b: {  	[hbm4b:s24+s4] =	stream.linear.scatter [tilespmem:s23], [sflag:$0x3], $0x80, $0x38;
	[tilespmem:$0x10C00] =	vst v63  }
0x36c: {  	s23 =	sadd.s32 $0x8598, s1;
	s24 =	sadd.s32 $0x30, s3  }
0x36d: {  	[hbm4b:s24+s4] =	stream.linear.scatter [tilespmem:s23], [sflag:$0x3], $0x80, $0x38;
	[tilespmem:$0x10C00] =	vst v63  }
0x36e: {  	s22 =	sadd.s32 $0x8730, s1;
	s23 =	sadd.s32 $0x8620, s1;
	s24 =	sadd.s32 $0x40, s3  }
0x36f: {  	[hbm4b:s24+s4] =	stream.linear.scatter [tilespmem:s23], [sflag:$0x3], $0x80, $0x38;
	[tilespmem:$0x10C00] =	vst v63  }
0x370: {  	p1 =	seq.s32 s19, $0x18;
	s23 =	sadd.s32 $0x86A8, s1;
	s24 =	sadd.s32 $0x50, s3  }
0x371: {  	[hbm4b:s24+s4] =	stream.linear.scatter [tilespmem:s23], [sflag:$0x3], $0x80, $0x38;
	[tilespmem:$0x10C00] =	vst v63  }
0x372: {  	s23 =	sadd.s32 $0x60, s3;
	s24 =	sadd.s32 $0x87B8, s1;
	s1 =	sadd.s32 @!p1 s9, s11  }
0x373: {  	[hbm4b:s23+s4] =	stream.linear.scatter [tilespmem:s22], [sflag:$0x3], $0x80, $0x38;
	[tilespmem:$0x10C00] =	vst v63  }
0x374: {  	s21 =	sadd.s32 $0x70, s3;
	s1 =	sshrl.u32 @!p1 s1, $0x3  }
0x375: {  	[hbm4b:s21+s4] =	stream.linear.scatter [tilespmem:s24], [sflag:$0x3], $0x80, $0x38;
	[tilespmem:$0x10C00] =	vst v63  }
0x376: {  	s3 =	simm.s32 @!p1 $0x0;
	s1 =	sadd.s32 @!p1 s25, s1  }
0x377: {  	[tilespmem:s3], [sflag:$0x5] =	stream.linear.gather @!p1 [hbm4b:s1+s3], $0x200, $0x38;
	[tilespmem:$0x10C00] =	vst v63  }
0x378: {  	s1 =	simm.s32 @!p1 $0x5  }
0x379: {  	_ =	swait.ge @!p1 [sflag:s1], $0x200  }
0x37a: {  	[sflag:s1] =	ssyncset.done @!p1 $0x0  }
0x37b: {  	s11 =	simm.s32 @!p1 $0x400;
	[sflag:s1] =	ssyncadd.s32 @!p1 $0xFFFFFE00;
	s1 =	simm.s32 @!p1 $0x80  }
0x37c: {  	[tilespmem:s11], [sflag:$0x1] =	stream.indirect.gather @!p1 [hbm4b:s6+s1], $0x20, s3, s1, $0xb8;
	[tilespmem:$0x10C00] =	vst v63  }
0x37d: {  	s3 =	simm.s32 @!p1 $0x1400  }
0x37e: {  	[tilespmem:s3], [sflag:$0x1] =	stream.indirect.gather @!p1 [hbm4b:s6+s1], $0x20, s1, s1, $0xb8;
	[tilespmem:$0x10C00] =	vst v63  }
0x37f: {  	s11 =	simm.s32 @!p1 $0x2400;
	s3 =	simm.s32 @!p1 $0x100  }
0x380: {  	[tilespmem:s11], [sflag:$0x1] =	stream.indirect.gather @!p1 [hbm4b:s6+s1], $0x20, s3, s1, $0xb8;
	[tilespmem:$0x10C00] =	vst v63  }
0x381: {  	s3 =	simm.s32 @!p1 $0x180;
	s11 =	simm.s32 @!p1 $0x3400  }
0x382: {  	[tilespmem:s11], [sflag:$0x1] =	stream.indirect.gather @!p1 [hbm4b:s6+s1], $0x20, s3, s1, $0xb8;
	[tilespmem:$0x10C00] =	vst v63  }
0x383: {  	_ =	swait.ge [sflag:s14], $0x1000  }
0x384: {  	[sflag:s14] =	ssyncset.done $0x0  }
0x385: {  	[sflag:s14] =	ssyncadd.s32 $0xFFFFF000  }
0x386: {  	_ =	swait.ge [sflag:s14], $0x1000  }
0x387: {  	[sflag:s14] =	ssyncset.done $0x0  }
0x388: {  	[sflag:s14] =	ssyncadd.s32 $0xFFFFF000  }
0x389: {  	_ =	swait.ge [sflag:s14], $0x1000  }
0x38a: {  	[sflag:s14] =	ssyncset.done $0x0  }
0x38b: {  	[sflag:s14] =	ssyncadd.s32 $0xFFFFF000  }
0x38c: {  	_ =	swait.ge [sflag:s14], $0x1000  }
0x38d: {  	[sflag:s14] =	ssyncset.done $0x0  }
0x38e: {  	s22 =	simm.s32 $0x0;
	s1 =	simm.s32 @!p0 $0x4;
	[sflag:s14] =	ssyncadd.s32 $0xFFFFF000  }
0x38f: {  	v17 =	vmov s22;
	_ =	swait.ge @!p0 [sflag:s1], $0x4000  }
0x390: {  	v17 =	vshrl.u32 v17, $0x3;
	[sflag:s1] =	ssyncset.done @!p0 $0x0  }
0x391: {  	v17 =	vshll.u32 v17, v1;
	s3 =	simm.s32 $0x4480;
	[sflag:s1] =	ssyncadd.s32 @!p0 $0xFFFFC000  }
0x392: {  	v17 =	vbroadcast v17, $0x0;
	v18 =	vld [tilespmem:s3+$0xFFFFFF80];
	_ =	sdelay $0x1  }
0x393: {  	v19 =	vadd.s32 v0, v17;
	_ =	sdelay $0x2  }
0x394: {  	v18 =	vmul.f32 $5.656854150e+00, v18;
	_ =	sdelay $0x1  }
0x395: {  	[tilespmem:v19+s15+$0x0] =	vst.idx.msk $0xffff, v18  }
0x396: {  	v18 =	vld [tilespmem:s3+$0xFFFFFF90];
	_ =	sdelay $0x1  }
0x397: {  	v17 =	vadd.s32 v2, v17;
	_ =	sdelay $0x1  }
0x398: {  	s23 =	simm.s32 $0x1  }
0x399: {  	v19 =	vmov s23;
	v18 =	vmul.f32 $5.656854150e+00, v18  }
0x39a: {  	v19 =	vshrl.u32 v19, $0x3  }
0x39b: {  	[tilespmem:v17+s15+$0x0] =	vst.idx.msk $0xffff, v18;
	v17 =	vshll.u32 v19, v1  }
0x39c: {  	v18 =	vld [tilespmem:s3+$0xFFFFFFA0];
	v17 =	vbroadcast v17, $0x0;
	_ =	sdelay $0x1  }
0x39d: {  	v19 =	vadd.s32 v3, v17;
	_ =	sdelay $0x2  }
0x39e: {  	v18 =	vmul.f32 $5.656854150e+00, v18;
	_ =	sdelay $0x1  }
0x39f: {  	[tilespmem:v19+s15+$0x0] =	vst.idx.msk $0xffff, v18  }
0x3a0: {  	v18 =	vld [tilespmem:s3+$0xFFFFFFB0];
	_ =	sdelay $0x1  }
0x3a1: {  	v17 =	vadd.s32 v4, v17;
	_ =	sdelay $0x1  }
0x3a2: {  	s24 =	simm.s32 $0x2  }
0x3a3: {  	v19 =	vmov s24;
	v18 =	vmul.f32 $5.656854150e+00, v18  }
0x3a4: {  	v19 =	vshrl.u32 v19, $0x3  }
0x3a5: {  	[tilespmem:v17+s15+$0x0] =	vst.idx.msk $0xffff, v18;
	v17 =	vshll.u32 v19, v1  }
0x3a6: {  	v18 =	vld [tilespmem:s3+$0xFFFFFFC0];
	v17 =	vbroadcast v17, $0x0;
	_ =	sdelay $0x1  }
0x3a7: {  	v19 =	vadd.s32 v5, v17;
	_ =	sdelay $0x2  }
0x3a8: {  	v18 =	vmul.f32 $5.656854150e+00, v18;
	_ =	sdelay $0x1  }
0x3a9: {  	[tilespmem:v19+s15+$0x0] =	vst.idx.msk $0xffff, v18  }
0x3aa: {  	v18 =	vld [tilespmem:s3+$0xFFFFFFD0];
	_ =	sdelay $0x1  }
0x3ab: {  	v17 =	vadd.s32 v6, v17;
	_ =	sdelay $0x1  }
0x3ac: {  	s11 =	simm.s32 $0x3  }
0x3ad: {  	v19 =	vmov s11;
	v18 =	vmul.f32 $5.656854150e+00, v18  }
0x3ae: {  	v19 =	vshrl.u32 v19, $0x3  }
0x3af: {  	[tilespmem:v17+s15+$0x0] =	vst.idx.msk $0xffff, v18;
	v17 =	vshll.u32 v19, v1  }
0x3b0: {  	v18 =	vld [tilespmem:s3+$0xFFFFFFE0];
	v17 =	vbroadcast v17, $0x0;
	_ =	sdelay $0x1  }
0x3b1: {  	v19 =	vadd.s32 v7, v17;
	_ =	sdelay $0x2  }
0x3b2: {  	v18 =	vmul.f32 $5.656854150e+00, v18;
	_ =	sdelay $0x1  }
0x3b3: {  	[tilespmem:v19+s15+$0x0] =	vst.idx.msk $0xffff, v18  }
0x3b4: {  	v18 =	vld [tilespmem:s3+$0xFFFFFFF0];
	_ =	sdelay $0x1  }
0x3b5: {  	v17 =	vadd.s32 v8, v17;
	_ =	sdelay $0x1  }
0x3b6: {  	s21 =	simm.s32 $0x4  }
0x3b7: {  	v19 =	vmov s21;
	v18 =	vmul.f32 $5.656854150e+00, v18  }
0x3b8: {  	v19 =	vshrl.u32 v19, $0x3  }
0x3b9: {  	[tilespmem:v17+s15+$0x0] =	vst.idx.msk $0xffff, v18;
	v17 =	vshll.u32 v19, v1  }
0x3ba: {  	v18 =	vld [tilespmem:s3+$0x0];
	v17 =	vbroadcast v17, $0x0;
	_ =	sdelay $0x1  }
0x3bb: {  	v19 =	vadd.s32 v9, v17;
	_ =	sdelay $0x2  }
0x3bc: {  	v18 =	vmul.f32 $5.656854150e+00, v18;
	_ =	sdelay $0x1  }
0x3bd: {  	[tilespmem:v19+s15+$0x0] =	vst.idx.msk $0xffff, v18  }
0x3be: {  	v18 =	vld [tilespmem:s3+$0x10];
	_ =	sdelay $0x1  }
0x3bf: {  	v17 =	vadd.s32 v10, v17;
	_ =	sdelay $0x1  }
0x3c0: {  	s22 =	simm.s32 $0x5  }
0x3c1: {  	v19 =	vmov s22;
	v18 =	vmul.f32 $5.656854150e+00, v18  }
0x3c2: {  	v19 =	vshrl.u32 v19, $0x3  }
0x3c3: {  	[tilespmem:v17+s15+$0x0] =	vst.idx.msk $0xffff, v18;
	v17 =	vshll.u32 v19, v1  }
0x3c4: {  	v18 =	vld [tilespmem:s3+$0x20];
	v17 =	vbroadcast v17, $0x0;
	_ =	sdelay $0x1  }
0x3c5: {  	v19 =	vadd.s32 v11, v17;
	_ =	sdelay $0x2  }
0x3c6: {  	v18 =	vmul.f32 $5.656854150e+00, v18;
	_ =	sdelay $0x1  }
0x3c7: {  	[tilespmem:v19+s15+$0x0] =	vst.idx.msk $0xffff, v18  }
0x3c8: {  	v18 =	vld [tilespmem:s3+$0x30];
	_ =	sdelay $0x1  }
0x3c9: {  	v17 =	vadd.s32 v12, v17;
	_ =	sdelay $0x1  }
0x3ca: {  	s23 =	simm.s32 $0x6  }
0x3cb: {  	v19 =	vmov s23;
	v18 =	vmul.f32 $5.656854150e+00, v18  }
0x3cc: {  	v19 =	vshrl.u32 v19, $0x3  }
0x3cd: {  	[tilespmem:v17+s15+$0x0] =	vst.idx.msk $0xffff, v18;
	v17 =	vshll.u32 v19, v1  }
0x3ce: {  	v18 =	vld [tilespmem:s3+$0x40];
	v17 =	vbroadcast v17, $0x0;
	_ =	sdelay $0x1  }
0x3cf: {  	v19 =	vadd.s32 v13, v17;
	_ =	sdelay $0x2  }
0x3d0: {  	v18 =	vmul.f32 $5.656854150e+00, v18;
	_ =	sdelay $0x1  }
0x3d1: {  	[tilespmem:v19+s15+$0x0] =	vst.idx.msk $0xffff, v18  }
0x3d2: {  	v18 =	vld [tilespmem:s3+$0x50];
	_ =	sdelay $0x1  }
0x3d3: {  	v17 =	vadd.s32 v14, v17;
	_ =	sdelay $0x1  }
0x3d4: {  	s24 =	simm.s32 $0x7  }
0x3d5: {  	v19 =	vmov s24;
	v18 =	vmul.f32 $5.656854150e+00, v18  }
0x3d6: {  	v19 =	vshrl.u32 v19, $0x3  }
0x3d7: {  	[tilespmem:v17+s15+$0x0] =	vst.idx.msk $0xffff, v18;
	v17 =	vshll.u32 v19, v1  }
0x3d8: {  	v18 =	vld [tilespmem:s3+$0x60];
	v17 =	vbroadcast v17, $0x0;
	_ =	sdelay $0x1  }
0x3d9: {  	v19 =	vadd.s32 v15, v17;
	_ =	sdelay $0x2  }
0x3da: {  	v18 =	vmul.f32 $5.656854150e+00, v18;
	_ =	sdelay $0x1  }
0x3db: {  	[tilespmem:v19+s15+$0x0] =	vst.idx.msk $0xffff, v18  }
0x3dc: {  	v18 =	vld [tilespmem:s3+$0x70];
	_ =	sdelay $0x1  }
0x3dd: {  	v17 =	vadd.s32 v16, v17  }
0x3de: {  	s1 =	simm.s32 $0x8  }
0x3df: {  	v19 =	vmov s1  }
0x3e0: {  	s11 =	simm.s32 $0x10;
	v19 =	vshrl.u32 v19, $0x3;
	v18 =	vmul.f32 $5.656854150e+00, v18  }
.LBB2_16:
0x3e1: {  	p0 =	slt.u32 s11, $0x78  }
0x3e2: {  	v19 =	vshll.u32 v19, v1;
	[tilespmem:v17+s15+$0x0] =	vst.idx.msk $0xffff, v18;
	s3 =	sadd.s32 $0x100, s3;
	s21 =	smov.u32 s11;
	s11 =	sadd.s32 $0x8, s11  }
0x3e3: {  	v17 =	vld [tilespmem:s3+$0xFFFFFF80];
	v18 =	vbroadcast v19, $0x0;
	_ =	sdelay $0x1  }
0x3e4: {  	v19 =	vadd.s32 v0, v18;
	_ =	sdelay $0x2  }
0x3e5: {  	v17 =	vmul.f32 $5.656854150e+00, v17;
	_ =	sdelay $0x1  }
0x3e6: {  	[tilespmem:v19+s15+$0x0] =	vst.idx.msk $0xffff, v17  }
0x3e7: {  	v17 =	vld [tilespmem:s3+$0xFFFFFF90];
	_ =	sdelay $0x1  }
0x3e8: {  	v18 =	vadd.s32 v2, v18;
	_ =	sdelay $0x1  }
0x3e9: {  	s22 =	sadd.s32 $0x1, s1  }
0x3ea: {  	v19 =	vmov s22;
	v17 =	vmul.f32 $5.656854150e+00, v17  }
0x3eb: {  	v19 =	vshrl.u32 v19, $0x3  }
0x3ec: {  	[tilespmem:v18+s15+$0x0] =	vst.idx.msk $0xffff, v17;
	v17 =	vshll.u32 v19, v1  }
0x3ed: {  	v18 =	vld [tilespmem:s3+$0xFFFFFFA0];
	v17 =	vbroadcast v17, $0x0;
	_ =	sdelay $0x1  }
0x3ee: {  	v19 =	vadd.s32 v3, v17;
	_ =	sdelay $0x2  }
0x3ef: {  	v18 =	vmul.f32 $5.656854150e+00, v18;
	_ =	sdelay $0x1  }
0x3f0: {  	[tilespmem:v19+s15+$0x0] =	vst.idx.msk $0xffff, v18  }
0x3f1: {  	v18 =	vld [tilespmem:s3+$0xFFFFFFB0];
	_ =	sdelay $0x1  }
0x3f2: {  	v17 =	vadd.s32 v4, v17;
	_ =	sdelay $0x1  }
0x3f3: {  	s22 =	sadd.s32 $0x2, s1  }
0x3f4: {  	v19 =	vmov s22;
	v18 =	vmul.f32 $5.656854150e+00, v18  }
0x3f5: {  	v19 =	vshrl.u32 v19, $0x3  }
0x3f6: {  	[tilespmem:v17+s15+$0x0] =	vst.idx.msk $0xffff, v18;
	v17 =	vshll.u32 v19, v1  }
0x3f7: {  	v18 =	vld [tilespmem:s3+$0xFFFFFFC0];
	v17 =	vbroadcast v17, $0x0;
	_ =	sdelay $0x1  }
0x3f8: {  	v19 =	vadd.s32 v5, v17;
	_ =	sdelay $0x2  }
0x3f9: {  	v18 =	vmul.f32 $5.656854150e+00, v18;
	_ =	sdelay $0x1  }
0x3fa: {  	[tilespmem:v19+s15+$0x0] =	vst.idx.msk $0xffff, v18  }
0x3fb: {  	v18 =	vld [tilespmem:s3+$0xFFFFFFD0];
	_ =	sdelay $0x1  }
0x3fc: {  	v17 =	vadd.s32 v6, v17;
	_ =	sdelay $0x1  }
0x3fd: {  	s22 =	sadd.s32 $0x3, s1  }
0x3fe: {  	v19 =	vmov s22;
	v18 =	vmul.f32 $5.656854150e+00, v18  }
0x3ff: {  	v19 =	vshrl.u32 v19, $0x3  }
0x400: {  	[tilespmem:v17+s15+$0x0] =	vst.idx.msk $0xffff, v18;
	v17 =	vshll.u32 v19, v1  }
0x401: {  	v18 =	vld [tilespmem:s3+$0xFFFFFFE0];
	v17 =	vbroadcast v17, $0x0;
	_ =	sdelay $0x1  }
0x402: {  	v19 =	vadd.s32 v7, v17;
	_ =	sdelay $0x2  }
0x403: {  	v18 =	vmul.f32 $5.656854150e+00, v18;
	_ =	sdelay $0x1  }
0x404: {  	[tilespmem:v19+s15+$0x0] =	vst.idx.msk $0xffff, v18  }
0x405: {  	v18 =	vld [tilespmem:s3+$0xFFFFFFF0];
	_ =	sdelay $0x1  }
0x406: {  	v17 =	vadd.s32 v8, v17;
	_ =	sdelay $0x1  }
0x407: {  	s22 =	sadd.s32 $0x4, s1  }
0x408: {  	v19 =	vmov s22;
	v18 =	vmul.f32 $5.656854150e+00, v18  }
0x409: {  	v19 =	vshrl.u32 v19, $0x3  }
0x40a: {  	[tilespmem:v17+s15+$0x0] =	vst.idx.msk $0xffff, v18;
	v17 =	vshll.u32 v19, v1  }
0x40b: {  	v18 =	vld [tilespmem:s3+$0x0];
	v17 =	vbroadcast v17, $0x0;
	_ =	sdelay $0x1  }
0x40c: {  	v19 =	vadd.s32 v9, v17;
	_ =	sdelay $0x2  }
0x40d: {  	v18 =	vmul.f32 $5.656854150e+00, v18;
	_ =	sdelay $0x1  }
0x40e: {  	[tilespmem:v19+s15+$0x0] =	vst.idx.msk $0xffff, v18  }
0x40f: {  	v18 =	vld [tilespmem:s3+$0x10];
	_ =	sdelay $0x1  }
0x410: {  	v17 =	vadd.s32 v10, v17;
	_ =	sdelay $0x1  }
0x411: {  	s22 =	sadd.s32 $0x5, s1  }
0x412: {  	v19 =	vmov s22;
	v18 =	vmul.f32 $5.656854150e+00, v18  }
0x413: {  	v19 =	vshrl.u32 v19, $0x3  }
0x414: {  	[tilespmem:v17+s15+$0x0] =	vst.idx.msk $0xffff, v18;
	v17 =	vshll.u32 v19, v1  }
0x415: {  	v18 =	vld [tilespmem:s3+$0x20];
	v17 =	vbroadcast v17, $0x0;
	_ =	sdelay $0x1  }
0x416: {  	v19 =	vadd.s32 v11, v17;
	_ =	sdelay $0x2  }
0x417: {  	v18 =	vmul.f32 $5.656854150e+00, v18;
	_ =	sdelay $0x1  }
0x418: {  	[tilespmem:v19+s15+$0x0] =	vst.idx.msk $0xffff, v18  }
0x419: {  	v18 =	vld [tilespmem:s3+$0x30];
	_ =	sdelay $0x1  }
0x41a: {  	v17 =	vadd.s32 v12, v17;
	_ =	sdelay $0x1  }
0x41b: {  	s22 =	sadd.s32 $0x6, s1  }
0x41c: {  	v19 =	vmov s22;
	v18 =	vmul.f32 $5.656854150e+00, v18  }
0x41d: {  	v19 =	vshrl.u32 v19, $0x3  }
0x41e: {  	[tilespmem:v17+s15+$0x0] =	vst.idx.msk $0xffff, v18;
	v17 =	vshll.u32 v19, v1  }
0x41f: {  	v18 =	vld [tilespmem:s3+$0x40];
	v17 =	vbroadcast v17, $0x0;
	_ =	sdelay $0x1  }
0x420: {  	v19 =	vadd.s32 v13, v17;
	_ =	sdelay $0x2  }
0x421: {  	v18 =	vmul.f32 $5.656854150e+00, v18;
	_ =	sdelay $0x1  }
0x422: {  	[tilespmem:v19+s15+$0x0] =	vst.idx.msk $0xffff, v18  }
0x423: {  	v18 =	vld [tilespmem:s3+$0x50];
	_ =	sdelay $0x1  }
0x424: {  	v17 =	vadd.s32 v14, v17;
	_ =	sdelay $0x1  }
0x425: {  	s22 =	sadd.s32 $0x7, s1;
	s1 =	smov.u32 s21  }
0x426: {  	v19 =	vmov s22;
	v18 =	vmul.f32 $5.656854150e+00, v18  }
0x427: {  	v19 =	vshrl.u32 v19, $0x3  }
0x428: {  	[tilespmem:v17+s15+$0x0] =	vst.idx.msk $0xffff, v18;
	v17 =	vshll.u32 v19, v1  }
0x429: {  	v18 =	vld [tilespmem:s3+$0x60];
	v17 =	vbroadcast v17, $0x0;
	_ =	sdelay $0x1  }
0x42a: {  	v19 =	vadd.s32 v15, v17;
	_ =	sdelay $0x2  }
0x42b: {  	v18 =	vmul.f32 $5.656854150e+00, v18;
	_ =	sdelay $0x1  }
0x42c: {  	[tilespmem:v19+s15+$0x0] =	vst.idx.msk $0xffff, v18  }
0x42d: {  	v18 =	vld [tilespmem:s3+$0x70];
	_ =	sdelay $0x1  }
.Ltmp11:
0x42e: {  	v17 =	vadd.s32 v16, v17;
	(pc) =	sbr.rel @p0 .LBB2_16-.Ltmp11, $3  }
0x42f: {  	_ =	sdelay $0x1  }
0x430: {  	v19 =	vmov s1;
	v18 =	vmul.f32 $5.656854150e+00, v18  }
0x431: {  	v19 =	vshrl.u32 v19, $0x3  }
0x432: {  	_ =	sdelay $0x3  }
0x433: {  	v19 =	vshll.u32 v19, v1;
	[tilespmem:v17+s15+$0x0] =	vst.idx.msk $0xffff, v18;
	s3 =	sadd.s32 $0x100, s3  }
0x434: {  	v17 =	vld [tilespmem:s3+$0xFFFFFF80];
	v18 =	vbroadcast v19, $0x0;
	_ =	sdelay $0x1  }
0x435: {  	v19 =	vadd.s32 v0, v18;
	_ =	sdelay $0x2  }
0x436: {  	v17 =	vmul.f32 $5.656854150e+00, v17;
	_ =	sdelay $0x1  }
0x437: {  	[tilespmem:v19+s15+$0x0] =	vst.idx.msk $0xffff, v17  }
0x438: {  	v17 =	vld [tilespmem:s3+$0xFFFFFF90];
	_ =	sdelay $0x1  }
0x439: {  	v18 =	vadd.s32 v2, v18;
	_ =	sdelay $0x1  }
0x43a: {  	s11 =	sadd.s32 $0x1, s1  }
0x43b: {  	v19 =	vmov s11;
	v17 =	vmul.f32 $5.656854150e+00, v17  }
0x43c: {  	v19 =	vshrl.u32 v19, $0x3  }
0x43d: {  	[tilespmem:v18+s15+$0x0] =	vst.idx.msk $0xffff, v17;
	v17 =	vshll.u32 v19, v1  }
0x43e: {  	v18 =	vld [tilespmem:s3+$0xFFFFFFA0];
	v17 =	vbroadcast v17, $0x0;
	_ =	sdelay $0x1  }
0x43f: {  	v19 =	vadd.s32 v3, v17;
	_ =	sdelay $0x2  }
0x440: {  	v18 =	vmul.f32 $5.656854150e+00, v18;
	_ =	sdelay $0x1  }
0x441: {  	[tilespmem:v19+s15+$0x0] =	vst.idx.msk $0xffff, v18  }
0x442: {  	v18 =	vld [tilespmem:s3+$0xFFFFFFB0];
	_ =	sdelay $0x1  }
0x443: {  	v17 =	vadd.s32 v4, v17;
	_ =	sdelay $0x1  }
0x444: {  	s21 =	sadd.s32 $0x2, s1  }
0x445: {  	v19 =	vmov s21;
	v18 =	vmul.f32 $5.656854150e+00, v18  }
0x446: {  	v19 =	vshrl.u32 v19, $0x3  }
0x447: {  	[tilespmem:v17+s15+$0x0] =	vst.idx.msk $0xffff, v18;
	v17 =	vshll.u32 v19, v1  }
0x448: {  	v18 =	vld [tilespmem:s3+$0xFFFFFFC0];
	v17 =	vbroadcast v17, $0x0;
	_ =	sdelay $0x1  }
0x449: {  	v19 =	vadd.s32 v5, v17;
	_ =	sdelay $0x2  }
0x44a: {  	v18 =	vmul.f32 $5.656854150e+00, v18;
	_ =	sdelay $0x1  }
0x44b: {  	[tilespmem:v19+s15+$0x0] =	vst.idx.msk $0xffff, v18  }
0x44c: {  	v18 =	vld [tilespmem:s3+$0xFFFFFFD0];
	_ =	sdelay $0x1  }
0x44d: {  	v17 =	vadd.s32 v6, v17;
	_ =	sdelay $0x1  }
0x44e: {  	s22 =	sadd.s32 $0x3, s1  }
0x44f: {  	v19 =	vmov s22;
	v18 =	vmul.f32 $5.656854150e+00, v18  }
0x450: {  	v19 =	vshrl.u32 v19, $0x3  }
0x451: {  	[tilespmem:v17+s15+$0x0] =	vst.idx.msk $0xffff, v18;
	v17 =	vshll.u32 v19, v1  }
0x452: {  	v18 =	vld [tilespmem:s3+$0xFFFFFFE0];
	v17 =	vbroadcast v17, $0x0;
	_ =	sdelay $0x1  }
0x453: {  	v19 =	vadd.s32 v7, v17;
	_ =	sdelay $0x2  }
0x454: {  	v18 =	vmul.f32 $5.656854150e+00, v18;
	_ =	sdelay $0x1  }
0x455: {  	[tilespmem:v19+s15+$0x0] =	vst.idx.msk $0xffff, v18  }
0x456: {  	v18 =	vld [tilespmem:s3+$0xFFFFFFF0];
	_ =	sdelay $0x1  }
0x457: {  	v17 =	vadd.s32 v8, v17;
	_ =	sdelay $0x1  }
0x458: {  	s23 =	sadd.s32 $0x4, s1  }
0x459: {  	v19 =	vmov s23;
	v18 =	vmul.f32 $5.656854150e+00, v18  }
0x45a: {  	v19 =	vshrl.u32 v19, $0x3  }
0x45b: {  	[tilespmem:v17+s15+$0x0] =	vst.idx.msk $0xffff, v18;
	v17 =	vshll.u32 v19, v1  }
0x45c: {  	v18 =	vld [tilespmem:s3+$0x0];
	v17 =	vbroadcast v17, $0x0;
	_ =	sdelay $0x1  }
0x45d: {  	v19 =	vadd.s32 v9, v17;
	_ =	sdelay $0x2  }
0x45e: {  	v18 =	vmul.f32 $5.656854150e+00, v18;
	_ =	sdelay $0x1  }
0x45f: {  	[tilespmem:v19+s15+$0x0] =	vst.idx.msk $0xffff, v18  }
0x460: {  	v18 =	vld [tilespmem:s3+$0x10];
	_ =	sdelay $0x1  }
0x461: {  	v17 =	vadd.s32 v10, v17;
	_ =	sdelay $0x1  }
0x462: {  	s24 =	sadd.s32 $0x5, s1  }
0x463: {  	v19 =	vmov s24;
	v18 =	vmul.f32 $5.656854150e+00, v18  }
0x464: {  	v19 =	vshrl.u32 v19, $0x3  }
0x465: {  	[tilespmem:v17+s15+$0x0] =	vst.idx.msk $0xffff, v18;
	v17 =	vshll.u32 v19, v1  }
0x466: {  	v18 =	vld [tilespmem:s3+$0x20];
	v17 =	vbroadcast v17, $0x0;
	_ =	sdelay $0x1  }
0x467: {  	v19 =	vadd.s32 v11, v17;
	_ =	sdelay $0x2  }
0x468: {  	v18 =	vmul.f32 $5.656854150e+00, v18;
	_ =	sdelay $0x1  }
0x469: {  	[tilespmem:v19+s15+$0x0] =	vst.idx.msk $0xffff, v18  }
0x46a: {  	v18 =	vld [tilespmem:s3+$0x30];
	_ =	sdelay $0x1  }
0x46b: {  	v17 =	vadd.s32 v12, v17;
	_ =	sdelay $0x1  }
0x46c: {  	s21 =	sadd.s32 $0x6, s1  }
0x46d: {  	v19 =	vmov s21;
	v18 =	vmul.f32 $5.656854150e+00, v18  }
0x46e: {  	v19 =	vshrl.u32 v19, $0x3  }
0x46f: {  	[tilespmem:v17+s15+$0x0] =	vst.idx.msk $0xffff, v18;
	v17 =	vshll.u32 v19, v1  }
0x470: {  	v18 =	vld [tilespmem:s3+$0x40];
	v17 =	vbroadcast v17, $0x0;
	_ =	sdelay $0x1  }
0x471: {  	v19 =	vadd.s32 v13, v17;
	_ =	sdelay $0x2  }
0x472: {  	v18 =	vmul.f32 $5.656854150e+00, v18;
	_ =	sdelay $0x1  }
0x473: {  	[tilespmem:v19+s15+$0x0] =	vst.idx.msk $0xffff, v18  }
0x474: {  	v18 =	vld [tilespmem:s3+$0x50];
	_ =	sdelay $0x1  }
0x475: {  	v17 =	vadd.s32 v14, v17;
	_ =	sdelay $0x1  }
0x476: {  	s22 =	sadd.s32 $0x7, s1  }
0x477: {  	v19 =	vmov s22;
	v18 =	vmul.f32 $5.656854150e+00, v18  }
0x478: {  	v19 =	vshrl.u32 v19, $0x3  }
0x479: {  	[tilespmem:v17+s15+$0x0] =	vst.idx.msk $0xffff, v18;
	v17 =	vshll.u32 v19, v1  }
0x47a: {  	v18 =	vld [tilespmem:s3+$0x60];
	v17 =	vbroadcast v17, $0x0;
	_ =	sdelay $0x1  }
0x47b: {  	v19 =	vadd.s32 v15, v17;
	_ =	sdelay $0x2  }
0x47c: {  	v18 =	vmul.f32 $5.656854150e+00, v18;
	_ =	sdelay $0x1  }
0x47d: {  	[tilespmem:v19+s15+$0x0] =	vst.idx.msk $0xffff, v18  }
0x47e: {  	v18 =	vld [tilespmem:s3+$0x70];
	_ =	sdelay $0x1  }
0x47f: {  	v17 =	vadd.s32 v16, v17;
	_ =	sdelay $0x1  }
0x480: {  	s23 =	simm.s32 $0x0  }
0x481: {  	v19 =	vmov s23;
	v18 =	vmul.f32 $5.656854150e+00, v18  }
0x482: {  	v19 =	vshrl.u32 v19, $0x3  }
0x483: {  	s24 =	simm.s32 $0x54F0;
	[tilespmem:v17+s15+$0x0] =	vst.idx.msk $0xffff, v18;
	v17 =	vshll.u32 v19, $0x3  }
0x484: {  	v19 =	vld [tilespmem:s24+$0xFFFFFF10];
	v17 =	vbroadcast v17, $0x0;
	_ =	sdelay $0x1  }
0x485: {  	v18 =	vadd.s32 v0, v17;
	_ =	sdelay $0x2  }
0x486: {  	v19 =	vmul.f32 $5.656854150e+00, v19;
	_ =	sdelay $0x1  }
0x487: {  	[tilespmem:v18+s16+$0x0] =	vst.idx.msk $0xffff, v19  }
0x488: {  	v20 =	vld [tilespmem:s24+$0xFFFFFF20];
	_ =	sdelay $0x1  }
0x489: {  	v19 =	vadd.s32 v2, v17;
	_ =	sdelay $0x2  }
0x48a: {  	v20 =	vmul.f32 $5.656854150e+00, v20;
	_ =	sdelay $0x1  }
0x48b: {  	[tilespmem:v19+s16+$0x0] =	vst.idx.msk $0xffff, v20  }
0x48c: {  	v21 =	vld [tilespmem:s24+$0xFFFFFF30];
	_ =	sdelay $0x1  }
0x48d: {  	v20 =	vadd.s32 v3, v17;
	_ =	sdelay $0x2  }
0x48e: {  	v21 =	vmul.f32 $5.656854150e+00, v21;
	_ =	sdelay $0x1  }
0x48f: {  	[tilespmem:v20+s16+$0x0] =	vst.idx.msk $0xffff, v21  }
0x490: {  	v22 =	vld [tilespmem:s24+$0xFFFFFF40];
	_ =	sdelay $0x1  }
0x491: {  	v21 =	vadd.s32 v4, v17;
	_ =	sdelay $0x2  }
0x492: {  	v22 =	vmul.f32 $5.656854150e+00, v22;
	_ =	sdelay $0x1  }
0x493: {  	[tilespmem:v21+s16+$0x0] =	vst.idx.msk $0xffff, v22  }
0x494: {  	v23 =	vld [tilespmem:s24+$0xFFFFFF50];
	_ =	sdelay $0x1  }
0x495: {  	v22 =	vadd.s32 v5, v17;
	_ =	sdelay $0x2  }
0x496: {  	v23 =	vmul.f32 $5.656854150e+00, v23;
	_ =	sdelay $0x1  }
0x497: {  	[tilespmem:v22+s16+$0x0] =	vst.idx.msk $0xffff, v23  }
0x498: {  	v24 =	vld [tilespmem:s24+$0xFFFFFF60];
	_ =	sdelay $0x1  }
0x499: {  	v23 =	vadd.s32 v6, v17;
	_ =	sdelay $0x2  }
0x49a: {  	v24 =	vmul.f32 $5.656854150e+00, v24;
	_ =	sdelay $0x1  }
0x49b: {  	[tilespmem:v23+s16+$0x0] =	vst.idx.msk $0xffff, v24  }
0x49c: {  	v25 =	vld [tilespmem:s24+$0xFFFFFF70];
	_ =	sdelay $0x1  }
0x49d: {  	v24 =	vadd.s32 v7, v17;
	_ =	sdelay $0x2  }
0x49e: {  	v25 =	vmul.f32 $5.656854150e+00, v25;
	_ =	sdelay $0x1  }
0x49f: {  	[tilespmem:v24+s16+$0x0] =	vst.idx.msk $0xffff, v25  }
0x4a0: {  	v26 =	vld [tilespmem:s24+$0xFFFFFF80];
	_ =	sdelay $0x1  }
0x4a1: {  	v25 =	vadd.s32 v8, v17;
	_ =	sdelay $0x2  }
0x4a2: {  	v26 =	vmul.f32 $5.656854150e+00, v26;
	_ =	sdelay $0x1  }
0x4a3: {  	[tilespmem:v25+s16+$0x0] =	vst.idx.msk $0xffff, v26  }
0x4a4: {  	v27 =	vld [tilespmem:s24+$0xFFFFFF90];
	_ =	sdelay $0x1  }
0x4a5: {  	v26 =	vadd.s32 v9, v17;
	_ =	sdelay $0x2  }
0x4a6: {  	v27 =	vmul.f32 $5.656854150e+00, v27;
	_ =	sdelay $0x1  }
0x4a7: {  	[tilespmem:v26+s16+$0x0] =	vst.idx.msk $0xffff, v27  }
0x4a8: {  	v28 =	vld [tilespmem:s24+$0xFFFFFFA0];
	_ =	sdelay $0x1  }
0x4a9: {  	v27 =	vadd.s32 v10, v17;
	_ =	sdelay $0x2  }
0x4aa: {  	v28 =	vmul.f32 $5.656854150e+00, v28;
	_ =	sdelay $0x1  }
0x4ab: {  	[tilespmem:v27+s16+$0x0] =	vst.idx.msk $0xffff, v28  }
0x4ac: {  	v29 =	vld [tilespmem:s24+$0xFFFFFFB0];
	_ =	sdelay $0x1  }
0x4ad: {  	v28 =	vadd.s32 v11, v17;
	_ =	sdelay $0x2  }
0x4ae: {  	v29 =	vmul.f32 $5.656854150e+00, v29;
	_ =	sdelay $0x1  }
0x4af: {  	[tilespmem:v28+s16+$0x0] =	vst.idx.msk $0xffff, v29  }
0x4b0: {  	v30 =	vld [tilespmem:s24+$0xFFFFFFC0];
	_ =	sdelay $0x1  }
0x4b1: {  	v29 =	vadd.s32 v12, v17;
	_ =	sdelay $0x2  }
0x4b2: {  	v30 =	vmul.f32 $5.656854150e+00, v30;
	_ =	sdelay $0x1  }
0x4b3: {  	[tilespmem:v29+s16+$0x0] =	vst.idx.msk $0xffff, v30  }
0x4b4: {  	v31 =	vld [tilespmem:s24+$0xFFFFFFD0];
	_ =	sdelay $0x1  }
0x4b5: {  	v30 =	vadd.s32 v13, v17;
	_ =	sdelay $0x2  }
0x4b6: {  	v31 =	vmul.f32 $5.656854150e+00, v31;
	_ =	sdelay $0x1  }
0x4b7: {  	[tilespmem:v30+s16+$0x0] =	vst.idx.msk $0xffff, v31  }
0x4b8: {  	v32 =	vld [tilespmem:s24+$0xFFFFFFE0];
	_ =	sdelay $0x1  }
0x4b9: {  	v31 =	vadd.s32 v14, v17;
	_ =	sdelay $0x2  }
0x4ba: {  	v32 =	vmul.f32 $5.656854150e+00, v32;
	_ =	sdelay $0x1  }
0x4bb: {  	[tilespmem:v31+s16+$0x0] =	vst.idx.msk $0xffff, v32  }
0x4bc: {  	v33 =	vld [tilespmem:s24+$0xFFFFFFF0];
	_ =	sdelay $0x1  }
0x4bd: {  	v32 =	vadd.s32 v15, v17  }
0x4be: {  	p0 =	por $0x1, $0x1  }
.Ltmp12:
0x4bf: {  	_ = 	snop;
	(pc) =	sbr.rel @!p0 .LBB2_18-.Ltmp12, $3  }
0x4c0: {  	v33 =	vmul.f32 $5.656854150e+00, v33;
	_ =	sdelay $0x1  }
0x4c1: {  	[tilespmem:v32+s16+$0x0] =	vst.idx.msk $0xffff, v33  }
0x4c2: {  	v17 =	vadd.s32 v16, v17;
	v34 =	vld [tilespmem:s24+$0x0]  }
0x4c3: {  	_ =	sdelay $0x2  }
0x4c4: {  	s1 =	simm.s32 $0x8  }
0x4c5: {  	v33 =	vmov s1;
	v34 =	vmul.f32 $5.656854150e+00, v34  }
0x4c6: {  	v33 =	vshrl.u32 v33, $0x3  }
0x4c7: {  	s3 =	simm.s32 $0x55F0;
	v33 =	vshll.u32 v33, $0x3;
	[tilespmem:v17+s16+$0x0] =	vst.idx.msk $0xffff, v34  }
0x4c8: {  	v33 =	vbroadcast v33, $0x0;
	v34 =	vld [tilespmem:s3+$0xFFFFFF10];
	_ =	sdelay $0x1  }
0x4c9: {  	v35 =	vadd.s32 v0, v33;
	_ =	sdelay $0x2  }
0x4ca: {  	v34 =	vmul.f32 $5.656854150e+00, v34;
	_ =	sdelay $0x1  }
0x4cb: {  	[tilespmem:v35+s16+$0x0] =	vst.idx.msk $0xffff, v34  }
0x4cc: {  	v34 =	vld [tilespmem:s3+$0xFFFFFF20];
	_ =	sdelay $0x1  }
0x4cd: {  	v50 =	vadd.s32 v2, v33;
	_ =	sdelay $0x2  }
0x4ce: {  	v34 =	vmul.f32 $5.656854150e+00, v34;
	_ =	sdelay $0x1  }
0x4cf: {  	[tilespmem:v50+s16+$0x0] =	vst.idx.msk $0xffff, v34  }
0x4d0: {  	v34 =	vld [tilespmem:s3+$0xFFFFFF30];
	_ =	sdelay $0x1  }
0x4d1: {  	v51 =	vadd.s32 v3, v33;
	_ =	sdelay $0x2  }
0x4d2: {  	v34 =	vmul.f32 $5.656854150e+00, v34;
	_ =	sdelay $0x1  }
0x4d3: {  	[tilespmem:v51+s16+$0x0] =	vst.idx.msk $0xffff, v34  }
0x4d4: {  	v34 =	vld [tilespmem:s3+$0xFFFFFF40];
	_ =	sdelay $0x1  }
0x4d5: {  	v52 =	vadd.s32 v4, v33;
	_ =	sdelay $0x2  }
0x4d6: {  	v34 =	vmul.f32 $5.656854150e+00, v34;
	_ =	sdelay $0x1  }
0x4d7: {  	[tilespmem:v52+s16+$0x0] =	vst.idx.msk $0xffff, v34  }
0x4d8: {  	v34 =	vld [tilespmem:s3+$0xFFFFFF50];
	_ =	sdelay $0x1  }
0x4d9: {  	v53 =	vadd.s32 v5, v33;
	_ =	sdelay $0x2  }
0x4da: {  	v34 =	vmul.f32 $5.656854150e+00, v34;
	_ =	sdelay $0x1  }
0x4db: {  	[tilespmem:v53+s16+$0x0] =	vst.idx.msk $0xffff, v34  }
0x4dc: {  	v34 =	vld [tilespmem:s3+$0xFFFFFF60];
	_ =	sdelay $0x1  }
0x4dd: {  	v54 =	vadd.s32 v6, v33;
	_ =	sdelay $0x2  }
0x4de: {  	v34 =	vmul.f32 $5.656854150e+00, v34;
	_ =	sdelay $0x1  }
0x4df: {  	[tilespmem:v54+s16+$0x0] =	vst.idx.msk $0xffff, v34  }
0x4e0: {  	v34 =	vld [tilespmem:s3+$0xFFFFFF70];
	_ =	sdelay $0x1  }
0x4e1: {  	v55 =	vadd.s32 v7, v33;
	_ =	sdelay $0x2  }
0x4e2: {  	v34 =	vmul.f32 $5.656854150e+00, v34;
	_ =	sdelay $0x1  }
0x4e3: {  	[tilespmem:v55+s16+$0x0] =	vst.idx.msk $0xffff, v34  }
0x4e4: {  	v34 =	vld [tilespmem:s3+$0xFFFFFF80];
	_ =	sdelay $0x1  }
0x4e5: {  	v56 =	vadd.s32 v8, v33;
	_ =	sdelay $0x2  }
0x4e6: {  	v34 =	vmul.f32 $5.656854150e+00, v34;
	_ =	sdelay $0x1  }
0x4e7: {  	[tilespmem:v56+s16+$0x0] =	vst.idx.msk $0xffff, v34  }
0x4e8: {  	v34 =	vld [tilespmem:s3+$0xFFFFFF90];
	_ =	sdelay $0x1  }
0x4e9: {  	v57 =	vadd.s32 v9, v33;
	_ =	sdelay $0x2  }
0x4ea: {  	v34 =	vmul.f32 $5.656854150e+00, v34;
	_ =	sdelay $0x1  }
0x4eb: {  	[tilespmem:v57+s16+$0x0] =	vst.idx.msk $0xffff, v34  }
0x4ec: {  	v34 =	vld [tilespmem:s3+$0xFFFFFFA0];
	_ =	sdelay $0x1  }
0x4ed: {  	v58 =	vadd.s32 v10, v33;
	_ =	sdelay $0x2  }
0x4ee: {  	v34 =	vmul.f32 $5.656854150e+00, v34;
	_ =	sdelay $0x1  }
0x4ef: {  	[tilespmem:v58+s16+$0x0] =	vst.idx.msk $0xffff, v34  }
0x4f0: {  	v34 =	vld [tilespmem:s3+$0xFFFFFFB0];
	_ =	sdelay $0x1  }
0x4f1: {  	v59 =	vadd.s32 v11, v33;
	_ =	sdelay $0x2  }
0x4f2: {  	v34 =	vmul.f32 $5.656854150e+00, v34;
	_ =	sdelay $0x1  }
0x4f3: {  	[tilespmem:v59+s16+$0x0] =	vst.idx.msk $0xffff, v34  }
0x4f4: {  	v34 =	vld [tilespmem:s3+$0xFFFFFFC0];
	_ =	sdelay $0x1  }
0x4f5: {  	v60 =	vadd.s32 v12, v33;
	_ =	sdelay $0x2  }
0x4f6: {  	v34 =	vmul.f32 $5.656854150e+00, v34;
	_ =	sdelay $0x1  }
0x4f7: {  	[tilespmem:v60+s16+$0x0] =	vst.idx.msk $0xffff, v34  }
0x4f8: {  	v34 =	vld [tilespmem:s3+$0xFFFFFFD0];
	_ =	sdelay $0x1  }
0x4f9: {  	v61 =	vadd.s32 v13, v33;
	_ =	sdelay $0x2  }
0x4fa: {  	v34 =	vmul.f32 $5.656854150e+00, v34;
	_ =	sdelay $0x1  }
0x4fb: {  	[tilespmem:v61+s16+$0x0] =	vst.idx.msk $0xffff, v34  }
0x4fc: {  	v34 =	vld [tilespmem:s3+$0xFFFFFFE0];
	_ =	sdelay $0x1  }
0x4fd: {  	v62 =	vadd.s32 v14, v33;
	_ =	sdelay $0x2  }
0x4fe: {  	v34 =	vmul.f32 $5.656854150e+00, v34;
	_ =	sdelay $0x1  }
0x4ff: {  	[tilespmem:v62+s16+$0x0] =	vst.idx.msk $0xffff, v34  }
0x500: {  	v34 =	vld [tilespmem:s3+$0xFFFFFFF0];
	_ =	sdelay $0x1  }
0x501: {  	v63 =	vadd.s32 v15, v33;
	_ =	sdelay $0x2  }
0x502: {  	p1 =	por $0x1, $0x1;
	v34 =	vmul.f32 $5.656854150e+00, v34  }
.Ltmp13:
0x503: {  	_ = 	snop;
	(pc) =	sbr.rel @!p1 .LBB2_21-.Ltmp13, $3  }
0x504: {  	[tilespmem:v63+s16+$0x0] =	vst.idx.msk $0xffff, v34  }
0x505: {  	v34 =	vld [tilespmem:s3+$0x0];
	_ =	sdelay $0x1  }
0x506: {  	v33 =	vadd.s32 v16, v33  }
.LBB2_20:
0x507: {  	_ = 	snop  }
0x508: {  	s1 =	sadd.s32 $0x8, s1  }
0x509: {  	v35 =	vmov s1;
	p1 =	slt.u32 s1, $0x78;
	v34 =	vmul.f32 $5.656854150e+00, v34  }
0x50a: {  	v35 =	vshrl.u32 v35, $0x3  }
0x50b: {  	s3 =	sadd.s32 $0x100, s3;
	v35 =	vshll.u32 v35, $0x3;
	[tilespmem:v33+s16+$0x0] =	vst.idx.msk $0xffff, v34  }
0x50c: {  	v33 =	vbroadcast v35, $0x0;
	v34 =	vld [tilespmem:s3+$0xFFFFFF10];
	_ =	sdelay $0x1  }
0x50d: {  	v35 =	vadd.s32 v0, v33;
	_ =	sdelay $0x2  }
0x50e: {  	v34 =	vmul.f32 $5.656854150e+00, v34;
	_ =	sdelay $0x1  }
0x50f: {  	[tilespmem:v35+s16+$0x0] =	vst.idx.msk $0xffff, v34  }
0x510: {  	v34 =	vld [tilespmem:s3+$0xFFFFFF20];
	_ =	sdelay $0x1  }
0x511: {  	v35 =	vadd.s32 v2, v33;
	_ =	sdelay $0x2  }
0x512: {  	v34 =	vmul.f32 $5.656854150e+00, v34;
	_ =	sdelay $0x1  }
0x513: {  	[tilespmem:v35+s16+$0x0] =	vst.idx.msk $0xffff, v34  }
0x514: {  	v34 =	vld [tilespmem:s3+$0xFFFFFF30];
	_ =	sdelay $0x1  }
0x515: {  	v35 =	vadd.s32 v3, v33;
	_ =	sdelay $0x2  }
0x516: {  	v34 =	vmul.f32 $5.656854150e+00, v34;
	_ =	sdelay $0x1  }
0x517: {  	[tilespmem:v35+s16+$0x0] =	vst.idx.msk $0xffff, v34  }
0x518: {  	v34 =	vld [tilespmem:s3+$0xFFFFFF40];
	_ =	sdelay $0x1  }
0x519: {  	v35 =	vadd.s32 v4, v33;
	_ =	sdelay $0x2  }
0x51a: {  	v34 =	vmul.f32 $5.656854150e+00, v34;
	_ =	sdelay $0x1  }
0x51b: {  	[tilespmem:v35+s16+$0x0] =	vst.idx.msk $0xffff, v34  }
0x51c: {  	v34 =	vld [tilespmem:s3+$0xFFFFFF50];
	_ =	sdelay $0x1  }
0x51d: {  	v35 =	vadd.s32 v5, v33;
	_ =	sdelay $0x2  }
0x51e: {  	v34 =	vmul.f32 $5.656854150e+00, v34;
	_ =	sdelay $0x1  }
0x51f: {  	[tilespmem:v35+s16+$0x0] =	vst.idx.msk $0xffff, v34  }
0x520: {  	v34 =	vld [tilespmem:s3+$0xFFFFFF60];
	_ =	sdelay $0x1  }
0x521: {  	v35 =	vadd.s32 v6, v33;
	_ =	sdelay $0x2  }
0x522: {  	v34 =	vmul.f32 $5.656854150e+00, v34;
	_ =	sdelay $0x1  }
0x523: {  	[tilespmem:v35+s16+$0x0] =	vst.idx.msk $0xffff, v34  }
0x524: {  	v34 =	vld [tilespmem:s3+$0xFFFFFF70];
	_ =	sdelay $0x1  }
0x525: {  	v35 =	vadd.s32 v7, v33;
	_ =	sdelay $0x2  }
0x526: {  	v34 =	vmul.f32 $5.656854150e+00, v34;
	_ =	sdelay $0x1  }
0x527: {  	[tilespmem:v35+s16+$0x0] =	vst.idx.msk $0xffff, v34  }
0x528: {  	v34 =	vld [tilespmem:s3+$0xFFFFFF80];
	_ =	sdelay $0x1  }
0x529: {  	v35 =	vadd.s32 v8, v33;
	_ =	sdelay $0x2  }
0x52a: {  	v34 =	vmul.f32 $5.656854150e+00, v34;
	_ =	sdelay $0x1  }
0x52b: {  	[tilespmem:v35+s16+$0x0] =	vst.idx.msk $0xffff, v34  }
0x52c: {  	v34 =	vld [tilespmem:s3+$0xFFFFFF90];
	_ =	sdelay $0x1  }
0x52d: {  	v35 =	vadd.s32 v9, v33;
	_ =	sdelay $0x2  }
0x52e: {  	v34 =	vmul.f32 $5.656854150e+00, v34;
	_ =	sdelay $0x1  }
0x52f: {  	[tilespmem:v35+s16+$0x0] =	vst.idx.msk $0xffff, v34  }
0x530: {  	v34 =	vld [tilespmem:s3+$0xFFFFFFA0];
	_ =	sdelay $0x1  }
0x531: {  	v35 =	vadd.s32 v10, v33;
	_ =	sdelay $0x2  }
0x532: {  	v34 =	vmul.f32 $5.656854150e+00, v34;
	_ =	sdelay $0x1  }
0x533: {  	[tilespmem:v35+s16+$0x0] =	vst.idx.msk $0xffff, v34  }
0x534: {  	v34 =	vld [tilespmem:s3+$0xFFFFFFB0];
	_ =	sdelay $0x1  }
0x535: {  	v35 =	vadd.s32 v11, v33;
	_ =	sdelay $0x2  }
0x536: {  	v34 =	vmul.f32 $5.656854150e+00, v34;
	_ =	sdelay $0x1  }
0x537: {  	[tilespmem:v35+s16+$0x0] =	vst.idx.msk $0xffff, v34  }
0x538: {  	v34 =	vld [tilespmem:s3+$0xFFFFFFC0];
	_ =	sdelay $0x1  }
0x539: {  	v35 =	vadd.s32 v12, v33;
	_ =	sdelay $0x2  }
0x53a: {  	v34 =	vmul.f32 $5.656854150e+00, v34;
	_ =	sdelay $0x1  }
0x53b: {  	[tilespmem:v35+s16+$0x0] =	vst.idx.msk $0xffff, v34  }
0x53c: {  	v34 =	vld [tilespmem:s3+$0xFFFFFFD0];
	_ =	sdelay $0x1  }
0x53d: {  	v35 =	vadd.s32 v13, v33;
	_ =	sdelay $0x2  }
0x53e: {  	v34 =	vmul.f32 $5.656854150e+00, v34;
	_ =	sdelay $0x1  }
0x53f: {  	[tilespmem:v35+s16+$0x0] =	vst.idx.msk $0xffff, v34  }
0x540: {  	v34 =	vld [tilespmem:s3+$0xFFFFFFE0];
	_ =	sdelay $0x1  }
0x541: {  	v35 =	vadd.s32 v14, v33;
	_ =	sdelay $0x2  }
0x542: {  	v34 =	vmul.f32 $5.656854150e+00, v34;
	_ =	sdelay $0x1  }
0x543: {  	[tilespmem:v35+s16+$0x0] =	vst.idx.msk $0xffff, v34  }
0x544: {  	v34 =	vld [tilespmem:s3+$0xFFFFFFF0];
	_ =	sdelay $0x1  }
0x545: {  	v35 =	vadd.s32 v15, v33;
	_ =	sdelay $0x2  }
0x546: {  	v34 =	vmul.f32 $5.656854150e+00, v34  }
.Ltmp14:
0x547: {  	(pc) =	sbr.rel @p1 .LBB2_20-.Ltmp14, $3  }
0x548: {  	[tilespmem:v35+s16+$0x0] =	vst.idx.msk $0xffff, v34  }
0x549: {  	v34 =	vld [tilespmem:s3+$0x0];
	_ =	sdelay $0x1  }
0x54a: {  	v33 =	vadd.s32 v16, v33  }
.LBB2_21:
0x54b: {  	_ =	sdelay $0x1  }
0x54c: {  	v34 =	vmul.f32 $5.656854150e+00, v34;
	_ =	sdelay $0x1  }
0x54d: {  	s1 =	simm.s32 $0x64F0;
	[tilespmem:v33+s16+$0x0] =	vst.idx.msk $0xffff, v34  }
0x54e: {  	v33 =	vld [tilespmem:s1+$0xFFFFFF10];
	_ =	sdelay $0x4  }
0x54f: {  	v33 =	vmul.f32 $5.656854150e+00, v33;
	_ =	sdelay $0x1  }
0x550: {  	[tilespmem:v18+s17+$0x0] =	vst.idx.msk $0xffff, v33  }
0x551: {  	v18 =	vld [tilespmem:s1+$0xFFFFFF20];
	_ =	sdelay $0x4  }
0x552: {  	v18 =	vmul.f32 $5.656854150e+00, v18;
	_ =	sdelay $0x1  }
0x553: {  	[tilespmem:v19+s17+$0x0] =	vst.idx.msk $0xffff, v18  }
0x554: {  	v18 =	vld [tilespmem:s1+$0xFFFFFF30];
	_ =	sdelay $0x4  }
0x555: {  	v18 =	vmul.f32 $5.656854150e+00, v18;
	_ =	sdelay $0x1  }
0x556: {  	[tilespmem:v20+s17+$0x0] =	vst.idx.msk $0xffff, v18  }
0x557: {  	v18 =	vld [tilespmem:s1+$0xFFFFFF40];
	_ =	sdelay $0x4  }
0x558: {  	v18 =	vmul.f32 $5.656854150e+00, v18;
	_ =	sdelay $0x1  }
0x559: {  	[tilespmem:v21+s17+$0x0] =	vst.idx.msk $0xffff, v18  }
0x55a: {  	v18 =	vld [tilespmem:s1+$0xFFFFFF50];
	_ =	sdelay $0x4  }
0x55b: {  	v18 =	vmul.f32 $5.656854150e+00, v18;
	_ =	sdelay $0x1  }
0x55c: {  	[tilespmem:v22+s17+$0x0] =	vst.idx.msk $0xffff, v18  }
0x55d: {  	v18 =	vld [tilespmem:s1+$0xFFFFFF60];
	_ =	sdelay $0x4  }
0x55e: {  	v18 =	vmul.f32 $5.656854150e+00, v18;
	_ =	sdelay $0x1  }
0x55f: {  	[tilespmem:v23+s17+$0x0] =	vst.idx.msk $0xffff, v18  }
0x560: {  	v18 =	vld [tilespmem:s1+$0xFFFFFF70];
	_ =	sdelay $0x4  }
0x561: {  	v18 =	vmul.f32 $5.656854150e+00, v18;
	_ =	sdelay $0x1  }
0x562: {  	[tilespmem:v24+s17+$0x0] =	vst.idx.msk $0xffff, v18  }
0x563: {  	v18 =	vld [tilespmem:s1+$0xFFFFFF80];
	_ =	sdelay $0x4  }
0x564: {  	v18 =	vmul.f32 $5.656854150e+00, v18;
	_ =	sdelay $0x1  }
0x565: {  	[tilespmem:v25+s17+$0x0] =	vst.idx.msk $0xffff, v18  }
0x566: {  	v18 =	vld [tilespmem:s1+$0xFFFFFF90];
	_ =	sdelay $0x4  }
0x567: {  	v18 =	vmul.f32 $5.656854150e+00, v18;
	_ =	sdelay $0x1  }
0x568: {  	[tilespmem:v26+s17+$0x0] =	vst.idx.msk $0xffff, v18  }
0x569: {  	v18 =	vld [tilespmem:s1+$0xFFFFFFA0];
	_ =	sdelay $0x4  }
0x56a: {  	v18 =	vmul.f32 $5.656854150e+00, v18;
	_ =	sdelay $0x1  }
0x56b: {  	[tilespmem:v27+s17+$0x0] =	vst.idx.msk $0xffff, v18  }
0x56c: {  	v18 =	vld [tilespmem:s1+$0xFFFFFFB0];
	_ =	sdelay $0x4  }
0x56d: {  	v18 =	vmul.f32 $5.656854150e+00, v18;
	_ =	sdelay $0x1  }
0x56e: {  	[tilespmem:v28+s17+$0x0] =	vst.idx.msk $0xffff, v18  }
0x56f: {  	v18 =	vld [tilespmem:s1+$0xFFFFFFC0];
	_ =	sdelay $0x4  }
0x570: {  	v18 =	vmul.f32 $5.656854150e+00, v18;
	_ =	sdelay $0x1  }
0x571: {  	[tilespmem:v29+s17+$0x0] =	vst.idx.msk $0xffff, v18  }
0x572: {  	v18 =	vld [tilespmem:s1+$0xFFFFFFD0];
	_ =	sdelay $0x4  }
0x573: {  	v18 =	vmul.f32 $5.656854150e+00, v18;
	_ =	sdelay $0x1  }
0x574: {  	[tilespmem:v30+s17+$0x0] =	vst.idx.msk $0xffff, v18  }
0x575: {  	v18 =	vld [tilespmem:s1+$0xFFFFFFE0];
	_ =	sdelay $0x4  }
0x576: {  	v18 =	vmul.f32 $5.656854150e+00, v18;
	_ =	sdelay $0x1  }
0x577: {  	[tilespmem:v31+s17+$0x0] =	vst.idx.msk $0xffff, v18  }
0x578: {  	v18 =	vld [tilespmem:s1+$0xFFFFFFF0];
	_ =	sdelay $0x3  }
.Ltmp15:
0x579: {  	_ = 	snop;
	(pc) =	sbr.rel @!p0 .LBB2_24-.Ltmp15, $3  }
0x57a: {  	v18 =	vmul.f32 $5.656854150e+00, v18;
	_ =	sdelay $0x1  }
0x57b: {  	[tilespmem:v32+s17+$0x0] =	vst.idx.msk $0xffff, v18  }
0x57c: {  	v18 =	vld [tilespmem:s1+$0x0]  }
0x57d: {  	_ =	sdelay $0x2  }
0x57e: {  	s1 =	simm.s32 $0x8  }
0x57f: {  	v19 =	vmov s1;
	v18 =	vmul.f32 $5.656854150e+00, v18  }
0x580: {  	v19 =	vshrl.u32 v19, $0x3  }
0x581: {  	s3 =	simm.s32 $0x65F0;
	v19 =	vshll.u32 v19, $0x3;
	[tilespmem:v17+s17+$0x0] =	vst.idx.msk $0xffff, v18  }
0x582: {  	v19 =	vbroadcast v19, $0x0;
	v17 =	vld [tilespmem:s3+$0xFFFFFF10];
	_ =	sdelay $0x1  }
0x583: {  	v18 =	vadd.s32 v0, v19;
	_ =	sdelay $0x2  }
0x584: {  	v17 =	vmul.f32 $5.656854150e+00, v17;
	_ =	sdelay $0x1  }
0x585: {  	[tilespmem:v18+s17+$0x0] =	vst.idx.msk $0xffff, v17  }
0x586: {  	v17 =	vld [tilespmem:s3+$0xFFFFFF20];
	_ =	sdelay $0x1  }
0x587: {  	v18 =	vadd.s32 v2, v19;
	_ =	sdelay $0x2  }
0x588: {  	v17 =	vmul.f32 $5.656854150e+00, v17;
	_ =	sdelay $0x1  }
0x589: {  	[tilespmem:v18+s17+$0x0] =	vst.idx.msk $0xffff, v17  }
0x58a: {  	v17 =	vld [tilespmem:s3+$0xFFFFFF30];
	_ =	sdelay $0x1  }
0x58b: {  	v18 =	vadd.s32 v3, v19;
	_ =	sdelay $0x2  }
0x58c: {  	v17 =	vmul.f32 $5.656854150e+00, v17;
	_ =	sdelay $0x1  }
0x58d: {  	[tilespmem:v18+s17+$0x0] =	vst.idx.msk $0xffff, v17  }
0x58e: {  	v17 =	vld [tilespmem:s3+$0xFFFFFF40];
	_ =	sdelay $0x1  }
0x58f: {  	v18 =	vadd.s32 v4, v19;
	_ =	sdelay $0x2  }
0x590: {  	v17 =	vmul.f32 $5.656854150e+00, v17;
	_ =	sdelay $0x1  }
0x591: {  	[tilespmem:v18+s17+$0x0] =	vst.idx.msk $0xffff, v17  }
0x592: {  	v17 =	vld [tilespmem:s3+$0xFFFFFF50];
	_ =	sdelay $0x1  }
0x593: {  	v18 =	vadd.s32 v5, v19;
	_ =	sdelay $0x2  }
0x594: {  	v17 =	vmul.f32 $5.656854150e+00, v17;
	_ =	sdelay $0x1  }
0x595: {  	[tilespmem:v18+s17+$0x0] =	vst.idx.msk $0xffff, v17  }
0x596: {  	v17 =	vld [tilespmem:s3+$0xFFFFFF60];
	_ =	sdelay $0x1  }
0x597: {  	v18 =	vadd.s32 v6, v19;
	_ =	sdelay $0x2  }
0x598: {  	v17 =	vmul.f32 $5.656854150e+00, v17;
	_ =	sdelay $0x1  }
0x599: {  	[tilespmem:v18+s17+$0x0] =	vst.idx.msk $0xffff, v17  }
0x59a: {  	v17 =	vld [tilespmem:s3+$0xFFFFFF70];
	_ =	sdelay $0x1  }
0x59b: {  	v18 =	vadd.s32 v7, v19;
	_ =	sdelay $0x2  }
0x59c: {  	v17 =	vmul.f32 $5.656854150e+00, v17;
	_ =	sdelay $0x1  }
0x59d: {  	[tilespmem:v18+s17+$0x0] =	vst.idx.msk $0xffff, v17  }
0x59e: {  	v17 =	vld [tilespmem:s3+$0xFFFFFF80];
	_ =	sdelay $0x1  }
0x59f: {  	v18 =	vadd.s32 v8, v19;
	_ =	sdelay $0x2  }
0x5a0: {  	v17 =	vmul.f32 $5.656854150e+00, v17;
	_ =	sdelay $0x1  }
0x5a1: {  	[tilespmem:v18+s17+$0x0] =	vst.idx.msk $0xffff, v17  }
0x5a2: {  	v17 =	vld [tilespmem:s3+$0xFFFFFF90];
	_ =	sdelay $0x1  }
0x5a3: {  	v18 =	vadd.s32 v9, v19;
	_ =	sdelay $0x2  }
0x5a4: {  	v17 =	vmul.f32 $5.656854150e+00, v17;
	_ =	sdelay $0x1  }
0x5a5: {  	[tilespmem:v18+s17+$0x0] =	vst.idx.msk $0xffff, v17  }
0x5a6: {  	v17 =	vld [tilespmem:s3+$0xFFFFFFA0];
	_ =	sdelay $0x1  }
0x5a7: {  	v18 =	vadd.s32 v10, v19;
	_ =	sdelay $0x2  }
0x5a8: {  	v17 =	vmul.f32 $5.656854150e+00, v17;
	_ =	sdelay $0x1  }
0x5a9: {  	[tilespmem:v18+s17+$0x0] =	vst.idx.msk $0xffff, v17  }
0x5aa: {  	v17 =	vld [tilespmem:s3+$0xFFFFFFB0];
	_ =	sdelay $0x1  }
0x5ab: {  	v18 =	vadd.s32 v11, v19;
	_ =	sdelay $0x2  }
0x5ac: {  	v17 =	vmul.f32 $5.656854150e+00, v17;
	_ =	sdelay $0x1  }
0x5ad: {  	[tilespmem:v18+s17+$0x0] =	vst.idx.msk $0xffff, v17  }
0x5ae: {  	v17 =	vld [tilespmem:s3+$0xFFFFFFC0];
	_ =	sdelay $0x1  }
0x5af: {  	v18 =	vadd.s32 v12, v19;
	_ =	sdelay $0x2  }
0x5b0: {  	v17 =	vmul.f32 $5.656854150e+00, v17;
	_ =	sdelay $0x1  }
0x5b1: {  	[tilespmem:v18+s17+$0x0] =	vst.idx.msk $0xffff, v17  }
0x5b2: {  	v17 =	vld [tilespmem:s3+$0xFFFFFFD0];
	_ =	sdelay $0x1  }
0x5b3: {  	v18 =	vadd.s32 v13, v19;
	_ =	sdelay $0x2  }
0x5b4: {  	v17 =	vmul.f32 $5.656854150e+00, v17;
	_ =	sdelay $0x1  }
0x5b5: {  	[tilespmem:v18+s17+$0x0] =	vst.idx.msk $0xffff, v17  }
0x5b6: {  	v17 =	vld [tilespmem:s3+$0xFFFFFFE0];
	_ =	sdelay $0x1  }
0x5b7: {  	v18 =	vadd.s32 v14, v19;
	_ =	sdelay $0x2  }
0x5b8: {  	v17 =	vmul.f32 $5.656854150e+00, v17;
	_ =	sdelay $0x1  }
0x5b9: {  	[tilespmem:v18+s17+$0x0] =	vst.idx.msk $0xffff, v17  }
0x5ba: {  	v17 =	vld [tilespmem:s3+$0xFFFFFFF0];
	_ =	sdelay $0x1  }
0x5bb: {  	v18 =	vadd.s32 v15, v19;
	_ =	sdelay $0x2  }
0x5bc: {  	p0 =	por $0x1, $0x1;
	v17 =	vmul.f32 $5.656854150e+00, v17  }
.Ltmp16:
0x5bd: {  	_ = 	snop;
	(pc) =	sbr.rel @!p0 .LBB2_24-.Ltmp16, $3  }
0x5be: {  	[tilespmem:v18+s17+$0x0] =	vst.idx.msk $0xffff, v17  }
0x5bf: {  	v18 =	vld [tilespmem:s3+$0x0];
	_ =	sdelay $0x1  }
0x5c0: {  	v17 =	vadd.s32 v16, v19  }
.LBB2_23:
0x5c1: {  	_ = 	snop  }
0x5c2: {  	s1 =	sadd.s32 $0x8, s1  }
0x5c3: {  	v19 =	vmov s1;
	p0 =	slt.u32 s1, $0x78;
	v18 =	vmul.f32 $5.656854150e+00, v18  }
0x5c4: {  	v19 =	vshrl.u32 v19, $0x3  }
0x5c5: {  	s3 =	sadd.s32 $0x100, s3;
	v19 =	vshll.u32 v19, $0x3;
	[tilespmem:v17+s17+$0x0] =	vst.idx.msk $0xffff, v18  }
0x5c6: {  	v17 =	vbroadcast v19, $0x0;
	v18 =	vld [tilespmem:s3+$0xFFFFFF10];
	_ =	sdelay $0x1  }
0x5c7: {  	v19 =	vadd.s32 v0, v17;
	_ =	sdelay $0x2  }
0x5c8: {  	v18 =	vmul.f32 $5.656854150e+00, v18;
	_ =	sdelay $0x1  }
0x5c9: {  	[tilespmem:v19+s17+$0x0] =	vst.idx.msk $0xffff, v18  }
0x5ca: {  	v18 =	vld [tilespmem:s3+$0xFFFFFF20];
	_ =	sdelay $0x1  }
0x5cb: {  	v19 =	vadd.s32 v2, v17;
	_ =	sdelay $0x2  }
0x5cc: {  	v18 =	vmul.f32 $5.656854150e+00, v18;
	_ =	sdelay $0x1  }
0x5cd: {  	[tilespmem:v19+s17+$0x0] =	vst.idx.msk $0xffff, v18  }
0x5ce: {  	v18 =	vld [tilespmem:s3+$0xFFFFFF30];
	_ =	sdelay $0x1  }
0x5cf: {  	v19 =	vadd.s32 v3, v17;
	_ =	sdelay $0x2  }
0x5d0: {  	v18 =	vmul.f32 $5.656854150e+00, v18;
	_ =	sdelay $0x1  }
0x5d1: {  	[tilespmem:v19+s17+$0x0] =	vst.idx.msk $0xffff, v18  }
0x5d2: {  	v18 =	vld [tilespmem:s3+$0xFFFFFF40];
	_ =	sdelay $0x1  }
0x5d3: {  	v19 =	vadd.s32 v4, v17;
	_ =	sdelay $0x2  }
0x5d4: {  	v18 =	vmul.f32 $5.656854150e+00, v18;
	_ =	sdelay $0x1  }
0x5d5: {  	[tilespmem:v19+s17+$0x0] =	vst.idx.msk $0xffff, v18  }
0x5d6: {  	v18 =	vld [tilespmem:s3+$0xFFFFFF50];
	_ =	sdelay $0x1  }
0x5d7: {  	v19 =	vadd.s32 v5, v17;
	_ =	sdelay $0x2  }
0x5d8: {  	v18 =	vmul.f32 $5.656854150e+00, v18;
	_ =	sdelay $0x1  }
0x5d9: {  	[tilespmem:v19+s17+$0x0] =	vst.idx.msk $0xffff, v18  }
0x5da: {  	v18 =	vld [tilespmem:s3+$0xFFFFFF60];
	_ =	sdelay $0x1  }
0x5db: {  	v19 =	vadd.s32 v6, v17;
	_ =	sdelay $0x2  }
0x5dc: {  	v18 =	vmul.f32 $5.656854150e+00, v18;
	_ =	sdelay $0x1  }
0x5dd: {  	[tilespmem:v19+s17+$0x0] =	vst.idx.msk $0xffff, v18  }
0x5de: {  	v18 =	vld [tilespmem:s3+$0xFFFFFF70];
	_ =	sdelay $0x1  }
0x5df: {  	v19 =	vadd.s32 v7, v17;
	_ =	sdelay $0x2  }
0x5e0: {  	v18 =	vmul.f32 $5.656854150e+00, v18;
	_ =	sdelay $0x1  }
0x5e1: {  	[tilespmem:v19+s17+$0x0] =	vst.idx.msk $0xffff, v18  }
0x5e2: {  	v18 =	vld [tilespmem:s3+$0xFFFFFF80];
	_ =	sdelay $0x1  }
0x5e3: {  	v19 =	vadd.s32 v8, v17;
	_ =	sdelay $0x2  }
0x5e4: {  	v18 =	vmul.f32 $5.656854150e+00, v18;
	_ =	sdelay $0x1  }
0x5e5: {  	[tilespmem:v19+s17+$0x0] =	vst.idx.msk $0xffff, v18  }
0x5e6: {  	v18 =	vld [tilespmem:s3+$0xFFFFFF90];
	_ =	sdelay $0x1  }
0x5e7: {  	v19 =	vadd.s32 v9, v17;
	_ =	sdelay $0x2  }
0x5e8: {  	v18 =	vmul.f32 $5.656854150e+00, v18;
	_ =	sdelay $0x1  }
0x5e9: {  	[tilespmem:v19+s17+$0x0] =	vst.idx.msk $0xffff, v18  }
0x5ea: {  	v18 =	vld [tilespmem:s3+$0xFFFFFFA0];
	_ =	sdelay $0x1  }
0x5eb: {  	v19 =	vadd.s32 v10, v17;
	_ =	sdelay $0x2  }
0x5ec: {  	v18 =	vmul.f32 $5.656854150e+00, v18;
	_ =	sdelay $0x1  }
0x5ed: {  	[tilespmem:v19+s17+$0x0] =	vst.idx.msk $0xffff, v18  }
0x5ee: {  	v18 =	vld [tilespmem:s3+$0xFFFFFFB0];
	_ =	sdelay $0x1  }
0x5ef: {  	v19 =	vadd.s32 v11, v17;
	_ =	sdelay $0x2  }
0x5f0: {  	v18 =	vmul.f32 $5.656854150e+00, v18;
	_ =	sdelay $0x1  }
0x5f1: {  	[tilespmem:v19+s17+$0x0] =	vst.idx.msk $0xffff, v18  }
0x5f2: {  	v18 =	vld [tilespmem:s3+$0xFFFFFFC0];
	_ =	sdelay $0x1  }
0x5f3: {  	v19 =	vadd.s32 v12, v17;
	_ =	sdelay $0x2  }
0x5f4: {  	v18 =	vmul.f32 $5.656854150e+00, v18;
	_ =	sdelay $0x1  }
0x5f5: {  	[tilespmem:v19+s17+$0x0] =	vst.idx.msk $0xffff, v18  }
0x5f6: {  	v18 =	vld [tilespmem:s3+$0xFFFFFFD0];
	_ =	sdelay $0x1  }
0x5f7: {  	v19 =	vadd.s32 v13, v17;
	_ =	sdelay $0x2  }
0x5f8: {  	v18 =	vmul.f32 $5.656854150e+00, v18;
	_ =	sdelay $0x1  }
0x5f9: {  	[tilespmem:v19+s17+$0x0] =	vst.idx.msk $0xffff, v18  }
0x5fa: {  	v18 =	vld [tilespmem:s3+$0xFFFFFFE0];
	_ =	sdelay $0x1  }
0x5fb: {  	v19 =	vadd.s32 v14, v17;
	_ =	sdelay $0x2  }
0x5fc: {  	v18 =	vmul.f32 $5.656854150e+00, v18;
	_ =	sdelay $0x1  }
0x5fd: {  	[tilespmem:v19+s17+$0x0] =	vst.idx.msk $0xffff, v18  }
0x5fe: {  	v18 =	vld [tilespmem:s3+$0xFFFFFFF0];
	_ =	sdelay $0x1  }
0x5ff: {  	v19 =	vadd.s32 v15, v17;
	_ =	sdelay $0x2  }
0x600: {  	v18 =	vmul.f32 $5.656854150e+00, v18  }
.Ltmp17:
0x601: {  	(pc) =	sbr.rel @p0 .LBB2_23-.Ltmp17, $3  }
0x602: {  	[tilespmem:v19+s17+$0x0] =	vst.idx.msk $0xffff, v18  }
0x603: {  	v18 =	vld [tilespmem:s3+$0x0];
	_ =	sdelay $0x1  }
0x604: {  	v17 =	vadd.s32 v16, v17  }
.LBB2_24:
0x605: {  	_ =	sdelay $0x2  }
0x606: {  	s1 =	simm.s32 $0x0  }
0x607: {  	v19 =	vmov s1;
	v18 =	vmul.f32 $5.656854150e+00, v18  }
0x608: {  	v19 =	vshrl.u32 v19, $0x3  }
0x609: {  	s3 =	simm.s32 $0x74F0;
	[tilespmem:v17+s17+$0x0] =	vst.idx.msk $0xffff, v18;
	v17 =	vshll.u32 v19, $0x3  }
0x60a: {  	v18 =	vld [tilespmem:s3+$0xFFFFFF10];
	v17 =	vbroadcast v17, $0x0;
	_ =	sdelay $0x1  }
0x60b: {  	v19 =	vadd.s32 v0, v17;
	_ =	sdelay $0x2  }
0x60c: {  	v18 =	vmul.f32 $5.656854150e+00, v18;
	_ =	sdelay $0x1  }
0x60d: {  	[tilespmem:v19+s18+$0x0] =	vst.idx.msk $0xffff, v18  }
0x60e: {  	v18 =	vld [tilespmem:s3+$0xFFFFFF20];
	_ =	sdelay $0x1  }
0x60f: {  	v19 =	vadd.s32 v2, v17;
	_ =	sdelay $0x2  }
0x610: {  	v18 =	vmul.f32 $5.656854150e+00, v18;
	_ =	sdelay $0x1  }
0x611: {  	[tilespmem:v19+s18+$0x0] =	vst.idx.msk $0xffff, v18  }
0x612: {  	v18 =	vld [tilespmem:s3+$0xFFFFFF30];
	_ =	sdelay $0x1  }
0x613: {  	v19 =	vadd.s32 v3, v17;
	_ =	sdelay $0x2  }
0x614: {  	v18 =	vmul.f32 $5.656854150e+00, v18;
	_ =	sdelay $0x1  }
0x615: {  	[tilespmem:v19+s18+$0x0] =	vst.idx.msk $0xffff, v18  }
0x616: {  	v18 =	vld [tilespmem:s3+$0xFFFFFF40];
	_ =	sdelay $0x1  }
0x617: {  	v19 =	vadd.s32 v4, v17;
	_ =	sdelay $0x2  }
0x618: {  	v18 =	vmul.f32 $5.656854150e+00, v18;
	_ =	sdelay $0x1  }
0x619: {  	[tilespmem:v19+s18+$0x0] =	vst.idx.msk $0xffff, v18  }
0x61a: {  	v18 =	vld [tilespmem:s3+$0xFFFFFF50];
	_ =	sdelay $0x1  }
0x61b: {  	v19 =	vadd.s32 v5, v17;
	_ =	sdelay $0x2  }
0x61c: {  	v18 =	vmul.f32 $5.656854150e+00, v18;
	_ =	sdelay $0x1  }
0x61d: {  	[tilespmem:v19+s18+$0x0] =	vst.idx.msk $0xffff, v18  }
0x61e: {  	v18 =	vld [tilespmem:s3+$0xFFFFFF60];
	_ =	sdelay $0x1  }
0x61f: {  	v19 =	vadd.s32 v6, v17;
	_ =	sdelay $0x2  }
0x620: {  	v18 =	vmul.f32 $5.656854150e+00, v18;
	_ =	sdelay $0x1  }
0x621: {  	[tilespmem:v19+s18+$0x0] =	vst.idx.msk $0xffff, v18  }
0x622: {  	v18 =	vld [tilespmem:s3+$0xFFFFFF70];
	_ =	sdelay $0x1  }
0x623: {  	v19 =	vadd.s32 v7, v17;
	_ =	sdelay $0x2  }
0x624: {  	v18 =	vmul.f32 $5.656854150e+00, v18;
	_ =	sdelay $0x1  }
0x625: {  	[tilespmem:v19+s18+$0x0] =	vst.idx.msk $0xffff, v18  }
0x626: {  	v18 =	vld [tilespmem:s3+$0xFFFFFF80];
	_ =	sdelay $0x1  }
0x627: {  	v19 =	vadd.s32 v8, v17;
	_ =	sdelay $0x2  }
0x628: {  	v18 =	vmul.f32 $5.656854150e+00, v18;
	_ =	sdelay $0x1  }
0x629: {  	[tilespmem:v19+s18+$0x0] =	vst.idx.msk $0xffff, v18  }
0x62a: {  	v18 =	vld [tilespmem:s3+$0xFFFFFF90];
	_ =	sdelay $0x1  }
0x62b: {  	v19 =	vadd.s32 v9, v17;
	_ =	sdelay $0x2  }
0x62c: {  	v18 =	vmul.f32 $5.656854150e+00, v18;
	_ =	sdelay $0x1  }
0x62d: {  	[tilespmem:v19+s18+$0x0] =	vst.idx.msk $0xffff, v18  }
0x62e: {  	v18 =	vld [tilespmem:s3+$0xFFFFFFA0];
	_ =	sdelay $0x1  }
0x62f: {  	v19 =	vadd.s32 v10, v17;
	_ =	sdelay $0x2  }
0x630: {  	v18 =	vmul.f32 $5.656854150e+00, v18;
	_ =	sdelay $0x1  }
0x631: {  	[tilespmem:v19+s18+$0x0] =	vst.idx.msk $0xffff, v18  }
0x632: {  	v18 =	vld [tilespmem:s3+$0xFFFFFFB0];
	_ =	sdelay $0x1  }
0x633: {  	v19 =	vadd.s32 v11, v17;
	_ =	sdelay $0x2  }
0x634: {  	v18 =	vmul.f32 $5.656854150e+00, v18;
	_ =	sdelay $0x1  }
0x635: {  	[tilespmem:v19+s18+$0x0] =	vst.idx.msk $0xffff, v18  }
0x636: {  	v18 =	vld [tilespmem:s3+$0xFFFFFFC0];
	_ =	sdelay $0x1  }
0x637: {  	v19 =	vadd.s32 v12, v17;
	_ =	sdelay $0x2  }
0x638: {  	v18 =	vmul.f32 $5.656854150e+00, v18;
	_ =	sdelay $0x1  }
0x639: {  	[tilespmem:v19+s18+$0x0] =	vst.idx.msk $0xffff, v18  }
0x63a: {  	v18 =	vld [tilespmem:s3+$0xFFFFFFD0];
	_ =	sdelay $0x1  }
0x63b: {  	v19 =	vadd.s32 v13, v17;
	_ =	sdelay $0x2  }
0x63c: {  	v18 =	vmul.f32 $5.656854150e+00, v18;
	_ =	sdelay $0x1  }
0x63d: {  	[tilespmem:v19+s18+$0x0] =	vst.idx.msk $0xffff, v18  }
0x63e: {  	v18 =	vld [tilespmem:s3+$0xFFFFFFE0];
	_ =	sdelay $0x1  }
0x63f: {  	v19 =	vadd.s32 v14, v17;
	_ =	sdelay $0x2  }
0x640: {  	v18 =	vmul.f32 $5.656854150e+00, v18;
	_ =	sdelay $0x1  }
0x641: {  	[tilespmem:v19+s18+$0x0] =	vst.idx.msk $0xffff, v18  }
0x642: {  	v18 =	vld [tilespmem:s3+$0xFFFFFFF0];
	_ =	sdelay $0x1  }
0x643: {  	v19 =	vadd.s32 v15, v17;
	_ =	sdelay $0x2  }
0x644: {  	v18 =	vmul.f32 $5.656854150e+00, v18;
	_ =	sdelay $0x1  }
0x645: {  	[tilespmem:v19+s18+$0x0] =	vst.idx.msk $0xffff, v18  }
0x646: {  	v18 =	vld [tilespmem:s3+$0x0];
	_ =	sdelay $0x1  }
0x647: {  	v17 =	vadd.s32 v16, v17  }
.LBB2_25:
0x648: {  	_ = 	snop  }
0x649: {  	s1 =	sadd.s32 $0x8, s1  }
0x64a: {  	v19 =	vmov s1;
	p0 =	slt.u32 s1, $0x78;
	v18 =	vmul.f32 $5.656854150e+00, v18  }
0x64b: {  	v19 =	vshrl.u32 v19, $0x3  }
0x64c: {  	s3 =	sadd.s32 $0x100, s3;
	v19 =	vshll.u32 v19, $0x3;
	[tilespmem:v17+s18+$0x0] =	vst.idx.msk $0xffff, v18  }
0x64d: {  	v17 =	vbroadcast v19, $0x0;
	v18 =	vld [tilespmem:s3+$0xFFFFFF10];
	_ =	sdelay $0x1  }
0x64e: {  	v19 =	vadd.s32 v0, v17;
	_ =	sdelay $0x2  }
0x64f: {  	v18 =	vmul.f32 $5.656854150e+00, v18;
	_ =	sdelay $0x1  }
0x650: {  	[tilespmem:v19+s18+$0x0] =	vst.idx.msk $0xffff, v18  }
0x651: {  	v18 =	vld [tilespmem:s3+$0xFFFFFF20];
	_ =	sdelay $0x1  }
0x652: {  	v19 =	vadd.s32 v2, v17;
	_ =	sdelay $0x2  }
0x653: {  	v18 =	vmul.f32 $5.656854150e+00, v18;
	_ =	sdelay $0x1  }
0x654: {  	[tilespmem:v19+s18+$0x0] =	vst.idx.msk $0xffff, v18  }
0x655: {  	v18 =	vld [tilespmem:s3+$0xFFFFFF30];
	_ =	sdelay $0x1  }
0x656: {  	v19 =	vadd.s32 v3, v17;
	_ =	sdelay $0x2  }
0x657: {  	v18 =	vmul.f32 $5.656854150e+00, v18;
	_ =	sdelay $0x1  }
0x658: {  	[tilespmem:v19+s18+$0x0] =	vst.idx.msk $0xffff, v18  }
0x659: {  	v18 =	vld [tilespmem:s3+$0xFFFFFF40];
	_ =	sdelay $0x1  }
0x65a: {  	v19 =	vadd.s32 v4, v17;
	_ =	sdelay $0x2  }
0x65b: {  	v18 =	vmul.f32 $5.656854150e+00, v18;
	_ =	sdelay $0x1  }
0x65c: {  	[tilespmem:v19+s18+$0x0] =	vst.idx.msk $0xffff, v18  }
0x65d: {  	v18 =	vld [tilespmem:s3+$0xFFFFFF50];
	_ =	sdelay $0x1  }
0x65e: {  	v19 =	vadd.s32 v5, v17;
	_ =	sdelay $0x2  }
0x65f: {  	v18 =	vmul.f32 $5.656854150e+00, v18;
	_ =	sdelay $0x1  }
0x660: {  	[tilespmem:v19+s18+$0x0] =	vst.idx.msk $0xffff, v18  }
0x661: {  	v18 =	vld [tilespmem:s3+$0xFFFFFF60];
	_ =	sdelay $0x1  }
0x662: {  	v19 =	vadd.s32 v6, v17;
	_ =	sdelay $0x2  }
0x663: {  	v18 =	vmul.f32 $5.656854150e+00, v18;
	_ =	sdelay $0x1  }
0x664: {  	[tilespmem:v19+s18+$0x0] =	vst.idx.msk $0xffff, v18  }
0x665: {  	v18 =	vld [tilespmem:s3+$0xFFFFFF70];
	_ =	sdelay $0x1  }
0x666: {  	v19 =	vadd.s32 v7, v17;
	_ =	sdelay $0x2  }
0x667: {  	v18 =	vmul.f32 $5.656854150e+00, v18;
	_ =	sdelay $0x1  }
0x668: {  	[tilespmem:v19+s18+$0x0] =	vst.idx.msk $0xffff, v18  }
0x669: {  	v18 =	vld [tilespmem:s3+$0xFFFFFF80];
	_ =	sdelay $0x1  }
0x66a: {  	v19 =	vadd.s32 v8, v17;
	_ =	sdelay $0x2  }
0x66b: {  	v18 =	vmul.f32 $5.656854150e+00, v18;
	_ =	sdelay $0x1  }
0x66c: {  	[tilespmem:v19+s18+$0x0] =	vst.idx.msk $0xffff, v18  }
0x66d: {  	v18 =	vld [tilespmem:s3+$0xFFFFFF90];
	_ =	sdelay $0x1  }
0x66e: {  	v19 =	vadd.s32 v9, v17;
	_ =	sdelay $0x2  }
0x66f: {  	v18 =	vmul.f32 $5.656854150e+00, v18;
	_ =	sdelay $0x1  }
0x670: {  	[tilespmem:v19+s18+$0x0] =	vst.idx.msk $0xffff, v18  }
0x671: {  	v18 =	vld [tilespmem:s3+$0xFFFFFFA0];
	_ =	sdelay $0x1  }
0x672: {  	v19 =	vadd.s32 v10, v17;
	_ =	sdelay $0x2  }
0x673: {  	v18 =	vmul.f32 $5.656854150e+00, v18;
	_ =	sdelay $0x1  }
0x674: {  	[tilespmem:v19+s18+$0x0] =	vst.idx.msk $0xffff, v18  }
0x675: {  	v18 =	vld [tilespmem:s3+$0xFFFFFFB0];
	_ =	sdelay $0x1  }
0x676: {  	v19 =	vadd.s32 v11, v17;
	_ =	sdelay $0x2  }
0x677: {  	v18 =	vmul.f32 $5.656854150e+00, v18;
	_ =	sdelay $0x1  }
0x678: {  	[tilespmem:v19+s18+$0x0] =	vst.idx.msk $0xffff, v18  }
0x679: {  	v18 =	vld [tilespmem:s3+$0xFFFFFFC0];
	_ =	sdelay $0x1  }
0x67a: {  	v19 =	vadd.s32 v12, v17;
	_ =	sdelay $0x2  }
0x67b: {  	v18 =	vmul.f32 $5.656854150e+00, v18;
	_ =	sdelay $0x1  }
0x67c: {  	[tilespmem:v19+s18+$0x0] =	vst.idx.msk $0xffff, v18  }
0x67d: {  	v18 =	vld [tilespmem:s3+$0xFFFFFFD0];
	_ =	sdelay $0x1  }
0x67e: {  	v19 =	vadd.s32 v13, v17;
	_ =	sdelay $0x2  }
0x67f: {  	v18 =	vmul.f32 $5.656854150e+00, v18;
	_ =	sdelay $0x1  }
0x680: {  	[tilespmem:v19+s18+$0x0] =	vst.idx.msk $0xffff, v18  }
0x681: {  	v18 =	vld [tilespmem:s3+$0xFFFFFFE0];
	_ =	sdelay $0x1  }
0x682: {  	v19 =	vadd.s32 v14, v17;
	_ =	sdelay $0x2  }
0x683: {  	v18 =	vmul.f32 $5.656854150e+00, v18;
	_ =	sdelay $0x1  }
0x684: {  	[tilespmem:v19+s18+$0x0] =	vst.idx.msk $0xffff, v18  }
0x685: {  	v18 =	vld [tilespmem:s3+$0xFFFFFFF0];
	_ =	sdelay $0x1  }
0x686: {  	v19 =	vadd.s32 v15, v17;
	_ =	sdelay $0x2  }
0x687: {  	v18 =	vmul.f32 $5.656854150e+00, v18  }
.Ltmp18:
0x688: {  	(pc) =	sbr.rel @p0 .LBB2_25-.Ltmp18, $3  }
0x689: {  	[tilespmem:v19+s18+$0x0] =	vst.idx.msk $0xffff, v18  }
0x68a: {  	v18 =	vld [tilespmem:s3+$0x0];
	_ =	sdelay $0x1  }
0x68b: {  	v17 =	vadd.s32 v16, v17  }
0x68c: {  	_ =	sdelay $0x1  }
0x68d: {  	v18 =	vmul.f32 $5.656854150e+00, v18;
	_ =	sdelay $0x1  }
0x68e: {  	s3 =	sadd.s32 s7, s10;
	s1 =	simm.s32 $0xC800;
	[tilespmem:v17+s18+$0x0] =	vst.idx.msk $0xffff, v18  }
0x68f: {  	[hbm4b:s3+s4] =	stream.linear.scatter [tilespmem:s1], [sflag:$0x4], $0x80, $0x38;
	[tilespmem:$0x10C00] =	vst v63  }
0x690: {  	s11 =	simm.s32 $0xC888;
	s7 =	sadd.s32 $0x10, s3  }
0x691: {  	[hbm4b:s7+s4] =	stream.linear.scatter [tilespmem:s11], [sflag:$0x4], $0x80, $0x38;
	[tilespmem:$0x10C00] =	vst v63  }
0x692: {  	s21 =	simm.s32 $0xC910;
	s23 =	simm.s32 $0xC998;
	s22 =	sadd.s32 $0x20, s3  }
0x693: {  	[hbm4b:s22+s4] =	stream.linear.scatter [tilespmem:s21], [sflag:$0x4], $0x80, $0x38;
	[tilespmem:$0x10C00] =	vst v63  }
0x694: {  	s24 =	sadd.s32 $0x30, s3;
	s1 =	simm.s32 $0x440;
	s7 =	simm.s32 $0xCA20  }
0x695: {  	[hbm4b:s24+s4] =	stream.linear.scatter [tilespmem:s23], [sflag:$0x4], $0x80, $0x38;
	[tilespmem:$0x10C00] =	vst v63  }
0x696: {  	s11 =	sadd.s32 $0x40, s3;
	s21 =	simm.s32 $0xCAA8;
	s22 =	sadd.s32 $0x50, s3  }
0x697: {  	[hbm4b:s11+s4] =	stream.linear.scatter [tilespmem:s7], [sflag:$0x4], $0x80, $0x38;
	[tilespmem:$0x10C00] =	vst v63  }
0x698: {  	s23 =	simm.s32 $0xCB30;
	s24 =	sadd.s32 $0x60, s3;
	s7 =	simm.s32 $0x2200  }
0x699: {  	[hbm4b:s22+s4] =	stream.linear.scatter [tilespmem:s21], [sflag:$0x4], $0x80, $0x38;
	[tilespmem:$0x10C00] =	vst v63  }
0x69a: {  	s11 =	simm.s32 $0xCBB8;
	s21 =	sadd.s32 $0x70, s3;
	s3 =	sadd.s32 $0x1000, s3  }
0x69b: {  	[hbm4b:s24+s4] =	stream.linear.scatter [tilespmem:s23], [sflag:$0x4], $0x80, $0x38;
	[tilespmem:$0x10C00] =	vst v63  }
.LBB2_27:
0x69c: {  	[hbm4b:s21+s4] =	stream.linear.scatter [tilespmem:s11], [sflag:$0x4], $0x80, $0x38;
	[tilespmem:$0x10C00] =	vst v63  }
0x69d: {  	s11 =	smov.u32 s1;
	s1 =	smov.u32 s7  }
0x69e: {  	s22 =	sadd.s32 $0x1100, s7;
	s1 =	sshra.s32 s1, $0x2;
	s21 =	sadd.s32 $0xC800, s11  }
0x69f: {  	[hbm4b:s3+s4] =	stream.linear.scatter [tilespmem:s21], [sflag:$0x4], $0x80, $0x38;
	[tilespmem:$0x10C00] =	vst v63  }
0x6a0: {  	p0 =	sne.s32 s7, $0xFF00;
	s7 =	sadd.s32 $0xC888, s11;
	s21 =	sadd.s32 $0x10, s3  }
0x6a1: {  	[hbm4b:s21+s4] =	stream.linear.scatter [tilespmem:s7], [sflag:$0x4], $0x80, $0x38;
	[tilespmem:$0x10C00] =	vst v63  }
0x6a2: {  	s7 =	sadd.s32 $0xC910, s11;
	s21 =	sadd.s32 $0x20, s3  }
0x6a3: {  	[hbm4b:s21+s4] =	stream.linear.scatter [tilespmem:s7], [sflag:$0x4], $0x80, $0x38;
	[tilespmem:$0x10C00] =	vst v63  }
0x6a4: {  	s7 =	sadd.s32 $0xC998, s11;
	s21 =	sadd.s32 $0x30, s3  }
0x6a5: {  	[hbm4b:s21+s4] =	stream.linear.scatter [tilespmem:s7], [sflag:$0x4], $0x80, $0x38;
	[tilespmem:$0x10C00] =	vst v63  }
0x6a6: {  	s7 =	sadd.s32 $0xCA20, s11;
	s21 =	sadd.s32 $0x40, s3  }
0x6a7: {  	[hbm4b:s21+s4] =	stream.linear.scatter [tilespmem:s7], [sflag:$0x4], $0x80, $0x38;
	[tilespmem:$0x10C00] =	vst v63  }
.Ltmp19:
0x6a8: {  	s7 =	sadd.s32 $0xCAA8, s11;
	s21 =	sadd.s32 $0x50, s3;
	(pc) =	sbr.rel @p0 .LBB2_27-.Ltmp19, $4  }
0x6a9: {  	[hbm4b:s21+s4] =	stream.linear.scatter [tilespmem:s7], [sflag:$0x4], $0x80, $0x38;
	[tilespmem:$0x10C00] =	vst v63  }
0x6aa: {  	s7 =	sadd.s32 $0xCB30, s11;
	s21 =	sadd.s32 $0x60, s3;
	s11 =	sadd.s32 $0xCBB8, s11  }
0x6ab: {  	[hbm4b:s21+s4] =	stream.linear.scatter [tilespmem:s7], [sflag:$0x4], $0x80, $0x38;
	[tilespmem:$0x10C00] =	vst v63  }
0x6ac: {  	s21 =	sadd.s32 $0x70, s3;
	s3 =	sadd.s32 $0x1000, s3;
	s7 =	smov.u32 s22  }
0x6ad: {  	[hbm4b:s21+s4] =	stream.linear.scatter [tilespmem:s11], [sflag:$0x4], $0x80, $0x38;
	[tilespmem:$0x10C00] =	vst v63  }
0x6ae: {  	s7 =	sadd.s32 $0xC800, s1  }
0x6af: {  	[hbm4b:s3+s4] =	stream.linear.scatter [tilespmem:s7], [sflag:$0x4], $0x80, $0x38;
	[tilespmem:$0x10C00] =	vst v63  }
0x6b0: {  	s23 =	sadd.s32 $0xC888, s1;
	s24 =	sadd.s32 $0x10, s3  }
0x6b1: {  	[hbm4b:s24+s4] =	stream.linear.scatter [tilespmem:s23], [sflag:$0x4], $0x80, $0x38;
	[tilespmem:$0x10C00] =	vst v63  }
0x6b2: {  	s21 =	sadd.s32 $0xC910, s1;
	s22 =	sadd.s32 $0x20, s3  }
0x6b3: {  	[hbm4b:s22+s4] =	stream.linear.scatter [tilespmem:s21], [sflag:$0x4], $0x80, $0x38;
	[tilespmem:$0x10C00] =	vst v63  }
0x6b4: {  	s23 =	sadd.s32 $0xC998, s1;
	s24 =	sadd.s32 $0x30, s3  }
0x6b5: {  	[hbm4b:s24+s4] =	stream.linear.scatter [tilespmem:s23], [sflag:$0x4], $0x80, $0x38;
	[tilespmem:$0x10C00] =	vst v63  }
0x6b6: {  	s19 =	sadd.s32 $0x1, s19;
	s21 =	sadd.s32 $0xCA20, s1;
	s22 =	sadd.s32 $0x40, s3  }
0x6b7: {  	[hbm4b:s22+s4] =	stream.linear.scatter [tilespmem:s21], [sflag:$0x4], $0x80, $0x38;
	[tilespmem:$0x10C00] =	vst v63  }
0x6b8: {  	p0 =	sne.s32 s19, $0x19;
	s23 =	sadd.s32 $0xCAA8, s1;
	s24 =	sadd.s32 $0x50, s3  }
0x6b9: {  	[hbm4b:s24+s4] =	stream.linear.scatter [tilespmem:s23], [sflag:$0x4], $0x80, $0x38;
	[tilespmem:$0x10C00] =	vst v63  }
.Ltmp20:
0x6ba: {  	_ = 	snop;
	(pc) =	sbr.rel @p0 .LBB2_2-.Ltmp20, $4  }
.Ltmp21:
0x6bb: {  	s21 =	sadd.s32 $0xCB30, s1;
	s22 =	sadd.s32 $0x60, s3;
	(pc) =	sbr.rel @!p0 .LBB2_29-.Ltmp21, $4  }
0x6bc: {  	[hbm4b:s22+s4] =	stream.linear.scatter [tilespmem:s21], [sflag:$0x4], $0x80, $0x38;
	[tilespmem:$0x10C00] =	vst v63  }
0x6bd: {  	s23 =	sadd.s32 $0xCBB8, s1;
	s24 =	sadd.s32 $0x70, s3  }
0x6be: {  	[hbm4b:s24+s4] =	stream.linear.scatter [tilespmem:s23], [sflag:$0x4], $0x80, $0x38;
	[tilespmem:$0x10C00] =	vst v63  }
0x6bf: {  	_ = 	snop  }
.LBB2_5:
.Ltmp22:
0x6c0: {  	(pc) =	sbr.rel .LBB2_8-.Ltmp22, $2  }
0x6c1: {  	_ =	sdelay $0x2  }
0x6c2: {  	v33 =	vmov v17  }
.LBB2_18:
.Ltmp23:
0x6c3: {  	(pc) =	sbr.rel .LBB2_21-.Ltmp23, $2  }
0x6c4: {  	_ =	sdelay $0x2  }
0x6c5: {  	v33 =	vmov v17  }
.LBB2_30:
0x6c6: {  	_ =	sfence.sel $0x180000  }
0x6c7: {  	[bflag:$0x0] =	sbarrier.arrive $0xFFFF  }
0x6c8: {  	_ =	strace $0x90000047  }
0x6c9: {  	s0 =	stileid.u32;
	[bflag:$0x2] =	sbarrier.arrive $0xFFFF  }
0x6ca: {  	p0 =	sne.s32 s0, $0x0;
	s0 =	rddreg [dreg:$0x3]  }
0x6cb: {  	s0 =	sadd.s32 @!p0 $0x100000, s0  }
0x6cc: {  	[sflag:s0] =	ssyncadd.tile.s32 @!p0 $0x1;
	_ =	shalt  }
.Lfunc_end2:
_tile_overlayer_lowered:
.L_overlay_start_2:
0x6cd: {  	(tag) =	ssettag $0x2  }
0x6ce: {  	s0 =	rddreg [dreg:$0x0];
	s2 =	stileid.u32  }
0x6cf: {  	s1 =	rddreg [dreg:$0x1];
	p0 =	sne.s32 s2, $0x0  }
0x6d0: {  	s3 =	rddreg [dreg:$0x2];
	[bflag:$0x3] =	sbarrier.arrive $0xFFFF;
	s2 =	simm.s32 @!p0 $0x1C05  }
0x6d1: {  	[timem:s3], [sflag:s2] =	dma.local @!p0 [hbm:s0], s1  }
0x6d2: {  	s0 =	simm.s32 @!p0 $0x5  }
0x6d3: {  	_ =	swait.ge @!p0 [sflag:s0], s1  }
0x6d4: {  	s1 =	ssub.s32 @!p0 $0x0, s1;
	[sflag:s0] =	ssyncset.done @!p0 $0x0  }
0x6d5: {  	[sflag:s0] =	ssyncadd.s32 @!p0 s1  }
0x6d6: {  	[bflag:$0x3] =	sbarrier.arrive $0xFFFF  }
0x6d7: {  	_ =	shalt  }

</sc_bundles>
